<compile_context>
chip_gen: v7x
topology: tpu7x:2x2x1
jax: 0.10.2.dev20260603
libtpu: 0.0.44.dev20260713+nightly
codegen_flags: <defaults>
</compile_context>

<pallas_src>
import functools

import jax
import jax.numpy as jnp
from jax import lax
from jax.experimental import pallas as pl
from jax.experimental.pallas import tpu as pltpu
from jax.experimental.pallas import tpu_sc as plsc

N_COLS = 22
VOCAB = 100000
EMB = 32
BATCH = 16384
TOTAL = BATCH * N_COLS
NUM_WORKERS = 32
PER_WORKER = TOTAL // NUM_WORKERS
CHUNK = 512
NUM_CHUNKS = PER_WORKER // CHUNK

assert TOTAL % NUM_WORKERS == 0
assert PER_WORKER % CHUNK == 0

_mesh = plsc.VectorSubcoreMesh(core_axis_name="c", subcore_axis_name="s")


@functools.partial(
    pl.kernel,
    mesh=_mesh,
    compiler_params=pltpu.CompilerParams(use_tc_tiling_on_sc=False),
    out_type=jax.ShapeDtypeStruct((TOTAL, 2, EMB), jnp.float32),
    scratch_types=[
        pltpu.VMEM((2, CHUNK), jnp.int32),
        pltpu.VMEM((2, CHUNK, EMB), jnp.float32),
        pltpu.VMEM((2, CHUNK, EMB), jnp.float32),
        pltpu.SemaphoreType.DMA,
        pltpu.SemaphoreType.DMA,
        pltpu.SemaphoreType.DMA,
        pltpu.SemaphoreType.DMA,
        pltpu.SemaphoreType.DMA,
        pltpu.SemaphoreType.DMA,
    ],
)
def _gather_kernel(idx_hbm, mean_hbm, std_hbm, out_hbm,
                   idx_v, mean_v, std_v, sm0, sm1, ss0, ss1, so0, so1):
    wid = lax.axis_index("s") * 2 + lax.axis_index("c")
    base = wid * PER_WORKER
    sem_m = (sm0, sm1)
    sem_s = (ss0, ss1)
    sem_o = (so0, so1)

    def start_chunk(i, b):
        off = base + i * CHUNK
        pltpu.sync_copy(idx_hbm.at[pl.ds(off, CHUNK)], idx_v.at[b])
        cm = pltpu.async_copy(mean_hbm.at[idx_v.at[b]], mean_v.at[b], sem_m[b])
        cs = pltpu.async_copy(std_hbm.at[idx_v.at[b]], std_v.at[b], sem_s[b])
        return cm, cs

    gathers = {0: start_chunk(0, 0)}
    outs = {}
    for i in range(NUM_CHUNKS):
        b = i & 1
        nb = 1 - b
        if i + 1 < NUM_CHUNKS:
            if i - 1 >= 0:
                for c in outs.pop(i - 1):
                    c.wait()
            gathers[i + 1] = start_chunk(i + 1, nb)
        cm, cs = gathers.pop(i)
        cm.wait()
        cs.wait()
        off = base + i * CHUNK
        om = pltpu.async_copy(mean_v.at[b], out_hbm.at[pl.ds(off, CHUNK), 0],
                              sem_o[b])
        os_ = pltpu.async_copy(std_v.at[b], out_hbm.at[pl.ds(off, CHUNK), 1],
                               sem_o[b])
        outs[i] = (om, os_)
    for i in sorted(outs):
        for c in outs[i]:
            c.wait()


def kernel(features, emb_mean, emb_std):
    flat_idx = (features.astype(jnp.int32)
                + (jnp.arange(N_COLS, dtype=jnp.int32) * VOCAB)[None, :])
    flat_idx = flat_idx.reshape(TOTAL)
    mean2d = emb_mean.reshape(N_COLS * VOCAB, EMB)
    std2d = emb_std.reshape(N_COLS * VOCAB, EMB)
    out = _gather_kernel(flat_idx, mean2d, std2d)
    return out.reshape(BATCH, N_COLS, 2 * EMB)

# --- scband reference (transcript-rebuilt; emitter-appended) ---
"""Pipeline reference for scband-virtue-11579231830851 (READ-ONLY COPY).

The authoritative reference and input builder live on the scoring server;
editing this copy changes nothing except your own understanding.
"""

import jax, jax.numpy as jnp
import numpy as np

N_COLS = 22
VOCAB = 100000
EMB_DIM = 32
BATCH = 16384


def setup_inputs(seed: int = 0) -> dict:
    key = jax.random.key(seed)
    k1, k2, k3 = jax.random.split(key, 3)
    features = jax.random.randint(k1, (BATCH, N_COLS), 0, VOCAB)
    # embedding_mean / embedding_std tables: one [VOCAB, EMB_DIM] table per column,
    # stacked as [N_COLS, VOCAB, EMB_DIM]
    emb_mean = jax.random.normal(k2, (N_COLS, VOCAB, EMB_DIM), dtype=jnp.float32) * 0.01
    emb_std = jax.random.normal(k3, (N_COLS, VOCAB, EMB_DIM), dtype=jnp.float32) * 0.01
    return {"features": features, "emb_mean": emb_mean, "emb_std": emb_std}


def reference(features, emb_mean, emb_std):
    # Per-column embedding lookup (mean and std), faithful to
    # self.embedding_mean[name](idx), self.embedding_std[name](idx) per column.
    cols = jnp.arange(N_COLS)[None, :]            # [1, N_COLS]
    means = emb_mean[cols, features]              # [B, N_COLS, EMB_DIM]
    stds = emb_std[cols, features]                # [B, N_COLS, EMB_DIM]
    return jnp.concatenate([means, stds], axis=-1)  # [B, N_COLS, 2*EMB_DIM]

if __name__ == "__main__":
    import jax
    _d = setup_inputs()
    print(jax.jit(kernel)(*tuple(_d.values())))

</pallas_src>

<mosaic_0001>
#map = affine_map<(d0, d1) -> (0)>
#map1 = affine_map<(d0, d1) -> (0, 0)>
#map2 = affine_map<(d0, d1) -> (0, 0, 0)>
module attributes {stable_mosaic.version = 14 : i64} {
  func.func @_gather_kernel(%arg0: i32, %arg1: i32, %arg2: memref<360448xi32, #tpu.memory_space<hbm>>, %arg3: memref<2200000x32xf32, #tpu.memory_space<hbm>>, %arg4: memref<2200000x32xf32, #tpu.memory_space<hbm>>, %arg5: memref<360448x2x32xf32, #tpu.memory_space<hbm>>, %arg6: memref<2x512xi32, #tpu.memory_space<vmem>>, %arg7: memref<2x512x32xf32, #tpu.memory_space<vmem>>, %arg8: memref<2x512x32xf32, #tpu.memory_space<vmem>>, %arg9: memref<!tpu.dma_semaphore, #tpu.memory_space<semaphore_mem>>, %arg10: memref<!tpu.dma_semaphore, #tpu.memory_space<semaphore_mem>>, %arg11: memref<!tpu.dma_semaphore, #tpu.memory_space<semaphore_mem>>, %arg12: memref<!tpu.dma_semaphore, #tpu.memory_space<semaphore_mem>>, %arg13: memref<!tpu.dma_semaphore, #tpu.memory_space<semaphore_mem>>, %arg14: memref<!tpu.dma_semaphore, #tpu.memory_space<semaphore_mem>>) attributes {dimension_semantics = [#tpu.dimension_semantics<core_parallel>, #tpu.dimension_semantics<subcore_parallel>], iteration_bounds = array<i64: 2, 16>, scalar_prefetch = 0 : i64, scratch_operands = 9 : i64, tpu.core_type = #tpu.core_type<sc_vector_subcore>, window_params = [{transform_indices = #map}, {transform_indices = #map1}, {transform_indices = #map1}, {transform_indices = #map2}]} {
    %mul3A = arith.constant 2 : i32
    %mul3A_0 = arith.muli %arg1, %mul3A : i32
    %add3A = arith.addi %mul3A_0, %arg0 : i32
    %mul3A_1 = arith.constant 11264 : i32
    %mul3A_2 = arith.muli %add3A, %mul3A_1 : i32
    %add3A_3 = arith.constant 0 : i32
    %add3A_4 = arith.addi %mul3A_2, %add3A_3 : i32
    %run_scoped3A = arith.constant 0 : i32
    "tpu.region"() ({
      %run_scoped3A_2574 = tpu.sem_alloc : memref<!tpu.dma_semaphore, #tpu.memory_space<semaphore_mem>>
      %dma_start3A_2575 = arith.constant 0 : i32
      %dma_start3A_2576 = tpu.memref_slice %arg6[%run_scoped3A, %dma_start3A_2575] : memref<2x512xi32, #tpu.memory_space<vmem>> -> memref<1x512xi32, #tpu.memory_space<vmem>>
      %dma_start3A_2577 = tpu.memref_squeeze %dma_start3A_2576 : memref<1x512xi32, #tpu.memory_space<vmem>> -> memref<512xi32, #tpu.memory_space<vmem>>
      %dma_start3A_2578 = tpu.memref_slice %arg2[%add3A_4] : memref<360448xi32, #tpu.memory_space<hbm>> -> memref<512xi32, #tpu.memory_space<hbm>>
      %dma_start3A_2579 = arith.constant 0 : i32
      %dma_start3A_2580 = tpu.memref_slice %arg6[%run_scoped3A, %dma_start3A_2579] : memref<2x512xi32, #tpu.memory_space<vmem>> -> memref<1x512xi32, #tpu.memory_space<vmem>>
      %dma_start3A_2581 = tpu.memref_squeeze %dma_start3A_2580 : memref<1x512xi32, #tpu.memory_space<vmem>> -> memref<512xi32, #tpu.memory_space<vmem>>
      %dma_start3A_2582 = tpu.memref_slice %arg2[%add3A_4] : memref<360448xi32, #tpu.memory_space<hbm>> -> memref<512xi32, #tpu.memory_space<hbm>>
      tpu.enqueue_dma source(%dma_start3A_2582 : memref<512xi32, #tpu.memory_space<hbm>>) target(%dma_start3A_2581 : memref<512xi32, #tpu.memory_space<vmem>>) target_semaphore(%run_scoped3A_2574 : memref<!tpu.dma_semaphore, #tpu.memory_space<semaphore_mem>>)
      %dma_wait3A_2583 = arith.constant 0 : i32
      %dma_wait3A_2584 = tpu.memref_slice %arg6[%run_scoped3A, %dma_wait3A_2583] : memref<2x512xi32, #tpu.memory_space<vmem>> -> memref<1x512xi32, #tpu.memory_space<vmem>>
      %dma_wait3A_2585 = tpu.memref_squeeze %dma_wait3A_2584 : memref<1x512xi32, #tpu.memory_space<vmem>> -> memref<512xi32, #tpu.memory_space<vmem>>
      %dma_wait3A_2586 = tpu.memref_slice %arg2[%add3A_4] : memref<360448xi32, #tpu.memory_space<hbm>> -> memref<512xi32, #tpu.memory_space<hbm>>
      %dma_wait3A_2587 = arith.constant 0 : i32
      %dma_wait3A_2588 = tpu.memref_slice %arg6[%run_scoped3A, %dma_wait3A_2587] : memref<2x512xi32, #tpu.memory_space<vmem>> -> memref<1x512xi32, #tpu.memory_space<vmem>>
      %dma_wait3A_2589 = tpu.memref_squeeze %dma_wait3A_2588 : memref<1x512xi32, #tpu.memory_space<vmem>> -> memref<512xi32, #tpu.memory_space<vmem>>
      %dma_wait3A_2590 = tpu.memref_slice %arg2[%add3A_4] : memref<360448xi32, #tpu.memory_space<hbm>> -> memref<512xi32, #tpu.memory_space<hbm>>
      tpu.wait_dma2 semaphore(%run_scoped3A_2574 : memref<!tpu.dma_semaphore, #tpu.memory_space<semaphore_mem>>) src(%dma_wait3A_2590 : memref<512xi32, #tpu.memory_space<hbm>>) dst(%dma_wait3A_2589 : memref<512xi32, #tpu.memory_space<vmem>>)
      tpu.yield
    }) : () -> ()
    %dma_start3A = arith.constant 0 : i32
    %dma_start3A_5 = arith.constant 0 : i32
    %dma_start3A_6 = arith.constant 0 : i32
    %dma_start3A_7 = arith.constant 0 : i32
    %dma_start3A_8 = tpu.memref_slice %arg7[%dma_start3A_5, %dma_start3A_6, %dma_start3A_7] : memref<2x512x32xf32, #tpu.memory_space<vmem>> -> memref<1x512x32xf32, #tpu.memory_space<vmem>>
    %dma_start3A_9 = tpu.memref_squeeze %dma_start3A_8 : memref<1x512x32xf32, #tpu.memory_space<vmem>> -> memref<512x32xf32, #tpu.memory_space<vmem>>
    %dma_start3A_10 = arith.constant 0 : i32
    %dma_start3A_11 = tpu.memref_slice %arg6[%dma_start3A, %dma_start3A_10] : memref<2x512xi32, #tpu.memory_space<vmem>> -> memref<1x512xi32, #tpu.memory_space<vmem>>
    %dma_start3A_12 = tpu.memref_squeeze %dma_start3A_11 : memref<1x512xi32, #tpu.memory_space<vmem>> -> memref<512xi32, #tpu.memory_space<vmem>>
    %dma_start3A_13 = arith.constant 0 : i32
    %dma_start3A_14 = arith.constant 0 : i32
    %dma_start3A_15 = tpu.memref_slice %arg3[%dma_start3A_13, %dma_start3A_14] : memref<2200000x32xf32, #tpu.memory_space<hbm>> -> memref<2200000x32xf32, #tpu.memory_space<hbm>>
    tpu.enqueue_indirect_dma source(%dma_start3A_15 : memref<2200000x32xf32, #tpu.memory_space<hbm>>) target(%dma_start3A_9 : memref<512x32xf32, #tpu.memory_space<vmem>>) offsets(%dma_start3A_12 : memref<512xi32, #tpu.memory_space<vmem>>) semaphore(%arg9 : memref<!tpu.dma_semaphore, #tpu.memory_space<semaphore_mem>>)
    %dma_start3A_16 = arith.constant 0 : i32
    %dma_start3A_17 = arith.constant 0 : i32
    %dma_start3A_18 = arith.constant 0 : i32
    %dma_start3A_19 = arith.constant 0 : i32
    %dma_start3A_20 = tpu.memref_slice %arg8[%dma_start3A_17, %dma_start3A_18, %dma_start3A_19] : memref<2x512x32xf32, #tpu.memory_space<vmem>> -> memref<1x512x32xf32, #tpu.memory_space<vmem>>
    %dma_start3A_21 = tpu.memref_squeeze %dma_start3A_20 : memref<1x512x32xf32, #tpu.memory_space<vmem>> -> memref<512x32xf32, #tpu.memory_space<vmem>>
    %dma_start3A_22 = arith.constant 0 : i32
    %dma_start3A_23 = tpu.memref_slice %arg6[%dma_start3A_16, %dma_start3A_22] : memref<2x512xi32, #tpu.memory_space<vmem>> -> memref<1x512xi32, #tpu.memory_space<vmem>>
    %dma_start3A_24 = tpu.memref_squeeze %dma_start3A_23 : memref<1x512xi32, #tpu.memory_space<vmem>> -> memref<512xi32, #tpu.memory_space<vmem>>
    %dma_start3A_25 = arith.constant 0 : i32
    %dma_start3A_26 = arith.constant 0 : i32
    %dma_start3A_27 = tpu.memref_slice %arg4[%dma_start3A_25, %dma_start3A_26] : memref<2200000x32xf32, #tpu.memory_space<hbm>> -> memref<2200000x32xf32, #tpu.memory_space<hbm>>
    tpu.enqueue_indirect_dma source(%dma_start3A_27 : memref<2200000x32xf32, #tpu.memory_space<hbm>>) target(%dma_start3A_21 : memref<512x32xf32, #tpu.memory_space<vmem>>) offsets(%dma_start3A_24 : memref<512xi32, #tpu.memory_space<vmem>>) semaphore(%arg11 : memref<!tpu.dma_semaphore, #tpu.memory_space<semaphore_mem>>)
    %add3A_28 = arith.constant 512 : i32
    %add3A_29 = arith.addi %mul3A_2, %add3A_28 : i32
    %run_scoped3A_30 = arith.constant 1 : i32
    "tpu.region"() ({
      %run_scoped3A_2574 = tpu.sem_alloc : memref<!tpu.dma_semaphore, #tpu.memory_space<semaphore_mem>>
      %dma_start3A_2575 = arith.constant 0 : i32
      %dma_start3A_2576 = tpu.memref_slice %arg6[%run_scoped3A_30, %dma_start3A_2575] : memref<2x512xi32, #tpu.memory_space<vmem>> -> memref<1x512xi32, #tpu.memory_space<vmem>>
      %dma_start3A_2577 = tpu.memref_squeeze %dma_start3A_2576 : memref<1x512xi32, #tpu.memory_space<vmem>> -> memref<512xi32, #tpu.memory_space<vmem>>
      %dma_start3A_2578 = tpu.memref_slice %arg2[%add3A_29] : memref<360448xi32, #tpu.memory_space<hbm>> -> memref<512xi32, #tpu.memory_space<hbm>>
      %dma_start3A_2579 = arith.constant 0 : i32
      %dma_start3A_2580 = tpu.memref_slice %arg6[%run_scoped3A_30, %dma_start3A_2579] : memref<2x512xi32, #tpu.memory_space<vmem>> -> memref<1x512xi32, #tpu.memory_space<vmem>>
      %dma_start3A_2581 = tpu.memref_squeeze %dma_start3A_2580 : memref<1x512xi32, #tpu.memory_space<vmem>> -> memref<512xi32, #tpu.memory_space<vmem>>
      %dma_start3A_2582 = tpu.memref_slice %arg2[%add3A_29] : memref<360448xi32, #tpu.memory_space<hbm>> -> memref<512xi32, #tpu.memory_space<hbm>>
      tpu.enqueue_dma source(%dma_start3A_2582 : memref<512xi32, #tpu.memory_space<hbm>>) target(%dma_start3A_2581 : memref<512xi32, #tpu.memory_space<vmem>>) target_semaphore(%run_scoped3A_2574 : memref<!tpu.dma_semaphore, #tpu.memory_space<semaphore_mem>>)
      %dma_wait3A_2583 = arith.constant 0 : i32
      %dma_wait3A_2584 = tpu.memref_slice %arg6[%run_scoped3A_30, %dma_wait3A_2583] : memref<2x512xi32, #tpu.memory_space<vmem>> -> memref<1x512xi32, #tpu.memory_space<vmem>>
      %dma_wait3A_2585 = tpu.memref_squeeze %dma_wait3A_2584 : memref<1x512xi32, #tpu.memory_space<vmem>> -> memref<512xi32, #tpu.memory_space<vmem>>
      %dma_wait3A_2586 = tpu.memref_slice %arg2[%add3A_29] : memref<360448xi32, #tpu.memory_space<hbm>> -> memref<512xi32, #tpu.memory_space<hbm>>
      %dma_wait3A_2587 = arith.constant 0 : i32
      %dma_wait3A_2588 = tpu.memref_slice %arg6[%run_scoped3A_30, %dma_wait3A_2587] : memref<2x512xi32, #tpu.memory_space<vmem>> -> memref<1x512xi32, #tpu.memory_space<vmem>>
      %dma_wait3A_2589 = tpu.memref_squeeze %dma_wait3A_2588 : memref<1x512xi32, #tpu.memory_space<vmem>> -> memref<512xi32, #tpu.memory_space<vmem>>
      %dma_wait3A_2590 = tpu.memref_slice %arg2[%add3A_29] : memref<360448xi32, #tpu.memory_space<hbm>> -> memref<512xi32, #tpu.memory_space<hbm>>
      tpu.wait_dma2 semaphore(%run_scoped3A_2574 : memref<!tpu.dma_semaphore, #tpu.memory_space<semaphore_mem>>) src(%dma_wait3A_2590 : memref<512xi32, #tpu.memory_space<hbm>>) dst(%dma_wait3A_2589 : memref<512xi32, #tpu.memory_space<vmem>>)
      tpu.yield
    }) : () -> ()
    %dma_start3A_31 = arith.constant 1 : i32
    %dma_start3A_32 = arith.constant 1 : i32
    %dma_start3A_33 = arith.constant 0 : i32
    %dma_start3A_34 = arith.constant 0 : i32
    %dma_start3A_35 = tpu.memref_slice %arg7[%dma_start3A_32, %dma_start3A_33, %dma_start3A_34] : memref<2x512x32xf32, #tpu.memory_space<vmem>> -> memref<1x512x32xf32, #tpu.memory_space<vmem>>
    %dma_start3A_36 = tpu.memref_squeeze %dma_start3A_35 : memref<1x512x32xf32, #tpu.memory_space<vmem>> -> memref<512x32xf32, #tpu.memory_space<vmem>>
    %dma_start3A_37 = arith.constant 0 : i32
    %dma_start3A_38 = tpu.memref_slice %arg6[%dma_start3A_31, %dma_start3A_37] : memref<2x512xi32, #tpu.memory_space<vmem>> -> memref<1x512xi32, #tpu.memory_space<vmem>>
    %dma_start3A_39 = tpu.memref_squeeze %dma_start3A_38 : memref<1x512xi32, #tpu.memory_space<vmem>> -> memref<512xi32, #tpu.memory_space<vmem>>
    %dma_start3A_40 = arith.constant 0 : i32
    %dma_start3A_41 = arith.constant 0 : i32
    %dma_start3A_42 = tpu.memref_slice %arg3[%dma_start3A_40, %dma_start3A_41] : memref<2200000x32xf32, #tpu.memory_space<hbm>> -> memref<2200000x32xf32, #tpu.memory_space<hbm>>
    tpu.enqueue_indirect_dma source(%dma_start3A_42 : memref<2200000x32xf32, #tpu.memory_space<hbm>>) target(%dma_start3A_36 : memref<512x32xf32, #tpu.memory_space<vmem>>) offsets(%dma_start3A_39 : memref<512xi32, #tpu.memory_space<vmem>>) semaphore(%arg10 : memref<!tpu.dma_semaphore, #tpu.memory_space<semaphore_mem>>)
    %dma_start3A_43 = arith.constant 1 : i32
    %dma_start3A_44 = arith.constant 1 : i32
    %dma_start3A_45 = arith.constant 0 : i32
    %dma_start3A_46 = arith.constant 0 : i32
    %dma_start3A_47 = tpu.memref_slice %arg8[%dma_start3A_44, %dma_start3A_45, %dma_start3A_46] : memref<2x512x32xf32, #tpu.memory_space<vmem>> -> memref<1x512x32xf32, #tpu.memory_space<vmem>>
    %dma_start3A_48 = tpu.memref_squeeze %dma_start3A_47 : memref<1x512x32xf32, #tpu.memory_space<vmem>> -> memref<512x32xf32, #tpu.memory_space<vmem>>
    %dma_start3A_49 = arith.constant 0 : i32
    %dma_start3A_50 = tpu.memref_slice %arg6[%dma_start3A_43, %dma_start3A_49] : memref<2x512xi32, #tpu.memory_space<vmem>> -> memref<1x512xi32, #tpu.memory_space<vmem>>
    %dma_start3A_51 = tpu.memref_squeeze %dma_start3A_50 : memref<1x512xi32, #tpu.memory_space<vmem>> -> memref<512xi32, #tpu.memory_space<vmem>>
    %dma_start3A_52 = arith.constant 0 : i32
    %dma_start3A_53 = arith.constant 0 : i32
    %dma_start3A_54 = tpu.memref_slice %arg4[%dma_start3A_52, %dma_start3A_53] : memref<2200000x32xf32, #tpu.memory_space<hbm>> -> memref<2200000x32xf32, #tpu.memory_space<hbm>>
    tpu.enqueue_indirect_dma source(%dma_start3A_54 : memref<2200000x32xf32, #tpu.memory_space<hbm>>) target(%dma_start3A_48 : memref<512x32xf32, #tpu.memory_space<vmem>>) offsets(%dma_start3A_51 : memref<512xi32, #tpu.memory_space<vmem>>) semaphore(%arg12 : memref<!tpu.dma_semaphore, #tpu.memory_space<semaphore_mem>>)
    %dma_wait3A = arith.constant 0 : i32
    %dma_wait3A_55 = arith.constant 0 : i32
    %dma_wait3A_56 = arith.constant 0 : i32
    %dma_wait3A_57 = arith.constant 0 : i32
    %dma_wait3A_58 = tpu.memref_slice %arg7[%dma_wait3A_55, %dma_wait3A_56, %dma_wait3A_57] : memref<2x512x32xf32, #tpu.memory_space<vmem>> -> memref<1x512x32xf32, #tpu.memory_space<vmem>>
    %dma_wait3A_59 = tpu.memref_squeeze %dma_wait3A_58 : memref<1x512x32xf32, #tpu.memory_space<vmem>> -> memref<512x32xf32, #tpu.memory_space<vmem>>
    %dma_wait3A_60 = arith.constant 0 : i32
    %dma_wait3A_61 = tpu.memref_slice %arg6[%dma_wait3A, %dma_wait3A_60] : memref<2x512xi32, #tpu.memory_space<vmem>> -> memref<1x512xi32, #tpu.memory_space<vmem>>
    %dma_wait3A_62 = tpu.memref_squeeze %dma_wait3A_61 : memref<1x512xi32, #tpu.memory_space<vmem>> -> memref<512xi32, #tpu.memory_space<vmem>>
    %dma_wait3A_63 = arith.constant 0 : i32
    %dma_wait3A_64 = arith.constant 0 : i32
    %dma_wait3A_65 = tpu.memref_slice %arg3[%dma_wait3A_63, %dma_wait3A_64] : memref<2200000x32xf32, #tpu.memory_space<hbm>> -> memref<2200000x32xf32, #tpu.memory_space<hbm>>
    tpu.wait_indirect_dma semaphore(%arg9 : memref<!tpu.dma_semaphore, #tpu.memory_space<semaphore_mem>>) src(%dma_wait3A_65 : memref<2200000x32xf32, #tpu.memory_space<hbm>>) dst(%dma_wait3A_59 : memref<512x32xf32, #tpu.memory_space<vmem>>)
    %dma_wait3A_66 = arith.constant 0 : i32
    %dma_wait3A_67 = arith.constant 0 : i32
    %dma_wait3A_68 = arith.constant 0 : i32
    %dma_wait3A_69 = arith.constant 0 : i32
    %dma_wait3A_70 = tpu.memref_slice %arg8[%dma_wait3A_67, %dma_wait3A_68, %dma_wait3A_69] : memref<2x512x32xf32, #tpu.memory_space<vmem>> -> memref<1x512x32xf32, #tpu.memory_space<vmem>>
    %dma_wait3A_71 = tpu.memref_squeeze %dma_wait3A_70 : memref<1x512x32xf32, #tpu.memory_space<vmem>> -> memref<512x32xf32, #tpu.memory_space<vmem>>
    %dma_wait3A_72 = arith.constant 0 : i32
    %dma_wait3A_73 = tpu.memref_slice %arg6[%dma_wait3A_66, %dma_wait3A_72] : memref<2x512xi32, #tpu.memory_space<vmem>> -> memref<1x512xi32, #tpu.memory_space<vmem>>
    %dma_wait3A_74 = tpu.memref_squeeze %dma_wait3A_73 : memref<1x512xi32, #tpu.memory_space<vmem>> -> memref<512xi32, #tpu.memory_space<vmem>>
    %dma_wait3A_75 = arith.constant 0 : i32
    %dma_wait3A_76 = arith.constant 0 : i32
    %dma_wait3A_77 = tpu.memref_slice %arg4[%dma_wait3A_75, %dma_wait3A_76] : memref<2200000x32xf32, #tpu.memory_space<hbm>> -> memref<2200000x32xf32, #tpu.memory_space<hbm>>
    tpu.wait_indirect_dma semaphore(%arg11 : memref<!tpu.dma_semaphore, #tpu.memory_space<semaphore_mem>>) src(%dma_wait3A_77 : memref<2200000x32xf32, #tpu.memory_space<hbm>>) dst(%dma_wait3A_71 : memref<512x32xf32, #tpu.memory_space<vmem>>)
    %add3A_78 = arith.constant 0 : i32
    %add3A_79 = arith.addi %mul3A_2, %add3A_78 : i32
    %dma_start3A_80 = arith.constant 0 : i32
    %dma_start3A_81 = arith.constant 0 : i32
    %dma_start3A_82 = arith.constant 0 : i32
    %dma_start3A_83 = arith.constant 0 : i32
    %dma_start3A_84 = tpu.memref_slice %arg7[%dma_start3A_80, %dma_start3A_82, %dma_start3A_83] : memref<2x512x32xf32, #tpu.memory_space<vmem>> -> memref<1x512x32xf32, #tpu.memory_space<vmem>>
    %dma_start3A_85 = tpu.memref_squeeze %dma_start3A_84 : memref<1x512x32xf32, #tpu.memory_space<vmem>> -> memref<512x32xf32, #tpu.memory_space<vmem>>
    %dma_start3A_86 = arith.constant 0 : i32
    %dma_start3A_87 = tpu.memref_slice %arg5[%add3A_79, %dma_start3A_81, %dma_start3A_86] : memref<360448x2x32xf32, #tpu.memory_space<hbm>> -> memref<512x1x32xf32, #tpu.memory_space<hbm>>
    %dma_start3A_88 = tpu.memref_squeeze %dma_start3A_87 : memref<512x1x32xf32, #tpu.memory_space<hbm>> -> memref<512x32xf32, #tpu.memory_space<hbm>>
    %dma_start3A_89 = arith.constant 0 : i32
    %dma_start3A_90 = tpu.memref_slice %arg5[%add3A_79, %dma_start3A_81, %dma_start3A_89] : memref<360448x2x32xf32, #tpu.memory_space<hbm>> -> memref<512x1x32xf32, #tpu.memory_space<hbm>>
    %dma_start3A_91 = tpu.memref_squeeze %dma_start3A_90 : memref<512x1x32xf32, #tpu.memory_space<hbm>> -> memref<512x32xf32, #tpu.memory_space<hbm>>
    %dma_start3A_92 = arith.constant 0 : i32
    %dma_start3A_93 = arith.constant 0 : i32
    %dma_start3A_94 = tpu.memref_slice %arg7[%dma_start3A_80, %dma_start3A_92, %dma_start3A_93] : memref<2x512x32xf32, #tpu.memory_space<vmem>> -> memref<1x512x32xf32, #tpu.memory_space<vmem>>
    %dma_start3A_95 = tpu.memref_squeeze %dma_start3A_94 : memref<1x512x32xf32, #tpu.memory_space<vmem>> -> memref<512x32xf32, #tpu.memory_space<vmem>>
    tpu.enqueue_dma source(%dma_start3A_95 : memref<512x32xf32, #tpu.memory_space<vmem>>) target(%dma_start3A_91 : memref<512x32xf32, #tpu.memory_space<hbm>>) target_semaphore(%arg13 : memref<!tpu.dma_semaphore, #tpu.memory_space<semaphore_mem>>)
    %dma_start3A_96 = arith.constant 0 : i32
    %dma_start3A_97 = arith.constant 1 : i32
    %dma_start3A_98 = arith.constant 0 : i32
    %dma_start3A_99 = arith.constant 0 : i32
    %dma_start3A_100 = tpu.memref_slice %arg8[%dma_start3A_96, %dma_start3A_98, %dma_start3A_99] : memref<2x512x32xf32, #tpu.memory_space<vmem>> -> memref<1x512x32xf32, #tpu.memory_space<vmem>>
    %dma_start3A_101 = tpu.memref_squeeze %dma_start3A_100 : memref<1x512x32xf32, #tpu.memory_space<vmem>> -> memref<512x32xf32, #tpu.memory_space<vmem>>
    %dma_start3A_102 = arith.constant 0 : i32
    %dma_start3A_103 = tpu.memref_slice %arg5[%add3A_79, %dma_start3A_97, %dma_start3A_102] : memref<360448x2x32xf32, #tpu.memory_space<hbm>> -> memref<512x1x32xf32, #tpu.memory_space<hbm>>
    %dma_start3A_104 = tpu.memref_squeeze %dma_start3A_103 : memref<512x1x32xf32, #tpu.memory_space<hbm>> -> memref<512x32xf32, #tpu.memory_space<hbm>>
    %dma_start3A_105 = arith.constant 0 : i32
    %dma_start3A_106 = tpu.memref_slice %arg5[%add3A_79, %dma_start3A_97, %dma_start3A_105] : memref<360448x2x32xf32, #tpu.memory_space<hbm>> -> memref<512x1x32xf32, #tpu.memory_space<hbm>>
    %dma_start3A_107 = tpu.memref_squeeze %dma_start3A_106 : memref<512x1x32xf32, #tpu.memory_space<hbm>> -> memref<512x32xf32, #tpu.memory_space<hbm>>
    %dma_start3A_108 = arith.constant 0 : i32
    %dma_start3A_109 = arith.constant 0 : i32
    %dma_start3A_110 = tpu.memref_slice %arg8[%dma_start3A_96, %dma_start3A_108, %dma_start3A_109] : memref<2x512x32xf32, #tpu.memory_space<vmem>> -> memref<1x512x32xf32, #tpu.memory_space<vmem>>
    %dma_start3A_111 = tpu.memref_squeeze %dma_start3A_110 : memref<1x512x32xf32, #tpu.memory_space<vmem>> -> memref<512x32xf32, #tpu.memory_space<vmem>>
    tpu.enqueue_dma source(%dma_start3A_111 : memref<512x32xf32, #tpu.memory_space<vmem>>) target(%dma_start3A_107 : memref<512x32xf32, #tpu.memory_space<hbm>>) target_semaphore(%arg13 : memref<!tpu.dma_semaphore, #tpu.memory_space<semaphore_mem>>)
    %dma_wait3A_112 = arith.constant 0 : i32
    %dma_wait3A_113 = arith.constant 0 : i32
    %dma_wait3A_114 = arith.constant 0 : i32
    %dma_wait3A_115 = arith.constant 0 : i32
    %dma_wait3A_116 = tpu.memref_slice %arg7[%dma_wait3A_112, %dma_wait3A_114, %dma_wait3A_115] : memref<2x512x32xf32, #tpu.memory_space<vmem>> -> memref<1x512x32xf32, #tpu.memory_space<vmem>>
    %dma_wait3A_117 = tpu.memref_squeeze %dma_wait3A_116 : memref<1x512x32xf32, #tpu.memory_space<vmem>> -> memref<512x32xf32, #tpu.memory_space<vmem>>
    %dma_wait3A_118 = arith.constant 0 : i32
    %dma_wait3A_119 = tpu.memref_slice %arg5[%add3A_79, %dma_wait3A_113, %dma_wait3A_118] : memref<360448x2x32xf32, #tpu.memory_space<hbm>> -> memref<512x1x32xf32, #tpu.memory_space<hbm>>
    %dma_wait3A_120 = tpu.memref_squeeze %dma_wait3A_119 : memref<512x1x32xf32, #tpu.memory_space<hbm>> -> memref<512x32xf32, #tpu.memory_space<hbm>>
    %dma_wait3A_121 = arith.constant 0 : i32
    %dma_wait3A_122 = tpu.memref_slice %arg5[%add3A_79, %dma_wait3A_113, %dma_wait3A_121] : memref<360448x2x32xf32, #tpu.memory_space<hbm>> -> memref<512x1x32xf32, #tpu.memory_space<hbm>>
    %dma_wait3A_123 = tpu.memref_squeeze %dma_wait3A_122 : memref<512x1x32xf32, #tpu.memory_space<hbm>> -> memref<512x32xf32, #tpu.memory_space<hbm>>
    %dma_wait3A_124 = arith.constant 0 : i32
    %dma_wait3A_125 = arith.constant 0 : i32
    %dma_wait3A_126 = tpu.memref_slice %arg7[%dma_wait3A_112, %dma_wait3A_124, %dma_wait3A_125] : memref<2x512x32xf32, #tpu.memory_space<vmem>> -> memref<1x512x32xf32, #tpu.memory_space<vmem>>
    %dma_wait3A_127 = tpu.memref_squeeze %dma_wait3A_126 : memref<1x512x32xf32, #tpu.memory_space<vmem>> -> memref<512x32xf32, #tpu.memory_space<vmem>>
    tpu.wait_dma2 semaphore(%arg13 : memref<!tpu.dma_semaphore, #tpu.memory_space<semaphore_mem>>) src(%dma_wait3A_127 : memref<512x32xf32, #tpu.memory_space<vmem>>) dst(%dma_wait3A_123 : memref<512x32xf32, #tpu.memory_space<hbm>>)
    %dma_wait3A_128 = arith.constant 0 : i32
    %dma_wait3A_129 = arith.constant 1 : i32
    %dma_wait3A_130 = arith.constant 0 : i32
    %dma_wait3A_131 = arith.constant 0 : i32
    %dma_wait3A_132 = tpu.memref_slice %arg8[%dma_wait3A_128, %dma_wait3A_130, %dma_wait3A_131] : memref<2x512x32xf32, #tpu.memory_space<vmem>> -> memref<1x512x32xf32, #tpu.memory_space<vmem>>
    %dma_wait3A_133 = tpu.memref_squeeze %dma_wait3A_132 : memref<1x512x32xf32, #tpu.memory_space<vmem>> -> memref<512x32xf32, #tpu.memory_space<vmem>>
    %dma_wait3A_134 = arith.constant 0 : i32
    %dma_wait3A_135 = tpu.memref_slice %arg5[%add3A_79, %dma_wait3A_129, %dma_wait3A_134] : memref<360448x2x32xf32, #tpu.memory_space<hbm>> -> memref<512x1x32xf32, #tpu.memory_space<hbm>>
    %dma_wait3A_136 = tpu.memref_squeeze %dma_wait3A_135 : memref<512x1x32xf32, #tpu.memory_space<hbm>> -> memref<512x32xf32, #tpu.memory_space<hbm>>
    %dma_wait3A_137 = arith.constant 0 : i32
    %dma_wait3A_138 = tpu.memref_slice %arg5[%add3A_79, %dma_wait3A_129, %dma_wait3A_137] : memref<360448x2x32xf32, #tpu.memory_space<hbm>> -> memref<512x1x32xf32, #tpu.memory_space<hbm>>
    %dma_wait3A_139 = tpu.memref_squeeze %dma_wait3A_138 : memref<512x1x32xf32, #tpu.memory_space<hbm>> -> memref<512x32xf32, #tpu.memory_space<hbm>>
    %dma_wait3A_140 = arith.constant 0 : i32
    %dma_wait3A_141 = arith.constant 0 : i32
    %dma_wait3A_142 = tpu.memref_slice %arg8[%dma_wait3A_128, %dma_wait3A_140, %dma_wait3A_141] : memref<2x512x32xf32, #tpu.memory_space<vmem>> -> memref<1x512x32xf32, #tpu.memory_space<vmem>>
    %dma_wait3A_143 = tpu.memref_squeeze %dma_wait3A_142 : memref<1x512x32xf32, #tpu.memory_space<vmem>> -> memref<512x32xf32, #tpu.memory_space<vmem>>
    tpu.wait_dma2 semaphore(%arg13 : memref<!tpu.dma_semaphore, #tpu.memory_space<semaphore_mem>>) src(%dma_wait3A_143 : memref<512x32xf32, #tpu.memory_space<vmem>>) dst(%dma_wait3A_139 : memref<512x32xf32, #tpu.memory_space<hbm>>)
    %add3A_144 = arith.constant 1024 : i32
    %add3A_145 = arith.addi %mul3A_2, %add3A_144 : i32
    %run_scoped3A_146 = arith.constant 0 : i32
    "tpu.region"() ({
      %run_scoped3A_2574 = tpu.sem_alloc : memref<!tpu.dma_semaphore, #tpu.memory_space<semaphore_mem>>
      %dma_start3A_2575 = arith.constant 0 : i32
      %dma_start3A_2576 = tpu.memref_slice %arg6[%run_scoped3A_146, %dma_start3A_2575] : memref<2x512xi32, #tpu.memory_space<vmem>> -> memref<1x512xi32, #tpu.memory_space<vmem>>
      %dma_start3A_2577 = tpu.memref_squeeze %dma_start3A_2576 : memref<1x512xi32, #tpu.memory_space<vmem>> -> memref<512xi32, #tpu.memory_space<vmem>>
      %dma_start3A_2578 = tpu.memref_slice %arg2[%add3A_145] : memref<360448xi32, #tpu.memory_space<hbm>> -> memref<512xi32, #tpu.memory_space<hbm>>
      %dma_start3A_2579 = arith.constant 0 : i32
      %dma_start3A_2580 = tpu.memref_slice %arg6[%run_scoped3A_146, %dma_start3A_2579] : memref<2x512xi32, #tpu.memory_space<vmem>> -> memref<1x512xi32, #tpu.memory_space<vmem>>
      %dma_start3A_2581 = tpu.memref_squeeze %dma_start3A_2580 : memref<1x512xi32, #tpu.memory_space<vmem>> -> memref<512xi32, #tpu.memory_space<vmem>>
      %dma_start3A_2582 = tpu.memref_slice %arg2[%add3A_145] : memref<360448xi32, #tpu.memory_space<hbm>> -> memref<512xi32, #tpu.memory_space<hbm>>
      tpu.enqueue_dma source(%dma_start3A_2582 : memref<512xi32, #tpu.memory_space<hbm>>) target(%dma_start3A_2581 : memref<512xi32, #tpu.memory_space<vmem>>) target_semaphore(%run_scoped3A_2574 : memref<!tpu.dma_semaphore, #tpu.memory_space<semaphore_mem>>)
      %dma_wait3A_2583 = arith.constant 0 : i32
      %dma_wait3A_2584 = tpu.memref_slice %arg6[%run_scoped3A_146, %dma_wait3A_2583] : memref<2x512xi32, #tpu.memory_space<vmem>> -> memref<1x512xi32, #tpu.memory_space<vmem>>
      %dma_wait3A_2585 = tpu.memref_squeeze %dma_wait3A_2584 : memref<1x512xi32, #tpu.memory_space<vmem>> -> memref<512xi32, #tpu.memory_space<vmem>>
      %dma_wait3A_2586 = tpu.memref_slice %arg2[%add3A_145] : memref<360448xi32, #tpu.memory_space<hbm>> -> memref<512xi32, #tpu.memory_space<hbm>>
      %dma_wait3A_2587 = arith.constant 0 : i32
      %dma_wait3A_2588 = tpu.memref_slice %arg6[%run_scoped3A_146, %dma_wait3A_2587] : memref<2x512xi32, #tpu.memory_space<vmem>> -> memref<1x512xi32, #tpu.memory_space<vmem>>
      %dma_wait3A_2589 = tpu.memref_squeeze %dma_wait3A_2588 : memref<1x512xi32, #tpu.memory_space<vmem>> -> memref<512xi32, #tpu.memory_space<vmem>>
      %dma_wait3A_2590 = tpu.memref_slice %arg2[%add3A_145] : memref<360448xi32, #tpu.memory_space<hbm>> -> memref<512xi32, #tpu.memory_space<hbm>>
      tpu.wait_dma2 semaphore(%run_scoped3A_2574 : memref<!tpu.dma_semaphore, #tpu.memory_space<semaphore_mem>>) src(%dma_wait3A_2590 : memref<512xi32, #tpu.memory_space<hbm>>) dst(%dma_wait3A_2589 : memref<512xi32, #tpu.memory_space<vmem>>)
      tpu.yield
    }) : () -> ()
    %dma_start3A_147 = arith.constant 0 : i32
    %dma_start3A_148 = arith.constant 0 : i32
    %dma_start3A_149 = arith.constant 0 : i32
    %dma_start3A_150 = arith.constant 0 : i32
    %dma_start3A_151 = tpu.memref_slice %arg7[%dma_start3A_148, %dma_start3A_149, %dma_start3A_150] : memref<2x512x32xf32, #tpu.memory_space<vmem>> -> memref<1x512x32xf32, #tpu.memory_space<vmem>>
    %dma_start3A_152 = tpu.memref_squeeze %dma_start3A_151 : memref<1x512x32xf32, #tpu.memory_space<vmem>> -> memref<512x32xf32, #tpu.memory_space<vmem>>
    %dma_start3A_153 = arith.constant 0 : i32
    %dma_start3A_154 = tpu.memref_slice %arg6[%dma_start3A_147, %dma_start3A_153] : memref<2x512xi32, #tpu.memory_space<vmem>> -> memref<1x512xi32, #tpu.memory_space<vmem>>
    %dma_start3A_155 = tpu.memref_squeeze %dma_start3A_154 : memref<1x512xi32, #tpu.memory_space<vmem>> -> memref<512xi32, #tpu.memory_space<vmem>>
    %dma_start3A_156 = arith.constant 0 : i32
    %dma_start3A_157 = arith.constant 0 : i32
    %dma_start3A_158 = tpu.memref_slice %arg3[%dma_start3A_156, %dma_start3A_157] : memref<2200000x32xf32, #tpu.memory_space<hbm>> -> memref<2200000x32xf32, #tpu.memory_space<hbm>>
    tpu.enqueue_indirect_dma source(%dma_start3A_158 : memref<2200000x32xf32, #tpu.memory_space<hbm>>) target(%dma_start3A_152 : memref<512x32xf32, #tpu.memory_space<vmem>>) offsets(%dma_start3A_155 : memref<512xi32, #tpu.memory_space<vmem>>) semaphore(%arg9 : memref<!tpu.dma_semaphore, #tpu.memory_space<semaphore_mem>>)
    %dma_start3A_159 = arith.constant 0 : i32
    %dma_start3A_160 = arith.constant 0 : i32
    %dma_start3A_161 = arith.constant 0 : i32
    %dma_start3A_162 = arith.constant 0 : i32
    %dma_start3A_163 = tpu.memref_slice %arg8[%dma_start3A_160, %dma_start3A_161, %dma_start3A_162] : memref<2x512x32xf32, #tpu.memory_space<vmem>> -> memref<1x512x32xf32, #tpu.memory_space<vmem>>
    %dma_start3A_164 = tpu.memref_squeeze %dma_start3A_163 : memref<1x512x32xf32, #tpu.memory_space<vmem>> -> memref<512x32xf32, #tpu.memory_space<vmem>>
    %dma_start3A_165 = arith.constant 0 : i32
    %dma_start3A_166 = tpu.memref_slice %arg6[%dma_start3A_159, %dma_start3A_165] : memref<2x512xi32, #tpu.memory_space<vmem>> -> memref<1x512xi32, #tpu.memory_space<vmem>>
    %dma_start3A_167 = tpu.memref_squeeze %dma_start3A_166 : memref<1x512xi32, #tpu.memory_space<vmem>> -> memref<512xi32, #tpu.memory_space<vmem>>
    %dma_start3A_168 = arith.constant 0 : i32
    %dma_start3A_169 = arith.constant 0 : i32
    %dma_start3A_170 = tpu.memref_slice %arg4[%dma_start3A_168, %dma_start3A_169] : memref<2200000x32xf32, #tpu.memory_space<hbm>> -> memref<2200000x32xf32, #tpu.memory_space<hbm>>
    tpu.enqueue_indirect_dma source(%dma_start3A_170 : memref<2200000x32xf32, #tpu.memory_space<hbm>>) target(%dma_start3A_164 : memref<512x32xf32, #tpu.memory_space<vmem>>) offsets(%dma_start3A_167 : memref<512xi32, #tpu.memory_space<vmem>>) semaphore(%arg11 : memref<!tpu.dma_semaphore, #tpu.memory_space<semaphore_mem>>)
    %dma_wait3A_171 = arith.constant 1 : i32
    %dma_wait3A_172 = arith.constant 1 : i32
    %dma_wait3A_173 = arith.constant 0 : i32
    %dma_wait3A_174 = arith.constant 0 : i32
    %dma_wait3A_175 = tpu.memref_slice %arg7[%dma_wait3A_172, %dma_wait3A_173, %dma_wait3A_174] : memref<2x512x32xf32, #tpu.memory_space<vmem>> -> memref<1x512x32xf32, #tpu.memory_space<vmem>>
    %dma_wait3A_176 = tpu.memref_squeeze %dma_wait3A_175 : memref<1x512x32xf32, #tpu.memory_space<vmem>> -> memref<512x32xf32, #tpu.memory_space<vmem>>
    %dma_wait3A_177 = arith.constant 0 : i32
    %dma_wait3A_178 = tpu.memref_slice %arg6[%dma_wait3A_171, %dma_wait3A_177] : memref<2x512xi32, #tpu.memory_space<vmem>> -> memref<1x512xi32, #tpu.memory_space<vmem>>
    %dma_wait3A_179 = tpu.memref_squeeze %dma_wait3A_178 : memref<1x512xi32, #tpu.memory_space<vmem>> -> memref<512xi32, #tpu.memory_space<vmem>>
    %dma_wait3A_180 = arith.constant 0 : i32
    %dma_wait3A_181 = arith.constant 0 : i32
    %dma_wait3A_182 = tpu.memref_slice %arg3[%dma_wait3A_180, %dma_wait3A_181] : memref<2200000x32xf32, #tpu.memory_space<hbm>> -> memref<2200000x32xf32, #tpu.memory_space<hbm>>
    tpu.wait_indirect_dma semaphore(%arg10 : memref<!tpu.dma_semaphore, #tpu.memory_space<semaphore_mem>>) src(%dma_wait3A_182 : memref<2200000x32xf32, #tpu.memory_space<hbm>>) dst(%dma_wait3A_176 : memref<512x32xf32, #tpu.memory_space<vmem>>)
    %dma_wait3A_183 = arith.constant 1 : i32
    %dma_wait3A_184 = arith.constant 1 : i32
    %dma_wait3A_185 = arith.constant 0 : i32
    %dma_wait3A_186 = arith.constant 0 : i32
    %dma_wait3A_187 = tpu.memref_slice %arg8[%dma_wait3A_184, %dma_wait3A_185, %dma_wait3A_186] : memref<2x512x32xf32, #tpu.memory_space<vmem>> -> memref<1x512x32xf32, #tpu.memory_space<vmem>>
    %dma_wait3A_188 = tpu.memref_squeeze %dma_wait3A_187 : memref<1x512x32xf32, #tpu.memory_space<vmem>> -> memref<512x32xf32, #tpu.memory_space<vmem>>
    %dma_wait3A_189 = arith.constant 0 : i32
    %dma_wait3A_190 = tpu.memref_slice %arg6[%dma_wait3A_183, %dma_wait3A_189] : memref<2x512xi32, #tpu.memory_space<vmem>> -> memref<1x512xi32, #tpu.memory_space<vmem>>
    %dma_wait3A_191 = tpu.memref_squeeze %dma_wait3A_190 : memref<1x512xi32, #tpu.memory_space<vmem>> -> memref<512xi32, #tpu.memory_space<vmem>>
    %dma_wait3A_192 = arith.constant 0 : i32
    %dma_wait3A_193 = arith.constant 0 : i32
    %dma_wait3A_194 = tpu.memref_slice %arg4[%dma_wait3A_192, %dma_wait3A_193] : memref<2200000x32xf32, #tpu.memory_space<hbm>> -> memref<2200000x32xf32, #tpu.memory_space<hbm>>
    tpu.wait_indirect_dma semaphore(%arg12 : memref<!tpu.dma_semaphore, #tpu.memory_space<semaphore_mem>>) src(%dma_wait3A_194 : memref<2200000x32xf32, #tpu.memory_space<hbm>>) dst(%dma_wait3A_188 : memref<512x32xf32, #tpu.memory_space<vmem>>)
    %add3A_195 = arith.constant 512 : i32
    %add3A_196 = arith.addi %mul3A_2, %add3A_195 : i32
    %dma_start3A_197 = arith.constant 1 : i32
    %dma_start3A_198 = arith.constant 0 : i32
    %dma_start3A_199 = arith.constant 0 : i32
    %dma_start3A_200 = arith.constant 0 : i32
    %dma_start3A_201 = tpu.memref_slice %arg7[%dma_start3A_197, %dma_start3A_199, %dma_start3A_200] : memref<2x512x32xf32, #tpu.memory_space<vmem>> -> memref<1x512x32xf32, #tpu.memory_space<vmem>>
    %dma_start3A_202 = tpu.memref_squeeze %dma_start3A_201 : memref<1x512x32xf32, #tpu.memory_space<vmem>> -> memref<512x32xf32, #tpu.memory_space<vmem>>
    %dma_start3A_203 = arith.constant 0 : i32
    %dma_start3A_204 = tpu.memref_slice %arg5[%add3A_196, %dma_start3A_198, %dma_start3A_203] : memref<360448x2x32xf32, #tpu.memory_space<hbm>> -> memref<512x1x32xf32, #tpu.memory_space<hbm>>
    %dma_start3A_205 = tpu.memref_squeeze %dma_start3A_204 : memref<512x1x32xf32, #tpu.memory_space<hbm>> -> memref<512x32xf32, #tpu.memory_space<hbm>>
    %dma_start3A_206 = arith.constant 0 : i32
    %dma_start3A_207 = tpu.memref_slice %arg5[%add3A_196, %dma_start3A_198, %dma_start3A_206] : memref<360448x2x32xf32, #tpu.memory_space<hbm>> -> memref<512x1x32xf32, #tpu.memory_space<hbm>>
    %dma_start3A_208 = tpu.memref_squeeze %dma_start3A_207 : memref<512x1x32xf32, #tpu.memory_space<hbm>> -> memref<512x32xf32, #tpu.memory_space<hbm>>
    %dma_start3A_209 = arith.constant 0 : i32
    %dma_start3A_210 = arith.constant 0 : i32
    %dma_start3A_211 = tpu.memref_slice %arg7[%dma_start3A_197, %dma_start3A_209, %dma_start3A_210] : memref<2x512x32xf32, #tpu.memory_space<vmem>> -> memref<1x512x32xf32, #tpu.memory_space<vmem>>
    %dma_start3A_212 = tpu.memref_squeeze %dma_start3A_211 : memref<1x512x32xf32, #tpu.memory_space<vmem>> -> memref<512x32xf32, #tpu.memory_space<vmem>>
    tpu.enqueue_dma source(%dma_start3A_212 : memref<512x32xf32, #tpu.memory_space<vmem>>) target(%dma_start3A_208 : memref<512x32xf32, #tpu.memory_space<hbm>>) target_semaphore(%arg14 : memref<!tpu.dma_semaphore, #tpu.memory_space<semaphore_mem>>)
    %dma_start3A_213 = arith.constant 1 : i32
    %dma_start3A_214 = arith.constant 1 : i32
    %dma_start3A_215 = arith.constant 0 : i32
    %dma_start3A_216 = arith.constant 0 : i32
    %dma_start3A_217 = tpu.memref_slice %arg8[%dma_start3A_213, %dma_start3A_215, %dma_start3A_216] : memref<2x512x32xf32, #tpu.memory_space<vmem>> -> memref<1x512x32xf32, #tpu.memory_space<vmem>>
    %dma_start3A_218 = tpu.memref_squeeze %dma_start3A_217 : memref<1x512x32xf32, #tpu.memory_space<vmem>> -> memref<512x32xf32, #tpu.memory_space<vmem>>
    %dma_start3A_219 = arith.constant 0 : i32
    %dma_start3A_220 = tpu.memref_slice %arg5[%add3A_196, %dma_start3A_214, %dma_start3A_219] : memref<360448x2x32xf32, #tpu.memory_space<hbm>> -> memref<512x1x32xf32, #tpu.memory_space<hbm>>
    %dma_start3A_221 = tpu.memref_squeeze %dma_start3A_220 : memref<512x1x32xf32, #tpu.memory_space<hbm>> -> memref<512x32xf32, #tpu.memory_space<hbm>>
    %dma_start3A_222 = arith.constant 0 : i32
    %dma_start3A_223 = tpu.memref_slice %arg5[%add3A_196, %dma_start3A_214, %dma_start3A_222] : memref<360448x2x32xf32, #tpu.memory_space<hbm>> -> memref<512x1x32xf32, #tpu.memory_space<hbm>>
    %dma_start3A_224 = tpu.memref_squeeze %dma_start3A_223 : memref<512x1x32xf32, #tpu.memory_space<hbm>> -> memref<512x32xf32, #tpu.memory_space<hbm>>
    %dma_start3A_225 = arith.constant 0 : i32
    %dma_start3A_226 = arith.constant 0 : i32
    %dma_start3A_227 = tpu.memref_slice %arg8[%dma_start3A_213, %dma_start3A_225, %dma_start3A_226] : memref<2x512x32xf32, #tpu.memory_space<vmem>> -> memref<1x512x32xf32, #tpu.memory_space<vmem>>
    %dma_start3A_228 = tpu.memref_squeeze %dma_start3A_227 : memref<1x512x32xf32, #tpu.memory_space<vmem>> -> memref<512x32xf32, #tpu.memory_space<vmem>>
    tpu.enqueue_dma source(%dma_start3A_228 : memref<512x32xf32, #tpu.memory_space<vmem>>) target(%dma_start3A_224 : memref<512x32xf32, #tpu.memory_space<hbm>>) target_semaphore(%arg14 : memref<!tpu.dma_semaphore, #tpu.memory_space<semaphore_mem>>)
    %dma_wait3A_229 = arith.constant 1 : i32
    %dma_wait3A_230 = arith.constant 0 : i32
    %dma_wait3A_231 = arith.constant 0 : i32
    %dma_wait3A_232 = arith.constant 0 : i32
    %dma_wait3A_233 = tpu.memref_slice %arg7[%dma_wait3A_229, %dma_wait3A_231, %dma_wait3A_232] : memref<2x512x32xf32, #tpu.memory_space<vmem>> -> memref<1x512x32xf32, #tpu.memory_space<vmem>>
    %dma_wait3A_234 = tpu.memref_squeeze %dma_wait3A_233 : memref<1x512x32xf32, #tpu.memory_space<vmem>> -> memref<512x32xf32, #tpu.memory_space<vmem>>
    %dma_wait3A_235 = arith.constant 0 : i32
    %dma_wait3A_236 = tpu.memref_slice %arg5[%add3A_196, %dma_wait3A_230, %dma_wait3A_235] : memref<360448x2x32xf32, #tpu.memory_space<hbm>> -> memref<512x1x32xf32, #tpu.memory_space<hbm>>
    %dma_wait3A_237 = tpu.memref_squeeze %dma_wait3A_236 : memref<512x1x32xf32, #tpu.memory_space<hbm>> -> memref<512x32xf32, #tpu.memory_space<hbm>>
    %dma_wait3A_238 = arith.constant 0 : i32
    %dma_wait3A_239 = tpu.memref_slice %arg5[%add3A_196, %dma_wait3A_230, %dma_wait3A_238] : memref<360448x2x32xf32, #tpu.memory_space<hbm>> -> memref<512x1x32xf32, #tpu.memory_space<hbm>>
    %dma_wait3A_240 = tpu.memref_squeeze %dma_wait3A_239 : memref<512x1x32xf32, #tpu.memory_space<hbm>> -> memref<512x32xf32, #tpu.memory_space<hbm>>
    %dma_wait3A_241 = arith.constant 0 : i32
    %dma_wait3A_242 = arith.constant 0 : i32
    %dma_wait3A_243 = tpu.memref_slice %arg7[%dma_wait3A_229, %dma_wait3A_241, %dma_wait3A_242] : memref<2x512x32xf32, #tpu.memory_space<vmem>> -> memref<1x512x32xf32, #tpu.memory_space<vmem>>
    %dma_wait3A_244 = tpu.memref_squeeze %dma_wait3A_243 : memref<1x512x32xf32, #tpu.memory_space<vmem>> -> memref<512x32xf32, #tpu.memory_space<vmem>>
    tpu.wait_dma2 semaphore(%arg14 : memref<!tpu.dma_semaphore, #tpu.memory_space<semaphore_mem>>) src(%dma_wait3A_244 : memref<512x32xf32, #tpu.memory_space<vmem>>) dst(%dma_wait3A_240 : memref<512x32xf32, #tpu.memory_space<hbm>>)
    %dma_wait3A_245 = arith.constant 1 : i32
    %dma_wait3A_246 = arith.constant 1 : i32
    %dma_wait3A_247 = arith.constant 0 : i32
    %dma_wait3A_248 = arith.constant 0 : i32
    %dma_wait3A_249 = tpu.memref_slice %arg8[%dma_wait3A_245, %dma_wait3A_247, %dma_wait3A_248] : memref<2x512x32xf32, #tpu.memory_space<vmem>> -> memref<1x512x32xf32, #tpu.memory_space<vmem>>
    %dma_wait3A_250 = tpu.memref_squeeze %dma_wait3A_249 : memref<1x512x32xf32, #tpu.memory_space<vmem>> -> memref<512x32xf32, #tpu.memory_space<vmem>>
    %dma_wait3A_251 = arith.constant 0 : i32
    %dma_wait3A_252 = tpu.memref_slice %arg5[%add3A_196, %dma_wait3A_246, %dma_wait3A_251] : memref<360448x2x32xf32, #tpu.memory_space<hbm>> -> memref<512x1x32xf32, #tpu.memory_space<hbm>>
    %dma_wait3A_253 = tpu.memref_squeeze %dma_wait3A_252 : memref<512x1x32xf32, #tpu.memory_space<hbm>> -> memref<512x32xf32, #tpu.memory_space<hbm>>
    %dma_wait3A_254 = arith.constant 0 : i32
    %dma_wait3A_255 = tpu.memref_slice %arg5[%add3A_196, %dma_wait3A_246, %dma_wait3A_254] : memref<360448x2x32xf32, #tpu.memory_space<hbm>> -> memref<512x1x32xf32, #tpu.memory_space<hbm>>
    %dma_wait3A_256 = tpu.memref_squeeze %dma_wait3A_255 : memref<512x1x32xf32, #tpu.memory_space<hbm>> -> memref<512x32xf32, #tpu.memory_space<hbm>>
    %dma_wait3A_257 = arith.constant 0 : i32
    %dma_wait3A_258 = arith.constant 0 : i32
    %dma_wait3A_259 = tpu.memref_slice %arg8[%dma_wait3A_245, %dma_wait3A_257, %dma_wait3A_258] : memref<2x512x32xf32, #tpu.memory_space<vmem>> -> memref<1x512x32xf32, #tpu.memory_space<vmem>>
    %dma_wait3A_260 = tpu.memref_squeeze %dma_wait3A_259 : memref<1x512x32xf32, #tpu.memory_space<vmem>> -> memref<512x32xf32, #tpu.memory_space<vmem>>
    tpu.wait_dma2 semaphore(%arg14 : memref<!tpu.dma_semaphore, #tpu.memory_space<semaphore_mem>>) src(%dma_wait3A_260 : memref<512x32xf32, #tpu.memory_space<vmem>>) dst(%dma_wait3A_256 : memref<512x32xf32, #tpu.memory_space<hbm>>)
    %add3A_261 = arith.constant 1536 : i32
    %add3A_262 = arith.addi %mul3A_2, %add3A_261 : i32
    %run_scoped3A_263 = arith.constant 1 : i32
    "tpu.region"() ({
      %run_scoped3A_2574 = tpu.sem_alloc : memref<!tpu.dma_semaphore, #tpu.memory_space<semaphore_mem>>
      %dma_start3A_2575 = arith.constant 0 : i32
      %dma_start3A_2576 = tpu.memref_slice %arg6[%run_scoped3A_263, %dma_start3A_2575] : memref<2x512xi32, #tpu.memory_space<vmem>> -> memref<1x512xi32, #tpu.memory_space<vmem>>
      %dma_start3A_2577 = tpu.memref_squeeze %dma_start3A_2576 : memref<1x512xi32, #tpu.memory_space<vmem>> -> memref<512xi32, #tpu.memory_space<vmem>>
      %dma_start3A_2578 = tpu.memref_slice %arg2[%add3A_262] : memref<360448xi32, #tpu.memory_space<hbm>> -> memref<512xi32, #tpu.memory_space<hbm>>
      %dma_start3A_2579 = arith.constant 0 : i32
      %dma_start3A_2580 = tpu.memref_slice %arg6[%run_scoped3A_263, %dma_start3A_2579] : memref<2x512xi32, #tpu.memory_space<vmem>> -> memref<1x512xi32, #tpu.memory_space<vmem>>
      %dma_start3A_2581 = tpu.memref_squeeze %dma_start3A_2580 : memref<1x512xi32, #tpu.memory_space<vmem>> -> memref<512xi32, #tpu.memory_space<vmem>>
      %dma_start3A_2582 = tpu.memref_slice %arg2[%add3A_262] : memref<360448xi32, #tpu.memory_space<hbm>> -> memref<512xi32, #tpu.memory_space<hbm>>
      tpu.enqueue_dma source(%dma_start3A_2582 : memref<512xi32, #tpu.memory_space<hbm>>) target(%dma_start3A_2581 : memref<512xi32, #tpu.memory_space<vmem>>) target_semaphore(%run_scoped3A_2574 : memref<!tpu.dma_semaphore, #tpu.memory_space<semaphore_mem>>)
      %dma_wait3A_2583 = arith.constant 0 : i32
      %dma_wait3A_2584 = tpu.memref_slice %arg6[%run_scoped3A_263, %dma_wait3A_2583] : memref<2x512xi32, #tpu.memory_space<vmem>> -> memref<1x512xi32, #tpu.memory_space<vmem>>
      %dma_wait3A_2585 = tpu.memref_squeeze %dma_wait3A_2584 : memref<1x512xi32, #tpu.memory_space<vmem>> -> memref<512xi32, #tpu.memory_space<vmem>>
      %dma_wait3A_2586 = tpu.memref_slice %arg2[%add3A_262] : memref<360448xi32, #tpu.memory_space<hbm>> -> memref<512xi32, #tpu.memory_space<hbm>>
      %dma_wait3A_2587 = arith.constant 0 : i32
      %dma_wait3A_2588 = tpu.memref_slice %arg6[%run_scoped3A_263, %dma_wait3A_2587] : memref<2x512xi32, #tpu.memory_space<vmem>> -> memref<1x512xi32, #tpu.memory_space<vmem>>
      %dma_wait3A_2589 = tpu.memref_squeeze %dma_wait3A_2588 : memref<1x512xi32, #tpu.memory_space<vmem>> -> memref<512xi32, #tpu.memory_space<vmem>>
      %dma_wait3A_2590 = tpu.memref_slice %arg2[%add3A_262] : memref<360448xi32, #tpu.memory_space<hbm>> -> memref<512xi32, #tpu.memory_space<hbm>>
      tpu.wait_dma2 semaphore(%run_scoped3A_2574 : memref<!tpu.dma_semaphore, #tpu.memory_space<semaphore_mem>>) src(%dma_wait3A_2590 : memref<512xi32, #tpu.memory_space<hbm>>) dst(%dma_wait3A_2589 : memref<512xi32, #tpu.memory_space<vmem>>)
      tpu.yield
    }) : () -> ()
    %dma_start3A_264 = arith.constant 1 : i32
    %dma_start3A_265 = arith.constant 1 : i32
    %dma_start3A_266 = arith.constant 0 : i32
    %dma_start3A_267 = arith.constant 0 : i32
    %dma_start3A_268 = tpu.memref_slice %arg7[%dma_start3A_265, %dma_start3A_266, %dma_start3A_267] : memref<2x512x32xf32, #tpu.memory_space<vmem>> -> memref<1x512x32xf32, #tpu.memory_space<vmem>>
    %dma_start3A_269 = tpu.memref_squeeze %dma_start3A_268 : memref<1x512x32xf32, #tpu.memory_space<vmem>> -> memref<512x32xf32, #tpu.memory_space<vmem>>
    %dma_start3A_270 = arith.constant 0 : i32
    %dma_start3A_271 = tpu.memref_slice %arg6[%dma_start3A_264, %dma_start3A_270] : memref<2x512xi32, #tpu.memory_space<vmem>> -> memref<1x512xi32, #tpu.memory_space<vmem>>
    %dma_start3A_272 = tpu.memref_squeeze %dma_start3A_271 : memref<1x512xi32, #tpu.memory_space<vmem>> -> memref<512xi32, #tpu.memory_space<vmem>>
    %dma_start3A_273 = arith.constant 0 : i32
    %dma_start3A_274 = arith.constant 0 : i32
    %dma_start3A_275 = tpu.memref_slice %arg3[%dma_start3A_273, %dma_start3A_274] : memref<2200000x32xf32, #tpu.memory_space<hbm>> -> memref<2200000x32xf32, #tpu.memory_space<hbm>>
    tpu.enqueue_indirect_dma source(%dma_start3A_275 : memref<2200000x32xf32, #tpu.memory_space<hbm>>) target(%dma_start3A_269 : memref<512x32xf32, #tpu.memory_space<vmem>>) offsets(%dma_start3A_272 : memref<512xi32, #tpu.memory_space<vmem>>) semaphore(%arg10 : memref<!tpu.dma_semaphore, #tpu.memory_space<semaphore_mem>>)
    %dma_start3A_276 = arith.constant 1 : i32
    %dma_start3A_277 = arith.constant 1 : i32
    %dma_start3A_278 = arith.constant 0 : i32
    %dma_start3A_279 = arith.constant 0 : i32
    %dma_start3A_280 = tpu.memref_slice %arg8[%dma_start3A_277, %dma_start3A_278, %dma_start3A_279] : memref<2x512x32xf32, #tpu.memory_space<vmem>> -> memref<1x512x32xf32, #tpu.memory_space<vmem>>
    %dma_start3A_281 = tpu.memref_squeeze %dma_start3A_280 : memref<1x512x32xf32, #tpu.memory_space<vmem>> -> memref<512x32xf32, #tpu.memory_space<vmem>>
    %dma_start3A_282 = arith.constant 0 : i32
    %dma_start3A_283 = tpu.memref_slice %arg6[%dma_start3A_276, %dma_start3A_282] : memref<2x512xi32, #tpu.memory_space<vmem>> -> memref<1x512xi32, #tpu.memory_space<vmem>>
    %dma_start3A_284 = tpu.memref_squeeze %dma_start3A_283 : memref<1x512xi32, #tpu.memory_space<vmem>> -> memref<512xi32, #tpu.memory_space<vmem>>
    %dma_start3A_285 = arith.constant 0 : i32
    %dma_start3A_286 = arith.constant 0 : i32
    %dma_start3A_287 = tpu.memref_slice %arg4[%dma_start3A_285, %dma_start3A_286] : memref<2200000x32xf32, #tpu.memory_space<hbm>> -> memref<2200000x32xf32, #tpu.memory_space<hbm>>
    tpu.enqueue_indirect_dma source(%dma_start3A_287 : memref<2200000x32xf32, #tpu.memory_space<hbm>>) target(%dma_start3A_281 : memref<512x32xf32, #tpu.memory_space<vmem>>) offsets(%dma_start3A_284 : memref<512xi32, #tpu.memory_space<vmem>>) semaphore(%arg12 : memref<!tpu.dma_semaphore, #tpu.memory_space<semaphore_mem>>)
    %dma_wait3A_288 = arith.constant 0 : i32
    %dma_wait3A_289 = arith.constant 0 : i32
    %dma_wait3A_290 = arith.constant 0 : i32
    %dma_wait3A_291 = arith.constant 0 : i32
    %dma_wait3A_292 = tpu.memref_slice %arg7[%dma_wait3A_289, %dma_wait3A_290, %dma_wait3A_291] : memref<2x512x32xf32, #tpu.memory_space<vmem>> -> memref<1x512x32xf32, #tpu.memory_space<vmem>>
    %dma_wait3A_293 = tpu.memref_squeeze %dma_wait3A_292 : memref<1x512x32xf32, #tpu.memory_space<vmem>> -> memref<512x32xf32, #tpu.memory_space<vmem>>
    %dma_wait3A_294 = arith.constant 0 : i32
    %dma_wait3A_295 = tpu.memref_slice %arg6[%dma_wait3A_288, %dma_wait3A_294] : memref<2x512xi32, #tpu.memory_space<vmem>> -> memref<1x512xi32, #tpu.memory_space<vmem>>
    %dma_wait3A_296 = tpu.memref_squeeze %dma_wait3A_295 : memref<1x512xi32, #tpu.memory_space<vmem>> -> memref<512xi32, #tpu.memory_space<vmem>>
    %dma_wait3A_297 = arith.constant 0 : i32
    %dma_wait3A_298 = arith.constant 0 : i32
    %dma_wait3A_299 = tpu.memref_slice %arg3[%dma_wait3A_297, %dma_wait3A_298] : memref<2200000x32xf32, #tpu.memory_space<hbm>> -> memref<2200000x32xf32, #tpu.memory_space<hbm>>
    tpu.wait_indirect_dma semaphore(%arg9 : memref<!tpu.dma_semaphore, #tpu.memory_space<semaphore_mem>>) src(%dma_wait3A_299 : memref<2200000x32xf32, #tpu.memory_space<hbm>>) dst(%dma_wait3A_293 : memref<512x32xf32, #tpu.memory_space<vmem>>)
    %dma_wait3A_300 = arith.constant 0 : i32
    %dma_wait3A_301 = arith.constant 0 : i32
    %dma_wait3A_302 = arith.constant 0 : i32
    %dma_wait3A_303 = arith.constant 0 : i32
    %dma_wait3A_304 = tpu.memref_slice %arg8[%dma_wait3A_301, %dma_wait3A_302, %dma_wait3A_303] : memref<2x512x32xf32, #tpu.memory_space<vmem>> -> memref<1x512x32xf32, #tpu.memory_space<vmem>>
    %dma_wait3A_305 = tpu.memref_squeeze %dma_wait3A_304 : memref<1x512x32xf32, #tpu.memory_space<vmem>> -> memref<512x32xf32, #tpu.memory_space<vmem>>
    %dma_wait3A_306 = arith.constant 0 : i32
    %dma_wait3A_307 = tpu.memref_slice %arg6[%dma_wait3A_300, %dma_wait3A_306] : memref<2x512xi32, #tpu.memory_space<vmem>> -> memref<1x512xi32, #tpu.memory_space<vmem>>
    %dma_wait3A_308 = tpu.memref_squeeze %dma_wait3A_307 : memref<1x512xi32, #tpu.memory_space<vmem>> -> memref<512xi32, #tpu.memory_space<vmem>>
    %dma_wait3A_309 = arith.constant 0 : i32
    %dma_wait3A_310 = arith.constant 0 : i32
    %dma_wait3A_311 = tpu.memref_slice %arg4[%dma_wait3A_309, %dma_wait3A_310] : memref<2200000x32xf32, #tpu.memory_space<hbm>> -> memref<2200000x32xf32, #tpu.memory_space<hbm>>
    tpu.wait_indirect_dma semaphore(%arg11 : memref<!tpu.dma_semaphore, #tpu.memory_space<semaphore_mem>>) src(%dma_wait3A_311 : memref<2200000x32xf32, #tpu.memory_space<hbm>>) dst(%dma_wait3A_305 : memref<512x32xf32, #tpu.memory_space<vmem>>)
    %add3A_312 = arith.constant 1024 : i32
    %add3A_313 = arith.addi %mul3A_2, %add3A_312 : i32
    %dma_start3A_314 = arith.constant 0 : i32
    %dma_start3A_315 = arith.constant 0 : i32
    %dma_start3A_316 = arith.constant 0 : i32
    %dma_start3A_317 = arith.constant 0 : i32
    %dma_start3A_318 = tpu.memref_slice %arg7[%dma_start3A_314, %dma_start3A_316, %dma_start3A_317] : memref<2x512x32xf32, #tpu.memory_space<vmem>> -> memref<1x512x32xf32, #tpu.memory_space<vmem>>
    %dma_start3A_319 = tpu.memref_squeeze %dma_start3A_318 : memref<1x512x32xf32, #tpu.memory_space<vmem>> -> memref<512x32xf32, #tpu.memory_space<vmem>>
    %dma_start3A_320 = arith.constant 0 : i32
    %dma_start3A_321 = tpu.memref_slice %arg5[%add3A_313, %dma_start3A_315, %dma_start3A_320] : memref<360448x2x32xf32, #tpu.memory_space<hbm>> -> memref<512x1x32xf32, #tpu.memory_space<hbm>>
    %dma_start3A_322 = tpu.memref_squeeze %dma_start3A_321 : memref<512x1x32xf32, #tpu.memory_space<hbm>> -> memref<512x32xf32, #tpu.memory_space<hbm>>
    %dma_start3A_323 = arith.constant 0 : i32
    %dma_start3A_324 = tpu.memref_slice %arg5[%add3A_313, %dma_start3A_315, %dma_start3A_323] : memref<360448x2x32xf32, #tpu.memory_space<hbm>> -> memref<512x1x32xf32, #tpu.memory_space<hbm>>
    %dma_start3A_325 = tpu.memref_squeeze %dma_start3A_324 : memref<512x1x32xf32, #tpu.memory_space<hbm>> -> memref<512x32xf32, #tpu.memory_space<hbm>>
    %dma_start3A_326 = arith.constant 0 : i32
    %dma_start3A_327 = arith.constant 0 : i32
    %dma_start3A_328 = tpu.memref_slice %arg7[%dma_start3A_314, %dma_start3A_326, %dma_start3A_327] : memref<2x512x32xf32, #tpu.memory_space<vmem>> -> memref<1x512x32xf32, #tpu.memory_space<vmem>>
    %dma_start3A_329 = tpu.memref_squeeze %dma_start3A_328 : memref<1x512x32xf32, #tpu.memory_space<vmem>> -> memref<512x32xf32, #tpu.memory_space<vmem>>
    tpu.enqueue_dma source(%dma_start3A_329 : memref<512x32xf32, #tpu.memory_space<vmem>>) target(%dma_start3A_325 : memref<512x32xf32, #tpu.memory_space<hbm>>) target_semaphore(%arg13 : memref<!tpu.dma_semaphore, #tpu.memory_space<semaphore_mem>>)
    %dma_start3A_330 = arith.constant 0 : i32
    %dma_start3A_331 = arith.constant 1 : i32
    %dma_start3A_332 = arith.constant 0 : i32
    %dma_start3A_333 = arith.constant 0 : i32
    %dma_start3A_334 = tpu.memref_slice %arg8[%dma_start3A_330, %dma_start3A_332, %dma_start3A_333] : memref<2x512x32xf32, #tpu.memory_space<vmem>> -> memref<1x512x32xf32, #tpu.memory_space<vmem>>
    %dma_start3A_335 = tpu.memref_squeeze %dma_start3A_334 : memref<1x512x32xf32, #tpu.memory_space<vmem>> -> memref<512x32xf32, #tpu.memory_space<vmem>>
    %dma_start3A_336 = arith.constant 0 : i32
    %dma_start3A_337 = tpu.memref_slice %arg5[%add3A_313, %dma_start3A_331, %dma_start3A_336] : memref<360448x2x32xf32, #tpu.memory_space<hbm>> -> memref<512x1x32xf32, #tpu.memory_space<hbm>>
    %dma_start3A_338 = tpu.memref_squeeze %dma_start3A_337 : memref<512x1x32xf32, #tpu.memory_space<hbm>> -> memref<512x32xf32, #tpu.memory_space<hbm>>
    %dma_start3A_339 = arith.constant 0 : i32
    %dma_start3A_340 = tpu.memref_slice %arg5[%add3A_313, %dma_start3A_331, %dma_start3A_339] : memref<360448x2x32xf32, #tpu.memory_space<hbm>> -> memref<512x1x32xf32, #tpu.memory_space<hbm>>
    %dma_start3A_341 = tpu.memref_squeeze %dma_start3A_340 : memref<512x1x32xf32, #tpu.memory_space<hbm>> -> memref<512x32xf32, #tpu.memory_space<hbm>>
    %dma_start3A_342 = arith.constant 0 : i32
    %dma_start3A_343 = arith.constant 0 : i32
    %dma_start3A_344 = tpu.memref_slice %arg8[%dma_start3A_330, %dma_start3A_342, %dma_start3A_343] : memref<2x512x32xf32, #tpu.memory_space<vmem>> -> memref<1x512x32xf32, #tpu.memory_space<vmem>>
    %dma_start3A_345 = tpu.memref_squeeze %dma_start3A_344 : memref<1x512x32xf32, #tpu.memory_space<vmem>> -> memref<512x32xf32, #tpu.memory_space<vmem>>
    tpu.enqueue_dma source(%dma_start3A_345 : memref<512x32xf32, #tpu.memory_space<vmem>>) target(%dma_start3A_341 : memref<512x32xf32, #tpu.memory_space<hbm>>) target_semaphore(%arg13 : memref<!tpu.dma_semaphore, #tpu.memory_space<semaphore_mem>>)
    %dma_wait3A_346 = arith.constant 0 : i32
    %dma_wait3A_347 = arith.constant 0 : i32
    %dma_wait3A_348 = arith.constant 0 : i32
    %dma_wait3A_349 = arith.constant 0 : i32
    %dma_wait3A_350 = tpu.memref_slice %arg7[%dma_wait3A_346, %dma_wait3A_348, %dma_wait3A_349] : memref<2x512x32xf32, #tpu.memory_space<vmem>> -> memref<1x512x32xf32, #tpu.memory_space<vmem>>
    %dma_wait3A_351 = tpu.memref_squeeze %dma_wait3A_350 : memref<1x512x32xf32, #tpu.memory_space<vmem>> -> memref<512x32xf32, #tpu.memory_space<vmem>>
    %dma_wait3A_352 = arith.constant 0 : i32
    %dma_wait3A_353 = tpu.memref_slice %arg5[%add3A_313, %dma_wait3A_347, %dma_wait3A_352] : memref<360448x2x32xf32, #tpu.memory_space<hbm>> -> memref<512x1x32xf32, #tpu.memory_space<hbm>>
    %dma_wait3A_354 = tpu.memref_squeeze %dma_wait3A_353 : memref<512x1x32xf32, #tpu.memory_space<hbm>> -> memref<512x32xf32, #tpu.memory_space<hbm>>
    %dma_wait3A_355 = arith.constant 0 : i32
    %dma_wait3A_356 = tpu.memref_slice %arg5[%add3A_313, %dma_wait3A_347, %dma_wait3A_355] : memref<360448x2x32xf32, #tpu.memory_space<hbm>> -> memref<512x1x32xf32, #tpu.memory_space<hbm>>
    %dma_wait3A_357 = tpu.memref_squeeze %dma_wait3A_356 : memref<512x1x32xf32, #tpu.memory_space<hbm>> -> memref<512x32xf32, #tpu.memory_space<hbm>>
    %dma_wait3A_358 = arith.constant 0 : i32
    %dma_wait3A_359 = arith.constant 0 : i32
    %dma_wait3A_360 = tpu.memref_slice %arg7[%dma_wait3A_346, %dma_wait3A_358, %dma_wait3A_359] : memref<2x512x32xf32, #tpu.memory_space<vmem>> -> memref<1x512x32xf32, #tpu.memory_space<vmem>>
    %dma_wait3A_361 = tpu.memref_squeeze %dma_wait3A_360 : memref<1x512x32xf32, #tpu.memory_space<vmem>> -> memref<512x32xf32, #tpu.memory_space<vmem>>
    tpu.wait_dma2 semaphore(%arg13 : memref<!tpu.dma_semaphore, #tpu.memory_space<semaphore_mem>>) src(%dma_wait3A_361 : memref<512x32xf32, #tpu.memory_space<vmem>>) dst(%dma_wait3A_357 : memref<512x32xf32, #tpu.memory_space<hbm>>)
    %dma_wait3A_362 = arith.constant 0 : i32
    %dma_wait3A_363 = arith.constant 1 : i32
    %dma_wait3A_364 = arith.constant 0 : i32
    %dma_wait3A_365 = arith.constant 0 : i32
    %dma_wait3A_366 = tpu.memref_slice %arg8[%dma_wait3A_362, %dma_wait3A_364, %dma_wait3A_365] : memref<2x512x32xf32, #tpu.memory_space<vmem>> -> memref<1x512x32xf32, #tpu.memory_space<vmem>>
    %dma_wait3A_367 = tpu.memref_squeeze %dma_wait3A_366 : memref<1x512x32xf32, #tpu.memory_space<vmem>> -> memref<512x32xf32, #tpu.memory_space<vmem>>
    %dma_wait3A_368 = arith.constant 0 : i32
    %dma_wait3A_369 = tpu.memref_slice %arg5[%add3A_313, %dma_wait3A_363, %dma_wait3A_368] : memref<360448x2x32xf32, #tpu.memory_space<hbm>> -> memref<512x1x32xf32, #tpu.memory_space<hbm>>
    %dma_wait3A_370 = tpu.memref_squeeze %dma_wait3A_369 : memref<512x1x32xf32, #tpu.memory_space<hbm>> -> memref<512x32xf32, #tpu.memory_space<hbm>>
    %dma_wait3A_371 = arith.constant 0 : i32
    %dma_wait3A_372 = tpu.memref_slice %arg5[%add3A_313, %dma_wait3A_363, %dma_wait3A_371] : memref<360448x2x32xf32, #tpu.memory_space<hbm>> -> memref<512x1x32xf32, #tpu.memory_space<hbm>>
    %dma_wait3A_373 = tpu.memref_squeeze %dma_wait3A_372 : memref<512x1x32xf32, #tpu.memory_space<hbm>> -> memref<512x32xf32, #tpu.memory_space<hbm>>
    %dma_wait3A_374 = arith.constant 0 : i32
    %dma_wait3A_375 = arith.constant 0 : i32
    %dma_wait3A_376 = tpu.memref_slice %arg8[%dma_wait3A_362, %dma_wait3A_374, %dma_wait3A_375] : memref<2x512x32xf32, #tpu.memory_space<vmem>> -> memref<1x512x32xf32, #tpu.memory_space<vmem>>
    %dma_wait3A_377 = tpu.memref_squeeze %dma_wait3A_376 : memref<1x512x32xf32, #tpu.memory_space<vmem>> -> memref<512x32xf32, #tpu.memory_space<vmem>>
    tpu.wait_dma2 semaphore(%arg13 : memref<!tpu.dma_semaphore, #tpu.memory_space<semaphore_mem>>) src(%dma_wait3A_377 : memref<512x32xf32, #tpu.memory_space<vmem>>) dst(%dma_wait3A_373 : memref<512x32xf32, #tpu.memory_space<hbm>>)
    %add3A_378 = arith.constant 2048 : i32
    %add3A_379 = arith.addi %mul3A_2, %add3A_378 : i32
    %run_scoped3A_380 = arith.constant 0 : i32
    "tpu.region"() ({
      %run_scoped3A_2574 = tpu.sem_alloc : memref<!tpu.dma_semaphore, #tpu.memory_space<semaphore_mem>>
      %dma_start3A_2575 = arith.constant 0 : i32
      %dma_start3A_2576 = tpu.memref_slice %arg6[%run_scoped3A_380, %dma_start3A_2575] : memref<2x512xi32, #tpu.memory_space<vmem>> -> memref<1x512xi32, #tpu.memory_space<vmem>>
      %dma_start3A_2577 = tpu.memref_squeeze %dma_start3A_2576 : memref<1x512xi32, #tpu.memory_space<vmem>> -> memref<512xi32, #tpu.memory_space<vmem>>
      %dma_start3A_2578 = tpu.memref_slice %arg2[%add3A_379] : memref<360448xi32, #tpu.memory_space<hbm>> -> memref<512xi32, #tpu.memory_space<hbm>>
      %dma_start3A_2579 = arith.constant 0 : i32
      %dma_start3A_2580 = tpu.memref_slice %arg6[%run_scoped3A_380, %dma_start3A_2579] : memref<2x512xi32, #tpu.memory_space<vmem>> -> memref<1x512xi32, #tpu.memory_space<vmem>>
      %dma_start3A_2581 = tpu.memref_squeeze %dma_start3A_2580 : memref<1x512xi32, #tpu.memory_space<vmem>> -> memref<512xi32, #tpu.memory_space<vmem>>
      %dma_start3A_2582 = tpu.memref_slice %arg2[%add3A_379] : memref<360448xi32, #tpu.memory_space<hbm>> -> memref<512xi32, #tpu.memory_space<hbm>>
      tpu.enqueue_dma source(%dma_start3A_2582 : memref<512xi32, #tpu.memory_space<hbm>>) target(%dma_start3A_2581 : memref<512xi32, #tpu.memory_space<vmem>>) target_semaphore(%run_scoped3A_2574 : memref<!tpu.dma_semaphore, #tpu.memory_space<semaphore_mem>>)
      %dma_wait3A_2583 = arith.constant 0 : i32
      %dma_wait3A_2584 = tpu.memref_slice %arg6[%run_scoped3A_380, %dma_wait3A_2583] : memref<2x512xi32, #tpu.memory_space<vmem>> -> memref<1x512xi32, #tpu.memory_space<vmem>>
      %dma_wait3A_2585 = tpu.memref_squeeze %dma_wait3A_2584 : memref<1x512xi32, #tpu.memory_space<vmem>> -> memref<512xi32, #tpu.memory_space<vmem>>
      %dma_wait3A_2586 = tpu.memref_slice %arg2[%add3A_379] : memref<360448xi32, #tpu.memory_space<hbm>> -> memref<512xi32, #tpu.memory_space<hbm>>
      %dma_wait3A_2587 = arith.constant 0 : i32
      %dma_wait3A_2588 = tpu.memref_slice %arg6[%run_scoped3A_380, %dma_wait3A_2587] : memref<2x512xi32, #tpu.memory_space<vmem>> -> memref<1x512xi32, #tpu.memory_space<vmem>>
      %dma_wait3A_2589 = tpu.memref_squeeze %dma_wait3A_2588 : memref<1x512xi32, #tpu.memory_space<vmem>> -> memref<512xi32, #tpu.memory_space<vmem>>
      %dma_wait3A_2590 = tpu.memref_slice %arg2[%add3A_379] : memref<360448xi32, #tpu.memory_space<hbm>> -> memref<512xi32, #tpu.memory_space<hbm>>
      tpu.wait_dma2 semaphore(%run_scoped3A_2574 : memref<!tpu.dma_semaphore, #tpu.memory_space<semaphore_mem>>) src(%dma_wait3A_2590 : memref<512xi32, #tpu.memory_space<hbm>>) dst(%dma_wait3A_2589 : memref<512xi32, #tpu.memory_space<vmem>>)
      tpu.yield
    }) : () -> ()
    %dma_start3A_381 = arith.constant 0 : i32
    %dma_start3A_382 = arith.constant 0 : i32
    %dma_start3A_383 = arith.constant 0 : i32
    %dma_start3A_384 = arith.constant 0 : i32
    %dma_start3A_385 = tpu.memref_slice %arg7[%dma_start3A_382, %dma_start3A_383, %dma_start3A_384] : memref<2x512x32xf32, #tpu.memory_space<vmem>> -> memref<1x512x32xf32, #tpu.memory_space<vmem>>
    %dma_start3A_386 = tpu.memref_squeeze %dma_start3A_385 : memref<1x512x32xf32, #tpu.memory_space<vmem>> -> memref<512x32xf32, #tpu.memory_space<vmem>>
    %dma_start3A_387 = arith.constant 0 : i32
    %dma_start3A_388 = tpu.memref_slice %arg6[%dma_start3A_381, %dma_start3A_387] : memref<2x512xi32, #tpu.memory_space<vmem>> -> memref<1x512xi32, #tpu.memory_space<vmem>>
    %dma_start3A_389 = tpu.memref_squeeze %dma_start3A_388 : memref<1x512xi32, #tpu.memory_space<vmem>> -> memref<512xi32, #tpu.memory_space<vmem>>
    %dma_start3A_390 = arith.constant 0 : i32
    %dma_start3A_391 = arith.constant 0 : i32
    %dma_start3A_392 = tpu.memref_slice %arg3[%dma_start3A_390, %dma_start3A_391] : memref<2200000x32xf32, #tpu.memory_space<hbm>> -> memref<2200000x32xf32, #tpu.memory_space<hbm>>
    tpu.enqueue_indirect_dma source(%dma_start3A_392 : memref<2200000x32xf32, #tpu.memory_space<hbm>>) target(%dma_start3A_386 : memref<512x32xf32, #tpu.memory_space<vmem>>) offsets(%dma_start3A_389 : memref<512xi32, #tpu.memory_space<vmem>>) semaphore(%arg9 : memref<!tpu.dma_semaphore, #tpu.memory_space<semaphore_mem>>)
    %dma_start3A_393 = arith.constant 0 : i32
    %dma_start3A_394 = arith.constant 0 : i32
    %dma_start3A_395 = arith.constant 0 : i32
    %dma_start3A_396 = arith.constant 0 : i32
    %dma_start3A_397 = tpu.memref_slice %arg8[%dma_start3A_394, %dma_start3A_395, %dma_start3A_396] : memref<2x512x32xf32, #tpu.memory_space<vmem>> -> memref<1x512x32xf32, #tpu.memory_space<vmem>>
    %dma_start3A_398 = tpu.memref_squeeze %dma_start3A_397 : memref<1x512x32xf32, #tpu.memory_space<vmem>> -> memref<512x32xf32, #tpu.memory_space<vmem>>
    %dma_start3A_399 = arith.constant 0 : i32
    %dma_start3A_400 = tpu.memref_slice %arg6[%dma_start3A_393, %dma_start3A_399] : memref<2x512xi32, #tpu.memory_space<vmem>> -> memref<1x512xi32, #tpu.memory_space<vmem>>
    %dma_start3A_401 = tpu.memref_squeeze %dma_start3A_400 : memref<1x512xi32, #tpu.memory_space<vmem>> -> memref<512xi32, #tpu.memory_space<vmem>>
    %dma_start3A_402 = arith.constant 0 : i32
    %dma_start3A_403 = arith.constant 0 : i32
    %dma_start3A_404 = tpu.memref_slice %arg4[%dma_start3A_402, %dma_start3A_403] : memref<2200000x32xf32, #tpu.memory_space<hbm>> -> memref<2200000x32xf32, #tpu.memory_space<hbm>>
    tpu.enqueue_indirect_dma source(%dma_start3A_404 : memref<2200000x32xf32, #tpu.memory_space<hbm>>) target(%dma_start3A_398 : memref<512x32xf32, #tpu.memory_space<vmem>>) offsets(%dma_start3A_401 : memref<512xi32, #tpu.memory_space<vmem>>) semaphore(%arg11 : memref<!tpu.dma_semaphore, #tpu.memory_space<semaphore_mem>>)
    %dma_wait3A_405 = arith.constant 1 : i32
    %dma_wait3A_406 = arith.constant 1 : i32
    %dma_wait3A_407 = arith.constant 0 : i32
    %dma_wait3A_408 = arith.constant 0 : i32
    %dma_wait3A_409 = tpu.memref_slice %arg7[%dma_wait3A_406, %dma_wait3A_407, %dma_wait3A_408] : memref<2x512x32xf32, #tpu.memory_space<vmem>> -> memref<1x512x32xf32, #tpu.memory_space<vmem>>
    %dma_wait3A_410 = tpu.memref_squeeze %dma_wait3A_409 : memref<1x512x32xf32, #tpu.memory_space<vmem>> -> memref<512x32xf32, #tpu.memory_space<vmem>>
    %dma_wait3A_411 = arith.constant 0 : i32
    %dma_wait3A_412 = tpu.memref_slice %arg6[%dma_wait3A_405, %dma_wait3A_411] : memref<2x512xi32, #tpu.memory_space<vmem>> -> memref<1x512xi32, #tpu.memory_space<vmem>>
    %dma_wait3A_413 = tpu.memref_squeeze %dma_wait3A_412 : memref<1x512xi32, #tpu.memory_space<vmem>> -> memref<512xi32, #tpu.memory_space<vmem>>
    %dma_wait3A_414 = arith.constant 0 : i32
    %dma_wait3A_415 = arith.constant 0 : i32
    %dma_wait3A_416 = tpu.memref_slice %arg3[%dma_wait3A_414, %dma_wait3A_415] : memref<2200000x32xf32, #tpu.memory_space<hbm>> -> memref<2200000x32xf32, #tpu.memory_space<hbm>>
    tpu.wait_indirect_dma semaphore(%arg10 : memref<!tpu.dma_semaphore, #tpu.memory_space<semaphore_mem>>) src(%dma_wait3A_416 : memref<2200000x32xf32, #tpu.memory_space<hbm>>) dst(%dma_wait3A_410 : memref<512x32xf32, #tpu.memory_space<vmem>>)
    %dma_wait3A_417 = arith.constant 1 : i32
    %dma_wait3A_418 = arith.constant 1 : i32
    %dma_wait3A_419 = arith.constant 0 : i32
    %dma_wait3A_420 = arith.constant 0 : i32
    %dma_wait3A_421 = tpu.memref_slice %arg8[%dma_wait3A_418, %dma_wait3A_419, %dma_wait3A_420] : memref<2x512x32xf32, #tpu.memory_space<vmem>> -> memref<1x512x32xf32, #tpu.memory_space<vmem>>
    %dma_wait3A_422 = tpu.memref_squeeze %dma_wait3A_421 : memref<1x512x32xf32, #tpu.memory_space<vmem>> -> memref<512x32xf32, #tpu.memory_space<vmem>>
    %dma_wait3A_423 = arith.constant 0 : i32
    %dma_wait3A_424 = tpu.memref_slice %arg6[%dma_wait3A_417, %dma_wait3A_423] : memref<2x512xi32, #tpu.memory_space<vmem>> -> memref<1x512xi32, #tpu.memory_space<vmem>>
    %dma_wait3A_425 = tpu.memref_squeeze %dma_wait3A_424 : memref<1x512xi32, #tpu.memory_space<vmem>> -> memref<512xi32, #tpu.memory_space<vmem>>
    %dma_wait3A_426 = arith.constant 0 : i32
    %dma_wait3A_427 = arith.constant 0 : i32
    %dma_wait3A_428 = tpu.memref_slice %arg4[%dma_wait3A_426, %dma_wait3A_427] : memref<2200000x32xf32, #tpu.memory_space<hbm>> -> memref<2200000x32xf32, #tpu.memory_space<hbm>>
    tpu.wait_indirect_dma semaphore(%arg12 : memref<!tpu.dma_semaphore, #tpu.memory_space<semaphore_mem>>) src(%dma_wait3A_428 : memref<2200000x32xf32, #tpu.memory_space<hbm>>) dst(%dma_wait3A_422 : memref<512x32xf32, #tpu.memory_space<vmem>>)
    %add3A_429 = arith.constant 1536 : i32
    %add3A_430 = arith.addi %mul3A_2, %add3A_429 : i32
    %dma_start3A_431 = arith.constant 1 : i32
    %dma_start3A_432 = arith.constant 0 : i32
    %dma_start3A_433 = arith.constant 0 : i32
    %dma_start3A_434 = arith.constant 0 : i32
    %dma_start3A_435 = tpu.memref_slice %arg7[%dma_start3A_431, %dma_start3A_433, %dma_start3A_434] : memref<2x512x32xf32, #tpu.memory_space<vmem>> -> memref<1x512x32xf32, #tpu.memory_space<vmem>>
    %dma_start3A_436 = tpu.memref_squeeze %dma_start3A_435 : memref<1x512x32xf32, #tpu.memory_space<vmem>> -> memref<512x32xf32, #tpu.memory_space<vmem>>
    %dma_start3A_437 = arith.constant 0 : i32
    %dma_start3A_438 = tpu.memref_slice %arg5[%add3A_430, %dma_start3A_432, %dma_start3A_437] : memref<360448x2x32xf32, #tpu.memory_space<hbm>> -> memref<512x1x32xf32, #tpu.memory_space<hbm>>
    %dma_start3A_439 = tpu.memref_squeeze %dma_start3A_438 : memref<512x1x32xf32, #tpu.memory_space<hbm>> -> memref<512x32xf32, #tpu.memory_space<hbm>>
    %dma_start3A_440 = arith.constant 0 : i32
    %dma_start3A_441 = tpu.memref_slice %arg5[%add3A_430, %dma_start3A_432, %dma_start3A_440] : memref<360448x2x32xf32, #tpu.memory_space<hbm>> -> memref<512x1x32xf32, #tpu.memory_space<hbm>>
    %dma_start3A_442 = tpu.memref_squeeze %dma_start3A_441 : memref<512x1x32xf32, #tpu.memory_space<hbm>> -> memref<512x32xf32, #tpu.memory_space<hbm>>
    %dma_start3A_443 = arith.constant 0 : i32
    %dma_start3A_444 = arith.constant 0 : i32
    %dma_start3A_445 = tpu.memref_slice %arg7[%dma_start3A_431, %dma_start3A_443, %dma_start3A_444] : memref<2x512x32xf32, #tpu.memory_space<vmem>> -> memref<1x512x32xf32, #tpu.memory_space<vmem>>
    %dma_start3A_446 = tpu.memref_squeeze %dma_start3A_445 : memref<1x512x32xf32, #tpu.memory_space<vmem>> -> memref<512x32xf32, #tpu.memory_space<vmem>>
    tpu.enqueue_dma source(%dma_start3A_446 : memref<512x32xf32, #tpu.memory_space<vmem>>) target(%dma_start3A_442 : memref<512x32xf32, #tpu.memory_space<hbm>>) target_semaphore(%arg14 : memref<!tpu.dma_semaphore, #tpu.memory_space<semaphore_mem>>)
    %dma_start3A_447 = arith.constant 1 : i32
    %dma_start3A_448 = arith.constant 1 : i32
    %dma_start3A_449 = arith.constant 0 : i32
    %dma_start3A_450 = arith.constant 0 : i32
    %dma_start3A_451 = tpu.memref_slice %arg8[%dma_start3A_447, %dma_start3A_449, %dma_start3A_450] : memref<2x512x32xf32, #tpu.memory_space<vmem>> -> memref<1x512x32xf32, #tpu.memory_space<vmem>>
    %dma_start3A_452 = tpu.memref_squeeze %dma_start3A_451 : memref<1x512x32xf32, #tpu.memory_space<vmem>> -> memref<512x32xf32, #tpu.memory_space<vmem>>
    %dma_start3A_453 = arith.constant 0 : i32
    %dma_start3A_454 = tpu.memref_slice %arg5[%add3A_430, %dma_start3A_448, %dma_start3A_453] : memref<360448x2x32xf32, #tpu.memory_space<hbm>> -> memref<512x1x32xf32, #tpu.memory_space<hbm>>
    %dma_start3A_455 = tpu.memref_squeeze %dma_start3A_454 : memref<512x1x32xf32, #tpu.memory_space<hbm>> -> memref<512x32xf32, #tpu.memory_space<hbm>>
    %dma_start3A_456 = arith.constant 0 : i32
    %dma_start3A_457 = tpu.memref_slice %arg5[%add3A_430, %dma_start3A_448, %dma_start3A_456] : memref<360448x2x32xf32, #tpu.memory_space<hbm>> -> memref<512x1x32xf32, #tpu.memory_space<hbm>>
    %dma_start3A_458 = tpu.memref_squeeze %dma_start3A_457 : memref<512x1x32xf32, #tpu.memory_space<hbm>> -> memref<512x32xf32, #tpu.memory_space<hbm>>
    %dma_start3A_459 = arith.constant 0 : i32
    %dma_start3A_460 = arith.constant 0 : i32
    %dma_start3A_461 = tpu.memref_slice %arg8[%dma_start3A_447, %dma_start3A_459, %dma_start3A_460] : memref<2x512x32xf32, #tpu.memory_space<vmem>> -> memref<1x512x32xf32, #tpu.memory_space<vmem>>
    %dma_start3A_462 = tpu.memref_squeeze %dma_start3A_461 : memref<1x512x32xf32, #tpu.memory_space<vmem>> -> memref<512x32xf32, #tpu.memory_space<vmem>>
    tpu.enqueue_dma source(%dma_start3A_462 : memref<512x32xf32, #tpu.memory_space<vmem>>) target(%dma_start3A_458 : memref<512x32xf32, #tpu.memory_space<hbm>>) target_semaphore(%arg14 : memref<!tpu.dma_semaphore, #tpu.memory_space<semaphore_mem>>)
    %dma_wait3A_463 = arith.constant 1 : i32
    %dma_wait3A_464 = arith.constant 0 : i32
    %dma_wait3A_465 = arith.constant 0 : i32
    %dma_wait3A_466 = arith.constant 0 : i32
    %dma_wait3A_467 = tpu.memref_slice %arg7[%dma_wait3A_463, %dma_wait3A_465, %dma_wait3A_466] : memref<2x512x32xf32, #tpu.memory_space<vmem>> -> memref<1x512x32xf32, #tpu.memory_space<vmem>>
    %dma_wait3A_468 = tpu.memref_squeeze %dma_wait3A_467 : memref<1x512x32xf32, #tpu.memory_space<vmem>> -> memref<512x32xf32, #tpu.memory_space<vmem>>
    %dma_wait3A_469 = arith.constant 0 : i32
    %dma_wait3A_470 = tpu.memref_slice %arg5[%add3A_430, %dma_wait3A_464, %dma_wait3A_469] : memref<360448x2x32xf32, #tpu.memory_space<hbm>> -> memref<512x1x32xf32, #tpu.memory_space<hbm>>
    %dma_wait3A_471 = tpu.memref_squeeze %dma_wait3A_470 : memref<512x1x32xf32, #tpu.memory_space<hbm>> -> memref<512x32xf32, #tpu.memory_space<hbm>>
    %dma_wait3A_472 = arith.constant 0 : i32
    %dma_wait3A_473 = tpu.memref_slice %arg5[%add3A_430, %dma_wait3A_464, %dma_wait3A_472] : memref<360448x2x32xf32, #tpu.memory_space<hbm>> -> memref<512x1x32xf32, #tpu.memory_space<hbm>>
    %dma_wait3A_474 = tpu.memref_squeeze %dma_wait3A_473 : memref<512x1x32xf32, #tpu.memory_space<hbm>> -> memref<512x32xf32, #tpu.memory_space<hbm>>
    %dma_wait3A_475 = arith.constant 0 : i32
    %dma_wait3A_476 = arith.constant 0 : i32
    %dma_wait3A_477 = tpu.memref_slice %arg7[%dma_wait3A_463, %dma_wait3A_475, %dma_wait3A_476] : memref<2x512x32xf32, #tpu.memory_space<vmem>> -> memref<1x512x32xf32, #tpu.memory_space<vmem>>
    %dma_wait3A_478 = tpu.memref_squeeze %dma_wait3A_477 : memref<1x512x32xf32, #tpu.memory_space<vmem>> -> memref<512x32xf32, #tpu.memory_space<vmem>>
    tpu.wait_dma2 semaphore(%arg14 : memref<!tpu.dma_semaphore, #tpu.memory_space<semaphore_mem>>) src(%dma_wait3A_478 : memref<512x32xf32, #tpu.memory_space<vmem>>) dst(%dma_wait3A_474 : memref<512x32xf32, #tpu.memory_space<hbm>>)
    %dma_wait3A_479 = arith.constant 1 : i32
    %dma_wait3A_480 = arith.constant 1 : i32
    %dma_wait3A_481 = arith.constant 0 : i32
    %dma_wait3A_482 = arith.constant 0 : i32
    %dma_wait3A_483 = tpu.memref_slice %arg8[%dma_wait3A_479, %dma_wait3A_481, %dma_wait3A_482] : memref<2x512x32xf32, #tpu.memory_space<vmem>> -> memref<1x512x32xf32, #tpu.memory_space<vmem>>
    %dma_wait3A_484 = tpu.memref_squeeze %dma_wait3A_483 : memref<1x512x32xf32, #tpu.memory_space<vmem>> -> memref<512x32xf32, #tpu.memory_space<vmem>>
    %dma_wait3A_485 = arith.constant 0 : i32
    %dma_wait3A_486 = tpu.memref_slice %arg5[%add3A_430, %dma_wait3A_480, %dma_wait3A_485] : memref<360448x2x32xf32, #tpu.memory_space<hbm>> -> memref<512x1x32xf32, #tpu.memory_space<hbm>>
    %dma_wait3A_487 = tpu.memref_squeeze %dma_wait3A_486 : memref<512x1x32xf32, #tpu.memory_space<hbm>> -> memref<512x32xf32, #tpu.memory_space<hbm>>
    %dma_wait3A_488 = arith.constant 0 : i32
    %dma_wait3A_489 = tpu.memref_slice %arg5[%add3A_430, %dma_wait3A_480, %dma_wait3A_488] : memref<360448x2x32xf32, #tpu.memory_space<hbm>> -> memref<512x1x32xf32, #tpu.memory_space<hbm>>
    %dma_wait3A_490 = tpu.memref_squeeze %dma_wait3A_489 : memref<512x1x32xf32, #tpu.memory_space<hbm>> -> memref<512x32xf32, #tpu.memory_space<hbm>>
    %dma_wait3A_491 = arith.constant 0 : i32
    %dma_wait3A_492 = arith.constant 0 : i32
    %dma_wait3A_493 = tpu.memref_slice %arg8[%dma_wait3A_479, %dma_wait3A_491, %dma_wait3A_492] : memref<2x512x32xf32, #tpu.memory_space<vmem>> -> memref<1x512x32xf32, #tpu.memory_space<vmem>>
    %dma_wait3A_494 = tpu.memref_squeeze %dma_wait3A_493 : memref<1x512x32xf32, #tpu.memory_space<vmem>> -> memref<512x32xf32, #tpu.memory_space<vmem>>
    tpu.wait_dma2 semaphore(%arg14 : memref<!tpu.dma_semaphore, #tpu.memory_space<semaphore_mem>>) src(%dma_wait3A_494 : memref<512x32xf32, #tpu.memory_space<vmem>>) dst(%dma_wait3A_490 : memref<512x32xf32, #tpu.memory_space<hbm>>)
    %add3A_495 = arith.constant 2560 : i32
    %add3A_496 = arith.addi %mul3A_2, %add3A_495 : i32
    %run_scoped3A_497 = arith.constant 1 : i32
    "tpu.region"() ({
      %run_scoped3A_2574 = tpu.sem_alloc : memref<!tpu.dma_semaphore, #tpu.memory_space<semaphore_mem>>
      %dma_start3A_2575 = arith.constant 0 : i32
      %dma_start3A_2576 = tpu.memref_slice %arg6[%run_scoped3A_497, %dma_start3A_2575] : memref<2x512xi32, #tpu.memory_space<vmem>> -> memref<1x512xi32, #tpu.memory_space<vmem>>
      %dma_start3A_2577 = tpu.memref_squeeze %dma_start3A_2576 : memref<1x512xi32, #tpu.memory_space<vmem>> -> memref<512xi32, #tpu.memory_space<vmem>>
      %dma_start3A_2578 = tpu.memref_slice %arg2[%add3A_496] : memref<360448xi32, #tpu.memory_space<hbm>> -> memref<512xi32, #tpu.memory_space<hbm>>
      %dma_start3A_2579 = arith.constant 0 : i32
      %dma_start3A_2580 = tpu.memref_slice %arg6[%run_scoped3A_497, %dma_start3A_2579] : memref<2x512xi32, #tpu.memory_space<vmem>> -> memref<1x512xi32, #tpu.memory_space<vmem>>
      %dma_start3A_2581 = tpu.memref_squeeze %dma_start3A_2580 : memref<1x512xi32, #tpu.memory_space<vmem>> -> memref<512xi32, #tpu.memory_space<vmem>>
      %dma_start3A_2582 = tpu.memref_slice %arg2[%add3A_496] : memref<360448xi32, #tpu.memory_space<hbm>> -> memref<512xi32, #tpu.memory_space<hbm>>
      tpu.enqueue_dma source(%dma_start3A_2582 : memref<512xi32, #tpu.memory_space<hbm>>) target(%dma_start3A_2581 : memref<512xi32, #tpu.memory_space<vmem>>) target_semaphore(%run_scoped3A_2574 : memref<!tpu.dma_semaphore, #tpu.memory_space<semaphore_mem>>)
      %dma_wait3A_2583 = arith.constant 0 : i32
      %dma_wait3A_2584 = tpu.memref_slice %arg6[%run_scoped3A_497, %dma_wait3A_2583] : memref<2x512xi32, #tpu.memory_space<vmem>> -> memref<1x512xi32, #tpu.memory_space<vmem>>
      %dma_wait3A_2585 = tpu.memref_squeeze %dma_wait3A_2584 : memref<1x512xi32, #tpu.memory_space<vmem>> -> memref<512xi32, #tpu.memory_space<vmem>>
      %dma_wait3A_2586 = tpu.memref_slice %arg2[%add3A_496] : memref<360448xi32, #tpu.memory_space<hbm>> -> memref<512xi32, #tpu.memory_space<hbm>>
      %dma_wait3A_2587 = arith.constant 0 : i32
      %dma_wait3A_2588 = tpu.memref_slice %arg6[%run_scoped3A_497, %dma_wait3A_2587] : memref<2x512xi32, #tpu.memory_space<vmem>> -> memref<1x512xi32, #tpu.memory_space<vmem>>
      %dma_wait3A_2589 = tpu.memref_squeeze %dma_wait3A_2588 : memref<1x512xi32, #tpu.memory_space<vmem>> -> memref<512xi32, #tpu.memory_space<vmem>>
      %dma_wait3A_2590 = tpu.memref_slice %arg2[%add3A_496] : memref<360448xi32, #tpu.memory_space<hbm>> -> memref<512xi32, #tpu.memory_space<hbm>>
      tpu.wait_dma2 semaphore(%run_scoped3A_2574 : memref<!tpu.dma_semaphore, #tpu.memory_space<semaphore_mem>>) src(%dma_wait3A_2590 : memref<512xi32, #tpu.memory_space<hbm>>) dst(%dma_wait3A_2589 : memref<512xi32, #tpu.memory_space<vmem>>)
      tpu.yield
    }) : () -> ()
    %dma_start3A_498 = arith.constant 1 : i32
    %dma_start3A_499 = arith.constant 1 : i32
    %dma_start3A_500 = arith.constant 0 : i32
    %dma_start3A_501 = arith.constant 0 : i32
    %dma_start3A_502 = tpu.memref_slice %arg7[%dma_start3A_499, %dma_start3A_500, %dma_start3A_501] : memref<2x512x32xf32, #tpu.memory_space<vmem>> -> memref<1x512x32xf32, #tpu.memory_space<vmem>>
    %dma_start3A_503 = tpu.memref_squeeze %dma_start3A_502 : memref<1x512x32xf32, #tpu.memory_space<vmem>> -> memref<512x32xf32, #tpu.memory_space<vmem>>
    %dma_start3A_504 = arith.constant 0 : i32
    %dma_start3A_505 = tpu.memref_slice %arg6[%dma_start3A_498, %dma_start3A_504] : memref<2x512xi32, #tpu.memory_space<vmem>> -> memref<1x512xi32, #tpu.memory_space<vmem>>
    %dma_start3A_506 = tpu.memref_squeeze %dma_start3A_505 : memref<1x512xi32, #tpu.memory_space<vmem>> -> memref<512xi32, #tpu.memory_space<vmem>>
    %dma_start3A_507 = arith.constant 0 : i32
    %dma_start3A_508 = arith.constant 0 : i32
    %dma_start3A_509 = tpu.memref_slice %arg3[%dma_start3A_507, %dma_start3A_508] : memref<2200000x32xf32, #tpu.memory_space<hbm>> -> memref<2200000x32xf32, #tpu.memory_space<hbm>>
    tpu.enqueue_indirect_dma source(%dma_start3A_509 : memref<2200000x32xf32, #tpu.memory_space<hbm>>) target(%dma_start3A_503 : memref<512x32xf32, #tpu.memory_space<vmem>>) offsets(%dma_start3A_506 : memref<512xi32, #tpu.memory_space<vmem>>) semaphore(%arg10 : memref<!tpu.dma_semaphore, #tpu.memory_space<semaphore_mem>>)
    %dma_start3A_510 = arith.constant 1 : i32
    %dma_start3A_511 = arith.constant 1 : i32
    %dma_start3A_512 = arith.constant 0 : i32
    %dma_start3A_513 = arith.constant 0 : i32
    %dma_start3A_514 = tpu.memref_slice %arg8[%dma_start3A_511, %dma_start3A_512, %dma_start3A_513] : memref<2x512x32xf32, #tpu.memory_space<vmem>> -> memref<1x512x32xf32, #tpu.memory_space<vmem>>
    %dma_start3A_515 = tpu.memref_squeeze %dma_start3A_514 : memref<1x512x32xf32, #tpu.memory_space<vmem>> -> memref<512x32xf32, #tpu.memory_space<vmem>>
    %dma_start3A_516 = arith.constant 0 : i32
    %dma_start3A_517 = tpu.memref_slice %arg6[%dma_start3A_510, %dma_start3A_516] : memref<2x512xi32, #tpu.memory_space<vmem>> -> memref<1x512xi32, #tpu.memory_space<vmem>>
    %dma_start3A_518 = tpu.memref_squeeze %dma_start3A_517 : memref<1x512xi32, #tpu.memory_space<vmem>> -> memref<512xi32, #tpu.memory_space<vmem>>
    %dma_start3A_519 = arith.constant 0 : i32
    %dma_start3A_520 = arith.constant 0 : i32
    %dma_start3A_521 = tpu.memref_slice %arg4[%dma_start3A_519, %dma_start3A_520] : memref<2200000x32xf32, #tpu.memory_space<hbm>> -> memref<2200000x32xf32, #tpu.memory_space<hbm>>
    tpu.enqueue_indirect_dma source(%dma_start3A_521 : memref<2200000x32xf32, #tpu.memory_space<hbm>>) target(%dma_start3A_515 : memref<512x32xf32, #tpu.memory_space<vmem>>) offsets(%dma_start3A_518 : memref<512xi32, #tpu.memory_space<vmem>>) semaphore(%arg12 : memref<!tpu.dma_semaphore, #tpu.memory_space<semaphore_mem>>)
    %dma_wait3A_522 = arith.constant 0 : i32
    %dma_wait3A_523 = arith.constant 0 : i32
    %dma_wait3A_524 = arith.constant 0 : i32
    %dma_wait3A_525 = arith.constant 0 : i32
    %dma_wait3A_526 = tpu.memref_slice %arg7[%dma_wait3A_523, %dma_wait3A_524, %dma_wait3A_525] : memref<2x512x32xf32, #tpu.memory_space<vmem>> -> memref<1x512x32xf32, #tpu.memory_space<vmem>>
    %dma_wait3A_527 = tpu.memref_squeeze %dma_wait3A_526 : memref<1x512x32xf32, #tpu.memory_space<vmem>> -> memref<512x32xf32, #tpu.memory_space<vmem>>
    %dma_wait3A_528 = arith.constant 0 : i32
    %dma_wait3A_529 = tpu.memref_slice %arg6[%dma_wait3A_522, %dma_wait3A_528] : memref<2x512xi32, #tpu.memory_space<vmem>> -> memref<1x512xi32, #tpu.memory_space<vmem>>
    %dma_wait3A_530 = tpu.memref_squeeze %dma_wait3A_529 : memref<1x512xi32, #tpu.memory_space<vmem>> -> memref<512xi32, #tpu.memory_space<vmem>>
    %dma_wait3A_531 = arith.constant 0 : i32
    %dma_wait3A_532 = arith.constant 0 : i32
    %dma_wait3A_533 = tpu.memref_slice %arg3[%dma_wait3A_531, %dma_wait3A_532] : memref<2200000x32xf32, #tpu.memory_space<hbm>> -> memref<2200000x32xf32, #tpu.memory_space<hbm>>
    tpu.wait_indirect_dma semaphore(%arg9 : memref<!tpu.dma_semaphore, #tpu.memory_space<semaphore_mem>>) src(%dma_wait3A_533 : memref<2200000x32xf32, #tpu.memory_space<hbm>>) dst(%dma_wait3A_527 : memref<512x32xf32, #tpu.memory_space<vmem>>)
    %dma_wait3A_534 = arith.constant 0 : i32
    %dma_wait3A_535 = arith.constant 0 : i32
    %dma_wait3A_536 = arith.constant 0 : i32
    %dma_wait3A_537 = arith.constant 0 : i32
    %dma_wait3A_538 = tpu.memref_slice %arg8[%dma_wait3A_535, %dma_wait3A_536, %dma_wait3A_537] : memref<2x512x32xf32, #tpu.memory_space<vmem>> -> memref<1x512x32xf32, #tpu.memory_space<vmem>>
    %dma_wait3A_539 = tpu.memref_squeeze %dma_wait3A_538 : memref<1x512x32xf32, #tpu.memory_space<vmem>> -> memref<512x32xf32, #tpu.memory_space<vmem>>
    %dma_wait3A_540 = arith.constant 0 : i32
    %dma_wait3A_541 = tpu.memref_slice %arg6[%dma_wait3A_534, %dma_wait3A_540] : memref<2x512xi32, #tpu.memory_space<vmem>> -> memref<1x512xi32, #tpu.memory_space<vmem>>
    %dma_wait3A_542 = tpu.memref_squeeze %dma_wait3A_541 : memref<1x512xi32, #tpu.memory_space<vmem>> -> memref<512xi32, #tpu.memory_space<vmem>>
    %dma_wait3A_543 = arith.constant 0 : i32
    %dma_wait3A_544 = arith.constant 0 : i32
    %dma_wait3A_545 = tpu.memref_slice %arg4[%dma_wait3A_543, %dma_wait3A_544] : memref<2200000x32xf32, #tpu.memory_space<hbm>> -> memref<2200000x32xf32, #tpu.memory_space<hbm>>
    tpu.wait_indirect_dma semaphore(%arg11 : memref<!tpu.dma_semaphore, #tpu.memory_space<semaphore_mem>>) src(%dma_wait3A_545 : memref<2200000x32xf32, #tpu.memory_space<hbm>>) dst(%dma_wait3A_539 : memref<512x32xf32, #tpu.memory_space<vmem>>)
    %add3A_546 = arith.constant 2048 : i32
    %add3A_547 = arith.addi %mul3A_2, %add3A_546 : i32
    %dma_start3A_548 = arith.constant 0 : i32
    %dma_start3A_549 = arith.constant 0 : i32
    %dma_start3A_550 = arith.constant 0 : i32
    %dma_start3A_551 = arith.constant 0 : i32
    %dma_start3A_552 = tpu.memref_slice %arg7[%dma_start3A_548, %dma_start3A_550, %dma_start3A_551] : memref<2x512x32xf32, #tpu.memory_space<vmem>> -> memref<1x512x32xf32, #tpu.memory_space<vmem>>
    %dma_start3A_553 = tpu.memref_squeeze %dma_start3A_552 : memref<1x512x32xf32, #tpu.memory_space<vmem>> -> memref<512x32xf32, #tpu.memory_space<vmem>>
    %dma_start3A_554 = arith.constant 0 : i32
    %dma_start3A_555 = tpu.memref_slice %arg5[%add3A_547, %dma_start3A_549, %dma_start3A_554] : memref<360448x2x32xf32, #tpu.memory_space<hbm>> -> memref<512x1x32xf32, #tpu.memory_space<hbm>>
    %dma_start3A_556 = tpu.memref_squeeze %dma_start3A_555 : memref<512x1x32xf32, #tpu.memory_space<hbm>> -> memref<512x32xf32, #tpu.memory_space<hbm>>
    %dma_start3A_557 = arith.constant 0 : i32
    %dma_start3A_558 = tpu.memref_slice %arg5[%add3A_547, %dma_start3A_549, %dma_start3A_557] : memref<360448x2x32xf32, #tpu.memory_space<hbm>> -> memref<512x1x32xf32, #tpu.memory_space<hbm>>
    %dma_start3A_559 = tpu.memref_squeeze %dma_start3A_558 : memref<512x1x32xf32, #tpu.memory_space<hbm>> -> memref<512x32xf32, #tpu.memory_space<hbm>>
    %dma_start3A_560 = arith.constant 0 : i32
    %dma_start3A_561 = arith.constant 0 : i32
    %dma_start3A_562 = tpu.memref_slice %arg7[%dma_start3A_548, %dma_start3A_560, %dma_start3A_561] : memref<2x512x32xf32, #tpu.memory_space<vmem>> -> memref<1x512x32xf32, #tpu.memory_space<vmem>>
    %dma_start3A_563 = tpu.memref_squeeze %dma_start3A_562 : memref<1x512x32xf32, #tpu.memory_space<vmem>> -> memref<512x32xf32, #tpu.memory_space<vmem>>
    tpu.enqueue_dma source(%dma_start3A_563 : memref<512x32xf32, #tpu.memory_space<vmem>>) target(%dma_start3A_559 : memref<512x32xf32, #tpu.memory_space<hbm>>) target_semaphore(%arg13 : memref<!tpu.dma_semaphore, #tpu.memory_space<semaphore_mem>>)
    %dma_start3A_564 = arith.constant 0 : i32
    %dma_start3A_565 = arith.constant 1 : i32
    %dma_start3A_566 = arith.constant 0 : i32
    %dma_start3A_567 = arith.constant 0 : i32
    %dma_start3A_568 = tpu.memref_slice %arg8[%dma_start3A_564, %dma_start3A_566, %dma_start3A_567] : memref<2x512x32xf32, #tpu.memory_space<vmem>> -> memref<1x512x32xf32, #tpu.memory_space<vmem>>
    %dma_start3A_569 = tpu.memref_squeeze %dma_start3A_568 : memref<1x512x32xf32, #tpu.memory_space<vmem>> -> memref<512x32xf32, #tpu.memory_space<vmem>>
    %dma_start3A_570 = arith.constant 0 : i32
    %dma_start3A_571 = tpu.memref_slice %arg5[%add3A_547, %dma_start3A_565, %dma_start3A_570] : memref<360448x2x32xf32, #tpu.memory_space<hbm>> -> memref<512x1x32xf32, #tpu.memory_space<hbm>>
    %dma_start3A_572 = tpu.memref_squeeze %dma_start3A_571 : memref<512x1x32xf32, #tpu.memory_space<hbm>> -> memref<512x32xf32, #tpu.memory_space<hbm>>
    %dma_start3A_573 = arith.constant 0 : i32
    %dma_start3A_574 = tpu.memref_slice %arg5[%add3A_547, %dma_start3A_565, %dma_start3A_573] : memref<360448x2x32xf32, #tpu.memory_space<hbm>> -> memref<512x1x32xf32, #tpu.memory_space<hbm>>
    %dma_start3A_575 = tpu.memref_squeeze %dma_start3A_574 : memref<512x1x32xf32, #tpu.memory_space<hbm>> -> memref<512x32xf32, #tpu.memory_space<hbm>>
    %dma_start3A_576 = arith.constant 0 : i32
    %dma_start3A_577 = arith.constant 0 : i32
    %dma_start3A_578 = tpu.memref_slice %arg8[%dma_start3A_564, %dma_start3A_576, %dma_start3A_577] : memref<2x512x32xf32, #tpu.memory_space<vmem>> -> memref<1x512x32xf32, #tpu.memory_space<vmem>>
    %dma_start3A_579 = tpu.memref_squeeze %dma_start3A_578 : memref<1x512x32xf32, #tpu.memory_space<vmem>> -> memref<512x32xf32, #tpu.memory_space<vmem>>
    tpu.enqueue_dma source(%dma_start3A_579 : memref<512x32xf32, #tpu.memory_space<vmem>>) target(%dma_start3A_575 : memref<512x32xf32, #tpu.memory_space<hbm>>) target_semaphore(%arg13 : memref<!tpu.dma_semaphore, #tpu.memory_space<semaphore_mem>>)
    %dma_wait3A_580 = arith.constant 0 : i32
    %dma_wait3A_581 = arith.constant 0 : i32
    %dma_wait3A_582 = arith.constant 0 : i32
    %dma_wait3A_583 = arith.constant 0 : i32
    %dma_wait3A_584 = tpu.memref_slice %arg7[%dma_wait3A_580, %dma_wait3A_582, %dma_wait3A_583] : memref<2x512x32xf32, #tpu.memory_space<vmem>> -> memref<1x512x32xf32, #tpu.memory_space<vmem>>
    %dma_wait3A_585 = tpu.memref_squeeze %dma_wait3A_584 : memref<1x512x32xf32, #tpu.memory_space<vmem>> -> memref<512x32xf32, #tpu.memory_space<vmem>>
    %dma_wait3A_586 = arith.constant 0 : i32
    %dma_wait3A_587 = tpu.memref_slice %arg5[%add3A_547, %dma_wait3A_581, %dma_wait3A_586] : memref<360448x2x32xf32, #tpu.memory_space<hbm>> -> memref<512x1x32xf32, #tpu.memory_space<hbm>>
    %dma_wait3A_588 = tpu.memref_squeeze %dma_wait3A_587 : memref<512x1x32xf32, #tpu.memory_space<hbm>> -> memref<512x32xf32, #tpu.memory_space<hbm>>
    %dma_wait3A_589 = arith.constant 0 : i32
    %dma_wait3A_590 = tpu.memref_slice %arg5[%add3A_547, %dma_wait3A_581, %dma_wait3A_589] : memref<360448x2x32xf32, #tpu.memory_space<hbm>> -> memref<512x1x32xf32, #tpu.memory_space<hbm>>
    %dma_wait3A_591 = tpu.memref_squeeze %dma_wait3A_590 : memref<512x1x32xf32, #tpu.memory_space<hbm>> -> memref<512x32xf32, #tpu.memory_space<hbm>>
    %dma_wait3A_592 = arith.constant 0 : i32
    %dma_wait3A_593 = arith.constant 0 : i32
    %dma_wait3A_594 = tpu.memref_slice %arg7[%dma_wait3A_580, %dma_wait3A_592, %dma_wait3A_593] : memref<2x512x32xf32, #tpu.memory_space<vmem>> -> memref<1x512x32xf32, #tpu.memory_space<vmem>>
    %dma_wait3A_595 = tpu.memref_squeeze %dma_wait3A_594 : memref<1x512x32xf32, #tpu.memory_space<vmem>> -> memref<512x32xf32, #tpu.memory_space<vmem>>
    tpu.wait_dma2 semaphore(%arg13 : memref<!tpu.dma_semaphore, #tpu.memory_space<semaphore_mem>>) src(%dma_wait3A_595 : memref<512x32xf32, #tpu.memory_space<vmem>>) dst(%dma_wait3A_591 : memref<512x32xf32, #tpu.memory_space<hbm>>)
    %dma_wait3A_596 = arith.constant 0 : i32
    %dma_wait3A_597 = arith.constant 1 : i32
    %dma_wait3A_598 = arith.constant 0 : i32
    %dma_wait3A_599 = arith.constant 0 : i32
    %dma_wait3A_600 = tpu.memref_slice %arg8[%dma_wait3A_596, %dma_wait3A_598, %dma_wait3A_599] : memref<2x512x32xf32, #tpu.memory_space<vmem>> -> memref<1x512x32xf32, #tpu.memory_space<vmem>>
    %dma_wait3A_601 = tpu.memref_squeeze %dma_wait3A_600 : memref<1x512x32xf32, #tpu.memory_space<vmem>> -> memref<512x32xf32, #tpu.memory_space<vmem>>
    %dma_wait3A_602 = arith.constant 0 : i32
    %dma_wait3A_603 = tpu.memref_slice %arg5[%add3A_547, %dma_wait3A_597, %dma_wait3A_602] : memref<360448x2x32xf32, #tpu.memory_space<hbm>> -> memref<512x1x32xf32, #tpu.memory_space<hbm>>
    %dma_wait3A_604 = tpu.memref_squeeze %dma_wait3A_603 : memref<512x1x32xf32, #tpu.memory_space<hbm>> -> memref<512x32xf32, #tpu.memory_space<hbm>>
    %dma_wait3A_605 = arith.constant 0 : i32
    %dma_wait3A_606 = tpu.memref_slice %arg5[%add3A_547, %dma_wait3A_597, %dma_wait3A_605] : memref<360448x2x32xf32, #tpu.memory_space<hbm>> -> memref<512x1x32xf32, #tpu.memory_space<hbm>>
    %dma_wait3A_607 = tpu.memref_squeeze %dma_wait3A_606 : memref<512x1x32xf32, #tpu.memory_space<hbm>> -> memref<512x32xf32, #tpu.memory_space<hbm>>
    %dma_wait3A_608 = arith.constant 0 : i32
    %dma_wait3A_609 = arith.constant 0 : i32
    %dma_wait3A_610 = tpu.memref_slice %arg8[%dma_wait3A_596, %dma_wait3A_608, %dma_wait3A_609] : memref<2x512x32xf32, #tpu.memory_space<vmem>> -> memref<1x512x32xf32, #tpu.memory_space<vmem>>
    %dma_wait3A_611 = tpu.memref_squeeze %dma_wait3A_610 : memref<1x512x32xf32, #tpu.memory_space<vmem>> -> memref<512x32xf32, #tpu.memory_space<vmem>>
    tpu.wait_dma2 semaphore(%arg13 : memref<!tpu.dma_semaphore, #tpu.memory_space<semaphore_mem>>) src(%dma_wait3A_611 : memref<512x32xf32, #tpu.memory_space<vmem>>) dst(%dma_wait3A_607 : memref<512x32xf32, #tpu.memory_space<hbm>>)
    %add3A_612 = arith.constant 3072 : i32
    %add3A_613 = arith.addi %mul3A_2, %add3A_612 : i32
    %run_scoped3A_614 = arith.constant 0 : i32
    "tpu.region"() ({
      %run_scoped3A_2574 = tpu.sem_alloc : memref<!tpu.dma_semaphore, #tpu.memory_space<semaphore_mem>>
      %dma_start3A_2575 = arith.constant 0 : i32
      %dma_start3A_2576 = tpu.memref_slice %arg6[%run_scoped3A_614, %dma_start3A_2575] : memref<2x512xi32, #tpu.memory_space<vmem>> -> memref<1x512xi32, #tpu.memory_space<vmem>>
      %dma_start3A_2577 = tpu.memref_squeeze %dma_start3A_2576 : memref<1x512xi32, #tpu.memory_space<vmem>> -> memref<512xi32, #tpu.memory_space<vmem>>
      %dma_start3A_2578 = tpu.memref_slice %arg2[%add3A_613] : memref<360448xi32, #tpu.memory_space<hbm>> -> memref<512xi32, #tpu.memory_space<hbm>>
      %dma_start3A_2579 = arith.constant 0 : i32
      %dma_start3A_2580 = tpu.memref_slice %arg6[%run_scoped3A_614, %dma_start3A_2579] : memref<2x512xi32, #tpu.memory_space<vmem>> -> memref<1x512xi32, #tpu.memory_space<vmem>>
      %dma_start3A_2581 = tpu.memref_squeeze %dma_start3A_2580 : memref<1x512xi32, #tpu.memory_space<vmem>> -> memref<512xi32, #tpu.memory_space<vmem>>
      %dma_start3A_2582 = tpu.memref_slice %arg2[%add3A_613] : memref<360448xi32, #tpu.memory_space<hbm>> -> memref<512xi32, #tpu.memory_space<hbm>>
      tpu.enqueue_dma source(%dma_start3A_2582 : memref<512xi32, #tpu.memory_space<hbm>>) target(%dma_start3A_2581 : memref<512xi32, #tpu.memory_space<vmem>>) target_semaphore(%run_scoped3A_2574 : memref<!tpu.dma_semaphore, #tpu.memory_space<semaphore_mem>>)
      %dma_wait3A_2583 = arith.constant 0 : i32
      %dma_wait3A_2584 = tpu.memref_slice %arg6[%run_scoped3A_614, %dma_wait3A_2583] : memref<2x512xi32, #tpu.memory_space<vmem>> -> memref<1x512xi32, #tpu.memory_space<vmem>>
      %dma_wait3A_2585 = tpu.memref_squeeze %dma_wait3A_2584 : memref<1x512xi32, #tpu.memory_space<vmem>> -> memref<512xi32, #tpu.memory_space<vmem>>
      %dma_wait3A_2586 = tpu.memref_slice %arg2[%add3A_613] : memref<360448xi32, #tpu.memory_space<hbm>> -> memref<512xi32, #tpu.memory_space<hbm>>
      %dma_wait3A_2587 = arith.constant 0 : i32
      %dma_wait3A_2588 = tpu.memref_slice %arg6[%run_scoped3A_614, %dma_wait3A_2587] : memref<2x512xi32, #tpu.memory_space<vmem>> -> memref<1x512xi32, #tpu.memory_space<vmem>>
      %dma_wait3A_2589 = tpu.memref_squeeze %dma_wait3A_2588 : memref<1x512xi32, #tpu.memory_space<vmem>> -> memref<512xi32, #tpu.memory_space<vmem>>
      %dma_wait3A_2590 = tpu.memref_slice %arg2[%add3A_613] : memref<360448xi32, #tpu.memory_space<hbm>> -> memref<512xi32, #tpu.memory_space<hbm>>
      tpu.wait_dma2 semaphore(%run_scoped3A_2574 : memref<!tpu.dma_semaphore, #tpu.memory_space<semaphore_mem>>) src(%dma_wait3A_2590 : memref<512xi32, #tpu.memory_space<hbm>>) dst(%dma_wait3A_2589 : memref<512xi32, #tpu.memory_space<vmem>>)
      tpu.yield
    }) : () -> ()
    %dma_start3A_615 = arith.constant 0 : i32
    %dma_start3A_616 = arith.constant 0 : i32
    %dma_start3A_617 = arith.constant 0 : i32
    %dma_start3A_618 = arith.constant 0 : i32
    %dma_start3A_619 = tpu.memref_slice %arg7[%dma_start3A_616, %dma_start3A_617, %dma_start3A_618] : memref<2x512x32xf32, #tpu.memory_space<vmem>> -> memref<1x512x32xf32, #tpu.memory_space<vmem>>
    %dma_start3A_620 = tpu.memref_squeeze %dma_start3A_619 : memref<1x512x32xf32, #tpu.memory_space<vmem>> -> memref<512x32xf32, #tpu.memory_space<vmem>>
    %dma_start3A_621 = arith.constant 0 : i32
    %dma_start3A_622 = tpu.memref_slice %arg6[%dma_start3A_615, %dma_start3A_621] : memref<2x512xi32, #tpu.memory_space<vmem>> -> memref<1x512xi32, #tpu.memory_space<vmem>>
    %dma_start3A_623 = tpu.memref_squeeze %dma_start3A_622 : memref<1x512xi32, #tpu.memory_space<vmem>> -> memref<512xi32, #tpu.memory_space<vmem>>
    %dma_start3A_624 = arith.constant 0 : i32
    %dma_start3A_625 = arith.constant 0 : i32
    %dma_start3A_626 = tpu.memref_slice %arg3[%dma_start3A_624, %dma_start3A_625] : memref<2200000x32xf32, #tpu.memory_space<hbm>> -> memref<2200000x32xf32, #tpu.memory_space<hbm>>
    tpu.enqueue_indirect_dma source(%dma_start3A_626 : memref<2200000x32xf32, #tpu.memory_space<hbm>>) target(%dma_start3A_620 : memref<512x32xf32, #tpu.memory_space<vmem>>) offsets(%dma_start3A_623 : memref<512xi32, #tpu.memory_space<vmem>>) semaphore(%arg9 : memref<!tpu.dma_semaphore, #tpu.memory_space<semaphore_mem>>)
    %dma_start3A_627 = arith.constant 0 : i32
    %dma_start3A_628 = arith.constant 0 : i32
    %dma_start3A_629 = arith.constant 0 : i32
    %dma_start3A_630 = arith.constant 0 : i32
    %dma_start3A_631 = tpu.memref_slice %arg8[%dma_start3A_628, %dma_start3A_629, %dma_start3A_630] : memref<2x512x32xf32, #tpu.memory_space<vmem>> -> memref<1x512x32xf32, #tpu.memory_space<vmem>>
    %dma_start3A_632 = tpu.memref_squeeze %dma_start3A_631 : memref<1x512x32xf32, #tpu.memory_space<vmem>> -> memref<512x32xf32, #tpu.memory_space<vmem>>
    %dma_start3A_633 = arith.constant 0 : i32
    %dma_start3A_634 = tpu.memref_slice %arg6[%dma_start3A_627, %dma_start3A_633] : memref<2x512xi32, #tpu.memory_space<vmem>> -> memref<1x512xi32, #tpu.memory_space<vmem>>
    %dma_start3A_635 = tpu.memref_squeeze %dma_start3A_634 : memref<1x512xi32, #tpu.memory_space<vmem>> -> memref<512xi32, #tpu.memory_space<vmem>>
    %dma_start3A_636 = arith.constant 0 : i32
    %dma_start3A_637 = arith.constant 0 : i32
    %dma_start3A_638 = tpu.memref_slice %arg4[%dma_start3A_636, %dma_start3A_637] : memref<2200000x32xf32, #tpu.memory_space<hbm>> -> memref<2200000x32xf32, #tpu.memory_space<hbm>>
    tpu.enqueue_indirect_dma source(%dma_start3A_638 : memref<2200000x32xf32, #tpu.memory_space<hbm>>) target(%dma_start3A_632 : memref<512x32xf32, #tpu.memory_space<vmem>>) offsets(%dma_start3A_635 : memref<512xi32, #tpu.memory_space<vmem>>) semaphore(%arg11 : memref<!tpu.dma_semaphore, #tpu.memory_space<semaphore_mem>>)
    %dma_wait3A_639 = arith.constant 1 : i32
    %dma_wait3A_640 = arith.constant 1 : i32
    %dma_wait3A_641 = arith.constant 0 : i32
    %dma_wait3A_642 = arith.constant 0 : i32
    %dma_wait3A_643 = tpu.memref_slice %arg7[%dma_wait3A_640, %dma_wait3A_641, %dma_wait3A_642] : memref<2x512x32xf32, #tpu.memory_space<vmem>> -> memref<1x512x32xf32, #tpu.memory_space<vmem>>
    %dma_wait3A_644 = tpu.memref_squeeze %dma_wait3A_643 : memref<1x512x32xf32, #tpu.memory_space<vmem>> -> memref<512x32xf32, #tpu.memory_space<vmem>>
    %dma_wait3A_645 = arith.constant 0 : i32
    %dma_wait3A_646 = tpu.memref_slice %arg6[%dma_wait3A_639, %dma_wait3A_645] : memref<2x512xi32, #tpu.memory_space<vmem>> -> memref<1x512xi32, #tpu.memory_space<vmem>>
    %dma_wait3A_647 = tpu.memref_squeeze %dma_wait3A_646 : memref<1x512xi32, #tpu.memory_space<vmem>> -> memref<512xi32, #tpu.memory_space<vmem>>
    %dma_wait3A_648 = arith.constant 0 : i32
    %dma_wait3A_649 = arith.constant 0 : i32
    %dma_wait3A_650 = tpu.memref_slice %arg3[%dma_wait3A_648, %dma_wait3A_649] : memref<2200000x32xf32, #tpu.memory_space<hbm>> -> memref<2200000x32xf32, #tpu.memory_space<hbm>>
    tpu.wait_indirect_dma semaphore(%arg10 : memref<!tpu.dma_semaphore, #tpu.memory_space<semaphore_mem>>) src(%dma_wait3A_650 : memref<2200000x32xf32, #tpu.memory_space<hbm>>) dst(%dma_wait3A_644 : memref<512x32xf32, #tpu.memory_space<vmem>>)
    %dma_wait3A_651 = arith.constant 1 : i32
    %dma_wait3A_652 = arith.constant 1 : i32
    %dma_wait3A_653 = arith.constant 0 : i32
    %dma_wait3A_654 = arith.constant 0 : i32
    %dma_wait3A_655 = tpu.memref_slice %arg8[%dma_wait3A_652, %dma_wait3A_653, %dma_wait3A_654] : memref<2x512x32xf32, #tpu.memory_space<vmem>> -> memref<1x512x32xf32, #tpu.memory_space<vmem>>
    %dma_wait3A_656 = tpu.memref_squeeze %dma_wait3A_655 : memref<1x512x32xf32, #tpu.memory_space<vmem>> -> memref<512x32xf32, #tpu.memory_space<vmem>>
    %dma_wait3A_657 = arith.constant 0 : i32
    %dma_wait3A_658 = tpu.memref_slice %arg6[%dma_wait3A_651, %dma_wait3A_657] : memref<2x512xi32, #tpu.memory_space<vmem>> -> memref<1x512xi32, #tpu.memory_space<vmem>>
    %dma_wait3A_659 = tpu.memref_squeeze %dma_wait3A_658 : memref<1x512xi32, #tpu.memory_space<vmem>> -> memref<512xi32, #tpu.memory_space<vmem>>
    %dma_wait3A_660 = arith.constant 0 : i32
    %dma_wait3A_661 = arith.constant 0 : i32
    %dma_wait3A_662 = tpu.memref_slice %arg4[%dma_wait3A_660, %dma_wait3A_661] : memref<2200000x32xf32, #tpu.memory_space<hbm>> -> memref<2200000x32xf32, #tpu.memory_space<hbm>>
    tpu.wait_indirect_dma semaphore(%arg12 : memref<!tpu.dma_semaphore, #tpu.memory_space<semaphore_mem>>) src(%dma_wait3A_662 : memref<2200000x32xf32, #tpu.memory_space<hbm>>) dst(%dma_wait3A_656 : memref<512x32xf32, #tpu.memory_space<vmem>>)
    %add3A_663 = arith.constant 2560 : i32
    %add3A_664 = arith.addi %mul3A_2, %add3A_663 : i32
    %dma_start3A_665 = arith.constant 1 : i32
    %dma_start3A_666 = arith.constant 0 : i32
    %dma_start3A_667 = arith.constant 0 : i32
    %dma_start3A_668 = arith.constant 0 : i32
    %dma_start3A_669 = tpu.memref_slice %arg7[%dma_start3A_665, %dma_start3A_667, %dma_start3A_668] : memref<2x512x32xf32, #tpu.memory_space<vmem>> -> memref<1x512x32xf32, #tpu.memory_space<vmem>>
    %dma_start3A_670 = tpu.memref_squeeze %dma_start3A_669 : memref<1x512x32xf32, #tpu.memory_space<vmem>> -> memref<512x32xf32, #tpu.memory_space<vmem>>
    %dma_start3A_671 = arith.constant 0 : i32
    %dma_start3A_672 = tpu.memref_slice %arg5[%add3A_664, %dma_start3A_666, %dma_start3A_671] : memref<360448x2x32xf32, #tpu.memory_space<hbm>> -> memref<512x1x32xf32, #tpu.memory_space<hbm>>
    %dma_start3A_673 = tpu.memref_squeeze %dma_start3A_672 : memref<512x1x32xf32, #tpu.memory_space<hbm>> -> memref<512x32xf32, #tpu.memory_space<hbm>>
    %dma_start3A_674 = arith.constant 0 : i32
    %dma_start3A_675 = tpu.memref_slice %arg5[%add3A_664, %dma_start3A_666, %dma_start3A_674] : memref<360448x2x32xf32, #tpu.memory_space<hbm>> -> memref<512x1x32xf32, #tpu.memory_space<hbm>>
    %dma_start3A_676 = tpu.memref_squeeze %dma_start3A_675 : memref<512x1x32xf32, #tpu.memory_space<hbm>> -> memref<512x32xf32, #tpu.memory_space<hbm>>
    %dma_start3A_677 = arith.constant 0 : i32
    %dma_start3A_678 = arith.constant 0 : i32
    %dma_start3A_679 = tpu.memref_slice %arg7[%dma_start3A_665, %dma_start3A_677, %dma_start3A_678] : memref<2x512x32xf32, #tpu.memory_space<vmem>> -> memref<1x512x32xf32, #tpu.memory_space<vmem>>
    %dma_start3A_680 = tpu.memref_squeeze %dma_start3A_679 : memref<1x512x32xf32, #tpu.memory_space<vmem>> -> memref<512x32xf32, #tpu.memory_space<vmem>>
    tpu.enqueue_dma source(%dma_start3A_680 : memref<512x32xf32, #tpu.memory_space<vmem>>) target(%dma_start3A_676 : memref<512x32xf32, #tpu.memory_space<hbm>>) target_semaphore(%arg14 : memref<!tpu.dma_semaphore, #tpu.memory_space<semaphore_mem>>)
    %dma_start3A_681 = arith.constant 1 : i32
    %dma_start3A_682 = arith.constant 1 : i32
    %dma_start3A_683 = arith.constant 0 : i32
    %dma_start3A_684 = arith.constant 0 : i32
    %dma_start3A_685 = tpu.memref_slice %arg8[%dma_start3A_681, %dma_start3A_683, %dma_start3A_684] : memref<2x512x32xf32, #tpu.memory_space<vmem>> -> memref<1x512x32xf32, #tpu.memory_space<vmem>>
    %dma_start3A_686 = tpu.memref_squeeze %dma_start3A_685 : memref<1x512x32xf32, #tpu.memory_space<vmem>> -> memref<512x32xf32, #tpu.memory_space<vmem>>
    %dma_start3A_687 = arith.constant 0 : i32
    %dma_start3A_688 = tpu.memref_slice %arg5[%add3A_664, %dma_start3A_682, %dma_start3A_687] : memref<360448x2x32xf32, #tpu.memory_space<hbm>> -> memref<512x1x32xf32, #tpu.memory_space<hbm>>
    %dma_start3A_689 = tpu.memref_squeeze %dma_start3A_688 : memref<512x1x32xf32, #tpu.memory_space<hbm>> -> memref<512x32xf32, #tpu.memory_space<hbm>>
    %dma_start3A_690 = arith.constant 0 : i32
    %dma_start3A_691 = tpu.memref_slice %arg5[%add3A_664, %dma_start3A_682, %dma_start3A_690] : memref<360448x2x32xf32, #tpu.memory_space<hbm>> -> memref<512x1x32xf32, #tpu.memory_space<hbm>>
    %dma_start3A_692 = tpu.memref_squeeze %dma_start3A_691 : memref<512x1x32xf32, #tpu.memory_space<hbm>> -> memref<512x32xf32, #tpu.memory_space<hbm>>
    %dma_start3A_693 = arith.constant 0 : i32
    %dma_start3A_694 = arith.constant 0 : i32
    %dma_start3A_695 = tpu.memref_slice %arg8[%dma_start3A_681, %dma_start3A_693, %dma_start3A_694] : memref<2x512x32xf32, #tpu.memory_space<vmem>> -> memref<1x512x32xf32, #tpu.memory_space<vmem>>
    %dma_start3A_696 = tpu.memref_squeeze %dma_start3A_695 : memref<1x512x32xf32, #tpu.memory_space<vmem>> -> memref<512x32xf32, #tpu.memory_space<vmem>>
    tpu.enqueue_dma source(%dma_start3A_696 : memref<512x32xf32, #tpu.memory_space<vmem>>) target(%dma_start3A_692 : memref<512x32xf32, #tpu.memory_space<hbm>>) target_semaphore(%arg14 : memref<!tpu.dma_semaphore, #tpu.memory_space<semaphore_mem>>)
    %dma_wait3A_697 = arith.constant 1 : i32
    %dma_wait3A_698 = arith.constant 0 : i32
    %dma_wait3A_699 = arith.constant 0 : i32
    %dma_wait3A_700 = arith.constant 0 : i32
    %dma_wait3A_701 = tpu.memref_slice %arg7[%dma_wait3A_697, %dma_wait3A_699, %dma_wait3A_700] : memref<2x512x32xf32, #tpu.memory_space<vmem>> -> memref<1x512x32xf32, #tpu.memory_space<vmem>>
    %dma_wait3A_702 = tpu.memref_squeeze %dma_wait3A_701 : memref<1x512x32xf32, #tpu.memory_space<vmem>> -> memref<512x32xf32, #tpu.memory_space<vmem>>
    %dma_wait3A_703 = arith.constant 0 : i32
    %dma_wait3A_704 = tpu.memref_slice %arg5[%add3A_664, %dma_wait3A_698, %dma_wait3A_703] : memref<360448x2x32xf32, #tpu.memory_space<hbm>> -> memref<512x1x32xf32, #tpu.memory_space<hbm>>
    %dma_wait3A_705 = tpu.memref_squeeze %dma_wait3A_704 : memref<512x1x32xf32, #tpu.memory_space<hbm>> -> memref<512x32xf32, #tpu.memory_space<hbm>>
    %dma_wait3A_706 = arith.constant 0 : i32
    %dma_wait3A_707 = tpu.memref_slice %arg5[%add3A_664, %dma_wait3A_698, %dma_wait3A_706] : memref<360448x2x32xf32, #tpu.memory_space<hbm>> -> memref<512x1x32xf32, #tpu.memory_space<hbm>>
    %dma_wait3A_708 = tpu.memref_squeeze %dma_wait3A_707 : memref<512x1x32xf32, #tpu.memory_space<hbm>> -> memref<512x32xf32, #tpu.memory_space<hbm>>
    %dma_wait3A_709 = arith.constant 0 : i32
    %dma_wait3A_710 = arith.constant 0 : i32
    %dma_wait3A_711 = tpu.memref_slice %arg7[%dma_wait3A_697, %dma_wait3A_709, %dma_wait3A_710] : memref<2x512x32xf32, #tpu.memory_space<vmem>> -> memref<1x512x32xf32, #tpu.memory_space<vmem>>
    %dma_wait3A_712 = tpu.memref_squeeze %dma_wait3A_711 : memref<1x512x32xf32, #tpu.memory_space<vmem>> -> memref<512x32xf32, #tpu.memory_space<vmem>>
    tpu.wait_dma2 semaphore(%arg14 : memref<!tpu.dma_semaphore, #tpu.memory_space<semaphore_mem>>) src(%dma_wait3A_712 : memref<512x32xf32, #tpu.memory_space<vmem>>) dst(%dma_wait3A_708 : memref<512x32xf32, #tpu.memory_space<hbm>>)
    %dma_wait3A_713 = arith.constant 1 : i32
    %dma_wait3A_714 = arith.constant 1 : i32
    %dma_wait3A_715 = arith.constant 0 : i32
    %dma_wait3A_716 = arith.constant 0 : i32
    %dma_wait3A_717 = tpu.memref_slice %arg8[%dma_wait3A_713, %dma_wait3A_715, %dma_wait3A_716] : memref<2x512x32xf32, #tpu.memory_space<vmem>> -> memref<1x512x32xf32, #tpu.memory_space<vmem>>
    %dma_wait3A_718 = tpu.memref_squeeze %dma_wait3A_717 : memref<1x512x32xf32, #tpu.memory_space<vmem>> -> memref<512x32xf32, #tpu.memory_space<vmem>>
    %dma_wait3A_719 = arith.constant 0 : i32
    %dma_wait3A_720 = tpu.memref_slice %arg5[%add3A_664, %dma_wait3A_714, %dma_wait3A_719] : memref<360448x2x32xf32, #tpu.memory_space<hbm>> -> memref<512x1x32xf32, #tpu.memory_space<hbm>>
    %dma_wait3A_721 = tpu.memref_squeeze %dma_wait3A_720 : memref<512x1x32xf32, #tpu.memory_space<hbm>> -> memref<512x32xf32, #tpu.memory_space<hbm>>
    %dma_wait3A_722 = arith.constant 0 : i32
    %dma_wait3A_723 = tpu.memref_slice %arg5[%add3A_664, %dma_wait3A_714, %dma_wait3A_722] : memref<360448x2x32xf32, #tpu.memory_space<hbm>> -> memref<512x1x32xf32, #tpu.memory_space<hbm>>
    %dma_wait3A_724 = tpu.memref_squeeze %dma_wait3A_723 : memref<512x1x32xf32, #tpu.memory_space<hbm>> -> memref<512x32xf32, #tpu.memory_space<hbm>>
    %dma_wait3A_725 = arith.constant 0 : i32
    %dma_wait3A_726 = arith.constant 0 : i32
    %dma_wait3A_727 = tpu.memref_slice %arg8[%dma_wait3A_713, %dma_wait3A_725, %dma_wait3A_726] : memref<2x512x32xf32, #tpu.memory_space<vmem>> -> memref<1x512x32xf32, #tpu.memory_space<vmem>>
    %dma_wait3A_728 = tpu.memref_squeeze %dma_wait3A_727 : memref<1x512x32xf32, #tpu.memory_space<vmem>> -> memref<512x32xf32, #tpu.memory_space<vmem>>
    tpu.wait_dma2 semaphore(%arg14 : memref<!tpu.dma_semaphore, #tpu.memory_space<semaphore_mem>>) src(%dma_wait3A_728 : memref<512x32xf32, #tpu.memory_space<vmem>>) dst(%dma_wait3A_724 : memref<512x32xf32, #tpu.memory_space<hbm>>)
    %add3A_729 = arith.constant 3584 : i32
    %add3A_730 = arith.addi %mul3A_2, %add3A_729 : i32
    %run_scoped3A_731 = arith.constant 1 : i32
    "tpu.region"() ({
      %run_scoped3A_2574 = tpu.sem_alloc : memref<!tpu.dma_semaphore, #tpu.memory_space<semaphore_mem>>
      %dma_start3A_2575 = arith.constant 0 : i32
      %dma_start3A_2576 = tpu.memref_slice %arg6[%run_scoped3A_731, %dma_start3A_2575] : memref<2x512xi32, #tpu.memory_space<vmem>> -> memref<1x512xi32, #tpu.memory_space<vmem>>
      %dma_start3A_2577 = tpu.memref_squeeze %dma_start3A_2576 : memref<1x512xi32, #tpu.memory_space<vmem>> -> memref<512xi32, #tpu.memory_space<vmem>>
      %dma_start3A_2578 = tpu.memref_slice %arg2[%add3A_730] : memref<360448xi32, #tpu.memory_space<hbm>> -> memref<512xi32, #tpu.memory_space<hbm>>
      %dma_start3A_2579 = arith.constant 0 : i32
      %dma_start3A_2580 = tpu.memref_slice %arg6[%run_scoped3A_731, %dma_start3A_2579] : memref<2x512xi32, #tpu.memory_space<vmem>> -> memref<1x512xi32, #tpu.memory_space<vmem>>
      %dma_start3A_2581 = tpu.memref_squeeze %dma_start3A_2580 : memref<1x512xi32, #tpu.memory_space<vmem>> -> memref<512xi32, #tpu.memory_space<vmem>>
      %dma_start3A_2582 = tpu.memref_slice %arg2[%add3A_730] : memref<360448xi32, #tpu.memory_space<hbm>> -> memref<512xi32, #tpu.memory_space<hbm>>
      tpu.enqueue_dma source(%dma_start3A_2582 : memref<512xi32, #tpu.memory_space<hbm>>) target(%dma_start3A_2581 : memref<512xi32, #tpu.memory_space<vmem>>) target_semaphore(%run_scoped3A_2574 : memref<!tpu.dma_semaphore, #tpu.memory_space<semaphore_mem>>)
      %dma_wait3A_2583 = arith.constant 0 : i32
      %dma_wait3A_2584 = tpu.memref_slice %arg6[%run_scoped3A_731, %dma_wait3A_2583] : memref<2x512xi32, #tpu.memory_space<vmem>> -> memref<1x512xi32, #tpu.memory_space<vmem>>
      %dma_wait3A_2585 = tpu.memref_squeeze %dma_wait3A_2584 : memref<1x512xi32, #tpu.memory_space<vmem>> -> memref<512xi32, #tpu.memory_space<vmem>>
      %dma_wait3A_2586 = tpu.memref_slice %arg2[%add3A_730] : memref<360448xi32, #tpu.memory_space<hbm>> -> memref<512xi32, #tpu.memory_space<hbm>>
      %dma_wait3A_2587 = arith.constant 0 : i32
      %dma_wait3A_2588 = tpu.memref_slice %arg6[%run_scoped3A_731, %dma_wait3A_2587] : memref<2x512xi32, #tpu.memory_space<vmem>> -> memref<1x512xi32, #tpu.memory_space<vmem>>
      %dma_wait3A_2589 = tpu.memref_squeeze %dma_wait3A_2588 : memref<1x512xi32, #tpu.memory_space<vmem>> -> memref<512xi32, #tpu.memory_space<vmem>>
      %dma_wait3A_2590 = tpu.memref_slice %arg2[%add3A_730] : memref<360448xi32, #tpu.memory_space<hbm>> -> memref<512xi32, #tpu.memory_space<hbm>>
      tpu.wait_dma2 semaphore(%run_scoped3A_2574 : memref<!tpu.dma_semaphore, #tpu.memory_space<semaphore_mem>>) src(%dma_wait3A_2590 : memref<512xi32, #tpu.memory_space<hbm>>) dst(%dma_wait3A_2589 : memref<512xi32, #tpu.memory_space<vmem>>)
      tpu.yield
    }) : () -> ()
    %dma_start3A_732 = arith.constant 1 : i32
    %dma_start3A_733 = arith.constant 1 : i32
    %dma_start3A_734 = arith.constant 0 : i32
    %dma_start3A_735 = arith.constant 0 : i32
    %dma_start3A_736 = tpu.memref_slice %arg7[%dma_start3A_733, %dma_start3A_734, %dma_start3A_735] : memref<2x512x32xf32, #tpu.memory_space<vmem>> -> memref<1x512x32xf32, #tpu.memory_space<vmem>>
    %dma_start3A_737 = tpu.memref_squeeze %dma_start3A_736 : memref<1x512x32xf32, #tpu.memory_space<vmem>> -> memref<512x32xf32, #tpu.memory_space<vmem>>
    %dma_start3A_738 = arith.constant 0 : i32
    %dma_start3A_739 = tpu.memref_slice %arg6[%dma_start3A_732, %dma_start3A_738] : memref<2x512xi32, #tpu.memory_space<vmem>> -> memref<1x512xi32, #tpu.memory_space<vmem>>
    %dma_start3A_740 = tpu.memref_squeeze %dma_start3A_739 : memref<1x512xi32, #tpu.memory_space<vmem>> -> memref<512xi32, #tpu.memory_space<vmem>>
    %dma_start3A_741 = arith.constant 0 : i32
    %dma_start3A_742 = arith.constant 0 : i32
    %dma_start3A_743 = tpu.memref_slice %arg3[%dma_start3A_741, %dma_start3A_742] : memref<2200000x32xf32, #tpu.memory_space<hbm>> -> memref<2200000x32xf32, #tpu.memory_space<hbm>>
    tpu.enqueue_indirect_dma source(%dma_start3A_743 : memref<2200000x32xf32, #tpu.memory_space<hbm>>) target(%dma_start3A_737 : memref<512x32xf32, #tpu.memory_space<vmem>>) offsets(%dma_start3A_740 : memref<512xi32, #tpu.memory_space<vmem>>) semaphore(%arg10 : memref<!tpu.dma_semaphore, #tpu.memory_space<semaphore_mem>>)
    %dma_start3A_744 = arith.constant 1 : i32
    %dma_start3A_745 = arith.constant 1 : i32
    %dma_start3A_746 = arith.constant 0 : i32
    %dma_start3A_747 = arith.constant 0 : i32
    %dma_start3A_748 = tpu.memref_slice %arg8[%dma_start3A_745, %dma_start3A_746, %dma_start3A_747] : memref<2x512x32xf32, #tpu.memory_space<vmem>> -> memref<1x512x32xf32, #tpu.memory_space<vmem>>
    %dma_start3A_749 = tpu.memref_squeeze %dma_start3A_748 : memref<1x512x32xf32, #tpu.memory_space<vmem>> -> memref<512x32xf32, #tpu.memory_space<vmem>>
    %dma_start3A_750 = arith.constant 0 : i32
    %dma_start3A_751 = tpu.memref_slice %arg6[%dma_start3A_744, %dma_start3A_750] : memref<2x512xi32, #tpu.memory_space<vmem>> -> memref<1x512xi32, #tpu.memory_space<vmem>>
    %dma_start3A_752 = tpu.memref_squeeze %dma_start3A_751 : memref<1x512xi32, #tpu.memory_space<vmem>> -> memref<512xi32, #tpu.memory_space<vmem>>
    %dma_start3A_753 = arith.constant 0 : i32
    %dma_start3A_754 = arith.constant 0 : i32
    %dma_start3A_755 = tpu.memref_slice %arg4[%dma_start3A_753, %dma_start3A_754] : memref<2200000x32xf32, #tpu.memory_space<hbm>> -> memref<2200000x32xf32, #tpu.memory_space<hbm>>
    tpu.enqueue_indirect_dma source(%dma_start3A_755 : memref<2200000x32xf32, #tpu.memory_space<hbm>>) target(%dma_start3A_749 : memref<512x32xf32, #tpu.memory_space<vmem>>) offsets(%dma_start3A_752 : memref<512xi32, #tpu.memory_space<vmem>>) semaphore(%arg12 : memref<!tpu.dma_semaphore, #tpu.memory_space<semaphore_mem>>)
    %dma_wait3A_756 = arith.constant 0 : i32
    %dma_wait3A_757 = arith.constant 0 : i32
    %dma_wait3A_758 = arith.constant 0 : i32
    %dma_wait3A_759 = arith.constant 0 : i32
    %dma_wait3A_760 = tpu.memref_slice %arg7[%dma_wait3A_757, %dma_wait3A_758, %dma_wait3A_759] : memref<2x512x32xf32, #tpu.memory_space<vmem>> -> memref<1x512x32xf32, #tpu.memory_space<vmem>>
    %dma_wait3A_761 = tpu.memref_squeeze %dma_wait3A_760 : memref<1x512x32xf32, #tpu.memory_space<vmem>> -> memref<512x32xf32, #tpu.memory_space<vmem>>
    %dma_wait3A_762 = arith.constant 0 : i32
    %dma_wait3A_763 = tpu.memref_slice %arg6[%dma_wait3A_756, %dma_wait3A_762] : memref<2x512xi32, #tpu.memory_space<vmem>> -> memref<1x512xi32, #tpu.memory_space<vmem>>
    %dma_wait3A_764 = tpu.memref_squeeze %dma_wait3A_763 : memref<1x512xi32, #tpu.memory_space<vmem>> -> memref<512xi32, #tpu.memory_space<vmem>>
    %dma_wait3A_765 = arith.constant 0 : i32
    %dma_wait3A_766 = arith.constant 0 : i32
    %dma_wait3A_767 = tpu.memref_slice %arg3[%dma_wait3A_765, %dma_wait3A_766] : memref<2200000x32xf32, #tpu.memory_space<hbm>> -> memref<2200000x32xf32, #tpu.memory_space<hbm>>
    tpu.wait_indirect_dma semaphore(%arg9 : memref<!tpu.dma_semaphore, #tpu.memory_space<semaphore_mem>>) src(%dma_wait3A_767 : memref<2200000x32xf32, #tpu.memory_space<hbm>>) dst(%dma_wait3A_761 : memref<512x32xf32, #tpu.memory_space<vmem>>)
    %dma_wait3A_768 = arith.constant 0 : i32
    %dma_wait3A_769 = arith.constant 0 : i32
    %dma_wait3A_770 = arith.constant 0 : i32
    %dma_wait3A_771 = arith.constant 0 : i32
    %dma_wait3A_772 = tpu.memref_slice %arg8[%dma_wait3A_769, %dma_wait3A_770, %dma_wait3A_771] : memref<2x512x32xf32, #tpu.memory_space<vmem>> -> memref<1x512x32xf32, #tpu.memory_space<vmem>>
    %dma_wait3A_773 = tpu.memref_squeeze %dma_wait3A_772 : memref<1x512x32xf32, #tpu.memory_space<vmem>> -> memref<512x32xf32, #tpu.memory_space<vmem>>
    %dma_wait3A_774 = arith.constant 0 : i32
    %dma_wait3A_775 = tpu.memref_slice %arg6[%dma_wait3A_768, %dma_wait3A_774] : memref<2x512xi32, #tpu.memory_space<vmem>> -> memref<1x512xi32, #tpu.memory_space<vmem>>
    %dma_wait3A_776 = tpu.memref_squeeze %dma_wait3A_775 : memref<1x512xi32, #tpu.memory_space<vmem>> -> memref<512xi32, #tpu.memory_space<vmem>>
    %dma_wait3A_777 = arith.constant 0 : i32
    %dma_wait3A_778 = arith.constant 0 : i32
    %dma_wait3A_779 = tpu.memref_slice %arg4[%dma_wait3A_777, %dma_wait3A_778] : memref<2200000x32xf32, #tpu.memory_space<hbm>> -> memref<2200000x32xf32, #tpu.memory_space<hbm>>
    tpu.wait_indirect_dma semaphore(%arg11 : memref<!tpu.dma_semaphore, #tpu.memory_space<semaphore_mem>>) src(%dma_wait3A_779 : memref<2200000x32xf32, #tpu.memory_space<hbm>>) dst(%dma_wait3A_773 : memref<512x32xf32, #tpu.memory_space<vmem>>)
    %add3A_780 = arith.constant 3072 : i32
    %add3A_781 = arith.addi %mul3A_2, %add3A_780 : i32
    %dma_start3A_782 = arith.constant 0 : i32
    %dma_start3A_783 = arith.constant 0 : i32
    %dma_start3A_784 = arith.constant 0 : i32
    %dma_start3A_785 = arith.constant 0 : i32
    %dma_start3A_786 = tpu.memref_slice %arg7[%dma_start3A_782, %dma_start3A_784, %dma_start3A_785] : memref<2x512x32xf32, #tpu.memory_space<vmem>> -> memref<1x512x32xf32, #tpu.memory_space<vmem>>
    %dma_start3A_787 = tpu.memref_squeeze %dma_start3A_786 : memref<1x512x32xf32, #tpu.memory_space<vmem>> -> memref<512x32xf32, #tpu.memory_space<vmem>>
    %dma_start3A_788 = arith.constant 0 : i32
    %dma_start3A_789 = tpu.memref_slice %arg5[%add3A_781, %dma_start3A_783, %dma_start3A_788] : memref<360448x2x32xf32, #tpu.memory_space<hbm>> -> memref<512x1x32xf32, #tpu.memory_space<hbm>>
    %dma_start3A_790 = tpu.memref_squeeze %dma_start3A_789 : memref<512x1x32xf32, #tpu.memory_space<hbm>> -> memref<512x32xf32, #tpu.memory_space<hbm>>
    %dma_start3A_791 = arith.constant 0 : i32
    %dma_start3A_792 = tpu.memref_slice %arg5[%add3A_781, %dma_start3A_783, %dma_start3A_791] : memref<360448x2x32xf32, #tpu.memory_space<hbm>> -> memref<512x1x32xf32, #tpu.memory_space<hbm>>
    %dma_start3A_793 = tpu.memref_squeeze %dma_start3A_792 : memref<512x1x32xf32, #tpu.memory_space<hbm>> -> memref<512x32xf32, #tpu.memory_space<hbm>>
    %dma_start3A_794 = arith.constant 0 : i32
    %dma_start3A_795 = arith.constant 0 : i32
    %dma_start3A_796 = tpu.memref_slice %arg7[%dma_start3A_782, %dma_start3A_794, %dma_start3A_795] : memref<2x512x32xf32, #tpu.memory_space<vmem>> -> memref<1x512x32xf32, #tpu.memory_space<vmem>>
    %dma_start3A_797 = tpu.memref_squeeze %dma_start3A_796 : memref<1x512x32xf32, #tpu.memory_space<vmem>> -> memref<512x32xf32, #tpu.memory_space<vmem>>
    tpu.enqueue_dma source(%dma_start3A_797 : memref<512x32xf32, #tpu.memory_space<vmem>>) target(%dma_start3A_793 : memref<512x32xf32, #tpu.memory_space<hbm>>) target_semaphore(%arg13 : memref<!tpu.dma_semaphore, #tpu.memory_space<semaphore_mem>>)
    %dma_start3A_798 = arith.constant 0 : i32
    %dma_start3A_799 = arith.constant 1 : i32
    %dma_start3A_800 = arith.constant 0 : i32
    %dma_start3A_801 = arith.constant 0 : i32
    %dma_start3A_802 = tpu.memref_slice %arg8[%dma_start3A_798, %dma_start3A_800, %dma_start3A_801] : memref<2x512x32xf32, #tpu.memory_space<vmem>> -> memref<1x512x32xf32, #tpu.memory_space<vmem>>
    %dma_start3A_803 = tpu.memref_squeeze %dma_start3A_802 : memref<1x512x32xf32, #tpu.memory_space<vmem>> -> memref<512x32xf32, #tpu.memory_space<vmem>>
    %dma_start3A_804 = arith.constant 0 : i32
    %dma_start3A_805 = tpu.memref_slice %arg5[%add3A_781, %dma_start3A_799, %dma_start3A_804] : memref<360448x2x32xf32, #tpu.memory_space<hbm>> -> memref<512x1x32xf32, #tpu.memory_space<hbm>>
    %dma_start3A_806 = tpu.memref_squeeze %dma_start3A_805 : memref<512x1x32xf32, #tpu.memory_space<hbm>> -> memref<512x32xf32, #tpu.memory_space<hbm>>
    %dma_start3A_807 = arith.constant 0 : i32
    %dma_start3A_808 = tpu.memref_slice %arg5[%add3A_781, %dma_start3A_799, %dma_start3A_807] : memref<360448x2x32xf32, #tpu.memory_space<hbm>> -> memref<512x1x32xf32, #tpu.memory_space<hbm>>
    %dma_start3A_809 = tpu.memref_squeeze %dma_start3A_808 : memref<512x1x32xf32, #tpu.memory_space<hbm>> -> memref<512x32xf32, #tpu.memory_space<hbm>>
    %dma_start3A_810 = arith.constant 0 : i32
    %dma_start3A_811 = arith.constant 0 : i32
    %dma_start3A_812 = tpu.memref_slice %arg8[%dma_start3A_798, %dma_start3A_810, %dma_start3A_811] : memref<2x512x32xf32, #tpu.memory_space<vmem>> -> memref<1x512x32xf32, #tpu.memory_space<vmem>>
    %dma_start3A_813 = tpu.memref_squeeze %dma_start3A_812 : memref<1x512x32xf32, #tpu.memory_space<vmem>> -> memref<512x32xf32, #tpu.memory_space<vmem>>
    tpu.enqueue_dma source(%dma_start3A_813 : memref<512x32xf32, #tpu.memory_space<vmem>>) target(%dma_start3A_809 : memref<512x32xf32, #tpu.memory_space<hbm>>) target_semaphore(%arg13 : memref<!tpu.dma_semaphore, #tpu.memory_space<semaphore_mem>>)
    %dma_wait3A_814 = arith.constant 0 : i32
    %dma_wait3A_815 = arith.constant 0 : i32
    %dma_wait3A_816 = arith.constant 0 : i32
    %dma_wait3A_817 = arith.constant 0 : i32
    %dma_wait3A_818 = tpu.memref_slice %arg7[%dma_wait3A_814, %dma_wait3A_816, %dma_wait3A_817] : memref<2x512x32xf32, #tpu.memory_space<vmem>> -> memref<1x512x32xf32, #tpu.memory_space<vmem>>
    %dma_wait3A_819 = tpu.memref_squeeze %dma_wait3A_818 : memref<1x512x32xf32, #tpu.memory_space<vmem>> -> memref<512x32xf32, #tpu.memory_space<vmem>>
    %dma_wait3A_820 = arith.constant 0 : i32
    %dma_wait3A_821 = tpu.memref_slice %arg5[%add3A_781, %dma_wait3A_815, %dma_wait3A_820] : memref<360448x2x32xf32, #tpu.memory_space<hbm>> -> memref<512x1x32xf32, #tpu.memory_space<hbm>>
    %dma_wait3A_822 = tpu.memref_squeeze %dma_wait3A_821 : memref<512x1x32xf32, #tpu.memory_space<hbm>> -> memref<512x32xf32, #tpu.memory_space<hbm>>
    %dma_wait3A_823 = arith.constant 0 : i32
    %dma_wait3A_824 = tpu.memref_slice %arg5[%add3A_781, %dma_wait3A_815, %dma_wait3A_823] : memref<360448x2x32xf32, #tpu.memory_space<hbm>> -> memref<512x1x32xf32, #tpu.memory_space<hbm>>
    %dma_wait3A_825 = tpu.memref_squeeze %dma_wait3A_824 : memref<512x1x32xf32, #tpu.memory_space<hbm>> -> memref<512x32xf32, #tpu.memory_space<hbm>>
    %dma_wait3A_826 = arith.constant 0 : i32
    %dma_wait3A_827 = arith.constant 0 : i32
    %dma_wait3A_828 = tpu.memref_slice %arg7[%dma_wait3A_814, %dma_wait3A_826, %dma_wait3A_827] : memref<2x512x32xf32, #tpu.memory_space<vmem>> -> memref<1x512x32xf32, #tpu.memory_space<vmem>>
    %dma_wait3A_829 = tpu.memref_squeeze %dma_wait3A_828 : memref<1x512x32xf32, #tpu.memory_space<vmem>> -> memref<512x32xf32, #tpu.memory_space<vmem>>
    tpu.wait_dma2 semaphore(%arg13 : memref<!tpu.dma_semaphore, #tpu.memory_space<semaphore_mem>>) src(%dma_wait3A_829 : memref<512x32xf32, #tpu.memory_space<vmem>>) dst(%dma_wait3A_825 : memref<512x32xf32, #tpu.memory_space<hbm>>)
    %dma_wait3A_830 = arith.constant 0 : i32
    %dma_wait3A_831 = arith.constant 1 : i32
    %dma_wait3A_832 = arith.constant 0 : i32
    %dma_wait3A_833 = arith.constant 0 : i32
    %dma_wait3A_834 = tpu.memref_slice %arg8[%dma_wait3A_830, %dma_wait3A_832, %dma_wait3A_833] : memref<2x512x32xf32, #tpu.memory_space<vmem>> -> memref<1x512x32xf32, #tpu.memory_space<vmem>>
    %dma_wait3A_835 = tpu.memref_squeeze %dma_wait3A_834 : memref<1x512x32xf32, #tpu.memory_space<vmem>> -> memref<512x32xf32, #tpu.memory_space<vmem>>
    %dma_wait3A_836 = arith.constant 0 : i32
    %dma_wait3A_837 = tpu.memref_slice %arg5[%add3A_781, %dma_wait3A_831, %dma_wait3A_836] : memref<360448x2x32xf32, #tpu.memory_space<hbm>> -> memref<512x1x32xf32, #tpu.memory_space<hbm>>
    %dma_wait3A_838 = tpu.memref_squeeze %dma_wait3A_837 : memref<512x1x32xf32, #tpu.memory_space<hbm>> -> memref<512x32xf32, #tpu.memory_space<hbm>>
    %dma_wait3A_839 = arith.constant 0 : i32
    %dma_wait3A_840 = tpu.memref_slice %arg5[%add3A_781, %dma_wait3A_831, %dma_wait3A_839] : memref<360448x2x32xf32, #tpu.memory_space<hbm>> -> memref<512x1x32xf32, #tpu.memory_space<hbm>>
    %dma_wait3A_841 = tpu.memref_squeeze %dma_wait3A_840 : memref<512x1x32xf32, #tpu.memory_space<hbm>> -> memref<512x32xf32, #tpu.memory_space<hbm>>
    %dma_wait3A_842 = arith.constant 0 : i32
    %dma_wait3A_843 = arith.constant 0 : i32
    %dma_wait3A_844 = tpu.memref_slice %arg8[%dma_wait3A_830, %dma_wait3A_842, %dma_wait3A_843] : memref<2x512x32xf32, #tpu.memory_space<vmem>> -> memref<1x512x32xf32, #tpu.memory_space<vmem>>
    %dma_wait3A_845 = tpu.memref_squeeze %dma_wait3A_844 : memref<1x512x32xf32, #tpu.memory_space<vmem>> -> memref<512x32xf32, #tpu.memory_space<vmem>>
    tpu.wait_dma2 semaphore(%arg13 : memref<!tpu.dma_semaphore, #tpu.memory_space<semaphore_mem>>) src(%dma_wait3A_845 : memref<512x32xf32, #tpu.memory_space<vmem>>) dst(%dma_wait3A_841 : memref<512x32xf32, #tpu.memory_space<hbm>>)
    %add3A_846 = arith.constant 4096 : i32
    %add3A_847 = arith.addi %mul3A_2, %add3A_846 : i32
    %run_scoped3A_848 = arith.constant 0 : i32
    "tpu.region"() ({
      %run_scoped3A_2574 = tpu.sem_alloc : memref<!tpu.dma_semaphore, #tpu.memory_space<semaphore_mem>>
      %dma_start3A_2575 = arith.constant 0 : i32
      %dma_start3A_2576 = tpu.memref_slice %arg6[%run_scoped3A_848, %dma_start3A_2575] : memref<2x512xi32, #tpu.memory_space<vmem>> -> memref<1x512xi32, #tpu.memory_space<vmem>>
      %dma_start3A_2577 = tpu.memref_squeeze %dma_start3A_2576 : memref<1x512xi32, #tpu.memory_space<vmem>> -> memref<512xi32, #tpu.memory_space<vmem>>
      %dma_start3A_2578 = tpu.memref_slice %arg2[%add3A_847] : memref<360448xi32, #tpu.memory_space<hbm>> -> memref<512xi32, #tpu.memory_space<hbm>>
      %dma_start3A_2579 = arith.constant 0 : i32
      %dma_start3A_2580 = tpu.memref_slice %arg6[%run_scoped3A_848, %dma_start3A_2579] : memref<2x512xi32, #tpu.memory_space<vmem>> -> memref<1x512xi32, #tpu.memory_space<vmem>>
      %dma_start3A_2581 = tpu.memref_squeeze %dma_start3A_2580 : memref<1x512xi32, #tpu.memory_space<vmem>> -> memref<512xi32, #tpu.memory_space<vmem>>
      %dma_start3A_2582 = tpu.memref_slice %arg2[%add3A_847] : memref<360448xi32, #tpu.memory_space<hbm>> -> memref<512xi32, #tpu.memory_space<hbm>>
      tpu.enqueue_dma source(%dma_start3A_2582 : memref<512xi32, #tpu.memory_space<hbm>>) target(%dma_start3A_2581 : memref<512xi32, #tpu.memory_space<vmem>>) target_semaphore(%run_scoped3A_2574 : memref<!tpu.dma_semaphore, #tpu.memory_space<semaphore_mem>>)
      %dma_wait3A_2583 = arith.constant 0 : i32
      %dma_wait3A_2584 = tpu.memref_slice %arg6[%run_scoped3A_848, %dma_wait3A_2583] : memref<2x512xi32, #tpu.memory_space<vmem>> -> memref<1x512xi32, #tpu.memory_space<vmem>>
      %dma_wait3A_2585 = tpu.memref_squeeze %dma_wait3A_2584 : memref<1x512xi32, #tpu.memory_space<vmem>> -> memref<512xi32, #tpu.memory_space<vmem>>
      %dma_wait3A_2586 = tpu.memref_slice %arg2[%add3A_847] : memref<360448xi32, #tpu.memory_space<hbm>> -> memref<512xi32, #tpu.memory_space<hbm>>
      %dma_wait3A_2587 = arith.constant 0 : i32
      %dma_wait3A_2588 = tpu.memref_slice %arg6[%run_scoped3A_848, %dma_wait3A_2587] : memref<2x512xi32, #tpu.memory_space<vmem>> -> memref<1x512xi32, #tpu.memory_space<vmem>>
      %dma_wait3A_2589 = tpu.memref_squeeze %dma_wait3A_2588 : memref<1x512xi32, #tpu.memory_space<vmem>> -> memref<512xi32, #tpu.memory_space<vmem>>
      %dma_wait3A_2590 = tpu.memref_slice %arg2[%add3A_847] : memref<360448xi32, #tpu.memory_space<hbm>> -> memref<512xi32, #tpu.memory_space<hbm>>
      tpu.wait_dma2 semaphore(%run_scoped3A_2574 : memref<!tpu.dma_semaphore, #tpu.memory_space<semaphore_mem>>) src(%dma_wait3A_2590 : memref<512xi32, #tpu.memory_space<hbm>>) dst(%dma_wait3A_2589 : memref<512xi32, #tpu.memory_space<vmem>>)
      tpu.yield
    }) : () -> ()
    %dma_start3A_849 = arith.constant 0 : i32
    %dma_start3A_850 = arith.constant 0 : i32
    %dma_start3A_851 = arith.constant 0 : i32
    %dma_start3A_852 = arith.constant 0 : i32
    %dma_start3A_853 = tpu.memref_slice %arg7[%dma_start3A_850, %dma_start3A_851, %dma_start3A_852] : memref<2x512x32xf32, #tpu.memory_space<vmem>> -> memref<1x512x32xf32, #tpu.memory_space<vmem>>
    %dma_start3A_854 = tpu.memref_squeeze %dma_start3A_853 : memref<1x512x32xf32, #tpu.memory_space<vmem>> -> memref<512x32xf32, #tpu.memory_space<vmem>>
    %dma_start3A_855 = arith.constant 0 : i32
    %dma_start3A_856 = tpu.memref_slice %arg6[%dma_start3A_849, %dma_start3A_855] : memref<2x512xi32, #tpu.memory_space<vmem>> -> memref<1x512xi32, #tpu.memory_space<vmem>>
    %dma_start3A_857 = tpu.memref_squeeze %dma_start3A_856 : memref<1x512xi32, #tpu.memory_space<vmem>> -> memref<512xi32, #tpu.memory_space<vmem>>
    %dma_start3A_858 = arith.constant 0 : i32
    %dma_start3A_859 = arith.constant 0 : i32
    %dma_start3A_860 = tpu.memref_slice %arg3[%dma_start3A_858, %dma_start3A_859] : memref<2200000x32xf32, #tpu.memory_space<hbm>> -> memref<2200000x32xf32, #tpu.memory_space<hbm>>
    tpu.enqueue_indirect_dma source(%dma_start3A_860 : memref<2200000x32xf32, #tpu.memory_space<hbm>>) target(%dma_start3A_854 : memref<512x32xf32, #tpu.memory_space<vmem>>) offsets(%dma_start3A_857 : memref<512xi32, #tpu.memory_space<vmem>>) semaphore(%arg9 : memref<!tpu.dma_semaphore, #tpu.memory_space<semaphore_mem>>)
    %dma_start3A_861 = arith.constant 0 : i32
    %dma_start3A_862 = arith.constant 0 : i32
    %dma_start3A_863 = arith.constant 0 : i32
    %dma_start3A_864 = arith.constant 0 : i32
    %dma_start3A_865 = tpu.memref_slice %arg8[%dma_start3A_862, %dma_start3A_863, %dma_start3A_864] : memref<2x512x32xf32, #tpu.memory_space<vmem>> -> memref<1x512x32xf32, #tpu.memory_space<vmem>>
    %dma_start3A_866 = tpu.memref_squeeze %dma_start3A_865 : memref<1x512x32xf32, #tpu.memory_space<vmem>> -> memref<512x32xf32, #tpu.memory_space<vmem>>
    %dma_start3A_867 = arith.constant 0 : i32
    %dma_start3A_868 = tpu.memref_slice %arg6[%dma_start3A_861, %dma_start3A_867] : memref<2x512xi32, #tpu.memory_space<vmem>> -> memref<1x512xi32, #tpu.memory_space<vmem>>
    %dma_start3A_869 = tpu.memref_squeeze %dma_start3A_868 : memref<1x512xi32, #tpu.memory_space<vmem>> -> memref<512xi32, #tpu.memory_space<vmem>>
    %dma_start3A_870 = arith.constant 0 : i32
    %dma_start3A_871 = arith.constant 0 : i32
    %dma_start3A_872 = tpu.memref_slice %arg4[%dma_start3A_870, %dma_start3A_871] : memref<2200000x32xf32, #tpu.memory_space<hbm>> -> memref<2200000x32xf32, #tpu.memory_space<hbm>>
    tpu.enqueue_indirect_dma source(%dma_start3A_872 : memref<2200000x32xf32, #tpu.memory_space<hbm>>) target(%dma_start3A_866 : memref<512x32xf32, #tpu.memory_space<vmem>>) offsets(%dma_start3A_869 : memref<512xi32, #tpu.memory_space<vmem>>) semaphore(%arg11 : memref<!tpu.dma_semaphore, #tpu.memory_space<semaphore_mem>>)
    %dma_wait3A_873 = arith.constant 1 : i32
    %dma_wait3A_874 = arith.constant 1 : i32
    %dma_wait3A_875 = arith.constant 0 : i32
    %dma_wait3A_876 = arith.constant 0 : i32
    %dma_wait3A_877 = tpu.memref_slice %arg7[%dma_wait3A_874, %dma_wait3A_875, %dma_wait3A_876] : memref<2x512x32xf32, #tpu.memory_space<vmem>> -> memref<1x512x32xf32, #tpu.memory_space<vmem>>
    %dma_wait3A_878 = tpu.memref_squeeze %dma_wait3A_877 : memref<1x512x32xf32, #tpu.memory_space<vmem>> -> memref<512x32xf32, #tpu.memory_space<vmem>>
    %dma_wait3A_879 = arith.constant 0 : i32
    %dma_wait3A_880 = tpu.memref_slice %arg6[%dma_wait3A_873, %dma_wait3A_879] : memref<2x512xi32, #tpu.memory_space<vmem>> -> memref<1x512xi32, #tpu.memory_space<vmem>>
    %dma_wait3A_881 = tpu.memref_squeeze %dma_wait3A_880 : memref<1x512xi32, #tpu.memory_space<vmem>> -> memref<512xi32, #tpu.memory_space<vmem>>
    %dma_wait3A_882 = arith.constant 0 : i32
    %dma_wait3A_883 = arith.constant 0 : i32
    %dma_wait3A_884 = tpu.memref_slice %arg3[%dma_wait3A_882, %dma_wait3A_883] : memref<2200000x32xf32, #tpu.memory_space<hbm>> -> memref<2200000x32xf32, #tpu.memory_space<hbm>>
    tpu.wait_indirect_dma semaphore(%arg10 : memref<!tpu.dma_semaphore, #tpu.memory_space<semaphore_mem>>) src(%dma_wait3A_884 : memref<2200000x32xf32, #tpu.memory_space<hbm>>) dst(%dma_wait3A_878 : memref<512x32xf32, #tpu.memory_space<vmem>>)
    %dma_wait3A_885 = arith.constant 1 : i32
    %dma_wait3A_886 = arith.constant 1 : i32
    %dma_wait3A_887 = arith.constant 0 : i32
    %dma_wait3A_888 = arith.constant 0 : i32
    %dma_wait3A_889 = tpu.memref_slice %arg8[%dma_wait3A_886, %dma_wait3A_887, %dma_wait3A_888] : memref<2x512x32xf32, #tpu.memory_space<vmem>> -> memref<1x512x32xf32, #tpu.memory_space<vmem>>
    %dma_wait3A_890 = tpu.memref_squeeze %dma_wait3A_889 : memref<1x512x32xf32, #tpu.memory_space<vmem>> -> memref<512x32xf32, #tpu.memory_space<vmem>>
    %dma_wait3A_891 = arith.constant 0 : i32
    %dma_wait3A_892 = tpu.memref_slice %arg6[%dma_wait3A_885, %dma_wait3A_891] : memref<2x512xi32, #tpu.memory_space<vmem>> -> memref<1x512xi32, #tpu.memory_space<vmem>>
    %dma_wait3A_893 = tpu.memref_squeeze %dma_wait3A_892 : memref<1x512xi32, #tpu.memory_space<vmem>> -> memref<512xi32, #tpu.memory_space<vmem>>
    %dma_wait3A_894 = arith.constant 0 : i32
    %dma_wait3A_895 = arith.constant 0 : i32
    %dma_wait3A_896 = tpu.memref_slice %arg4[%dma_wait3A_894, %dma_wait3A_895] : memref<2200000x32xf32, #tpu.memory_space<hbm>> -> memref<2200000x32xf32, #tpu.memory_space<hbm>>
    tpu.wait_indirect_dma semaphore(%arg12 : memref<!tpu.dma_semaphore, #tpu.memory_space<semaphore_mem>>) src(%dma_wait3A_896 : memref<2200000x32xf32, #tpu.memory_space<hbm>>) dst(%dma_wait3A_890 : memref<512x32xf32, #tpu.memory_space<vmem>>)
    %add3A_897 = arith.constant 3584 : i32
    %add3A_898 = arith.addi %mul3A_2, %add3A_897 : i32
    %dma_start3A_899 = arith.constant 1 : i32
    %dma_start3A_900 = arith.constant 0 : i32
    %dma_start3A_901 = arith.constant 0 : i32
    %dma_start3A_902 = arith.constant 0 : i32
    %dma_start3A_903 = tpu.memref_slice %arg7[%dma_start3A_899, %dma_start3A_901, %dma_start3A_902] : memref<2x512x32xf32, #tpu.memory_space<vmem>> -> memref<1x512x32xf32, #tpu.memory_space<vmem>>
    %dma_start3A_904 = tpu.memref_squeeze %dma_start3A_903 : memref<1x512x32xf32, #tpu.memory_space<vmem>> -> memref<512x32xf32, #tpu.memory_space<vmem>>
    %dma_start3A_905 = arith.constant 0 : i32
    %dma_start3A_906 = tpu.memref_slice %arg5[%add3A_898, %dma_start3A_900, %dma_start3A_905] : memref<360448x2x32xf32, #tpu.memory_space<hbm>> -> memref<512x1x32xf32, #tpu.memory_space<hbm>>
    %dma_start3A_907 = tpu.memref_squeeze %dma_start3A_906 : memref<512x1x32xf32, #tpu.memory_space<hbm>> -> memref<512x32xf32, #tpu.memory_space<hbm>>
    %dma_start3A_908 = arith.constant 0 : i32
    %dma_start3A_909 = tpu.memref_slice %arg5[%add3A_898, %dma_start3A_900, %dma_start3A_908] : memref<360448x2x32xf32, #tpu.memory_space<hbm>> -> memref<512x1x32xf32, #tpu.memory_space<hbm>>
    %dma_start3A_910 = tpu.memref_squeeze %dma_start3A_909 : memref<512x1x32xf32, #tpu.memory_space<hbm>> -> memref<512x32xf32, #tpu.memory_space<hbm>>
    %dma_start3A_911 = arith.constant 0 : i32
    %dma_start3A_912 = arith.constant 0 : i32
    %dma_start3A_913 = tpu.memref_slice %arg7[%dma_start3A_899, %dma_start3A_911, %dma_start3A_912] : memref<2x512x32xf32, #tpu.memory_space<vmem>> -> memref<1x512x32xf32, #tpu.memory_space<vmem>>
    %dma_start3A_914 = tpu.memref_squeeze %dma_start3A_913 : memref<1x512x32xf32, #tpu.memory_space<vmem>> -> memref<512x32xf32, #tpu.memory_space<vmem>>
    tpu.enqueue_dma source(%dma_start3A_914 : memref<512x32xf32, #tpu.memory_space<vmem>>) target(%dma_start3A_910 : memref<512x32xf32, #tpu.memory_space<hbm>>) target_semaphore(%arg14 : memref<!tpu.dma_semaphore, #tpu.memory_space<semaphore_mem>>)
    %dma_start3A_915 = arith.constant 1 : i32
    %dma_start3A_916 = arith.constant 1 : i32
    %dma_start3A_917 = arith.constant 0 : i32
    %dma_start3A_918 = arith.constant 0 : i32
    %dma_start3A_919 = tpu.memref_slice %arg8[%dma_start3A_915, %dma_start3A_917, %dma_start3A_918] : memref<2x512x32xf32, #tpu.memory_space<vmem>> -> memref<1x512x32xf32, #tpu.memory_space<vmem>>
    %dma_start3A_920 = tpu.memref_squeeze %dma_start3A_919 : memref<1x512x32xf32, #tpu.memory_space<vmem>> -> memref<512x32xf32, #tpu.memory_space<vmem>>
    %dma_start3A_921 = arith.constant 0 : i32
    %dma_start3A_922 = tpu.memref_slice %arg5[%add3A_898, %dma_start3A_916, %dma_start3A_921] : memref<360448x2x32xf32, #tpu.memory_space<hbm>> -> memref<512x1x32xf32, #tpu.memory_space<hbm>>
    %dma_start3A_923 = tpu.memref_squeeze %dma_start3A_922 : memref<512x1x32xf32, #tpu.memory_space<hbm>> -> memref<512x32xf32, #tpu.memory_space<hbm>>
    %dma_start3A_924 = arith.constant 0 : i32
    %dma_start3A_925 = tpu.memref_slice %arg5[%add3A_898, %dma_start3A_916, %dma_start3A_924] : memref<360448x2x32xf32, #tpu.memory_space<hbm>> -> memref<512x1x32xf32, #tpu.memory_space<hbm>>
    %dma_start3A_926 = tpu.memref_squeeze %dma_start3A_925 : memref<512x1x32xf32, #tpu.memory_space<hbm>> -> memref<512x32xf32, #tpu.memory_space<hbm>>
    %dma_start3A_927 = arith.constant 0 : i32
    %dma_start3A_928 = arith.constant 0 : i32
    %dma_start3A_929 = tpu.memref_slice %arg8[%dma_start3A_915, %dma_start3A_927, %dma_start3A_928] : memref<2x512x32xf32, #tpu.memory_space<vmem>> -> memref<1x512x32xf32, #tpu.memory_space<vmem>>
    %dma_start3A_930 = tpu.memref_squeeze %dma_start3A_929 : memref<1x512x32xf32, #tpu.memory_space<vmem>> -> memref<512x32xf32, #tpu.memory_space<vmem>>
    tpu.enqueue_dma source(%dma_start3A_930 : memref<512x32xf32, #tpu.memory_space<vmem>>) target(%dma_start3A_926 : memref<512x32xf32, #tpu.memory_space<hbm>>) target_semaphore(%arg14 : memref<!tpu.dma_semaphore, #tpu.memory_space<semaphore_mem>>)
    %dma_wait3A_931 = arith.constant 1 : i32
    %dma_wait3A_932 = arith.constant 0 : i32
    %dma_wait3A_933 = arith.constant 0 : i32
    %dma_wait3A_934 = arith.constant 0 : i32
    %dma_wait3A_935 = tpu.memref_slice %arg7[%dma_wait3A_931, %dma_wait3A_933, %dma_wait3A_934] : memref<2x512x32xf32, #tpu.memory_space<vmem>> -> memref<1x512x32xf32, #tpu.memory_space<vmem>>
    %dma_wait3A_936 = tpu.memref_squeeze %dma_wait3A_935 : memref<1x512x32xf32, #tpu.memory_space<vmem>> -> memref<512x32xf32, #tpu.memory_space<vmem>>
    %dma_wait3A_937 = arith.constant 0 : i32
    %dma_wait3A_938 = tpu.memref_slice %arg5[%add3A_898, %dma_wait3A_932, %dma_wait3A_937] : memref<360448x2x32xf32, #tpu.memory_space<hbm>> -> memref<512x1x32xf32, #tpu.memory_space<hbm>>
    %dma_wait3A_939 = tpu.memref_squeeze %dma_wait3A_938 : memref<512x1x32xf32, #tpu.memory_space<hbm>> -> memref<512x32xf32, #tpu.memory_space<hbm>>
    %dma_wait3A_940 = arith.constant 0 : i32
    %dma_wait3A_941 = tpu.memref_slice %arg5[%add3A_898, %dma_wait3A_932, %dma_wait3A_940] : memref<360448x2x32xf32, #tpu.memory_space<hbm>> -> memref<512x1x32xf32, #tpu.memory_space<hbm>>
    %dma_wait3A_942 = tpu.memref_squeeze %dma_wait3A_941 : memref<512x1x32xf32, #tpu.memory_space<hbm>> -> memref<512x32xf32, #tpu.memory_space<hbm>>
    %dma_wait3A_943 = arith.constant 0 : i32
    %dma_wait3A_944 = arith.constant 0 : i32
    %dma_wait3A_945 = tpu.memref_slice %arg7[%dma_wait3A_931, %dma_wait3A_943, %dma_wait3A_944] : memref<2x512x32xf32, #tpu.memory_space<vmem>> -> memref<1x512x32xf32, #tpu.memory_space<vmem>>
    %dma_wait3A_946 = tpu.memref_squeeze %dma_wait3A_945 : memref<1x512x32xf32, #tpu.memory_space<vmem>> -> memref<512x32xf32, #tpu.memory_space<vmem>>
    tpu.wait_dma2 semaphore(%arg14 : memref<!tpu.dma_semaphore, #tpu.memory_space<semaphore_mem>>) src(%dma_wait3A_946 : memref<512x32xf32, #tpu.memory_space<vmem>>) dst(%dma_wait3A_942 : memref<512x32xf32, #tpu.memory_space<hbm>>)
    %dma_wait3A_947 = arith.constant 1 : i32
    %dma_wait3A_948 = arith.constant 1 : i32
    %dma_wait3A_949 = arith.constant 0 : i32
    %dma_wait3A_950 = arith.constant 0 : i32
    %dma_wait3A_951 = tpu.memref_slice %arg8[%dma_wait3A_947, %dma_wait3A_949, %dma_wait3A_950] : memref<2x512x32xf32, #tpu.memory_space<vmem>> -> memref<1x512x32xf32, #tpu.memory_space<vmem>>
    %dma_wait3A_952 = tpu.memref_squeeze %dma_wait3A_951 : memref<1x512x32xf32, #tpu.memory_space<vmem>> -> memref<512x32xf32, #tpu.memory_space<vmem>>
    %dma_wait3A_953 = arith.constant 0 : i32
    %dma_wait3A_954 = tpu.memref_slice %arg5[%add3A_898, %dma_wait3A_948, %dma_wait3A_953] : memref<360448x2x32xf32, #tpu.memory_space<hbm>> -> memref<512x1x32xf32, #tpu.memory_space<hbm>>
    %dma_wait3A_955 = tpu.memref_squeeze %dma_wait3A_954 : memref<512x1x32xf32, #tpu.memory_space<hbm>> -> memref<512x32xf32, #tpu.memory_space<hbm>>
    %dma_wait3A_956 = arith.constant 0 : i32
    %dma_wait3A_957 = tpu.memref_slice %arg5[%add3A_898, %dma_wait3A_948, %dma_wait3A_956] : memref<360448x2x32xf32, #tpu.memory_space<hbm>> -> memref<512x1x32xf32, #tpu.memory_space<hbm>>
    %dma_wait3A_958 = tpu.memref_squeeze %dma_wait3A_957 : memref<512x1x32xf32, #tpu.memory_space<hbm>> -> memref<512x32xf32, #tpu.memory_space<hbm>>
    %dma_wait3A_959 = arith.constant 0 : i32
    %dma_wait3A_960 = arith.constant 0 : i32
    %dma_wait3A_961 = tpu.memref_slice %arg8[%dma_wait3A_947, %dma_wait3A_959, %dma_wait3A_960] : memref<2x512x32xf32, #tpu.memory_space<vmem>> -> memref<1x512x32xf32, #tpu.memory_space<vmem>>
    %dma_wait3A_962 = tpu.memref_squeeze %dma_wait3A_961 : memref<1x512x32xf32, #tpu.memory_space<vmem>> -> memref<512x32xf32, #tpu.memory_space<vmem>>
    tpu.wait_dma2 semaphore(%arg14 : memref<!tpu.dma_semaphore, #tpu.memory_space<semaphore_mem>>) src(%dma_wait3A_962 : memref<512x32xf32, #tpu.memory_space<vmem>>) dst(%dma_wait3A_958 : memref<512x32xf32, #tpu.memory_space<hbm>>)
    %add3A_963 = arith.constant 4608 : i32
    %add3A_964 = arith.addi %mul3A_2, %add3A_963 : i32
    %run_scoped3A_965 = arith.constant 1 : i32
    "tpu.region"() ({
      %run_scoped3A_2574 = tpu.sem_alloc : memref<!tpu.dma_semaphore, #tpu.memory_space<semaphore_mem>>
      %dma_start3A_2575 = arith.constant 0 : i32
      %dma_start3A_2576 = tpu.memref_slice %arg6[%run_scoped3A_965, %dma_start3A_2575] : memref<2x512xi32, #tpu.memory_space<vmem>> -> memref<1x512xi32, #tpu.memory_space<vmem>>
      %dma_start3A_2577 = tpu.memref_squeeze %dma_start3A_2576 : memref<1x512xi32, #tpu.memory_space<vmem>> -> memref<512xi32, #tpu.memory_space<vmem>>
      %dma_start3A_2578 = tpu.memref_slice %arg2[%add3A_964] : memref<360448xi32, #tpu.memory_space<hbm>> -> memref<512xi32, #tpu.memory_space<hbm>>
      %dma_start3A_2579 = arith.constant 0 : i32
      %dma_start3A_2580 = tpu.memref_slice %arg6[%run_scoped3A_965, %dma_start3A_2579] : memref<2x512xi32, #tpu.memory_space<vmem>> -> memref<1x512xi32, #tpu.memory_space<vmem>>
      %dma_start3A_2581 = tpu.memref_squeeze %dma_start3A_2580 : memref<1x512xi32, #tpu.memory_space<vmem>> -> memref<512xi32, #tpu.memory_space<vmem>>
      %dma_start3A_2582 = tpu.memref_slice %arg2[%add3A_964] : memref<360448xi32, #tpu.memory_space<hbm>> -> memref<512xi32, #tpu.memory_space<hbm>>
      tpu.enqueue_dma source(%dma_start3A_2582 : memref<512xi32, #tpu.memory_space<hbm>>) target(%dma_start3A_2581 : memref<512xi32, #tpu.memory_space<vmem>>) target_semaphore(%run_scoped3A_2574 : memref<!tpu.dma_semaphore, #tpu.memory_space<semaphore_mem>>)
      %dma_wait3A_2583 = arith.constant 0 : i32
      %dma_wait3A_2584 = tpu.memref_slice %arg6[%run_scoped3A_965, %dma_wait3A_2583] : memref<2x512xi32, #tpu.memory_space<vmem>> -> memref<1x512xi32, #tpu.memory_space<vmem>>
      %dma_wait3A_2585 = tpu.memref_squeeze %dma_wait3A_2584 : memref<1x512xi32, #tpu.memory_space<vmem>> -> memref<512xi32, #tpu.memory_space<vmem>>
      %dma_wait3A_2586 = tpu.memref_slice %arg2[%add3A_964] : memref<360448xi32, #tpu.memory_space<hbm>> -> memref<512xi32, #tpu.memory_space<hbm>>
      %dma_wait3A_2587 = arith.constant 0 : i32
      %dma_wait3A_2588 = tpu.memref_slice %arg6[%run_scoped3A_965, %dma_wait3A_2587] : memref<2x512xi32, #tpu.memory_space<vmem>> -> memref<1x512xi32, #tpu.memory_space<vmem>>
      %dma_wait3A_2589 = tpu.memref_squeeze %dma_wait3A_2588 : memref<1x512xi32, #tpu.memory_space<vmem>> -> memref<512xi32, #tpu.memory_space<vmem>>
      %dma_wait3A_2590 = tpu.memref_slice %arg2[%add3A_964] : memref<360448xi32, #tpu.memory_space<hbm>> -> memref<512xi32, #tpu.memory_space<hbm>>
      tpu.wait_dma2 semaphore(%run_scoped3A_2574 : memref<!tpu.dma_semaphore, #tpu.memory_space<semaphore_mem>>) src(%dma_wait3A_2590 : memref<512xi32, #tpu.memory_space<hbm>>) dst(%dma_wait3A_2589 : memref<512xi32, #tpu.memory_space<vmem>>)
      tpu.yield
    }) : () -> ()
    %dma_start3A_966 = arith.constant 1 : i32
    %dma_start3A_967 = arith.constant 1 : i32
    %dma_start3A_968 = arith.constant 0 : i32
    %dma_start3A_969 = arith.constant 0 : i32
    %dma_start3A_970 = tpu.memref_slice %arg7[%dma_start3A_967, %dma_start3A_968, %dma_start3A_969] : memref<2x512x32xf32, #tpu.memory_space<vmem>> -> memref<1x512x32xf32, #tpu.memory_space<vmem>>
    %dma_start3A_971 = tpu.memref_squeeze %dma_start3A_970 : memref<1x512x32xf32, #tpu.memory_space<vmem>> -> memref<512x32xf32, #tpu.memory_space<vmem>>
    %dma_start3A_972 = arith.constant 0 : i32
    %dma_start3A_973 = tpu.memref_slice %arg6[%dma_start3A_966, %dma_start3A_972] : memref<2x512xi32, #tpu.memory_space<vmem>> -> memref<1x512xi32, #tpu.memory_space<vmem>>
    %dma_start3A_974 = tpu.memref_squeeze %dma_start3A_973 : memref<1x512xi32, #tpu.memory_space<vmem>> -> memref<512xi32, #tpu.memory_space<vmem>>
    %dma_start3A_975 = arith.constant 0 : i32
    %dma_start3A_976 = arith.constant 0 : i32
    %dma_start3A_977 = tpu.memref_slice %arg3[%dma_start3A_975, %dma_start3A_976] : memref<2200000x32xf32, #tpu.memory_space<hbm>> -> memref<2200000x32xf32, #tpu.memory_space<hbm>>
    tpu.enqueue_indirect_dma source(%dma_start3A_977 : memref<2200000x32xf32, #tpu.memory_space<hbm>>) target(%dma_start3A_971 : memref<512x32xf32, #tpu.memory_space<vmem>>) offsets(%dma_start3A_974 : memref<512xi32, #tpu.memory_space<vmem>>) semaphore(%arg10 : memref<!tpu.dma_semaphore, #tpu.memory_space<semaphore_mem>>)
    %dma_start3A_978 = arith.constant 1 : i32
    %dma_start3A_979 = arith.constant 1 : i32
    %dma_start3A_980 = arith.constant 0 : i32
    %dma_start3A_981 = arith.constant 0 : i32
    %dma_start3A_982 = tpu.memref_slice %arg8[%dma_start3A_979, %dma_start3A_980, %dma_start3A_981] : memref<2x512x32xf32, #tpu.memory_space<vmem>> -> memref<1x512x32xf32, #tpu.memory_space<vmem>>
    %dma_start3A_983 = tpu.memref_squeeze %dma_start3A_982 : memref<1x512x32xf32, #tpu.memory_space<vmem>> -> memref<512x32xf32, #tpu.memory_space<vmem>>
    %dma_start3A_984 = arith.constant 0 : i32
    %dma_start3A_985 = tpu.memref_slice %arg6[%dma_start3A_978, %dma_start3A_984] : memref<2x512xi32, #tpu.memory_space<vmem>> -> memref<1x512xi32, #tpu.memory_space<vmem>>
    %dma_start3A_986 = tpu.memref_squeeze %dma_start3A_985 : memref<1x512xi32, #tpu.memory_space<vmem>> -> memref<512xi32, #tpu.memory_space<vmem>>
    %dma_start3A_987 = arith.constant 0 : i32
    %dma_start3A_988 = arith.constant 0 : i32
    %dma_start3A_989 = tpu.memref_slice %arg4[%dma_start3A_987, %dma_start3A_988] : memref<2200000x32xf32, #tpu.memory_space<hbm>> -> memref<2200000x32xf32, #tpu.memory_space<hbm>>
    tpu.enqueue_indirect_dma source(%dma_start3A_989 : memref<2200000x32xf32, #tpu.memory_space<hbm>>) target(%dma_start3A_983 : memref<512x32xf32, #tpu.memory_space<vmem>>) offsets(%dma_start3A_986 : memref<512xi32, #tpu.memory_space<vmem>>) semaphore(%arg12 : memref<!tpu.dma_semaphore, #tpu.memory_space<semaphore_mem>>)
    %dma_wait3A_990 = arith.constant 0 : i32
    %dma_wait3A_991 = arith.constant 0 : i32
    %dma_wait3A_992 = arith.constant 0 : i32
    %dma_wait3A_993 = arith.constant 0 : i32
    %dma_wait3A_994 = tpu.memref_slice %arg7[%dma_wait3A_991, %dma_wait3A_992, %dma_wait3A_993] : memref<2x512x32xf32, #tpu.memory_space<vmem>> -> memref<1x512x32xf32, #tpu.memory_space<vmem>>
    %dma_wait3A_995 = tpu.memref_squeeze %dma_wait3A_994 : memref<1x512x32xf32, #tpu.memory_space<vmem>> -> memref<512x32xf32, #tpu.memory_space<vmem>>
    %dma_wait3A_996 = arith.constant 0 : i32
    %dma_wait3A_997 = tpu.memref_slice %arg6[%dma_wait3A_990, %dma_wait3A_996] : memref<2x512xi32, #tpu.memory_space<vmem>> -> memref<1x512xi32, #tpu.memory_space<vmem>>
    %dma_wait3A_998 = tpu.memref_squeeze %dma_wait3A_997 : memref<1x512xi32, #tpu.memory_space<vmem>> -> memref<512xi32, #tpu.memory_space<vmem>>
    %dma_wait3A_999 = arith.constant 0 : i32
    %dma_wait3A_1000 = arith.constant 0 : i32
    %dma_wait3A_1001 = tpu.memref_slice %arg3[%dma_wait3A_999, %dma_wait3A_1000] : memref<2200000x32xf32, #tpu.memory_space<hbm>> -> memref<2200000x32xf32, #tpu.memory_space<hbm>>
    tpu.wait_indirect_dma semaphore(%arg9 : memref<!tpu.dma_semaphore, #tpu.memory_space<semaphore_mem>>) src(%dma_wait3A_1001 : memref<2200000x32xf32, #tpu.memory_space<hbm>>) dst(%dma_wait3A_995 : memref<512x32xf32, #tpu.memory_space<vmem>>)
    %dma_wait3A_1002 = arith.constant 0 : i32
    %dma_wait3A_1003 = arith.constant 0 : i32
    %dma_wait3A_1004 = arith.constant 0 : i32
    %dma_wait3A_1005 = arith.constant 0 : i32
    %dma_wait3A_1006 = tpu.memref_slice %arg8[%dma_wait3A_1003, %dma_wait3A_1004, %dma_wait3A_1005] : memref<2x512x32xf32, #tpu.memory_space<vmem>> -> memref<1x512x32xf32, #tpu.memory_space<vmem>>
    %dma_wait3A_1007 = tpu.memref_squeeze %dma_wait3A_1006 : memref<1x512x32xf32, #tpu.memory_space<vmem>> -> memref<512x32xf32, #tpu.memory_space<vmem>>
    %dma_wait3A_1008 = arith.constant 0 : i32
    %dma_wait3A_1009 = tpu.memref_slice %arg6[%dma_wait3A_1002, %dma_wait3A_1008] : memref<2x512xi32, #tpu.memory_space<vmem>> -> memref<1x512xi32, #tpu.memory_space<vmem>>
    %dma_wait3A_1010 = tpu.memref_squeeze %dma_wait3A_1009 : memref<1x512xi32, #tpu.memory_space<vmem>> -> memref<512xi32, #tpu.memory_space<vmem>>
    %dma_wait3A_1011 = arith.constant 0 : i32
    %dma_wait3A_1012 = arith.constant 0 : i32
    %dma_wait3A_1013 = tpu.memref_slice %arg4[%dma_wait3A_1011, %dma_wait3A_1012] : memref<2200000x32xf32, #tpu.memory_space<hbm>> -> memref<2200000x32xf32, #tpu.memory_space<hbm>>
    tpu.wait_indirect_dma semaphore(%arg11 : memref<!tpu.dma_semaphore, #tpu.memory_space<semaphore_mem>>) src(%dma_wait3A_1013 : memref<2200000x32xf32, #tpu.memory_space<hbm>>) dst(%dma_wait3A_1007 : memref<512x32xf32, #tpu.memory_space<vmem>>)
    %add3A_1014 = arith.constant 4096 : i32
    %add3A_1015 = arith.addi %mul3A_2, %add3A_1014 : i32
    %dma_start3A_1016 = arith.constant 0 : i32
    %dma_start3A_1017 = arith.constant 0 : i32
    %dma_start3A_1018 = arith.constant 0 : i32
    %dma_start3A_1019 = arith.constant 0 : i32
    %dma_start3A_1020 = tpu.memref_slice %arg7[%dma_start3A_1016, %dma_start3A_1018, %dma_start3A_1019] : memref<2x512x32xf32, #tpu.memory_space<vmem>> -> memref<1x512x32xf32, #tpu.memory_space<vmem>>
    %dma_start3A_1021 = tpu.memref_squeeze %dma_start3A_1020 : memref<1x512x32xf32, #tpu.memory_space<vmem>> -> memref<512x32xf32, #tpu.memory_space<vmem>>
    %dma_start3A_1022 = arith.constant 0 : i32
    %dma_start3A_1023 = tpu.memref_slice %arg5[%add3A_1015, %dma_start3A_1017, %dma_start3A_1022] : memref<360448x2x32xf32, #tpu.memory_space<hbm>> -> memref<512x1x32xf32, #tpu.memory_space<hbm>>
    %dma_start3A_1024 = tpu.memref_squeeze %dma_start3A_1023 : memref<512x1x32xf32, #tpu.memory_space<hbm>> -> memref<512x32xf32, #tpu.memory_space<hbm>>
    %dma_start3A_1025 = arith.constant 0 : i32
    %dma_start3A_1026 = tpu.memref_slice %arg5[%add3A_1015, %dma_start3A_1017, %dma_start3A_1025] : memref<360448x2x32xf32, #tpu.memory_space<hbm>> -> memref<512x1x32xf32, #tpu.memory_space<hbm>>
    %dma_start3A_1027 = tpu.memref_squeeze %dma_start3A_1026 : memref<512x1x32xf32, #tpu.memory_space<hbm>> -> memref<512x32xf32, #tpu.memory_space<hbm>>
    %dma_start3A_1028 = arith.constant 0 : i32
    %dma_start3A_1029 = arith.constant 0 : i32
    %dma_start3A_1030 = tpu.memref_slice %arg7[%dma_start3A_1016, %dma_start3A_1028, %dma_start3A_1029] : memref<2x512x32xf32, #tpu.memory_space<vmem>> -> memref<1x512x32xf32, #tpu.memory_space<vmem>>
    %dma_start3A_1031 = tpu.memref_squeeze %dma_start3A_1030 : memref<1x512x32xf32, #tpu.memory_space<vmem>> -> memref<512x32xf32, #tpu.memory_space<vmem>>
    tpu.enqueue_dma source(%dma_start3A_1031 : memref<512x32xf32, #tpu.memory_space<vmem>>) target(%dma_start3A_1027 : memref<512x32xf32, #tpu.memory_space<hbm>>) target_semaphore(%arg13 : memref<!tpu.dma_semaphore, #tpu.memory_space<semaphore_mem>>)
    %dma_start3A_1032 = arith.constant 0 : i32
    %dma_start3A_1033 = arith.constant 1 : i32
    %dma_start3A_1034 = arith.constant 0 : i32
    %dma_start3A_1035 = arith.constant 0 : i32
    %dma_start3A_1036 = tpu.memref_slice %arg8[%dma_start3A_1032, %dma_start3A_1034, %dma_start3A_1035] : memref<2x512x32xf32, #tpu.memory_space<vmem>> -> memref<1x512x32xf32, #tpu.memory_space<vmem>>
    %dma_start3A_1037 = tpu.memref_squeeze %dma_start3A_1036 : memref<1x512x32xf32, #tpu.memory_space<vmem>> -> memref<512x32xf32, #tpu.memory_space<vmem>>
    %dma_start3A_1038 = arith.constant 0 : i32
    %dma_start3A_1039 = tpu.memref_slice %arg5[%add3A_1015, %dma_start3A_1033, %dma_start3A_1038] : memref<360448x2x32xf32, #tpu.memory_space<hbm>> -> memref<512x1x32xf32, #tpu.memory_space<hbm>>
    %dma_start3A_1040 = tpu.memref_squeeze %dma_start3A_1039 : memref<512x1x32xf32, #tpu.memory_space<hbm>> -> memref<512x32xf32, #tpu.memory_space<hbm>>
    %dma_start3A_1041 = arith.constant 0 : i32
    %dma_start3A_1042 = tpu.memref_slice %arg5[%add3A_1015, %dma_start3A_1033, %dma_start3A_1041] : memref<360448x2x32xf32, #tpu.memory_space<hbm>> -> memref<512x1x32xf32, #tpu.memory_space<hbm>>
    %dma_start3A_1043 = tpu.memref_squeeze %dma_start3A_1042 : memref<512x1x32xf32, #tpu.memory_space<hbm>> -> memref<512x32xf32, #tpu.memory_space<hbm>>
    %dma_start3A_1044 = arith.constant 0 : i32
    %dma_start3A_1045 = arith.constant 0 : i32
    %dma_start3A_1046 = tpu.memref_slice %arg8[%dma_start3A_1032, %dma_start3A_1044, %dma_start3A_1045] : memref<2x512x32xf32, #tpu.memory_space<vmem>> -> memref<1x512x32xf32, #tpu.memory_space<vmem>>
    %dma_start3A_1047 = tpu.memref_squeeze %dma_start3A_1046 : memref<1x512x32xf32, #tpu.memory_space<vmem>> -> memref<512x32xf32, #tpu.memory_space<vmem>>
    tpu.enqueue_dma source(%dma_start3A_1047 : memref<512x32xf32, #tpu.memory_space<vmem>>) target(%dma_start3A_1043 : memref<512x32xf32, #tpu.memory_space<hbm>>) target_semaphore(%arg13 : memref<!tpu.dma_semaphore, #tpu.memory_space<semaphore_mem>>)
    %dma_wait3A_1048 = arith.constant 0 : i32
    %dma_wait3A_1049 = arith.constant 0 : i32
    %dma_wait3A_1050 = arith.constant 0 : i32
    %dma_wait3A_1051 = arith.constant 0 : i32
    %dma_wait3A_1052 = tpu.memref_slice %arg7[%dma_wait3A_1048, %dma_wait3A_1050, %dma_wait3A_1051] : memref<2x512x32xf32, #tpu.memory_space<vmem>> -> memref<1x512x32xf32, #tpu.memory_space<vmem>>
    %dma_wait3A_1053 = tpu.memref_squeeze %dma_wait3A_1052 : memref<1x512x32xf32, #tpu.memory_space<vmem>> -> memref<512x32xf32, #tpu.memory_space<vmem>>
    %dma_wait3A_1054 = arith.constant 0 : i32
    %dma_wait3A_1055 = tpu.memref_slice %arg5[%add3A_1015, %dma_wait3A_1049, %dma_wait3A_1054] : memref<360448x2x32xf32, #tpu.memory_space<hbm>> -> memref<512x1x32xf32, #tpu.memory_space<hbm>>
    %dma_wait3A_1056 = tpu.memref_squeeze %dma_wait3A_1055 : memref<512x1x32xf32, #tpu.memory_space<hbm>> -> memref<512x32xf32, #tpu.memory_space<hbm>>
    %dma_wait3A_1057 = arith.constant 0 : i32
    %dma_wait3A_1058 = tpu.memref_slice %arg5[%add3A_1015, %dma_wait3A_1049, %dma_wait3A_1057] : memref<360448x2x32xf32, #tpu.memory_space<hbm>> -> memref<512x1x32xf32, #tpu.memory_space<hbm>>
    %dma_wait3A_1059 = tpu.memref_squeeze %dma_wait3A_1058 : memref<512x1x32xf32, #tpu.memory_space<hbm>> -> memref<512x32xf32, #tpu.memory_space<hbm>>
    %dma_wait3A_1060 = arith.constant 0 : i32
    %dma_wait3A_1061 = arith.constant 0 : i32
    %dma_wait3A_1062 = tpu.memref_slice %arg7[%dma_wait3A_1048, %dma_wait3A_1060, %dma_wait3A_1061] : memref<2x512x32xf32, #tpu.memory_space<vmem>> -> memref<1x512x32xf32, #tpu.memory_space<vmem>>
    %dma_wait3A_1063 = tpu.memref_squeeze %dma_wait3A_1062 : memref<1x512x32xf32, #tpu.memory_space<vmem>> -> memref<512x32xf32, #tpu.memory_space<vmem>>
    tpu.wait_dma2 semaphore(%arg13 : memref<!tpu.dma_semaphore, #tpu.memory_space<semaphore_mem>>) src(%dma_wait3A_1063 : memref<512x32xf32, #tpu.memory_space<vmem>>) dst(%dma_wait3A_1059 : memref<512x32xf32, #tpu.memory_space<hbm>>)
    %dma_wait3A_1064 = arith.constant 0 : i32
    %dma_wait3A_1065 = arith.constant 1 : i32
    %dma_wait3A_1066 = arith.constant 0 : i32
    %dma_wait3A_1067 = arith.constant 0 : i32
    %dma_wait3A_1068 = tpu.memref_slice %arg8[%dma_wait3A_1064, %dma_wait3A_1066, %dma_wait3A_1067] : memref<2x512x32xf32, #tpu.memory_space<vmem>> -> memref<1x512x32xf32, #tpu.memory_space<vmem>>
    %dma_wait3A_1069 = tpu.memref_squeeze %dma_wait3A_1068 : memref<1x512x32xf32, #tpu.memory_space<vmem>> -> memref<512x32xf32, #tpu.memory_space<vmem>>
    %dma_wait3A_1070 = arith.constant 0 : i32
    %dma_wait3A_1071 = tpu.memref_slice %arg5[%add3A_1015, %dma_wait3A_1065, %dma_wait3A_1070] : memref<360448x2x32xf32, #tpu.memory_space<hbm>> -> memref<512x1x32xf32, #tpu.memory_space<hbm>>
    %dma_wait3A_1072 = tpu.memref_squeeze %dma_wait3A_1071 : memref<512x1x32xf32, #tpu.memory_space<hbm>> -> memref<512x32xf32, #tpu.memory_space<hbm>>
    %dma_wait3A_1073 = arith.constant 0 : i32
    %dma_wait3A_1074 = tpu.memref_slice %arg5[%add3A_1015, %dma_wait3A_1065, %dma_wait3A_1073] : memref<360448x2x32xf32, #tpu.memory_space<hbm>> -> memref<512x1x32xf32, #tpu.memory_space<hbm>>
    %dma_wait3A_1075 = tpu.memref_squeeze %dma_wait3A_1074 : memref<512x1x32xf32, #tpu.memory_space<hbm>> -> memref<512x32xf32, #tpu.memory_space<hbm>>
    %dma_wait3A_1076 = arith.constant 0 : i32
    %dma_wait3A_1077 = arith.constant 0 : i32
    %dma_wait3A_1078 = tpu.memref_slice %arg8[%dma_wait3A_1064, %dma_wait3A_1076, %dma_wait3A_1077] : memref<2x512x32xf32, #tpu.memory_space<vmem>> -> memref<1x512x32xf32, #tpu.memory_space<vmem>>
    %dma_wait3A_1079 = tpu.memref_squeeze %dma_wait3A_1078 : memref<1x512x32xf32, #tpu.memory_space<vmem>> -> memref<512x32xf32, #tpu.memory_space<vmem>>
    tpu.wait_dma2 semaphore(%arg13 : memref<!tpu.dma_semaphore, #tpu.memory_space<semaphore_mem>>) src(%dma_wait3A_1079 : memref<512x32xf32, #tpu.memory_space<vmem>>) dst(%dma_wait3A_1075 : memref<512x32xf32, #tpu.memory_space<hbm>>)
    %add3A_1080 = arith.constant 5120 : i32
    %add3A_1081 = arith.addi %mul3A_2, %add3A_1080 : i32
    %run_scoped3A_1082 = arith.constant 0 : i32
    "tpu.region"() ({
      %run_scoped3A_2574 = tpu.sem_alloc : memref<!tpu.dma_semaphore, #tpu.memory_space<semaphore_mem>>
      %dma_start3A_2575 = arith.constant 0 : i32
      %dma_start3A_2576 = tpu.memref_slice %arg6[%run_scoped3A_1082, %dma_start3A_2575] : memref<2x512xi32, #tpu.memory_space<vmem>> -> memref<1x512xi32, #tpu.memory_space<vmem>>
      %dma_start3A_2577 = tpu.memref_squeeze %dma_start3A_2576 : memref<1x512xi32, #tpu.memory_space<vmem>> -> memref<512xi32, #tpu.memory_space<vmem>>
      %dma_start3A_2578 = tpu.memref_slice %arg2[%add3A_1081] : memref<360448xi32, #tpu.memory_space<hbm>> -> memref<512xi32, #tpu.memory_space<hbm>>
      %dma_start3A_2579 = arith.constant 0 : i32
      %dma_start3A_2580 = tpu.memref_slice %arg6[%run_scoped3A_1082, %dma_start3A_2579] : memref<2x512xi32, #tpu.memory_space<vmem>> -> memref<1x512xi32, #tpu.memory_space<vmem>>
      %dma_start3A_2581 = tpu.memref_squeeze %dma_start3A_2580 : memref<1x512xi32, #tpu.memory_space<vmem>> -> memref<512xi32, #tpu.memory_space<vmem>>
      %dma_start3A_2582 = tpu.memref_slice %arg2[%add3A_1081] : memref<360448xi32, #tpu.memory_space<hbm>> -> memref<512xi32, #tpu.memory_space<hbm>>
      tpu.enqueue_dma source(%dma_start3A_2582 : memref<512xi32, #tpu.memory_space<hbm>>) target(%dma_start3A_2581 : memref<512xi32, #tpu.memory_space<vmem>>) target_semaphore(%run_scoped3A_2574 : memref<!tpu.dma_semaphore, #tpu.memory_space<semaphore_mem>>)
      %dma_wait3A_2583 = arith.constant 0 : i32
      %dma_wait3A_2584 = tpu.memref_slice %arg6[%run_scoped3A_1082, %dma_wait3A_2583] : memref<2x512xi32, #tpu.memory_space<vmem>> -> memref<1x512xi32, #tpu.memory_space<vmem>>
      %dma_wait3A_2585 = tpu.memref_squeeze %dma_wait3A_2584 : memref<1x512xi32, #tpu.memory_space<vmem>> -> memref<512xi32, #tpu.memory_space<vmem>>
      %dma_wait3A_2586 = tpu.memref_slice %arg2[%add3A_1081] : memref<360448xi32, #tpu.memory_space<hbm>> -> memref<512xi32, #tpu.memory_space<hbm>>
      %dma_wait3A_2587 = arith.constant 0 : i32
      %dma_wait3A_2588 = tpu.memref_slice %arg6[%run_scoped3A_1082, %dma_wait3A_2587] : memref<2x512xi32, #tpu.memory_space<vmem>> -> memref<1x512xi32, #tpu.memory_space<vmem>>
      %dma_wait3A_2589 = tpu.memref_squeeze %dma_wait3A_2588 : memref<1x512xi32, #tpu.memory_space<vmem>> -> memref<512xi32, #tpu.memory_space<vmem>>
      %dma_wait3A_2590 = tpu.memref_slice %arg2[%add3A_1081] : memref<360448xi32, #tpu.memory_space<hbm>> -> memref<512xi32, #tpu.memory_space<hbm>>
      tpu.wait_dma2 semaphore(%run_scoped3A_2574 : memref<!tpu.dma_semaphore, #tpu.memory_space<semaphore_mem>>) src(%dma_wait3A_2590 : memref<512xi32, #tpu.memory_space<hbm>>) dst(%dma_wait3A_2589 : memref<512xi32, #tpu.memory_space<vmem>>)
      tpu.yield
    }) : () -> ()
    %dma_start3A_1083 = arith.constant 0 : i32
    %dma_start3A_1084 = arith.constant 0 : i32
    %dma_start3A_1085 = arith.constant 0 : i32
    %dma_start3A_1086 = arith.constant 0 : i32
    %dma_start3A_1087 = tpu.memref_slice %arg7[%dma_start3A_1084, %dma_start3A_1085, %dma_start3A_1086] : memref<2x512x32xf32, #tpu.memory_space<vmem>> -> memref<1x512x32xf32, #tpu.memory_space<vmem>>
    %dma_start3A_1088 = tpu.memref_squeeze %dma_start3A_1087 : memref<1x512x32xf32, #tpu.memory_space<vmem>> -> memref<512x32xf32, #tpu.memory_space<vmem>>
    %dma_start3A_1089 = arith.constant 0 : i32
    %dma_start3A_1090 = tpu.memref_slice %arg6[%dma_start3A_1083, %dma_start3A_1089] : memref<2x512xi32, #tpu.memory_space<vmem>> -> memref<1x512xi32, #tpu.memory_space<vmem>>
    %dma_start3A_1091 = tpu.memref_squeeze %dma_start3A_1090 : memref<1x512xi32, #tpu.memory_space<vmem>> -> memref<512xi32, #tpu.memory_space<vmem>>
    %dma_start3A_1092 = arith.constant 0 : i32
    %dma_start3A_1093 = arith.constant 0 : i32
    %dma_start3A_1094 = tpu.memref_slice %arg3[%dma_start3A_1092, %dma_start3A_1093] : memref<2200000x32xf32, #tpu.memory_space<hbm>> -> memref<2200000x32xf32, #tpu.memory_space<hbm>>
    tpu.enqueue_indirect_dma source(%dma_start3A_1094 : memref<2200000x32xf32, #tpu.memory_space<hbm>>) target(%dma_start3A_1088 : memref<512x32xf32, #tpu.memory_space<vmem>>) offsets(%dma_start3A_1091 : memref<512xi32, #tpu.memory_space<vmem>>) semaphore(%arg9 : memref<!tpu.dma_semaphore, #tpu.memory_space<semaphore_mem>>)
    %dma_start3A_1095 = arith.constant 0 : i32
    %dma_start3A_1096 = arith.constant 0 : i32
    %dma_start3A_1097 = arith.constant 0 : i32
    %dma_start3A_1098 = arith.constant 0 : i32
    %dma_start3A_1099 = tpu.memref_slice %arg8[%dma_start3A_1096, %dma_start3A_1097, %dma_start3A_1098] : memref<2x512x32xf32, #tpu.memory_space<vmem>> -> memref<1x512x32xf32, #tpu.memory_space<vmem>>
    %dma_start3A_1100 = tpu.memref_squeeze %dma_start3A_1099 : memref<1x512x32xf32, #tpu.memory_space<vmem>> -> memref<512x32xf32, #tpu.memory_space<vmem>>
    %dma_start3A_1101 = arith.constant 0 : i32
    %dma_start3A_1102 = tpu.memref_slice %arg6[%dma_start3A_1095, %dma_start3A_1101] : memref<2x512xi32, #tpu.memory_space<vmem>> -> memref<1x512xi32, #tpu.memory_space<vmem>>
    %dma_start3A_1103 = tpu.memref_squeeze %dma_start3A_1102 : memref<1x512xi32, #tpu.memory_space<vmem>> -> memref<512xi32, #tpu.memory_space<vmem>>
    %dma_start3A_1104 = arith.constant 0 : i32
    %dma_start3A_1105 = arith.constant 0 : i32
    %dma_start3A_1106 = tpu.memref_slice %arg4[%dma_start3A_1104, %dma_start3A_1105] : memref<2200000x32xf32, #tpu.memory_space<hbm>> -> memref<2200000x32xf32, #tpu.memory_space<hbm>>
    tpu.enqueue_indirect_dma source(%dma_start3A_1106 : memref<2200000x32xf32, #tpu.memory_space<hbm>>) target(%dma_start3A_1100 : memref<512x32xf32, #tpu.memory_space<vmem>>) offsets(%dma_start3A_1103 : memref<512xi32, #tpu.memory_space<vmem>>) semaphore(%arg11 : memref<!tpu.dma_semaphore, #tpu.memory_space<semaphore_mem>>)
    %dma_wait3A_1107 = arith.constant 1 : i32
    %dma_wait3A_1108 = arith.constant 1 : i32
    %dma_wait3A_1109 = arith.constant 0 : i32
    %dma_wait3A_1110 = arith.constant 0 : i32
    %dma_wait3A_1111 = tpu.memref_slice %arg7[%dma_wait3A_1108, %dma_wait3A_1109, %dma_wait3A_1110] : memref<2x512x32xf32, #tpu.memory_space<vmem>> -> memref<1x512x32xf32, #tpu.memory_space<vmem>>
    %dma_wait3A_1112 = tpu.memref_squeeze %dma_wait3A_1111 : memref<1x512x32xf32, #tpu.memory_space<vmem>> -> memref<512x32xf32, #tpu.memory_space<vmem>>
    %dma_wait3A_1113 = arith.constant 0 : i32
    %dma_wait3A_1114 = tpu.memref_slice %arg6[%dma_wait3A_1107, %dma_wait3A_1113] : memref<2x512xi32, #tpu.memory_space<vmem>> -> memref<1x512xi32, #tpu.memory_space<vmem>>
    %dma_wait3A_1115 = tpu.memref_squeeze %dma_wait3A_1114 : memref<1x512xi32, #tpu.memory_space<vmem>> -> memref<512xi32, #tpu.memory_space<vmem>>
    %dma_wait3A_1116 = arith.constant 0 : i32
    %dma_wait3A_1117 = arith.constant 0 : i32
    %dma_wait3A_1118 = tpu.memref_slice %arg3[%dma_wait3A_1116, %dma_wait3A_1117] : memref<2200000x32xf32, #tpu.memory_space<hbm>> -> memref<2200000x32xf32, #tpu.memory_space<hbm>>
    tpu.wait_indirect_dma semaphore(%arg10 : memref<!tpu.dma_semaphore, #tpu.memory_space<semaphore_mem>>) src(%dma_wait3A_1118 : memref<2200000x32xf32, #tpu.memory_space<hbm>>) dst(%dma_wait3A_1112 : memref<512x32xf32, #tpu.memory_space<vmem>>)
    %dma_wait3A_1119 = arith.constant 1 : i32
    %dma_wait3A_1120 = arith.constant 1 : i32
    %dma_wait3A_1121 = arith.constant 0 : i32
    %dma_wait3A_1122 = arith.constant 0 : i32
    %dma_wait3A_1123 = tpu.memref_slice %arg8[%dma_wait3A_1120, %dma_wait3A_1121, %dma_wait3A_1122] : memref<2x512x32xf32, #tpu.memory_space<vmem>> -> memref<1x512x32xf32, #tpu.memory_space<vmem>>
    %dma_wait3A_1124 = tpu.memref_squeeze %dma_wait3A_1123 : memref<1x512x32xf32, #tpu.memory_space<vmem>> -> memref<512x32xf32, #tpu.memory_space<vmem>>
    %dma_wait3A_1125 = arith.constant 0 : i32
    %dma_wait3A_1126 = tpu.memref_slice %arg6[%dma_wait3A_1119, %dma_wait3A_1125] : memref<2x512xi32, #tpu.memory_space<vmem>> -> memref<1x512xi32, #tpu.memory_space<vmem>>
    %dma_wait3A_1127 = tpu.memref_squeeze %dma_wait3A_1126 : memref<1x512xi32, #tpu.memory_space<vmem>> -> memref<512xi32, #tpu.memory_space<vmem>>
    %dma_wait3A_1128 = arith.constant 0 : i32
    %dma_wait3A_1129 = arith.constant 0 : i32
    %dma_wait3A_1130 = tpu.memref_slice %arg4[%dma_wait3A_1128, %dma_wait3A_1129] : memref<2200000x32xf32, #tpu.memory_space<hbm>> -> memref<2200000x32xf32, #tpu.memory_space<hbm>>
    tpu.wait_indirect_dma semaphore(%arg12 : memref<!tpu.dma_semaphore, #tpu.memory_space<semaphore_mem>>) src(%dma_wait3A_1130 : memref<2200000x32xf32, #tpu.memory_space<hbm>>) dst(%dma_wait3A_1124 : memref<512x32xf32, #tpu.memory_space<vmem>>)
    %add3A_1131 = arith.constant 4608 : i32
    %add3A_1132 = arith.addi %mul3A_2, %add3A_1131 : i32
    %dma_start3A_1133 = arith.constant 1 : i32
    %dma_start3A_1134 = arith.constant 0 : i32
    %dma_start3A_1135 = arith.constant 0 : i32
    %dma_start3A_1136 = arith.constant 0 : i32
    %dma_start3A_1137 = tpu.memref_slice %arg7[%dma_start3A_1133, %dma_start3A_1135, %dma_start3A_1136] : memref<2x512x32xf32, #tpu.memory_space<vmem>> -> memref<1x512x32xf32, #tpu.memory_space<vmem>>
    %dma_start3A_1138 = tpu.memref_squeeze %dma_start3A_1137 : memref<1x512x32xf32, #tpu.memory_space<vmem>> -> memref<512x32xf32, #tpu.memory_space<vmem>>
    %dma_start3A_1139 = arith.constant 0 : i32
    %dma_start3A_1140 = tpu.memref_slice %arg5[%add3A_1132, %dma_start3A_1134, %dma_start3A_1139] : memref<360448x2x32xf32, #tpu.memory_space<hbm>> -> memref<512x1x32xf32, #tpu.memory_space<hbm>>
    %dma_start3A_1141 = tpu.memref_squeeze %dma_start3A_1140 : memref<512x1x32xf32, #tpu.memory_space<hbm>> -> memref<512x32xf32, #tpu.memory_space<hbm>>
    %dma_start3A_1142 = arith.constant 0 : i32
    %dma_start3A_1143 = tpu.memref_slice %arg5[%add3A_1132, %dma_start3A_1134, %dma_start3A_1142] : memref<360448x2x32xf32, #tpu.memory_space<hbm>> -> memref<512x1x32xf32, #tpu.memory_space<hbm>>
    %dma_start3A_1144 = tpu.memref_squeeze %dma_start3A_1143 : memref<512x1x32xf32, #tpu.memory_space<hbm>> -> memref<512x32xf32, #tpu.memory_space<hbm>>
    %dma_start3A_1145 = arith.constant 0 : i32
    %dma_start3A_1146 = arith.constant 0 : i32
    %dma_start3A_1147 = tpu.memref_slice %arg7[%dma_start3A_1133, %dma_start3A_1145, %dma_start3A_1146] : memref<2x512x32xf32, #tpu.memory_space<vmem>> -> memref<1x512x32xf32, #tpu.memory_space<vmem>>
    %dma_start3A_1148 = tpu.memref_squeeze %dma_start3A_1147 : memref<1x512x32xf32, #tpu.memory_space<vmem>> -> memref<512x32xf32, #tpu.memory_space<vmem>>
    tpu.enqueue_dma source(%dma_start3A_1148 : memref<512x32xf32, #tpu.memory_space<vmem>>) target(%dma_start3A_1144 : memref<512x32xf32, #tpu.memory_space<hbm>>) target_semaphore(%arg14 : memref<!tpu.dma_semaphore, #tpu.memory_space<semaphore_mem>>)
    %dma_start3A_1149 = arith.constant 1 : i32
    %dma_start3A_1150 = arith.constant 1 : i32
    %dma_start3A_1151 = arith.constant 0 : i32
    %dma_start3A_1152 = arith.constant 0 : i32
    %dma_start3A_1153 = tpu.memref_slice %arg8[%dma_start3A_1149, %dma_start3A_1151, %dma_start3A_1152] : memref<2x512x32xf32, #tpu.memory_space<vmem>> -> memref<1x512x32xf32, #tpu.memory_space<vmem>>
    %dma_start3A_1154 = tpu.memref_squeeze %dma_start3A_1153 : memref<1x512x32xf32, #tpu.memory_space<vmem>> -> memref<512x32xf32, #tpu.memory_space<vmem>>
    %dma_start3A_1155 = arith.constant 0 : i32
    %dma_start3A_1156 = tpu.memref_slice %arg5[%add3A_1132, %dma_start3A_1150, %dma_start3A_1155] : memref<360448x2x32xf32, #tpu.memory_space<hbm>> -> memref<512x1x32xf32, #tpu.memory_space<hbm>>
    %dma_start3A_1157 = tpu.memref_squeeze %dma_start3A_1156 : memref<512x1x32xf32, #tpu.memory_space<hbm>> -> memref<512x32xf32, #tpu.memory_space<hbm>>
    %dma_start3A_1158 = arith.constant 0 : i32
    %dma_start3A_1159 = tpu.memref_slice %arg5[%add3A_1132, %dma_start3A_1150, %dma_start3A_1158] : memref<360448x2x32xf32, #tpu.memory_space<hbm>> -> memref<512x1x32xf32, #tpu.memory_space<hbm>>
    %dma_start3A_1160 = tpu.memref_squeeze %dma_start3A_1159 : memref<512x1x32xf32, #tpu.memory_space<hbm>> -> memref<512x32xf32, #tpu.memory_space<hbm>>
    %dma_start3A_1161 = arith.constant 0 : i32
    %dma_start3A_1162 = arith.constant 0 : i32
    %dma_start3A_1163 = tpu.memref_slice %arg8[%dma_start3A_1149, %dma_start3A_1161, %dma_start3A_1162] : memref<2x512x32xf32, #tpu.memory_space<vmem>> -> memref<1x512x32xf32, #tpu.memory_space<vmem>>
    %dma_start3A_1164 = tpu.memref_squeeze %dma_start3A_1163 : memref<1x512x32xf32, #tpu.memory_space<vmem>> -> memref<512x32xf32, #tpu.memory_space<vmem>>
    tpu.enqueue_dma source(%dma_start3A_1164 : memref<512x32xf32, #tpu.memory_space<vmem>>) target(%dma_start3A_1160 : memref<512x32xf32, #tpu.memory_space<hbm>>) target_semaphore(%arg14 : memref<!tpu.dma_semaphore, #tpu.memory_space<semaphore_mem>>)
    %dma_wait3A_1165 = arith.constant 1 : i32
    %dma_wait3A_1166 = arith.constant 0 : i32
    %dma_wait3A_1167 = arith.constant 0 : i32
    %dma_wait3A_1168 = arith.constant 0 : i32
    %dma_wait3A_1169 = tpu.memref_slice %arg7[%dma_wait3A_1165, %dma_wait3A_1167, %dma_wait3A_1168] : memref<2x512x32xf32, #tpu.memory_space<vmem>> -> memref<1x512x32xf32, #tpu.memory_space<vmem>>
    %dma_wait3A_1170 = tpu.memref_squeeze %dma_wait3A_1169 : memref<1x512x32xf32, #tpu.memory_space<vmem>> -> memref<512x32xf32, #tpu.memory_space<vmem>>
    %dma_wait3A_1171 = arith.constant 0 : i32
    %dma_wait3A_1172 = tpu.memref_slice %arg5[%add3A_1132, %dma_wait3A_1166, %dma_wait3A_1171] : memref<360448x2x32xf32, #tpu.memory_space<hbm>> -> memref<512x1x32xf32, #tpu.memory_space<hbm>>
    %dma_wait3A_1173 = tpu.memref_squeeze %dma_wait3A_1172 : memref<512x1x32xf32, #tpu.memory_space<hbm>> -> memref<512x32xf32, #tpu.memory_space<hbm>>
    %dma_wait3A_1174 = arith.constant 0 : i32
    %dma_wait3A_1175 = tpu.memref_slice %arg5[%add3A_1132, %dma_wait3A_1166, %dma_wait3A_1174] : memref<360448x2x32xf32, #tpu.memory_space<hbm>> -> memref<512x1x32xf32, #tpu.memory_space<hbm>>
    %dma_wait3A_1176 = tpu.memref_squeeze %dma_wait3A_1175 : memref<512x1x32xf32, #tpu.memory_space<hbm>> -> memref<512x32xf32, #tpu.memory_space<hbm>>
    %dma_wait3A_1177 = arith.constant 0 : i32
    %dma_wait3A_1178 = arith.constant 0 : i32
    %dma_wait3A_1179 = tpu.memref_slice %arg7[%dma_wait3A_1165, %dma_wait3A_1177, %dma_wait3A_1178] : memref<2x512x32xf32, #tpu.memory_space<vmem>> -> memref<1x512x32xf32, #tpu.memory_space<vmem>>
    %dma_wait3A_1180 = tpu.memref_squeeze %dma_wait3A_1179 : memref<1x512x32xf32, #tpu.memory_space<vmem>> -> memref<512x32xf32, #tpu.memory_space<vmem>>
    tpu.wait_dma2 semaphore(%arg14 : memref<!tpu.dma_semaphore, #tpu.memory_space<semaphore_mem>>) src(%dma_wait3A_1180 : memref<512x32xf32, #tpu.memory_space<vmem>>) dst(%dma_wait3A_1176 : memref<512x32xf32, #tpu.memory_space<hbm>>)
    %dma_wait3A_1181 = arith.constant 1 : i32
    %dma_wait3A_1182 = arith.constant 1 : i32
    %dma_wait3A_1183 = arith.constant 0 : i32
    %dma_wait3A_1184 = arith.constant 0 : i32
    %dma_wait3A_1185 = tpu.memref_slice %arg8[%dma_wait3A_1181, %dma_wait3A_1183, %dma_wait3A_1184] : memref<2x512x32xf32, #tpu.memory_space<vmem>> -> memref<1x512x32xf32, #tpu.memory_space<vmem>>
    %dma_wait3A_1186 = tpu.memref_squeeze %dma_wait3A_1185 : memref<1x512x32xf32, #tpu.memory_space<vmem>> -> memref<512x32xf32, #tpu.memory_space<vmem>>
    %dma_wait3A_1187 = arith.constant 0 : i32
    %dma_wait3A_1188 = tpu.memref_slice %arg5[%add3A_1132, %dma_wait3A_1182, %dma_wait3A_1187] : memref<360448x2x32xf32, #tpu.memory_space<hbm>> -> memref<512x1x32xf32, #tpu.memory_space<hbm>>
    %dma_wait3A_1189 = tpu.memref_squeeze %dma_wait3A_1188 : memref<512x1x32xf32, #tpu.memory_space<hbm>> -> memref<512x32xf32, #tpu.memory_space<hbm>>
    %dma_wait3A_1190 = arith.constant 0 : i32
    %dma_wait3A_1191 = tpu.memref_slice %arg5[%add3A_1132, %dma_wait3A_1182, %dma_wait3A_1190] : memref<360448x2x32xf32, #tpu.memory_space<hbm>> -> memref<512x1x32xf32, #tpu.memory_space<hbm>>
    %dma_wait3A_1192 = tpu.memref_squeeze %dma_wait3A_1191 : memref<512x1x32xf32, #tpu.memory_space<hbm>> -> memref<512x32xf32, #tpu.memory_space<hbm>>
    %dma_wait3A_1193 = arith.constant 0 : i32
    %dma_wait3A_1194 = arith.constant 0 : i32
    %dma_wait3A_1195 = tpu.memref_slice %arg8[%dma_wait3A_1181, %dma_wait3A_1193, %dma_wait3A_1194] : memref<2x512x32xf32, #tpu.memory_space<vmem>> -> memref<1x512x32xf32, #tpu.memory_space<vmem>>
    %dma_wait3A_1196 = tpu.memref_squeeze %dma_wait3A_1195 : memref<1x512x32xf32, #tpu.memory_space<vmem>> -> memref<512x32xf32, #tpu.memory_space<vmem>>
    tpu.wait_dma2 semaphore(%arg14 : memref<!tpu.dma_semaphore, #tpu.memory_space<semaphore_mem>>) src(%dma_wait3A_1196 : memref<512x32xf32, #tpu.memory_space<vmem>>) dst(%dma_wait3A_1192 : memref<512x32xf32, #tpu.memory_space<hbm>>)
    %add3A_1197 = arith.constant 5632 : i32
    %add3A_1198 = arith.addi %mul3A_2, %add3A_1197 : i32
    %run_scoped3A_1199 = arith.constant 1 : i32
    "tpu.region"() ({
      %run_scoped3A_2574 = tpu.sem_alloc : memref<!tpu.dma_semaphore, #tpu.memory_space<semaphore_mem>>
      %dma_start3A_2575 = arith.constant 0 : i32
      %dma_start3A_2576 = tpu.memref_slice %arg6[%run_scoped3A_1199, %dma_start3A_2575] : memref<2x512xi32, #tpu.memory_space<vmem>> -> memref<1x512xi32, #tpu.memory_space<vmem>>
      %dma_start3A_2577 = tpu.memref_squeeze %dma_start3A_2576 : memref<1x512xi32, #tpu.memory_space<vmem>> -> memref<512xi32, #tpu.memory_space<vmem>>
      %dma_start3A_2578 = tpu.memref_slice %arg2[%add3A_1198] : memref<360448xi32, #tpu.memory_space<hbm>> -> memref<512xi32, #tpu.memory_space<hbm>>
      %dma_start3A_2579 = arith.constant 0 : i32
      %dma_start3A_2580 = tpu.memref_slice %arg6[%run_scoped3A_1199, %dma_start3A_2579] : memref<2x512xi32, #tpu.memory_space<vmem>> -> memref<1x512xi32, #tpu.memory_space<vmem>>
      %dma_start3A_2581 = tpu.memref_squeeze %dma_start3A_2580 : memref<1x512xi32, #tpu.memory_space<vmem>> -> memref<512xi32, #tpu.memory_space<vmem>>
      %dma_start3A_2582 = tpu.memref_slice %arg2[%add3A_1198] : memref<360448xi32, #tpu.memory_space<hbm>> -> memref<512xi32, #tpu.memory_space<hbm>>
      tpu.enqueue_dma source(%dma_start3A_2582 : memref<512xi32, #tpu.memory_space<hbm>>) target(%dma_start3A_2581 : memref<512xi32, #tpu.memory_space<vmem>>) target_semaphore(%run_scoped3A_2574 : memref<!tpu.dma_semaphore, #tpu.memory_space<semaphore_mem>>)
      %dma_wait3A_2583 = arith.constant 0 : i32
      %dma_wait3A_2584 = tpu.memref_slice %arg6[%run_scoped3A_1199, %dma_wait3A_2583] : memref<2x512xi32, #tpu.memory_space<vmem>> -> memref<1x512xi32, #tpu.memory_space<vmem>>
      %dma_wait3A_2585 = tpu.memref_squeeze %dma_wait3A_2584 : memref<1x512xi32, #tpu.memory_space<vmem>> -> memref<512xi32, #tpu.memory_space<vmem>>
      %dma_wait3A_2586 = tpu.memref_slice %arg2[%add3A_1198] : memref<360448xi32, #tpu.memory_space<hbm>> -> memref<512xi32, #tpu.memory_space<hbm>>
      %dma_wait3A_2587 = arith.constant 0 : i32
      %dma_wait3A_2588 = tpu.memref_slice %arg6[%run_scoped3A_1199, %dma_wait3A_2587] : memref<2x512xi32, #tpu.memory_space<vmem>> -> memref<1x512xi32, #tpu.memory_space<vmem>>
      %dma_wait3A_2589 = tpu.memref_squeeze %dma_wait3A_2588 : memref<1x512xi32, #tpu.memory_space<vmem>> -> memref<512xi32, #tpu.memory_space<vmem>>
      %dma_wait3A_2590 = tpu.memref_slice %arg2[%add3A_1198] : memref<360448xi32, #tpu.memory_space<hbm>> -> memref<512xi32, #tpu.memory_space<hbm>>
      tpu.wait_dma2 semaphore(%run_scoped3A_2574 : memref<!tpu.dma_semaphore, #tpu.memory_space<semaphore_mem>>) src(%dma_wait3A_2590 : memref<512xi32, #tpu.memory_space<hbm>>) dst(%dma_wait3A_2589 : memref<512xi32, #tpu.memory_space<vmem>>)
      tpu.yield
    }) : () -> ()
    %dma_start3A_1200 = arith.constant 1 : i32
    %dma_start3A_1201 = arith.constant 1 : i32
    %dma_start3A_1202 = arith.constant 0 : i32
    %dma_start3A_1203 = arith.constant 0 : i32
    %dma_start3A_1204 = tpu.memref_slice %arg7[%dma_start3A_1201, %dma_start3A_1202, %dma_start3A_1203] : memref<2x512x32xf32, #tpu.memory_space<vmem>> -> memref<1x512x32xf32, #tpu.memory_space<vmem>>
    %dma_start3A_1205 = tpu.memref_squeeze %dma_start3A_1204 : memref<1x512x32xf32, #tpu.memory_space<vmem>> -> memref<512x32xf32, #tpu.memory_space<vmem>>
    %dma_start3A_1206 = arith.constant 0 : i32
    %dma_start3A_1207 = tpu.memref_slice %arg6[%dma_start3A_1200, %dma_start3A_1206] : memref<2x512xi32, #tpu.memory_space<vmem>> -> memref<1x512xi32, #tpu.memory_space<vmem>>
    %dma_start3A_1208 = tpu.memref_squeeze %dma_start3A_1207 : memref<1x512xi32, #tpu.memory_space<vmem>> -> memref<512xi32, #tpu.memory_space<vmem>>
    %dma_start3A_1209 = arith.constant 0 : i32
    %dma_start3A_1210 = arith.constant 0 : i32
    %dma_start3A_1211 = tpu.memref_slice %arg3[%dma_start3A_1209, %dma_start3A_1210] : memref<2200000x32xf32, #tpu.memory_space<hbm>> -> memref<2200000x32xf32, #tpu.memory_space<hbm>>
    tpu.enqueue_indirect_dma source(%dma_start3A_1211 : memref<2200000x32xf32, #tpu.memory_space<hbm>>) target(%dma_start3A_1205 : memref<512x32xf32, #tpu.memory_space<vmem>>) offsets(%dma_start3A_1208 : memref<512xi32, #tpu.memory_space<vmem>>) semaphore(%arg10 : memref<!tpu.dma_semaphore, #tpu.memory_space<semaphore_mem>>)
    %dma_start3A_1212 = arith.constant 1 : i32
    %dma_start3A_1213 = arith.constant 1 : i32
    %dma_start3A_1214 = arith.constant 0 : i32
    %dma_start3A_1215 = arith.constant 0 : i32
    %dma_start3A_1216 = tpu.memref_slice %arg8[%dma_start3A_1213, %dma_start3A_1214, %dma_start3A_1215] : memref<2x512x32xf32, #tpu.memory_space<vmem>> -> memref<1x512x32xf32, #tpu.memory_space<vmem>>
    %dma_start3A_1217 = tpu.memref_squeeze %dma_start3A_1216 : memref<1x512x32xf32, #tpu.memory_space<vmem>> -> memref<512x32xf32, #tpu.memory_space<vmem>>
    %dma_start3A_1218 = arith.constant 0 : i32
    %dma_start3A_1219 = tpu.memref_slice %arg6[%dma_start3A_1212, %dma_start3A_1218] : memref<2x512xi32, #tpu.memory_space<vmem>> -> memref<1x512xi32, #tpu.memory_space<vmem>>
    %dma_start3A_1220 = tpu.memref_squeeze %dma_start3A_1219 : memref<1x512xi32, #tpu.memory_space<vmem>> -> memref<512xi32, #tpu.memory_space<vmem>>
    %dma_start3A_1221 = arith.constant 0 : i32
    %dma_start3A_1222 = arith.constant 0 : i32
    %dma_start3A_1223 = tpu.memref_slice %arg4[%dma_start3A_1221, %dma_start3A_1222] : memref<2200000x32xf32, #tpu.memory_space<hbm>> -> memref<2200000x32xf32, #tpu.memory_space<hbm>>
    tpu.enqueue_indirect_dma source(%dma_start3A_1223 : memref<2200000x32xf32, #tpu.memory_space<hbm>>) target(%dma_start3A_1217 : memref<512x32xf32, #tpu.memory_space<vmem>>) offsets(%dma_start3A_1220 : memref<512xi32, #tpu.memory_space<vmem>>) semaphore(%arg12 : memref<!tpu.dma_semaphore, #tpu.memory_space<semaphore_mem>>)
    %dma_wait3A_1224 = arith.constant 0 : i32
    %dma_wait3A_1225 = arith.constant 0 : i32
    %dma_wait3A_1226 = arith.constant 0 : i32
    %dma_wait3A_1227 = arith.constant 0 : i32
    %dma_wait3A_1228 = tpu.memref_slice %arg7[%dma_wait3A_1225, %dma_wait3A_1226, %dma_wait3A_1227] : memref<2x512x32xf32, #tpu.memory_space<vmem>> -> memref<1x512x32xf32, #tpu.memory_space<vmem>>
    %dma_wait3A_1229 = tpu.memref_squeeze %dma_wait3A_1228 : memref<1x512x32xf32, #tpu.memory_space<vmem>> -> memref<512x32xf32, #tpu.memory_space<vmem>>
    %dma_wait3A_1230 = arith.constant 0 : i32
    %dma_wait3A_1231 = tpu.memref_slice %arg6[%dma_wait3A_1224, %dma_wait3A_1230] : memref<2x512xi32, #tpu.memory_space<vmem>> -> memref<1x512xi32, #tpu.memory_space<vmem>>
    %dma_wait3A_1232 = tpu.memref_squeeze %dma_wait3A_1231 : memref<1x512xi32, #tpu.memory_space<vmem>> -> memref<512xi32, #tpu.memory_space<vmem>>
    %dma_wait3A_1233 = arith.constant 0 : i32
    %dma_wait3A_1234 = arith.constant 0 : i32
    %dma_wait3A_1235 = tpu.memref_slice %arg3[%dma_wait3A_1233, %dma_wait3A_1234] : memref<2200000x32xf32, #tpu.memory_space<hbm>> -> memref<2200000x32xf32, #tpu.memory_space<hbm>>
    tpu.wait_indirect_dma semaphore(%arg9 : memref<!tpu.dma_semaphore, #tpu.memory_space<semaphore_mem>>) src(%dma_wait3A_1235 : memref<2200000x32xf32, #tpu.memory_space<hbm>>) dst(%dma_wait3A_1229 : memref<512x32xf32, #tpu.memory_space<vmem>>)
    %dma_wait3A_1236 = arith.constant 0 : i32
    %dma_wait3A_1237 = arith.constant 0 : i32
    %dma_wait3A_1238 = arith.constant 0 : i32
    %dma_wait3A_1239 = arith.constant 0 : i32
    %dma_wait3A_1240 = tpu.memref_slice %arg8[%dma_wait3A_1237, %dma_wait3A_1238, %dma_wait3A_1239] : memref<2x512x32xf32, #tpu.memory_space<vmem>> -> memref<1x512x32xf32, #tpu.memory_space<vmem>>
    %dma_wait3A_1241 = tpu.memref_squeeze %dma_wait3A_1240 : memref<1x512x32xf32, #tpu.memory_space<vmem>> -> memref<512x32xf32, #tpu.memory_space<vmem>>
    %dma_wait3A_1242 = arith.constant 0 : i32
    %dma_wait3A_1243 = tpu.memref_slice %arg6[%dma_wait3A_1236, %dma_wait3A_1242] : memref<2x512xi32, #tpu.memory_space<vmem>> -> memref<1x512xi32, #tpu.memory_space<vmem>>
    %dma_wait3A_1244 = tpu.memref_squeeze %dma_wait3A_1243 : memref<1x512xi32, #tpu.memory_space<vmem>> -> memref<512xi32, #tpu.memory_space<vmem>>
    %dma_wait3A_1245 = arith.constant 0 : i32
    %dma_wait3A_1246 = arith.constant 0 : i32
    %dma_wait3A_1247 = tpu.memref_slice %arg4[%dma_wait3A_1245, %dma_wait3A_1246] : memref<2200000x32xf32, #tpu.memory_space<hbm>> -> memref<2200000x32xf32, #tpu.memory_space<hbm>>
    tpu.wait_indirect_dma semaphore(%arg11 : memref<!tpu.dma_semaphore, #tpu.memory_space<semaphore_mem>>) src(%dma_wait3A_1247 : memref<2200000x32xf32, #tpu.memory_space<hbm>>) dst(%dma_wait3A_1241 : memref<512x32xf32, #tpu.memory_space<vmem>>)
    %add3A_1248 = arith.constant 5120 : i32
    %add3A_1249 = arith.addi %mul3A_2, %add3A_1248 : i32
    %dma_start3A_1250 = arith.constant 0 : i32
    %dma_start3A_1251 = arith.constant 0 : i32
    %dma_start3A_1252 = arith.constant 0 : i32
    %dma_start3A_1253 = arith.constant 0 : i32
    %dma_start3A_1254 = tpu.memref_slice %arg7[%dma_start3A_1250, %dma_start3A_1252, %dma_start3A_1253] : memref<2x512x32xf32, #tpu.memory_space<vmem>> -> memref<1x512x32xf32, #tpu.memory_space<vmem>>
    %dma_start3A_1255 = tpu.memref_squeeze %dma_start3A_1254 : memref<1x512x32xf32, #tpu.memory_space<vmem>> -> memref<512x32xf32, #tpu.memory_space<vmem>>
    %dma_start3A_1256 = arith.constant 0 : i32
    %dma_start3A_1257 = tpu.memref_slice %arg5[%add3A_1249, %dma_start3A_1251, %dma_start3A_1256] : memref<360448x2x32xf32, #tpu.memory_space<hbm>> -> memref<512x1x32xf32, #tpu.memory_space<hbm>>
    %dma_start3A_1258 = tpu.memref_squeeze %dma_start3A_1257 : memref<512x1x32xf32, #tpu.memory_space<hbm>> -> memref<512x32xf32, #tpu.memory_space<hbm>>
    %dma_start3A_1259 = arith.constant 0 : i32
    %dma_start3A_1260 = tpu.memref_slice %arg5[%add3A_1249, %dma_start3A_1251, %dma_start3A_1259] : memref<360448x2x32xf32, #tpu.memory_space<hbm>> -> memref<512x1x32xf32, #tpu.memory_space<hbm>>
    %dma_start3A_1261 = tpu.memref_squeeze %dma_start3A_1260 : memref<512x1x32xf32, #tpu.memory_space<hbm>> -> memref<512x32xf32, #tpu.memory_space<hbm>>
    %dma_start3A_1262 = arith.constant 0 : i32
    %dma_start3A_1263 = arith.constant 0 : i32
    %dma_start3A_1264 = tpu.memref_slice %arg7[%dma_start3A_1250, %dma_start3A_1262, %dma_start3A_1263] : memref<2x512x32xf32, #tpu.memory_space<vmem>> -> memref<1x512x32xf32, #tpu.memory_space<vmem>>
    %dma_start3A_1265 = tpu.memref_squeeze %dma_start3A_1264 : memref<1x512x32xf32, #tpu.memory_space<vmem>> -> memref<512x32xf32, #tpu.memory_space<vmem>>
    tpu.enqueue_dma source(%dma_start3A_1265 : memref<512x32xf32, #tpu.memory_space<vmem>>) target(%dma_start3A_1261 : memref<512x32xf32, #tpu.memory_space<hbm>>) target_semaphore(%arg13 : memref<!tpu.dma_semaphore, #tpu.memory_space<semaphore_mem>>)
    %dma_start3A_1266 = arith.constant 0 : i32
    %dma_start3A_1267 = arith.constant 1 : i32
    %dma_start3A_1268 = arith.constant 0 : i32
    %dma_start3A_1269 = arith.constant 0 : i32
    %dma_start3A_1270 = tpu.memref_slice %arg8[%dma_start3A_1266, %dma_start3A_1268, %dma_start3A_1269] : memref<2x512x32xf32, #tpu.memory_space<vmem>> -> memref<1x512x32xf32, #tpu.memory_space<vmem>>
    %dma_start3A_1271 = tpu.memref_squeeze %dma_start3A_1270 : memref<1x512x32xf32, #tpu.memory_space<vmem>> -> memref<512x32xf32, #tpu.memory_space<vmem>>
    %dma_start3A_1272 = arith.constant 0 : i32
    %dma_start3A_1273 = tpu.memref_slice %arg5[%add3A_1249, %dma_start3A_1267, %dma_start3A_1272] : memref<360448x2x32xf32, #tpu.memory_space<hbm>> -> memref<512x1x32xf32, #tpu.memory_space<hbm>>
    %dma_start3A_1274 = tpu.memref_squeeze %dma_start3A_1273 : memref<512x1x32xf32, #tpu.memory_space<hbm>> -> memref<512x32xf32, #tpu.memory_space<hbm>>
    %dma_start3A_1275 = arith.constant 0 : i32
    %dma_start3A_1276 = tpu.memref_slice %arg5[%add3A_1249, %dma_start3A_1267, %dma_start3A_1275] : memref<360448x2x32xf32, #tpu.memory_space<hbm>> -> memref<512x1x32xf32, #tpu.memory_space<hbm>>
    %dma_start3A_1277 = tpu.memref_squeeze %dma_start3A_1276 : memref<512x1x32xf32, #tpu.memory_space<hbm>> -> memref<512x32xf32, #tpu.memory_space<hbm>>
    %dma_start3A_1278 = arith.constant 0 : i32
    %dma_start3A_1279 = arith.constant 0 : i32
    %dma_start3A_1280 = tpu.memref_slice %arg8[%dma_start3A_1266, %dma_start3A_1278, %dma_start3A_1279] : memref<2x512x32xf32, #tpu.memory_space<vmem>> -> memref<1x512x32xf32, #tpu.memory_space<vmem>>
    %dma_start3A_1281 = tpu.memref_squeeze %dma_start3A_1280 : memref<1x512x32xf32, #tpu.memory_space<vmem>> -> memref<512x32xf32, #tpu.memory_space<vmem>>
    tpu.enqueue_dma source(%dma_start3A_1281 : memref<512x32xf32, #tpu.memory_space<vmem>>) target(%dma_start3A_1277 : memref<512x32xf32, #tpu.memory_space<hbm>>) target_semaphore(%arg13 : memref<!tpu.dma_semaphore, #tpu.memory_space<semaphore_mem>>)
    %dma_wait3A_1282 = arith.constant 0 : i32
    %dma_wait3A_1283 = arith.constant 0 : i32
    %dma_wait3A_1284 = arith.constant 0 : i32
    %dma_wait3A_1285 = arith.constant 0 : i32
    %dma_wait3A_1286 = tpu.memref_slice %arg7[%dma_wait3A_1282, %dma_wait3A_1284, %dma_wait3A_1285] : memref<2x512x32xf32, #tpu.memory_space<vmem>> -> memref<1x512x32xf32, #tpu.memory_space<vmem>>
    %dma_wait3A_1287 = tpu.memref_squeeze %dma_wait3A_1286 : memref<1x512x32xf32, #tpu.memory_space<vmem>> -> memref<512x32xf32, #tpu.memory_space<vmem>>
    %dma_wait3A_1288 = arith.constant 0 : i32
    %dma_wait3A_1289 = tpu.memref_slice %arg5[%add3A_1249, %dma_wait3A_1283, %dma_wait3A_1288] : memref<360448x2x32xf32, #tpu.memory_space<hbm>> -> memref<512x1x32xf32, #tpu.memory_space<hbm>>
    %dma_wait3A_1290 = tpu.memref_squeeze %dma_wait3A_1289 : memref<512x1x32xf32, #tpu.memory_space<hbm>> -> memref<512x32xf32, #tpu.memory_space<hbm>>
    %dma_wait3A_1291 = arith.constant 0 : i32
    %dma_wait3A_1292 = tpu.memref_slice %arg5[%add3A_1249, %dma_wait3A_1283, %dma_wait3A_1291] : memref<360448x2x32xf32, #tpu.memory_space<hbm>> -> memref<512x1x32xf32, #tpu.memory_space<hbm>>
    %dma_wait3A_1293 = tpu.memref_squeeze %dma_wait3A_1292 : memref<512x1x32xf32, #tpu.memory_space<hbm>> -> memref<512x32xf32, #tpu.memory_space<hbm>>
    %dma_wait3A_1294 = arith.constant 0 : i32
    %dma_wait3A_1295 = arith.constant 0 : i32
    %dma_wait3A_1296 = tpu.memref_slice %arg7[%dma_wait3A_1282, %dma_wait3A_1294, %dma_wait3A_1295] : memref<2x512x32xf32, #tpu.memory_space<vmem>> -> memref<1x512x32xf32, #tpu.memory_space<vmem>>
    %dma_wait3A_1297 = tpu.memref_squeeze %dma_wait3A_1296 : memref<1x512x32xf32, #tpu.memory_space<vmem>> -> memref<512x32xf32, #tpu.memory_space<vmem>>
    tpu.wait_dma2 semaphore(%arg13 : memref<!tpu.dma_semaphore, #tpu.memory_space<semaphore_mem>>) src(%dma_wait3A_1297 : memref<512x32xf32, #tpu.memory_space<vmem>>) dst(%dma_wait3A_1293 : memref<512x32xf32, #tpu.memory_space<hbm>>)
    %dma_wait3A_1298 = arith.constant 0 : i32
    %dma_wait3A_1299 = arith.constant 1 : i32
    %dma_wait3A_1300 = arith.constant 0 : i32
    %dma_wait3A_1301 = arith.constant 0 : i32
    %dma_wait3A_1302 = tpu.memref_slice %arg8[%dma_wait3A_1298, %dma_wait3A_1300, %dma_wait3A_1301] : memref<2x512x32xf32, #tpu.memory_space<vmem>> -> memref<1x512x32xf32, #tpu.memory_space<vmem>>
    %dma_wait3A_1303 = tpu.memref_squeeze %dma_wait3A_1302 : memref<1x512x32xf32, #tpu.memory_space<vmem>> -> memref<512x32xf32, #tpu.memory_space<vmem>>
    %dma_wait3A_1304 = arith.constant 0 : i32
    %dma_wait3A_1305 = tpu.memref_slice %arg5[%add3A_1249, %dma_wait3A_1299, %dma_wait3A_1304] : memref<360448x2x32xf32, #tpu.memory_space<hbm>> -> memref<512x1x32xf32, #tpu.memory_space<hbm>>
    %dma_wait3A_1306 = tpu.memref_squeeze %dma_wait3A_1305 : memref<512x1x32xf32, #tpu.memory_space<hbm>> -> memref<512x32xf32, #tpu.memory_space<hbm>>
    %dma_wait3A_1307 = arith.constant 0 : i32
    %dma_wait3A_1308 = tpu.memref_slice %arg5[%add3A_1249, %dma_wait3A_1299, %dma_wait3A_1307] : memref<360448x2x32xf32, #tpu.memory_space<hbm>> -> memref<512x1x32xf32, #tpu.memory_space<hbm>>
    %dma_wait3A_1309 = tpu.memref_squeeze %dma_wait3A_1308 : memref<512x1x32xf32, #tpu.memory_space<hbm>> -> memref<512x32xf32, #tpu.memory_space<hbm>>
    %dma_wait3A_1310 = arith.constant 0 : i32
    %dma_wait3A_1311 = arith.constant 0 : i32
    %dma_wait3A_1312 = tpu.memref_slice %arg8[%dma_wait3A_1298, %dma_wait3A_1310, %dma_wait3A_1311] : memref<2x512x32xf32, #tpu.memory_space<vmem>> -> memref<1x512x32xf32, #tpu.memory_space<vmem>>
    %dma_wait3A_1313 = tpu.memref_squeeze %dma_wait3A_1312 : memref<1x512x32xf32, #tpu.memory_space<vmem>> -> memref<512x32xf32, #tpu.memory_space<vmem>>
    tpu.wait_dma2 semaphore(%arg13 : memref<!tpu.dma_semaphore, #tpu.memory_space<semaphore_mem>>) src(%dma_wait3A_1313 : memref<512x32xf32, #tpu.memory_space<vmem>>) dst(%dma_wait3A_1309 : memref<512x32xf32, #tpu.memory_space<hbm>>)
    %add3A_1314 = arith.constant 6144 : i32
    %add3A_1315 = arith.addi %mul3A_2, %add3A_1314 : i32
    %run_scoped3A_1316 = arith.constant 0 : i32
    "tpu.region"() ({
      %run_scoped3A_2574 = tpu.sem_alloc : memref<!tpu.dma_semaphore, #tpu.memory_space<semaphore_mem>>
      %dma_start3A_2575 = arith.constant 0 : i32
      %dma_start3A_2576 = tpu.memref_slice %arg6[%run_scoped3A_1316, %dma_start3A_2575] : memref<2x512xi32, #tpu.memory_space<vmem>> -> memref<1x512xi32, #tpu.memory_space<vmem>>
      %dma_start3A_2577 = tpu.memref_squeeze %dma_start3A_2576 : memref<1x512xi32, #tpu.memory_space<vmem>> -> memref<512xi32, #tpu.memory_space<vmem>>
      %dma_start3A_2578 = tpu.memref_slice %arg2[%add3A_1315] : memref<360448xi32, #tpu.memory_space<hbm>> -> memref<512xi32, #tpu.memory_space<hbm>>
      %dma_start3A_2579 = arith.constant 0 : i32
      %dma_start3A_2580 = tpu.memref_slice %arg6[%run_scoped3A_1316, %dma_start3A_2579] : memref<2x512xi32, #tpu.memory_space<vmem>> -> memref<1x512xi32, #tpu.memory_space<vmem>>
      %dma_start3A_2581 = tpu.memref_squeeze %dma_start3A_2580 : memref<1x512xi32, #tpu.memory_space<vmem>> -> memref<512xi32, #tpu.memory_space<vmem>>
      %dma_start3A_2582 = tpu.memref_slice %arg2[%add3A_1315] : memref<360448xi32, #tpu.memory_space<hbm>> -> memref<512xi32, #tpu.memory_space<hbm>>
      tpu.enqueue_dma source(%dma_start3A_2582 : memref<512xi32, #tpu.memory_space<hbm>>) target(%dma_start3A_2581 : memref<512xi32, #tpu.memory_space<vmem>>) target_semaphore(%run_scoped3A_2574 : memref<!tpu.dma_semaphore, #tpu.memory_space<semaphore_mem>>)
      %dma_wait3A_2583 = arith.constant 0 : i32
      %dma_wait3A_2584 = tpu.memref_slice %arg6[%run_scoped3A_1316, %dma_wait3A_2583] : memref<2x512xi32, #tpu.memory_space<vmem>> -> memref<1x512xi32, #tpu.memory_space<vmem>>
      %dma_wait3A_2585 = tpu.memref_squeeze %dma_wait3A_2584 : memref<1x512xi32, #tpu.memory_space<vmem>> -> memref<512xi32, #tpu.memory_space<vmem>>
      %dma_wait3A_2586 = tpu.memref_slice %arg2[%add3A_1315] : memref<360448xi32, #tpu.memory_space<hbm>> -> memref<512xi32, #tpu.memory_space<hbm>>
      %dma_wait3A_2587 = arith.constant 0 : i32
      %dma_wait3A_2588 = tpu.memref_slice %arg6[%run_scoped3A_1316, %dma_wait3A_2587] : memref<2x512xi32, #tpu.memory_space<vmem>> -> memref<1x512xi32, #tpu.memory_space<vmem>>
      %dma_wait3A_2589 = tpu.memref_squeeze %dma_wait3A_2588 : memref<1x512xi32, #tpu.memory_space<vmem>> -> memref<512xi32, #tpu.memory_space<vmem>>
      %dma_wait3A_2590 = tpu.memref_slice %arg2[%add3A_1315] : memref<360448xi32, #tpu.memory_space<hbm>> -> memref<512xi32, #tpu.memory_space<hbm>>
      tpu.wait_dma2 semaphore(%run_scoped3A_2574 : memref<!tpu.dma_semaphore, #tpu.memory_space<semaphore_mem>>) src(%dma_wait3A_2590 : memref<512xi32, #tpu.memory_space<hbm>>) dst(%dma_wait3A_2589 : memref<512xi32, #tpu.memory_space<vmem>>)
      tpu.yield
    }) : () -> ()
    %dma_start3A_1317 = arith.constant 0 : i32
    %dma_start3A_1318 = arith.constant 0 : i32
    %dma_start3A_1319 = arith.constant 0 : i32
    %dma_start3A_1320 = arith.constant 0 : i32
    %dma_start3A_1321 = tpu.memref_slice %arg7[%dma_start3A_1318, %dma_start3A_1319, %dma_start3A_1320] : memref<2x512x32xf32, #tpu.memory_space<vmem>> -> memref<1x512x32xf32, #tpu.memory_space<vmem>>
    %dma_start3A_1322 = tpu.memref_squeeze %dma_start3A_1321 : memref<1x512x32xf32, #tpu.memory_space<vmem>> -> memref<512x32xf32, #tpu.memory_space<vmem>>
    %dma_start3A_1323 = arith.constant 0 : i32
    %dma_start3A_1324 = tpu.memref_slice %arg6[%dma_start3A_1317, %dma_start3A_1323] : memref<2x512xi32, #tpu.memory_space<vmem>> -> memref<1x512xi32, #tpu.memory_space<vmem>>
    %dma_start3A_1325 = tpu.memref_squeeze %dma_start3A_1324 : memref<1x512xi32, #tpu.memory_space<vmem>> -> memref<512xi32, #tpu.memory_space<vmem>>
    %dma_start3A_1326 = arith.constant 0 : i32
    %dma_start3A_1327 = arith.constant 0 : i32
    %dma_start3A_1328 = tpu.memref_slice %arg3[%dma_start3A_1326, %dma_start3A_1327] : memref<2200000x32xf32, #tpu.memory_space<hbm>> -> memref<2200000x32xf32, #tpu.memory_space<hbm>>
    tpu.enqueue_indirect_dma source(%dma_start3A_1328 : memref<2200000x32xf32, #tpu.memory_space<hbm>>) target(%dma_start3A_1322 : memref<512x32xf32, #tpu.memory_space<vmem>>) offsets(%dma_start3A_1325 : memref<512xi32, #tpu.memory_space<vmem>>) semaphore(%arg9 : memref<!tpu.dma_semaphore, #tpu.memory_space<semaphore_mem>>)
    %dma_start3A_1329 = arith.constant 0 : i32
    %dma_start3A_1330 = arith.constant 0 : i32
    %dma_start3A_1331 = arith.constant 0 : i32
    %dma_start3A_1332 = arith.constant 0 : i32
    %dma_start3A_1333 = tpu.memref_slice %arg8[%dma_start3A_1330, %dma_start3A_1331, %dma_start3A_1332] : memref<2x512x32xf32, #tpu.memory_space<vmem>> -> memref<1x512x32xf32, #tpu.memory_space<vmem>>
    %dma_start3A_1334 = tpu.memref_squeeze %dma_start3A_1333 : memref<1x512x32xf32, #tpu.memory_space<vmem>> -> memref<512x32xf32, #tpu.memory_space<vmem>>
    %dma_start3A_1335 = arith.constant 0 : i32
    %dma_start3A_1336 = tpu.memref_slice %arg6[%dma_start3A_1329, %dma_start3A_1335] : memref<2x512xi32, #tpu.memory_space<vmem>> -> memref<1x512xi32, #tpu.memory_space<vmem>>
    %dma_start3A_1337 = tpu.memref_squeeze %dma_start3A_1336 : memref<1x512xi32, #tpu.memory_space<vmem>> -> memref<512xi32, #tpu.memory_space<vmem>>
    %dma_start3A_1338 = arith.constant 0 : i32
    %dma_start3A_1339 = arith.constant 0 : i32
    %dma_start3A_1340 = tpu.memref_slice %arg4[%dma_start3A_1338, %dma_start3A_1339] : memref<2200000x32xf32, #tpu.memory_space<hbm>> -> memref<2200000x32xf32, #tpu.memory_space<hbm>>
    tpu.enqueue_indirect_dma source(%dma_start3A_1340 : memref<2200000x32xf32, #tpu.memory_space<hbm>>) target(%dma_start3A_1334 : memref<512x32xf32, #tpu.memory_space<vmem>>) offsets(%dma_start3A_1337 : memref<512xi32, #tpu.memory_space<vmem>>) semaphore(%arg11 : memref<!tpu.dma_semaphore, #tpu.memory_space<semaphore_mem>>)
    %dma_wait3A_1341 = arith.constant 1 : i32
    %dma_wait3A_1342 = arith.constant 1 : i32
    %dma_wait3A_1343 = arith.constant 0 : i32
    %dma_wait3A_1344 = arith.constant 0 : i32
    %dma_wait3A_1345 = tpu.memref_slice %arg7[%dma_wait3A_1342, %dma_wait3A_1343, %dma_wait3A_1344] : memref<2x512x32xf32, #tpu.memory_space<vmem>> -> memref<1x512x32xf32, #tpu.memory_space<vmem>>
    %dma_wait3A_1346 = tpu.memref_squeeze %dma_wait3A_1345 : memref<1x512x32xf32, #tpu.memory_space<vmem>> -> memref<512x32xf32, #tpu.memory_space<vmem>>
    %dma_wait3A_1347 = arith.constant 0 : i32
    %dma_wait3A_1348 = tpu.memref_slice %arg6[%dma_wait3A_1341, %dma_wait3A_1347] : memref<2x512xi32, #tpu.memory_space<vmem>> -> memref<1x512xi32, #tpu.memory_space<vmem>>
    %dma_wait3A_1349 = tpu.memref_squeeze %dma_wait3A_1348 : memref<1x512xi32, #tpu.memory_space<vmem>> -> memref<512xi32, #tpu.memory_space<vmem>>
    %dma_wait3A_1350 = arith.constant 0 : i32
    %dma_wait3A_1351 = arith.constant 0 : i32
    %dma_wait3A_1352 = tpu.memref_slice %arg3[%dma_wait3A_1350, %dma_wait3A_1351] : memref<2200000x32xf32, #tpu.memory_space<hbm>> -> memref<2200000x32xf32, #tpu.memory_space<hbm>>
    tpu.wait_indirect_dma semaphore(%arg10 : memref<!tpu.dma_semaphore, #tpu.memory_space<semaphore_mem>>) src(%dma_wait3A_1352 : memref<2200000x32xf32, #tpu.memory_space<hbm>>) dst(%dma_wait3A_1346 : memref<512x32xf32, #tpu.memory_space<vmem>>)
    %dma_wait3A_1353 = arith.constant 1 : i32
    %dma_wait3A_1354 = arith.constant 1 : i32
    %dma_wait3A_1355 = arith.constant 0 : i32
    %dma_wait3A_1356 = arith.constant 0 : i32
    %dma_wait3A_1357 = tpu.memref_slice %arg8[%dma_wait3A_1354, %dma_wait3A_1355, %dma_wait3A_1356] : memref<2x512x32xf32, #tpu.memory_space<vmem>> -> memref<1x512x32xf32, #tpu.memory_space<vmem>>
    %dma_wait3A_1358 = tpu.memref_squeeze %dma_wait3A_1357 : memref<1x512x32xf32, #tpu.memory_space<vmem>> -> memref<512x32xf32, #tpu.memory_space<vmem>>
    %dma_wait3A_1359 = arith.constant 0 : i32
    %dma_wait3A_1360 = tpu.memref_slice %arg6[%dma_wait3A_1353, %dma_wait3A_1359] : memref<2x512xi32, #tpu.memory_space<vmem>> -> memref<1x512xi32, #tpu.memory_space<vmem>>
    %dma_wait3A_1361 = tpu.memref_squeeze %dma_wait3A_1360 : memref<1x512xi32, #tpu.memory_space<vmem>> -> memref<512xi32, #tpu.memory_space<vmem>>
    %dma_wait3A_1362 = arith.constant 0 : i32
    %dma_wait3A_1363 = arith.constant 0 : i32
    %dma_wait3A_1364 = tpu.memref_slice %arg4[%dma_wait3A_1362, %dma_wait3A_1363] : memref<2200000x32xf32, #tpu.memory_space<hbm>> -> memref<2200000x32xf32, #tpu.memory_space<hbm>>
    tpu.wait_indirect_dma semaphore(%arg12 : memref<!tpu.dma_semaphore, #tpu.memory_space<semaphore_mem>>) src(%dma_wait3A_1364 : memref<2200000x32xf32, #tpu.memory_space<hbm>>) dst(%dma_wait3A_1358 : memref<512x32xf32, #tpu.memory_space<vmem>>)
    %add3A_1365 = arith.constant 5632 : i32
    %add3A_1366 = arith.addi %mul3A_2, %add3A_1365 : i32
    %dma_start3A_1367 = arith.constant 1 : i32
    %dma_start3A_1368 = arith.constant 0 : i32
    %dma_start3A_1369 = arith.constant 0 : i32
    %dma_start3A_1370 = arith.constant 0 : i32
    %dma_start3A_1371 = tpu.memref_slice %arg7[%dma_start3A_1367, %dma_start3A_1369, %dma_start3A_1370] : memref<2x512x32xf32, #tpu.memory_space<vmem>> -> memref<1x512x32xf32, #tpu.memory_space<vmem>>
    %dma_start3A_1372 = tpu.memref_squeeze %dma_start3A_1371 : memref<1x512x32xf32, #tpu.memory_space<vmem>> -> memref<512x32xf32, #tpu.memory_space<vmem>>
    %dma_start3A_1373 = arith.constant 0 : i32
    %dma_start3A_1374 = tpu.memref_slice %arg5[%add3A_1366, %dma_start3A_1368, %dma_start3A_1373] : memref<360448x2x32xf32, #tpu.memory_space<hbm>> -> memref<512x1x32xf32, #tpu.memory_space<hbm>>
    %dma_start3A_1375 = tpu.memref_squeeze %dma_start3A_1374 : memref<512x1x32xf32, #tpu.memory_space<hbm>> -> memref<512x32xf32, #tpu.memory_space<hbm>>
    %dma_start3A_1376 = arith.constant 0 : i32
    %dma_start3A_1377 = tpu.memref_slice %arg5[%add3A_1366, %dma_start3A_1368, %dma_start3A_1376] : memref<360448x2x32xf32, #tpu.memory_space<hbm>> -> memref<512x1x32xf32, #tpu.memory_space<hbm>>
    %dma_start3A_1378 = tpu.memref_squeeze %dma_start3A_1377 : memref<512x1x32xf32, #tpu.memory_space<hbm>> -> memref<512x32xf32, #tpu.memory_space<hbm>>
    %dma_start3A_1379 = arith.constant 0 : i32
    %dma_start3A_1380 = arith.constant 0 : i32
    %dma_start3A_1381 = tpu.memref_slice %arg7[%dma_start3A_1367, %dma_start3A_1379, %dma_start3A_1380] : memref<2x512x32xf32, #tpu.memory_space<vmem>> -> memref<1x512x32xf32, #tpu.memory_space<vmem>>
    %dma_start3A_1382 = tpu.memref_squeeze %dma_start3A_1381 : memref<1x512x32xf32, #tpu.memory_space<vmem>> -> memref<512x32xf32, #tpu.memory_space<vmem>>
    tpu.enqueue_dma source(%dma_start3A_1382 : memref<512x32xf32, #tpu.memory_space<vmem>>) target(%dma_start3A_1378 : memref<512x32xf32, #tpu.memory_space<hbm>>) target_semaphore(%arg14 : memref<!tpu.dma_semaphore, #tpu.memory_space<semaphore_mem>>)
    %dma_start3A_1383 = arith.constant 1 : i32
    %dma_start3A_1384 = arith.constant 1 : i32
    %dma_start3A_1385 = arith.constant 0 : i32
    %dma_start3A_1386 = arith.constant 0 : i32
    %dma_start3A_1387 = tpu.memref_slice %arg8[%dma_start3A_1383, %dma_start3A_1385, %dma_start3A_1386] : memref<2x512x32xf32, #tpu.memory_space<vmem>> -> memref<1x512x32xf32, #tpu.memory_space<vmem>>
    %dma_start3A_1388 = tpu.memref_squeeze %dma_start3A_1387 : memref<1x512x32xf32, #tpu.memory_space<vmem>> -> memref<512x32xf32, #tpu.memory_space<vmem>>
    %dma_start3A_1389 = arith.constant 0 : i32
    %dma_start3A_1390 = tpu.memref_slice %arg5[%add3A_1366, %dma_start3A_1384, %dma_start3A_1389] : memref<360448x2x32xf32, #tpu.memory_space<hbm>> -> memref<512x1x32xf32, #tpu.memory_space<hbm>>
    %dma_start3A_1391 = tpu.memref_squeeze %dma_start3A_1390 : memref<512x1x32xf32, #tpu.memory_space<hbm>> -> memref<512x32xf32, #tpu.memory_space<hbm>>
    %dma_start3A_1392 = arith.constant 0 : i32
    %dma_start3A_1393 = tpu.memref_slice %arg5[%add3A_1366, %dma_start3A_1384, %dma_start3A_1392] : memref<360448x2x32xf32, #tpu.memory_space<hbm>> -> memref<512x1x32xf32, #tpu.memory_space<hbm>>
    %dma_start3A_1394 = tpu.memref_squeeze %dma_start3A_1393 : memref<512x1x32xf32, #tpu.memory_space<hbm>> -> memref<512x32xf32, #tpu.memory_space<hbm>>
    %dma_start3A_1395 = arith.constant 0 : i32
    %dma_start3A_1396 = arith.constant 0 : i32
    %dma_start3A_1397 = tpu.memref_slice %arg8[%dma_start3A_1383, %dma_start3A_1395, %dma_start3A_1396] : memref<2x512x32xf32, #tpu.memory_space<vmem>> -> memref<1x512x32xf32, #tpu.memory_space<vmem>>
    %dma_start3A_1398 = tpu.memref_squeeze %dma_start3A_1397 : memref<1x512x32xf32, #tpu.memory_space<vmem>> -> memref<512x32xf32, #tpu.memory_space<vmem>>
    tpu.enqueue_dma source(%dma_start3A_1398 : memref<512x32xf32, #tpu.memory_space<vmem>>) target(%dma_start3A_1394 : memref<512x32xf32, #tpu.memory_space<hbm>>) target_semaphore(%arg14 : memref<!tpu.dma_semaphore, #tpu.memory_space<semaphore_mem>>)
    %dma_wait3A_1399 = arith.constant 1 : i32
    %dma_wait3A_1400 = arith.constant 0 : i32
    %dma_wait3A_1401 = arith.constant 0 : i32
    %dma_wait3A_1402 = arith.constant 0 : i32
    %dma_wait3A_1403 = tpu.memref_slice %arg7[%dma_wait3A_1399, %dma_wait3A_1401, %dma_wait3A_1402] : memref<2x512x32xf32, #tpu.memory_space<vmem>> -> memref<1x512x32xf32, #tpu.memory_space<vmem>>
    %dma_wait3A_1404 = tpu.memref_squeeze %dma_wait3A_1403 : memref<1x512x32xf32, #tpu.memory_space<vmem>> -> memref<512x32xf32, #tpu.memory_space<vmem>>
    %dma_wait3A_1405 = arith.constant 0 : i32
    %dma_wait3A_1406 = tpu.memref_slice %arg5[%add3A_1366, %dma_wait3A_1400, %dma_wait3A_1405] : memref<360448x2x32xf32, #tpu.memory_space<hbm>> -> memref<512x1x32xf32, #tpu.memory_space<hbm>>
    %dma_wait3A_1407 = tpu.memref_squeeze %dma_wait3A_1406 : memref<512x1x32xf32, #tpu.memory_space<hbm>> -> memref<512x32xf32, #tpu.memory_space<hbm>>
    %dma_wait3A_1408 = arith.constant 0 : i32
    %dma_wait3A_1409 = tpu.memref_slice %arg5[%add3A_1366, %dma_wait3A_1400, %dma_wait3A_1408] : memref<360448x2x32xf32, #tpu.memory_space<hbm>> -> memref<512x1x32xf32, #tpu.memory_space<hbm>>
    %dma_wait3A_1410 = tpu.memref_squeeze %dma_wait3A_1409 : memref<512x1x32xf32, #tpu.memory_space<hbm>> -> memref<512x32xf32, #tpu.memory_space<hbm>>
    %dma_wait3A_1411 = arith.constant 0 : i32
    %dma_wait3A_1412 = arith.constant 0 : i32
    %dma_wait3A_1413 = tpu.memref_slice %arg7[%dma_wait3A_1399, %dma_wait3A_1411, %dma_wait3A_1412] : memref<2x512x32xf32, #tpu.memory_space<vmem>> -> memref<1x512x32xf32, #tpu.memory_space<vmem>>
    %dma_wait3A_1414 = tpu.memref_squeeze %dma_wait3A_1413 : memref<1x512x32xf32, #tpu.memory_space<vmem>> -> memref<512x32xf32, #tpu.memory_space<vmem>>
    tpu.wait_dma2 semaphore(%arg14 : memref<!tpu.dma_semaphore, #tpu.memory_space<semaphore_mem>>) src(%dma_wait3A_1414 : memref<512x32xf32, #tpu.memory_space<vmem>>) dst(%dma_wait3A_1410 : memref<512x32xf32, #tpu.memory_space<hbm>>)
    %dma_wait3A_1415 = arith.constant 1 : i32
    %dma_wait3A_1416 = arith.constant 1 : i32
    %dma_wait3A_1417 = arith.constant 0 : i32
    %dma_wait3A_1418 = arith.constant 0 : i32
    %dma_wait3A_1419 = tpu.memref_slice %arg8[%dma_wait3A_1415, %dma_wait3A_1417, %dma_wait3A_1418] : memref<2x512x32xf32, #tpu.memory_space<vmem>> -> memref<1x512x32xf32, #tpu.memory_space<vmem>>
    %dma_wait3A_1420 = tpu.memref_squeeze %dma_wait3A_1419 : memref<1x512x32xf32, #tpu.memory_space<vmem>> -> memref<512x32xf32, #tpu.memory_space<vmem>>
    %dma_wait3A_1421 = arith.constant 0 : i32
    %dma_wait3A_1422 = tpu.memref_slice %arg5[%add3A_1366, %dma_wait3A_1416, %dma_wait3A_1421] : memref<360448x2x32xf32, #tpu.memory_space<hbm>> -> memref<512x1x32xf32, #tpu.memory_space<hbm>>
    %dma_wait3A_1423 = tpu.memref_squeeze %dma_wait3A_1422 : memref<512x1x32xf32, #tpu.memory_space<hbm>> -> memref<512x32xf32, #tpu.memory_space<hbm>>
    %dma_wait3A_1424 = arith.constant 0 : i32
    %dma_wait3A_1425 = tpu.memref_slice %arg5[%add3A_1366, %dma_wait3A_1416, %dma_wait3A_1424] : memref<360448x2x32xf32, #tpu.memory_space<hbm>> -> memref<512x1x32xf32, #tpu.memory_space<hbm>>
    %dma_wait3A_1426 = tpu.memref_squeeze %dma_wait3A_1425 : memref<512x1x32xf32, #tpu.memory_space<hbm>> -> memref<512x32xf32, #tpu.memory_space<hbm>>
    %dma_wait3A_1427 = arith.constant 0 : i32
    %dma_wait3A_1428 = arith.constant 0 : i32
    %dma_wait3A_1429 = tpu.memref_slice %arg8[%dma_wait3A_1415, %dma_wait3A_1427, %dma_wait3A_1428] : memref<2x512x32xf32, #tpu.memory_space<vmem>> -> memref<1x512x32xf32, #tpu.memory_space<vmem>>
    %dma_wait3A_1430 = tpu.memref_squeeze %dma_wait3A_1429 : memref<1x512x32xf32, #tpu.memory_space<vmem>> -> memref<512x32xf32, #tpu.memory_space<vmem>>
    tpu.wait_dma2 semaphore(%arg14 : memref<!tpu.dma_semaphore, #tpu.memory_space<semaphore_mem>>) src(%dma_wait3A_1430 : memref<512x32xf32, #tpu.memory_space<vmem>>) dst(%dma_wait3A_1426 : memref<512x32xf32, #tpu.memory_space<hbm>>)
    %add3A_1431 = arith.constant 6656 : i32
    %add3A_1432 = arith.addi %mul3A_2, %add3A_1431 : i32
    %run_scoped3A_1433 = arith.constant 1 : i32
    "tpu.region"() ({
      %run_scoped3A_2574 = tpu.sem_alloc : memref<!tpu.dma_semaphore, #tpu.memory_space<semaphore_mem>>
      %dma_start3A_2575 = arith.constant 0 : i32
      %dma_start3A_2576 = tpu.memref_slice %arg6[%run_scoped3A_1433, %dma_start3A_2575] : memref<2x512xi32, #tpu.memory_space<vmem>> -> memref<1x512xi32, #tpu.memory_space<vmem>>
      %dma_start3A_2577 = tpu.memref_squeeze %dma_start3A_2576 : memref<1x512xi32, #tpu.memory_space<vmem>> -> memref<512xi32, #tpu.memory_space<vmem>>
      %dma_start3A_2578 = tpu.memref_slice %arg2[%add3A_1432] : memref<360448xi32, #tpu.memory_space<hbm>> -> memref<512xi32, #tpu.memory_space<hbm>>
      %dma_start3A_2579 = arith.constant 0 : i32
      %dma_start3A_2580 = tpu.memref_slice %arg6[%run_scoped3A_1433, %dma_start3A_2579] : memref<2x512xi32, #tpu.memory_space<vmem>> -> memref<1x512xi32, #tpu.memory_space<vmem>>
      %dma_start3A_2581 = tpu.memref_squeeze %dma_start3A_2580 : memref<1x512xi32, #tpu.memory_space<vmem>> -> memref<512xi32, #tpu.memory_space<vmem>>
      %dma_start3A_2582 = tpu.memref_slice %arg2[%add3A_1432] : memref<360448xi32, #tpu.memory_space<hbm>> -> memref<512xi32, #tpu.memory_space<hbm>>
      tpu.enqueue_dma source(%dma_start3A_2582 : memref<512xi32, #tpu.memory_space<hbm>>) target(%dma_start3A_2581 : memref<512xi32, #tpu.memory_space<vmem>>) target_semaphore(%run_scoped3A_2574 : memref<!tpu.dma_semaphore, #tpu.memory_space<semaphore_mem>>)
      %dma_wait3A_2583 = arith.constant 0 : i32
      %dma_wait3A_2584 = tpu.memref_slice %arg6[%run_scoped3A_1433, %dma_wait3A_2583] : memref<2x512xi32, #tpu.memory_space<vmem>> -> memref<1x512xi32, #tpu.memory_space<vmem>>
      %dma_wait3A_2585 = tpu.memref_squeeze %dma_wait3A_2584 : memref<1x512xi32, #tpu.memory_space<vmem>> -> memref<512xi32, #tpu.memory_space<vmem>>
      %dma_wait3A_2586 = tpu.memref_slice %arg2[%add3A_1432] : memref<360448xi32, #tpu.memory_space<hbm>> -> memref<512xi32, #tpu.memory_space<hbm>>
      %dma_wait3A_2587 = arith.constant 0 : i32
      %dma_wait3A_2588 = tpu.memref_slice %arg6[%run_scoped3A_1433, %dma_wait3A_2587] : memref<2x512xi32, #tpu.memory_space<vmem>> -> memref<1x512xi32, #tpu.memory_space<vmem>>
      %dma_wait3A_2589 = tpu.memref_squeeze %dma_wait3A_2588 : memref<1x512xi32, #tpu.memory_space<vmem>> -> memref<512xi32, #tpu.memory_space<vmem>>
      %dma_wait3A_2590 = tpu.memref_slice %arg2[%add3A_1432] : memref<360448xi32, #tpu.memory_space<hbm>> -> memref<512xi32, #tpu.memory_space<hbm>>
      tpu.wait_dma2 semaphore(%run_scoped3A_2574 : memref<!tpu.dma_semaphore, #tpu.memory_space<semaphore_mem>>) src(%dma_wait3A_2590 : memref<512xi32, #tpu.memory_space<hbm>>) dst(%dma_wait3A_2589 : memref<512xi32, #tpu.memory_space<vmem>>)
      tpu.yield
    }) : () -> ()
    %dma_start3A_1434 = arith.constant 1 : i32
    %dma_start3A_1435 = arith.constant 1 : i32
    %dma_start3A_1436 = arith.constant 0 : i32
    %dma_start3A_1437 = arith.constant 0 : i32
    %dma_start3A_1438 = tpu.memref_slice %arg7[%dma_start3A_1435, %dma_start3A_1436, %dma_start3A_1437] : memref<2x512x32xf32, #tpu.memory_space<vmem>> -> memref<1x512x32xf32, #tpu.memory_space<vmem>>
    %dma_start3A_1439 = tpu.memref_squeeze %dma_start3A_1438 : memref<1x512x32xf32, #tpu.memory_space<vmem>> -> memref<512x32xf32, #tpu.memory_space<vmem>>
    %dma_start3A_1440 = arith.constant 0 : i32
    %dma_start3A_1441 = tpu.memref_slice %arg6[%dma_start3A_1434, %dma_start3A_1440] : memref<2x512xi32, #tpu.memory_space<vmem>> -> memref<1x512xi32, #tpu.memory_space<vmem>>
    %dma_start3A_1442 = tpu.memref_squeeze %dma_start3A_1441 : memref<1x512xi32, #tpu.memory_space<vmem>> -> memref<512xi32, #tpu.memory_space<vmem>>
    %dma_start3A_1443 = arith.constant 0 : i32
    %dma_start3A_1444 = arith.constant 0 : i32
    %dma_start3A_1445 = tpu.memref_slice %arg3[%dma_start3A_1443, %dma_start3A_1444] : memref<2200000x32xf32, #tpu.memory_space<hbm>> -> memref<2200000x32xf32, #tpu.memory_space<hbm>>
    tpu.enqueue_indirect_dma source(%dma_start3A_1445 : memref<2200000x32xf32, #tpu.memory_space<hbm>>) target(%dma_start3A_1439 : memref<512x32xf32, #tpu.memory_space<vmem>>) offsets(%dma_start3A_1442 : memref<512xi32, #tpu.memory_space<vmem>>) semaphore(%arg10 : memref<!tpu.dma_semaphore, #tpu.memory_space<semaphore_mem>>)
    %dma_start3A_1446 = arith.constant 1 : i32
    %dma_start3A_1447 = arith.constant 1 : i32
    %dma_start3A_1448 = arith.constant 0 : i32
    %dma_start3A_1449 = arith.constant 0 : i32
    %dma_start3A_1450 = tpu.memref_slice %arg8[%dma_start3A_1447, %dma_start3A_1448, %dma_start3A_1449] : memref<2x512x32xf32, #tpu.memory_space<vmem>> -> memref<1x512x32xf32, #tpu.memory_space<vmem>>
    %dma_start3A_1451 = tpu.memref_squeeze %dma_start3A_1450 : memref<1x512x32xf32, #tpu.memory_space<vmem>> -> memref<512x32xf32, #tpu.memory_space<vmem>>
    %dma_start3A_1452 = arith.constant 0 : i32
    %dma_start3A_1453 = tpu.memref_slice %arg6[%dma_start3A_1446, %dma_start3A_1452] : memref<2x512xi32, #tpu.memory_space<vmem>> -> memref<1x512xi32, #tpu.memory_space<vmem>>
    %dma_start3A_1454 = tpu.memref_squeeze %dma_start3A_1453 : memref<1x512xi32, #tpu.memory_space<vmem>> -> memref<512xi32, #tpu.memory_space<vmem>>
    %dma_start3A_1455 = arith.constant 0 : i32
    %dma_start3A_1456 = arith.constant 0 : i32
    %dma_start3A_1457 = tpu.memref_slice %arg4[%dma_start3A_1455, %dma_start3A_1456] : memref<2200000x32xf32, #tpu.memory_space<hbm>> -> memref<2200000x32xf32, #tpu.memory_space<hbm>>
    tpu.enqueue_indirect_dma source(%dma_start3A_1457 : memref<2200000x32xf32, #tpu.memory_space<hbm>>) target(%dma_start3A_1451 : memref<512x32xf32, #tpu.memory_space<vmem>>) offsets(%dma_start3A_1454 : memref<512xi32, #tpu.memory_space<vmem>>) semaphore(%arg12 : memref<!tpu.dma_semaphore, #tpu.memory_space<semaphore_mem>>)
    %dma_wait3A_1458 = arith.constant 0 : i32
    %dma_wait3A_1459 = arith.constant 0 : i32
    %dma_wait3A_1460 = arith.constant 0 : i32
    %dma_wait3A_1461 = arith.constant 0 : i32
    %dma_wait3A_1462 = tpu.memref_slice %arg7[%dma_wait3A_1459, %dma_wait3A_1460, %dma_wait3A_1461] : memref<2x512x32xf32, #tpu.memory_space<vmem>> -> memref<1x512x32xf32, #tpu.memory_space<vmem>>
    %dma_wait3A_1463 = tpu.memref_squeeze %dma_wait3A_1462 : memref<1x512x32xf32, #tpu.memory_space<vmem>> -> memref<512x32xf32, #tpu.memory_space<vmem>>
    %dma_wait3A_1464 = arith.constant 0 : i32
    %dma_wait3A_1465 = tpu.memref_slice %arg6[%dma_wait3A_1458, %dma_wait3A_1464] : memref<2x512xi32, #tpu.memory_space<vmem>> -> memref<1x512xi32, #tpu.memory_space<vmem>>
    %dma_wait3A_1466 = tpu.memref_squeeze %dma_wait3A_1465 : memref<1x512xi32, #tpu.memory_space<vmem>> -> memref<512xi32, #tpu.memory_space<vmem>>
    %dma_wait3A_1467 = arith.constant 0 : i32
    %dma_wait3A_1468 = arith.constant 0 : i32
    %dma_wait3A_1469 = tpu.memref_slice %arg3[%dma_wait3A_1467, %dma_wait3A_1468] : memref<2200000x32xf32, #tpu.memory_space<hbm>> -> memref<2200000x32xf32, #tpu.memory_space<hbm>>
    tpu.wait_indirect_dma semaphore(%arg9 : memref<!tpu.dma_semaphore, #tpu.memory_space<semaphore_mem>>) src(%dma_wait3A_1469 : memref<2200000x32xf32, #tpu.memory_space<hbm>>) dst(%dma_wait3A_1463 : memref<512x32xf32, #tpu.memory_space<vmem>>)
    %dma_wait3A_1470 = arith.constant 0 : i32
    %dma_wait3A_1471 = arith.constant 0 : i32
    %dma_wait3A_1472 = arith.constant 0 : i32
    %dma_wait3A_1473 = arith.constant 0 : i32
    %dma_wait3A_1474 = tpu.memref_slice %arg8[%dma_wait3A_1471, %dma_wait3A_1472, %dma_wait3A_1473] : memref<2x512x32xf32, #tpu.memory_space<vmem>> -> memref<1x512x32xf32, #tpu.memory_space<vmem>>
    %dma_wait3A_1475 = tpu.memref_squeeze %dma_wait3A_1474 : memref<1x512x32xf32, #tpu.memory_space<vmem>> -> memref<512x32xf32, #tpu.memory_space<vmem>>
    %dma_wait3A_1476 = arith.constant 0 : i32
    %dma_wait3A_1477 = tpu.memref_slice %arg6[%dma_wait3A_1470, %dma_wait3A_1476] : memref<2x512xi32, #tpu.memory_space<vmem>> -> memref<1x512xi32, #tpu.memory_space<vmem>>
    %dma_wait3A_1478 = tpu.memref_squeeze %dma_wait3A_1477 : memref<1x512xi32, #tpu.memory_space<vmem>> -> memref<512xi32, #tpu.memory_space<vmem>>
    %dma_wait3A_1479 = arith.constant 0 : i32
    %dma_wait3A_1480 = arith.constant 0 : i32
    %dma_wait3A_1481 = tpu.memref_slice %arg4[%dma_wait3A_1479, %dma_wait3A_1480] : memref<2200000x32xf32, #tpu.memory_space<hbm>> -> memref<2200000x32xf32, #tpu.memory_space<hbm>>
    tpu.wait_indirect_dma semaphore(%arg11 : memref<!tpu.dma_semaphore, #tpu.memory_space<semaphore_mem>>) src(%dma_wait3A_1481 : memref<2200000x32xf32, #tpu.memory_space<hbm>>) dst(%dma_wait3A_1475 : memref<512x32xf32, #tpu.memory_space<vmem>>)
    %add3A_1482 = arith.constant 6144 : i32
    %add3A_1483 = arith.addi %mul3A_2, %add3A_1482 : i32
    %dma_start3A_1484 = arith.constant 0 : i32
    %dma_start3A_1485 = arith.constant 0 : i32
    %dma_start3A_1486 = arith.constant 0 : i32
    %dma_start3A_1487 = arith.constant 0 : i32
    %dma_start3A_1488 = tpu.memref_slice %arg7[%dma_start3A_1484, %dma_start3A_1486, %dma_start3A_1487] : memref<2x512x32xf32, #tpu.memory_space<vmem>> -> memref<1x512x32xf32, #tpu.memory_space<vmem>>
    %dma_start3A_1489 = tpu.memref_squeeze %dma_start3A_1488 : memref<1x512x32xf32, #tpu.memory_space<vmem>> -> memref<512x32xf32, #tpu.memory_space<vmem>>
    %dma_start3A_1490 = arith.constant 0 : i32
    %dma_start3A_1491 = tpu.memref_slice %arg5[%add3A_1483, %dma_start3A_1485, %dma_start3A_1490] : memref<360448x2x32xf32, #tpu.memory_space<hbm>> -> memref<512x1x32xf32, #tpu.memory_space<hbm>>
    %dma_start3A_1492 = tpu.memref_squeeze %dma_start3A_1491 : memref<512x1x32xf32, #tpu.memory_space<hbm>> -> memref<512x32xf32, #tpu.memory_space<hbm>>
    %dma_start3A_1493 = arith.constant 0 : i32
    %dma_start3A_1494 = tpu.memref_slice %arg5[%add3A_1483, %dma_start3A_1485, %dma_start3A_1493] : memref<360448x2x32xf32, #tpu.memory_space<hbm>> -> memref<512x1x32xf32, #tpu.memory_space<hbm>>
    %dma_start3A_1495 = tpu.memref_squeeze %dma_start3A_1494 : memref<512x1x32xf32, #tpu.memory_space<hbm>> -> memref<512x32xf32, #tpu.memory_space<hbm>>
    %dma_start3A_1496 = arith.constant 0 : i32
    %dma_start3A_1497 = arith.constant 0 : i32
    %dma_start3A_1498 = tpu.memref_slice %arg7[%dma_start3A_1484, %dma_start3A_1496, %dma_start3A_1497] : memref<2x512x32xf32, #tpu.memory_space<vmem>> -> memref<1x512x32xf32, #tpu.memory_space<vmem>>
    %dma_start3A_1499 = tpu.memref_squeeze %dma_start3A_1498 : memref<1x512x32xf32, #tpu.memory_space<vmem>> -> memref<512x32xf32, #tpu.memory_space<vmem>>
    tpu.enqueue_dma source(%dma_start3A_1499 : memref<512x32xf32, #tpu.memory_space<vmem>>) target(%dma_start3A_1495 : memref<512x32xf32, #tpu.memory_space<hbm>>) target_semaphore(%arg13 : memref<!tpu.dma_semaphore, #tpu.memory_space<semaphore_mem>>)
    %dma_start3A_1500 = arith.constant 0 : i32
    %dma_start3A_1501 = arith.constant 1 : i32
    %dma_start3A_1502 = arith.constant 0 : i32
    %dma_start3A_1503 = arith.constant 0 : i32
    %dma_start3A_1504 = tpu.memref_slice %arg8[%dma_start3A_1500, %dma_start3A_1502, %dma_start3A_1503] : memref<2x512x32xf32, #tpu.memory_space<vmem>> -> memref<1x512x32xf32, #tpu.memory_space<vmem>>
    %dma_start3A_1505 = tpu.memref_squeeze %dma_start3A_1504 : memref<1x512x32xf32, #tpu.memory_space<vmem>> -> memref<512x32xf32, #tpu.memory_space<vmem>>
    %dma_start3A_1506 = arith.constant 0 : i32
    %dma_start3A_1507 = tpu.memref_slice %arg5[%add3A_1483, %dma_start3A_1501, %dma_start3A_1506] : memref<360448x2x32xf32, #tpu.memory_space<hbm>> -> memref<512x1x32xf32, #tpu.memory_space<hbm>>
    %dma_start3A_1508 = tpu.memref_squeeze %dma_start3A_1507 : memref<512x1x32xf32, #tpu.memory_space<hbm>> -> memref<512x32xf32, #tpu.memory_space<hbm>>
    %dma_start3A_1509 = arith.constant 0 : i32
    %dma_start3A_1510 = tpu.memref_slice %arg5[%add3A_1483, %dma_start3A_1501, %dma_start3A_1509] : memref<360448x2x32xf32, #tpu.memory_space<hbm>> -> memref<512x1x32xf32, #tpu.memory_space<hbm>>
    %dma_start3A_1511 = tpu.memref_squeeze %dma_start3A_1510 : memref<512x1x32xf32, #tpu.memory_space<hbm>> -> memref<512x32xf32, #tpu.memory_space<hbm>>
    %dma_start3A_1512 = arith.constant 0 : i32
    %dma_start3A_1513 = arith.constant 0 : i32
    %dma_start3A_1514 = tpu.memref_slice %arg8[%dma_start3A_1500, %dma_start3A_1512, %dma_start3A_1513] : memref<2x512x32xf32, #tpu.memory_space<vmem>> -> memref<1x512x32xf32, #tpu.memory_space<vmem>>
    %dma_start3A_1515 = tpu.memref_squeeze %dma_start3A_1514 : memref<1x512x32xf32, #tpu.memory_space<vmem>> -> memref<512x32xf32, #tpu.memory_space<vmem>>
    tpu.enqueue_dma source(%dma_start3A_1515 : memref<512x32xf32, #tpu.memory_space<vmem>>) target(%dma_start3A_1511 : memref<512x32xf32, #tpu.memory_space<hbm>>) target_semaphore(%arg13 : memref<!tpu.dma_semaphore, #tpu.memory_space<semaphore_mem>>)
    %dma_wait3A_1516 = arith.constant 0 : i32
    %dma_wait3A_1517 = arith.constant 0 : i32
    %dma_wait3A_1518 = arith.constant 0 : i32
    %dma_wait3A_1519 = arith.constant 0 : i32
    %dma_wait3A_1520 = tpu.memref_slice %arg7[%dma_wait3A_1516, %dma_wait3A_1518, %dma_wait3A_1519] : memref<2x512x32xf32, #tpu.memory_space<vmem>> -> memref<1x512x32xf32, #tpu.memory_space<vmem>>
    %dma_wait3A_1521 = tpu.memref_squeeze %dma_wait3A_1520 : memref<1x512x32xf32, #tpu.memory_space<vmem>> -> memref<512x32xf32, #tpu.memory_space<vmem>>
    %dma_wait3A_1522 = arith.constant 0 : i32
    %dma_wait3A_1523 = tpu.memref_slice %arg5[%add3A_1483, %dma_wait3A_1517, %dma_wait3A_1522] : memref<360448x2x32xf32, #tpu.memory_space<hbm>> -> memref<512x1x32xf32, #tpu.memory_space<hbm>>
    %dma_wait3A_1524 = tpu.memref_squeeze %dma_wait3A_1523 : memref<512x1x32xf32, #tpu.memory_space<hbm>> -> memref<512x32xf32, #tpu.memory_space<hbm>>
    %dma_wait3A_1525 = arith.constant 0 : i32
    %dma_wait3A_1526 = tpu.memref_slice %arg5[%add3A_1483, %dma_wait3A_1517, %dma_wait3A_1525] : memref<360448x2x32xf32, #tpu.memory_space<hbm>> -> memref<512x1x32xf32, #tpu.memory_space<hbm>>
    %dma_wait3A_1527 = tpu.memref_squeeze %dma_wait3A_1526 : memref<512x1x32xf32, #tpu.memory_space<hbm>> -> memref<512x32xf32, #tpu.memory_space<hbm>>
    %dma_wait3A_1528 = arith.constant 0 : i32
    %dma_wait3A_1529 = arith.constant 0 : i32
    %dma_wait3A_1530 = tpu.memref_slice %arg7[%dma_wait3A_1516, %dma_wait3A_1528, %dma_wait3A_1529] : memref<2x512x32xf32, #tpu.memory_space<vmem>> -> memref<1x512x32xf32, #tpu.memory_space<vmem>>
    %dma_wait3A_1531 = tpu.memref_squeeze %dma_wait3A_1530 : memref<1x512x32xf32, #tpu.memory_space<vmem>> -> memref<512x32xf32, #tpu.memory_space<vmem>>
    tpu.wait_dma2 semaphore(%arg13 : memref<!tpu.dma_semaphore, #tpu.memory_space<semaphore_mem>>) src(%dma_wait3A_1531 : memref<512x32xf32, #tpu.memory_space<vmem>>) dst(%dma_wait3A_1527 : memref<512x32xf32, #tpu.memory_space<hbm>>)
    %dma_wait3A_1532 = arith.constant 0 : i32
    %dma_wait3A_1533 = arith.constant 1 : i32
    %dma_wait3A_1534 = arith.constant 0 : i32
    %dma_wait3A_1535 = arith.constant 0 : i32
    %dma_wait3A_1536 = tpu.memref_slice %arg8[%dma_wait3A_1532, %dma_wait3A_1534, %dma_wait3A_1535] : memref<2x512x32xf32, #tpu.memory_space<vmem>> -> memref<1x512x32xf32, #tpu.memory_space<vmem>>
    %dma_wait3A_1537 = tpu.memref_squeeze %dma_wait3A_1536 : memref<1x512x32xf32, #tpu.memory_space<vmem>> -> memref<512x32xf32, #tpu.memory_space<vmem>>
    %dma_wait3A_1538 = arith.constant 0 : i32
    %dma_wait3A_1539 = tpu.memref_slice %arg5[%add3A_1483, %dma_wait3A_1533, %dma_wait3A_1538] : memref<360448x2x32xf32, #tpu.memory_space<hbm>> -> memref<512x1x32xf32, #tpu.memory_space<hbm>>
    %dma_wait3A_1540 = tpu.memref_squeeze %dma_wait3A_1539 : memref<512x1x32xf32, #tpu.memory_space<hbm>> -> memref<512x32xf32, #tpu.memory_space<hbm>>
    %dma_wait3A_1541 = arith.constant 0 : i32
    %dma_wait3A_1542 = tpu.memref_slice %arg5[%add3A_1483, %dma_wait3A_1533, %dma_wait3A_1541] : memref<360448x2x32xf32, #tpu.memory_space<hbm>> -> memref<512x1x32xf32, #tpu.memory_space<hbm>>
    %dma_wait3A_1543 = tpu.memref_squeeze %dma_wait3A_1542 : memref<512x1x32xf32, #tpu.memory_space<hbm>> -> memref<512x32xf32, #tpu.memory_space<hbm>>
    %dma_wait3A_1544 = arith.constant 0 : i32
    %dma_wait3A_1545 = arith.constant 0 : i32
    %dma_wait3A_1546 = tpu.memref_slice %arg8[%dma_wait3A_1532, %dma_wait3A_1544, %dma_wait3A_1545] : memref<2x512x32xf32, #tpu.memory_space<vmem>> -> memref<1x512x32xf32, #tpu.memory_space<vmem>>
    %dma_wait3A_1547 = tpu.memref_squeeze %dma_wait3A_1546 : memref<1x512x32xf32, #tpu.memory_space<vmem>> -> memref<512x32xf32, #tpu.memory_space<vmem>>
    tpu.wait_dma2 semaphore(%arg13 : memref<!tpu.dma_semaphore, #tpu.memory_space<semaphore_mem>>) src(%dma_wait3A_1547 : memref<512x32xf32, #tpu.memory_space<vmem>>) dst(%dma_wait3A_1543 : memref<512x32xf32, #tpu.memory_space<hbm>>)
    %add3A_1548 = arith.constant 7168 : i32
    %add3A_1549 = arith.addi %mul3A_2, %add3A_1548 : i32
    %run_scoped3A_1550 = arith.constant 0 : i32
    "tpu.region"() ({
      %run_scoped3A_2574 = tpu.sem_alloc : memref<!tpu.dma_semaphore, #tpu.memory_space<semaphore_mem>>
      %dma_start3A_2575 = arith.constant 0 : i32
      %dma_start3A_2576 = tpu.memref_slice %arg6[%run_scoped3A_1550, %dma_start3A_2575] : memref<2x512xi32, #tpu.memory_space<vmem>> -> memref<1x512xi32, #tpu.memory_space<vmem>>
      %dma_start3A_2577 = tpu.memref_squeeze %dma_start3A_2576 : memref<1x512xi32, #tpu.memory_space<vmem>> -> memref<512xi32, #tpu.memory_space<vmem>>
      %dma_start3A_2578 = tpu.memref_slice %arg2[%add3A_1549] : memref<360448xi32, #tpu.memory_space<hbm>> -> memref<512xi32, #tpu.memory_space<hbm>>
      %dma_start3A_2579 = arith.constant 0 : i32
      %dma_start3A_2580 = tpu.memref_slice %arg6[%run_scoped3A_1550, %dma_start3A_2579] : memref<2x512xi32, #tpu.memory_space<vmem>> -> memref<1x512xi32, #tpu.memory_space<vmem>>
      %dma_start3A_2581 = tpu.memref_squeeze %dma_start3A_2580 : memref<1x512xi32, #tpu.memory_space<vmem>> -> memref<512xi32, #tpu.memory_space<vmem>>
      %dma_start3A_2582 = tpu.memref_slice %arg2[%add3A_1549] : memref<360448xi32, #tpu.memory_space<hbm>> -> memref<512xi32, #tpu.memory_space<hbm>>
      tpu.enqueue_dma source(%dma_start3A_2582 : memref<512xi32, #tpu.memory_space<hbm>>) target(%dma_start3A_2581 : memref<512xi32, #tpu.memory_space<vmem>>) target_semaphore(%run_scoped3A_2574 : memref<!tpu.dma_semaphore, #tpu.memory_space<semaphore_mem>>)
      %dma_wait3A_2583 = arith.constant 0 : i32
      %dma_wait3A_2584 = tpu.memref_slice %arg6[%run_scoped3A_1550, %dma_wait3A_2583] : memref<2x512xi32, #tpu.memory_space<vmem>> -> memref<1x512xi32, #tpu.memory_space<vmem>>
      %dma_wait3A_2585 = tpu.memref_squeeze %dma_wait3A_2584 : memref<1x512xi32, #tpu.memory_space<vmem>> -> memref<512xi32, #tpu.memory_space<vmem>>
      %dma_wait3A_2586 = tpu.memref_slice %arg2[%add3A_1549] : memref<360448xi32, #tpu.memory_space<hbm>> -> memref<512xi32, #tpu.memory_space<hbm>>
      %dma_wait3A_2587 = arith.constant 0 : i32
      %dma_wait3A_2588 = tpu.memref_slice %arg6[%run_scoped3A_1550, %dma_wait3A_2587] : memref<2x512xi32, #tpu.memory_space<vmem>> -> memref<1x512xi32, #tpu.memory_space<vmem>>
      %dma_wait3A_2589 = tpu.memref_squeeze %dma_wait3A_2588 : memref<1x512xi32, #tpu.memory_space<vmem>> -> memref<512xi32, #tpu.memory_space<vmem>>
      %dma_wait3A_2590 = tpu.memref_slice %arg2[%add3A_1549] : memref<360448xi32, #tpu.memory_space<hbm>> -> memref<512xi32, #tpu.memory_space<hbm>>
      tpu.wait_dma2 semaphore(%run_scoped3A_2574 : memref<!tpu.dma_semaphore, #tpu.memory_space<semaphore_mem>>) src(%dma_wait3A_2590 : memref<512xi32, #tpu.memory_space<hbm>>) dst(%dma_wait3A_2589 : memref<512xi32, #tpu.memory_space<vmem>>)
      tpu.yield
    }) : () -> ()
    %dma_start3A_1551 = arith.constant 0 : i32
    %dma_start3A_1552 = arith.constant 0 : i32
    %dma_start3A_1553 = arith.constant 0 : i32
    %dma_start3A_1554 = arith.constant 0 : i32
    %dma_start3A_1555 = tpu.memref_slice %arg7[%dma_start3A_1552, %dma_start3A_1553, %dma_start3A_1554] : memref<2x512x32xf32, #tpu.memory_space<vmem>> -> memref<1x512x32xf32, #tpu.memory_space<vmem>>
    %dma_start3A_1556 = tpu.memref_squeeze %dma_start3A_1555 : memref<1x512x32xf32, #tpu.memory_space<vmem>> -> memref<512x32xf32, #tpu.memory_space<vmem>>
    %dma_start3A_1557 = arith.constant 0 : i32
    %dma_start3A_1558 = tpu.memref_slice %arg6[%dma_start3A_1551, %dma_start3A_1557] : memref<2x512xi32, #tpu.memory_space<vmem>> -> memref<1x512xi32, #tpu.memory_space<vmem>>
    %dma_start3A_1559 = tpu.memref_squeeze %dma_start3A_1558 : memref<1x512xi32, #tpu.memory_space<vmem>> -> memref<512xi32, #tpu.memory_space<vmem>>
    %dma_start3A_1560 = arith.constant 0 : i32
    %dma_start3A_1561 = arith.constant 0 : i32
    %dma_start3A_1562 = tpu.memref_slice %arg3[%dma_start3A_1560, %dma_start3A_1561] : memref<2200000x32xf32, #tpu.memory_space<hbm>> -> memref<2200000x32xf32, #tpu.memory_space<hbm>>
    tpu.enqueue_indirect_dma source(%dma_start3A_1562 : memref<2200000x32xf32, #tpu.memory_space<hbm>>) target(%dma_start3A_1556 : memref<512x32xf32, #tpu.memory_space<vmem>>) offsets(%dma_start3A_1559 : memref<512xi32, #tpu.memory_space<vmem>>) semaphore(%arg9 : memref<!tpu.dma_semaphore, #tpu.memory_space<semaphore_mem>>)
    %dma_start3A_1563 = arith.constant 0 : i32
    %dma_start3A_1564 = arith.constant 0 : i32
    %dma_start3A_1565 = arith.constant 0 : i32
    %dma_start3A_1566 = arith.constant 0 : i32
    %dma_start3A_1567 = tpu.memref_slice %arg8[%dma_start3A_1564, %dma_start3A_1565, %dma_start3A_1566] : memref<2x512x32xf32, #tpu.memory_space<vmem>> -> memref<1x512x32xf32, #tpu.memory_space<vmem>>
    %dma_start3A_1568 = tpu.memref_squeeze %dma_start3A_1567 : memref<1x512x32xf32, #tpu.memory_space<vmem>> -> memref<512x32xf32, #tpu.memory_space<vmem>>
    %dma_start3A_1569 = arith.constant 0 : i32
    %dma_start3A_1570 = tpu.memref_slice %arg6[%dma_start3A_1563, %dma_start3A_1569] : memref<2x512xi32, #tpu.memory_space<vmem>> -> memref<1x512xi32, #tpu.memory_space<vmem>>
    %dma_start3A_1571 = tpu.memref_squeeze %dma_start3A_1570 : memref<1x512xi32, #tpu.memory_space<vmem>> -> memref<512xi32, #tpu.memory_space<vmem>>
    %dma_start3A_1572 = arith.constant 0 : i32
    %dma_start3A_1573 = arith.constant 0 : i32
    %dma_start3A_1574 = tpu.memref_slice %arg4[%dma_start3A_1572, %dma_start3A_1573] : memref<2200000x32xf32, #tpu.memory_space<hbm>> -> memref<2200000x32xf32, #tpu.memory_space<hbm>>
    tpu.enqueue_indirect_dma source(%dma_start3A_1574 : memref<2200000x32xf32, #tpu.memory_space<hbm>>) target(%dma_start3A_1568 : memref<512x32xf32, #tpu.memory_space<vmem>>) offsets(%dma_start3A_1571 : memref<512xi32, #tpu.memory_space<vmem>>) semaphore(%arg11 : memref<!tpu.dma_semaphore, #tpu.memory_space<semaphore_mem>>)
    %dma_wait3A_1575 = arith.constant 1 : i32
    %dma_wait3A_1576 = arith.constant 1 : i32
    %dma_wait3A_1577 = arith.constant 0 : i32
    %dma_wait3A_1578 = arith.constant 0 : i32
    %dma_wait3A_1579 = tpu.memref_slice %arg7[%dma_wait3A_1576, %dma_wait3A_1577, %dma_wait3A_1578] : memref<2x512x32xf32, #tpu.memory_space<vmem>> -> memref<1x512x32xf32, #tpu.memory_space<vmem>>
    %dma_wait3A_1580 = tpu.memref_squeeze %dma_wait3A_1579 : memref<1x512x32xf32, #tpu.memory_space<vmem>> -> memref<512x32xf32, #tpu.memory_space<vmem>>
    %dma_wait3A_1581 = arith.constant 0 : i32
    %dma_wait3A_1582 = tpu.memref_slice %arg6[%dma_wait3A_1575, %dma_wait3A_1581] : memref<2x512xi32, #tpu.memory_space<vmem>> -> memref<1x512xi32, #tpu.memory_space<vmem>>
    %dma_wait3A_1583 = tpu.memref_squeeze %dma_wait3A_1582 : memref<1x512xi32, #tpu.memory_space<vmem>> -> memref<512xi32, #tpu.memory_space<vmem>>
    %dma_wait3A_1584 = arith.constant 0 : i32
    %dma_wait3A_1585 = arith.constant 0 : i32
    %dma_wait3A_1586 = tpu.memref_slice %arg3[%dma_wait3A_1584, %dma_wait3A_1585] : memref<2200000x32xf32, #tpu.memory_space<hbm>> -> memref<2200000x32xf32, #tpu.memory_space<hbm>>
    tpu.wait_indirect_dma semaphore(%arg10 : memref<!tpu.dma_semaphore, #tpu.memory_space<semaphore_mem>>) src(%dma_wait3A_1586 : memref<2200000x32xf32, #tpu.memory_space<hbm>>) dst(%dma_wait3A_1580 : memref<512x32xf32, #tpu.memory_space<vmem>>)
    %dma_wait3A_1587 = arith.constant 1 : i32
    %dma_wait3A_1588 = arith.constant 1 : i32
    %dma_wait3A_1589 = arith.constant 0 : i32
    %dma_wait3A_1590 = arith.constant 0 : i32
    %dma_wait3A_1591 = tpu.memref_slice %arg8[%dma_wait3A_1588, %dma_wait3A_1589, %dma_wait3A_1590] : memref<2x512x32xf32, #tpu.memory_space<vmem>> -> memref<1x512x32xf32, #tpu.memory_space<vmem>>
    %dma_wait3A_1592 = tpu.memref_squeeze %dma_wait3A_1591 : memref<1x512x32xf32, #tpu.memory_space<vmem>> -> memref<512x32xf32, #tpu.memory_space<vmem>>
    %dma_wait3A_1593 = arith.constant 0 : i32
    %dma_wait3A_1594 = tpu.memref_slice %arg6[%dma_wait3A_1587, %dma_wait3A_1593] : memref<2x512xi32, #tpu.memory_space<vmem>> -> memref<1x512xi32, #tpu.memory_space<vmem>>
    %dma_wait3A_1595 = tpu.memref_squeeze %dma_wait3A_1594 : memref<1x512xi32, #tpu.memory_space<vmem>> -> memref<512xi32, #tpu.memory_space<vmem>>
    %dma_wait3A_1596 = arith.constant 0 : i32
    %dma_wait3A_1597 = arith.constant 0 : i32
    %dma_wait3A_1598 = tpu.memref_slice %arg4[%dma_wait3A_1596, %dma_wait3A_1597] : memref<2200000x32xf32, #tpu.memory_space<hbm>> -> memref<2200000x32xf32, #tpu.memory_space<hbm>>
    tpu.wait_indirect_dma semaphore(%arg12 : memref<!tpu.dma_semaphore, #tpu.memory_space<semaphore_mem>>) src(%dma_wait3A_1598 : memref<2200000x32xf32, #tpu.memory_space<hbm>>) dst(%dma_wait3A_1592 : memref<512x32xf32, #tpu.memory_space<vmem>>)
    %add3A_1599 = arith.constant 6656 : i32
    %add3A_1600 = arith.addi %mul3A_2, %add3A_1599 : i32
    %dma_start3A_1601 = arith.constant 1 : i32
    %dma_start3A_1602 = arith.constant 0 : i32
    %dma_start3A_1603 = arith.constant 0 : i32
    %dma_start3A_1604 = arith.constant 0 : i32
    %dma_start3A_1605 = tpu.memref_slice %arg7[%dma_start3A_1601, %dma_start3A_1603, %dma_start3A_1604] : memref<2x512x32xf32, #tpu.memory_space<vmem>> -> memref<1x512x32xf32, #tpu.memory_space<vmem>>
    %dma_start3A_1606 = tpu.memref_squeeze %dma_start3A_1605 : memref<1x512x32xf32, #tpu.memory_space<vmem>> -> memref<512x32xf32, #tpu.memory_space<vmem>>
    %dma_start3A_1607 = arith.constant 0 : i32
    %dma_start3A_1608 = tpu.memref_slice %arg5[%add3A_1600, %dma_start3A_1602, %dma_start3A_1607] : memref<360448x2x32xf32, #tpu.memory_space<hbm>> -> memref<512x1x32xf32, #tpu.memory_space<hbm>>
    %dma_start3A_1609 = tpu.memref_squeeze %dma_start3A_1608 : memref<512x1x32xf32, #tpu.memory_space<hbm>> -> memref<512x32xf32, #tpu.memory_space<hbm>>
    %dma_start3A_1610 = arith.constant 0 : i32
    %dma_start3A_1611 = tpu.memref_slice %arg5[%add3A_1600, %dma_start3A_1602, %dma_start3A_1610] : memref<360448x2x32xf32, #tpu.memory_space<hbm>> -> memref<512x1x32xf32, #tpu.memory_space<hbm>>
    %dma_start3A_1612 = tpu.memref_squeeze %dma_start3A_1611 : memref<512x1x32xf32, #tpu.memory_space<hbm>> -> memref<512x32xf32, #tpu.memory_space<hbm>>
    %dma_start3A_1613 = arith.constant 0 : i32
    %dma_start3A_1614 = arith.constant 0 : i32
    %dma_start3A_1615 = tpu.memref_slice %arg7[%dma_start3A_1601, %dma_start3A_1613, %dma_start3A_1614] : memref<2x512x32xf32, #tpu.memory_space<vmem>> -> memref<1x512x32xf32, #tpu.memory_space<vmem>>
    %dma_start3A_1616 = tpu.memref_squeeze %dma_start3A_1615 : memref<1x512x32xf32, #tpu.memory_space<vmem>> -> memref<512x32xf32, #tpu.memory_space<vmem>>
    tpu.enqueue_dma source(%dma_start3A_1616 : memref<512x32xf32, #tpu.memory_space<vmem>>) target(%dma_start3A_1612 : memref<512x32xf32, #tpu.memory_space<hbm>>) target_semaphore(%arg14 : memref<!tpu.dma_semaphore, #tpu.memory_space<semaphore_mem>>)
    %dma_start3A_1617 = arith.constant 1 : i32
    %dma_start3A_1618 = arith.constant 1 : i32
    %dma_start3A_1619 = arith.constant 0 : i32
    %dma_start3A_1620 = arith.constant 0 : i32
    %dma_start3A_1621 = tpu.memref_slice %arg8[%dma_start3A_1617, %dma_start3A_1619, %dma_start3A_1620] : memref<2x512x32xf32, #tpu.memory_space<vmem>> -> memref<1x512x32xf32, #tpu.memory_space<vmem>>
    %dma_start3A_1622 = tpu.memref_squeeze %dma_start3A_1621 : memref<1x512x32xf32, #tpu.memory_space<vmem>> -> memref<512x32xf32, #tpu.memory_space<vmem>>
    %dma_start3A_1623 = arith.constant 0 : i32
    %dma_start3A_1624 = tpu.memref_slice %arg5[%add3A_1600, %dma_start3A_1618, %dma_start3A_1623] : memref<360448x2x32xf32, #tpu.memory_space<hbm>> -> memref<512x1x32xf32, #tpu.memory_space<hbm>>
    %dma_start3A_1625 = tpu.memref_squeeze %dma_start3A_1624 : memref<512x1x32xf32, #tpu.memory_space<hbm>> -> memref<512x32xf32, #tpu.memory_space<hbm>>
    %dma_start3A_1626 = arith.constant 0 : i32
    %dma_start3A_1627 = tpu.memref_slice %arg5[%add3A_1600, %dma_start3A_1618, %dma_start3A_1626] : memref<360448x2x32xf32, #tpu.memory_space<hbm>> -> memref<512x1x32xf32, #tpu.memory_space<hbm>>
    %dma_start3A_1628 = tpu.memref_squeeze %dma_start3A_1627 : memref<512x1x32xf32, #tpu.memory_space<hbm>> -> memref<512x32xf32, #tpu.memory_space<hbm>>
    %dma_start3A_1629 = arith.constant 0 : i32
    %dma_start3A_1630 = arith.constant 0 : i32
    %dma_start3A_1631 = tpu.memref_slice %arg8[%dma_start3A_1617, %dma_start3A_1629, %dma_start3A_1630] : memref<2x512x32xf32, #tpu.memory_space<vmem>> -> memref<1x512x32xf32, #tpu.memory_space<vmem>>
    %dma_start3A_1632 = tpu.memref_squeeze %dma_start3A_1631 : memref<1x512x32xf32, #tpu.memory_space<vmem>> -> memref<512x32xf32, #tpu.memory_space<vmem>>
    tpu.enqueue_dma source(%dma_start3A_1632 : memref<512x32xf32, #tpu.memory_space<vmem>>) target(%dma_start3A_1628 : memref<512x32xf32, #tpu.memory_space<hbm>>) target_semaphore(%arg14 : memref<!tpu.dma_semaphore, #tpu.memory_space<semaphore_mem>>)
    %dma_wait3A_1633 = arith.constant 1 : i32
    %dma_wait3A_1634 = arith.constant 0 : i32
    %dma_wait3A_1635 = arith.constant 0 : i32
    %dma_wait3A_1636 = arith.constant 0 : i32
    %dma_wait3A_1637 = tpu.memref_slice %arg7[%dma_wait3A_1633, %dma_wait3A_1635, %dma_wait3A_1636] : memref<2x512x32xf32, #tpu.memory_space<vmem>> -> memref<1x512x32xf32, #tpu.memory_space<vmem>>
    %dma_wait3A_1638 = tpu.memref_squeeze %dma_wait3A_1637 : memref<1x512x32xf32, #tpu.memory_space<vmem>> -> memref<512x32xf32, #tpu.memory_space<vmem>>
    %dma_wait3A_1639 = arith.constant 0 : i32
    %dma_wait3A_1640 = tpu.memref_slice %arg5[%add3A_1600, %dma_wait3A_1634, %dma_wait3A_1639] : memref<360448x2x32xf32, #tpu.memory_space<hbm>> -> memref<512x1x32xf32, #tpu.memory_space<hbm>>
    %dma_wait3A_1641 = tpu.memref_squeeze %dma_wait3A_1640 : memref<512x1x32xf32, #tpu.memory_space<hbm>> -> memref<512x32xf32, #tpu.memory_space<hbm>>
    %dma_wait3A_1642 = arith.constant 0 : i32
    %dma_wait3A_1643 = tpu.memref_slice %arg5[%add3A_1600, %dma_wait3A_1634, %dma_wait3A_1642] : memref<360448x2x32xf32, #tpu.memory_space<hbm>> -> memref<512x1x32xf32, #tpu.memory_space<hbm>>
    %dma_wait3A_1644 = tpu.memref_squeeze %dma_wait3A_1643 : memref<512x1x32xf32, #tpu.memory_space<hbm>> -> memref<512x32xf32, #tpu.memory_space<hbm>>
    %dma_wait3A_1645 = arith.constant 0 : i32
    %dma_wait3A_1646 = arith.constant 0 : i32
    %dma_wait3A_1647 = tpu.memref_slice %arg7[%dma_wait3A_1633, %dma_wait3A_1645, %dma_wait3A_1646] : memref<2x512x32xf32, #tpu.memory_space<vmem>> -> memref<1x512x32xf32, #tpu.memory_space<vmem>>
    %dma_wait3A_1648 = tpu.memref_squeeze %dma_wait3A_1647 : memref<1x512x32xf32, #tpu.memory_space<vmem>> -> memref<512x32xf32, #tpu.memory_space<vmem>>
    tpu.wait_dma2 semaphore(%arg14 : memref<!tpu.dma_semaphore, #tpu.memory_space<semaphore_mem>>) src(%dma_wait3A_1648 : memref<512x32xf32, #tpu.memory_space<vmem>>) dst(%dma_wait3A_1644 : memref<512x32xf32, #tpu.memory_space<hbm>>)
    %dma_wait3A_1649 = arith.constant 1 : i32
    %dma_wait3A_1650 = arith.constant 1 : i32
    %dma_wait3A_1651 = arith.constant 0 : i32
    %dma_wait3A_1652 = arith.constant 0 : i32
    %dma_wait3A_1653 = tpu.memref_slice %arg8[%dma_wait3A_1649, %dma_wait3A_1651, %dma_wait3A_1652] : memref<2x512x32xf32, #tpu.memory_space<vmem>> -> memref<1x512x32xf32, #tpu.memory_space<vmem>>
    %dma_wait3A_1654 = tpu.memref_squeeze %dma_wait3A_1653 : memref<1x512x32xf32, #tpu.memory_space<vmem>> -> memref<512x32xf32, #tpu.memory_space<vmem>>
    %dma_wait3A_1655 = arith.constant 0 : i32
    %dma_wait3A_1656 = tpu.memref_slice %arg5[%add3A_1600, %dma_wait3A_1650, %dma_wait3A_1655] : memref<360448x2x32xf32, #tpu.memory_space<hbm>> -> memref<512x1x32xf32, #tpu.memory_space<hbm>>
    %dma_wait3A_1657 = tpu.memref_squeeze %dma_wait3A_1656 : memref<512x1x32xf32, #tpu.memory_space<hbm>> -> memref<512x32xf32, #tpu.memory_space<hbm>>
    %dma_wait3A_1658 = arith.constant 0 : i32
    %dma_wait3A_1659 = tpu.memref_slice %arg5[%add3A_1600, %dma_wait3A_1650, %dma_wait3A_1658] : memref<360448x2x32xf32, #tpu.memory_space<hbm>> -> memref<512x1x32xf32, #tpu.memory_space<hbm>>
    %dma_wait3A_1660 = tpu.memref_squeeze %dma_wait3A_1659 : memref<512x1x32xf32, #tpu.memory_space<hbm>> -> memref<512x32xf32, #tpu.memory_space<hbm>>
    %dma_wait3A_1661 = arith.constant 0 : i32
    %dma_wait3A_1662 = arith.constant 0 : i32
    %dma_wait3A_1663 = tpu.memref_slice %arg8[%dma_wait3A_1649, %dma_wait3A_1661, %dma_wait3A_1662] : memref<2x512x32xf32, #tpu.memory_space<vmem>> -> memref<1x512x32xf32, #tpu.memory_space<vmem>>
    %dma_wait3A_1664 = tpu.memref_squeeze %dma_wait3A_1663 : memref<1x512x32xf32, #tpu.memory_space<vmem>> -> memref<512x32xf32, #tpu.memory_space<vmem>>
    tpu.wait_dma2 semaphore(%arg14 : memref<!tpu.dma_semaphore, #tpu.memory_space<semaphore_mem>>) src(%dma_wait3A_1664 : memref<512x32xf32, #tpu.memory_space<vmem>>) dst(%dma_wait3A_1660 : memref<512x32xf32, #tpu.memory_space<hbm>>)
    %add3A_1665 = arith.constant 7680 : i32
    %add3A_1666 = arith.addi %mul3A_2, %add3A_1665 : i32
    %run_scoped3A_1667 = arith.constant 1 : i32
    "tpu.region"() ({
      %run_scoped3A_2574 = tpu.sem_alloc : memref<!tpu.dma_semaphore, #tpu.memory_space<semaphore_mem>>
      %dma_start3A_2575 = arith.constant 0 : i32
      %dma_start3A_2576 = tpu.memref_slice %arg6[%run_scoped3A_1667, %dma_start3A_2575] : memref<2x512xi32, #tpu.memory_space<vmem>> -> memref<1x512xi32, #tpu.memory_space<vmem>>
      %dma_start3A_2577 = tpu.memref_squeeze %dma_start3A_2576 : memref<1x512xi32, #tpu.memory_space<vmem>> -> memref<512xi32, #tpu.memory_space<vmem>>
      %dma_start3A_2578 = tpu.memref_slice %arg2[%add3A_1666] : memref<360448xi32, #tpu.memory_space<hbm>> -> memref<512xi32, #tpu.memory_space<hbm>>
      %dma_start3A_2579 = arith.constant 0 : i32
      %dma_start3A_2580 = tpu.memref_slice %arg6[%run_scoped3A_1667, %dma_start3A_2579] : memref<2x512xi32, #tpu.memory_space<vmem>> -> memref<1x512xi32, #tpu.memory_space<vmem>>
      %dma_start3A_2581 = tpu.memref_squeeze %dma_start3A_2580 : memref<1x512xi32, #tpu.memory_space<vmem>> -> memref<512xi32, #tpu.memory_space<vmem>>
      %dma_start3A_2582 = tpu.memref_slice %arg2[%add3A_1666] : memref<360448xi32, #tpu.memory_space<hbm>> -> memref<512xi32, #tpu.memory_space<hbm>>
      tpu.enqueue_dma source(%dma_start3A_2582 : memref<512xi32, #tpu.memory_space<hbm>>) target(%dma_start3A_2581 : memref<512xi32, #tpu.memory_space<vmem>>) target_semaphore(%run_scoped3A_2574 : memref<!tpu.dma_semaphore, #tpu.memory_space<semaphore_mem>>)
      %dma_wait3A_2583 = arith.constant 0 : i32
      %dma_wait3A_2584 = tpu.memref_slice %arg6[%run_scoped3A_1667, %dma_wait3A_2583] : memref<2x512xi32, #tpu.memory_space<vmem>> -> memref<1x512xi32, #tpu.memory_space<vmem>>
      %dma_wait3A_2585 = tpu.memref_squeeze %dma_wait3A_2584 : memref<1x512xi32, #tpu.memory_space<vmem>> -> memref<512xi32, #tpu.memory_space<vmem>>
      %dma_wait3A_2586 = tpu.memref_slice %arg2[%add3A_1666] : memref<360448xi32, #tpu.memory_space<hbm>> -> memref<512xi32, #tpu.memory_space<hbm>>
      %dma_wait3A_2587 = arith.constant 0 : i32
      %dma_wait3A_2588 = tpu.memref_slice %arg6[%run_scoped3A_1667, %dma_wait3A_2587] : memref<2x512xi32, #tpu.memory_space<vmem>> -> memref<1x512xi32, #tpu.memory_space<vmem>>
      %dma_wait3A_2589 = tpu.memref_squeeze %dma_wait3A_2588 : memref<1x512xi32, #tpu.memory_space<vmem>> -> memref<512xi32, #tpu.memory_space<vmem>>
      %dma_wait3A_2590 = tpu.memref_slice %arg2[%add3A_1666] : memref<360448xi32, #tpu.memory_space<hbm>> -> memref<512xi32, #tpu.memory_space<hbm>>
      tpu.wait_dma2 semaphore(%run_scoped3A_2574 : memref<!tpu.dma_semaphore, #tpu.memory_space<semaphore_mem>>) src(%dma_wait3A_2590 : memref<512xi32, #tpu.memory_space<hbm>>) dst(%dma_wait3A_2589 : memref<512xi32, #tpu.memory_space<vmem>>)
      tpu.yield
    }) : () -> ()
    %dma_start3A_1668 = arith.constant 1 : i32
    %dma_start3A_1669 = arith.constant 1 : i32
    %dma_start3A_1670 = arith.constant 0 : i32
    %dma_start3A_1671 = arith.constant 0 : i32
    %dma_start3A_1672 = tpu.memref_slice %arg7[%dma_start3A_1669, %dma_start3A_1670, %dma_start3A_1671] : memref<2x512x32xf32, #tpu.memory_space<vmem>> -> memref<1x512x32xf32, #tpu.memory_space<vmem>>
    %dma_start3A_1673 = tpu.memref_squeeze %dma_start3A_1672 : memref<1x512x32xf32, #tpu.memory_space<vmem>> -> memref<512x32xf32, #tpu.memory_space<vmem>>
    %dma_start3A_1674 = arith.constant 0 : i32
    %dma_start3A_1675 = tpu.memref_slice %arg6[%dma_start3A_1668, %dma_start3A_1674] : memref<2x512xi32, #tpu.memory_space<vmem>> -> memref<1x512xi32, #tpu.memory_space<vmem>>
    %dma_start3A_1676 = tpu.memref_squeeze %dma_start3A_1675 : memref<1x512xi32, #tpu.memory_space<vmem>> -> memref<512xi32, #tpu.memory_space<vmem>>
    %dma_start3A_1677 = arith.constant 0 : i32
    %dma_start3A_1678 = arith.constant 0 : i32
    %dma_start3A_1679 = tpu.memref_slice %arg3[%dma_start3A_1677, %dma_start3A_1678] : memref<2200000x32xf32, #tpu.memory_space<hbm>> -> memref<2200000x32xf32, #tpu.memory_space<hbm>>
    tpu.enqueue_indirect_dma source(%dma_start3A_1679 : memref<2200000x32xf32, #tpu.memory_space<hbm>>) target(%dma_start3A_1673 : memref<512x32xf32, #tpu.memory_space<vmem>>) offsets(%dma_start3A_1676 : memref<512xi32, #tpu.memory_space<vmem>>) semaphore(%arg10 : memref<!tpu.dma_semaphore, #tpu.memory_space<semaphore_mem>>)
    %dma_start3A_1680 = arith.constant 1 : i32
    %dma_start3A_1681 = arith.constant 1 : i32
    %dma_start3A_1682 = arith.constant 0 : i32
    %dma_start3A_1683 = arith.constant 0 : i32
    %dma_start3A_1684 = tpu.memref_slice %arg8[%dma_start3A_1681, %dma_start3A_1682, %dma_start3A_1683] : memref<2x512x32xf32, #tpu.memory_space<vmem>> -> memref<1x512x32xf32, #tpu.memory_space<vmem>>
    %dma_start3A_1685 = tpu.memref_squeeze %dma_start3A_1684 : memref<1x512x32xf32, #tpu.memory_space<vmem>> -> memref<512x32xf32, #tpu.memory_space<vmem>>
    %dma_start3A_1686 = arith.constant 0 : i32
    %dma_start3A_1687 = tpu.memref_slice %arg6[%dma_start3A_1680, %dma_start3A_1686] : memref<2x512xi32, #tpu.memory_space<vmem>> -> memref<1x512xi32, #tpu.memory_space<vmem>>
    %dma_start3A_1688 = tpu.memref_squeeze %dma_start3A_1687 : memref<1x512xi32, #tpu.memory_space<vmem>> -> memref<512xi32, #tpu.memory_space<vmem>>
    %dma_start3A_1689 = arith.constant 0 : i32
    %dma_start3A_1690 = arith.constant 0 : i32
    %dma_start3A_1691 = tpu.memref_slice %arg4[%dma_start3A_1689, %dma_start3A_1690] : memref<2200000x32xf32, #tpu.memory_space<hbm>> -> memref<2200000x32xf32, #tpu.memory_space<hbm>>
    tpu.enqueue_indirect_dma source(%dma_start3A_1691 : memref<2200000x32xf32, #tpu.memory_space<hbm>>) target(%dma_start3A_1685 : memref<512x32xf32, #tpu.memory_space<vmem>>) offsets(%dma_start3A_1688 : memref<512xi32, #tpu.memory_space<vmem>>) semaphore(%arg12 : memref<!tpu.dma_semaphore, #tpu.memory_space<semaphore_mem>>)
    %dma_wait3A_1692 = arith.constant 0 : i32
    %dma_wait3A_1693 = arith.constant 0 : i32
    %dma_wait3A_1694 = arith.constant 0 : i32
    %dma_wait3A_1695 = arith.constant 0 : i32
    %dma_wait3A_1696 = tpu.memref_slice %arg7[%dma_wait3A_1693, %dma_wait3A_1694, %dma_wait3A_1695] : memref<2x512x32xf32, #tpu.memory_space<vmem>> -> memref<1x512x32xf32, #tpu.memory_space<vmem>>
    %dma_wait3A_1697 = tpu.memref_squeeze %dma_wait3A_1696 : memref<1x512x32xf32, #tpu.memory_space<vmem>> -> memref<512x32xf32, #tpu.memory_space<vmem>>
    %dma_wait3A_1698 = arith.constant 0 : i32
    %dma_wait3A_1699 = tpu.memref_slice %arg6[%dma_wait3A_1692, %dma_wait3A_1698] : memref<2x512xi32, #tpu.memory_space<vmem>> -> memref<1x512xi32, #tpu.memory_space<vmem>>
    %dma_wait3A_1700 = tpu.memref_squeeze %dma_wait3A_1699 : memref<1x512xi32, #tpu.memory_space<vmem>> -> memref<512xi32, #tpu.memory_space<vmem>>
    %dma_wait3A_1701 = arith.constant 0 : i32
    %dma_wait3A_1702 = arith.constant 0 : i32
    %dma_wait3A_1703 = tpu.memref_slice %arg3[%dma_wait3A_1701, %dma_wait3A_1702] : memref<2200000x32xf32, #tpu.memory_space<hbm>> -> memref<2200000x32xf32, #tpu.memory_space<hbm>>
    tpu.wait_indirect_dma semaphore(%arg9 : memref<!tpu.dma_semaphore, #tpu.memory_space<semaphore_mem>>) src(%dma_wait3A_1703 : memref<2200000x32xf32, #tpu.memory_space<hbm>>) dst(%dma_wait3A_1697 : memref<512x32xf32, #tpu.memory_space<vmem>>)
    %dma_wait3A_1704 = arith.constant 0 : i32
    %dma_wait3A_1705 = arith.constant 0 : i32
    %dma_wait3A_1706 = arith.constant 0 : i32
    %dma_wait3A_1707 = arith.constant 0 : i32
    %dma_wait3A_1708 = tpu.memref_slice %arg8[%dma_wait3A_1705, %dma_wait3A_1706, %dma_wait3A_1707] : memref<2x512x32xf32, #tpu.memory_space<vmem>> -> memref<1x512x32xf32, #tpu.memory_space<vmem>>
    %dma_wait3A_1709 = tpu.memref_squeeze %dma_wait3A_1708 : memref<1x512x32xf32, #tpu.memory_space<vmem>> -> memref<512x32xf32, #tpu.memory_space<vmem>>
    %dma_wait3A_1710 = arith.constant 0 : i32
    %dma_wait3A_1711 = tpu.memref_slice %arg6[%dma_wait3A_1704, %dma_wait3A_1710] : memref<2x512xi32, #tpu.memory_space<vmem>> -> memref<1x512xi32, #tpu.memory_space<vmem>>
    %dma_wait3A_1712 = tpu.memref_squeeze %dma_wait3A_1711 : memref<1x512xi32, #tpu.memory_space<vmem>> -> memref<512xi32, #tpu.memory_space<vmem>>
    %dma_wait3A_1713 = arith.constant 0 : i32
    %dma_wait3A_1714 = arith.constant 0 : i32
    %dma_wait3A_1715 = tpu.memref_slice %arg4[%dma_wait3A_1713, %dma_wait3A_1714] : memref<2200000x32xf32, #tpu.memory_space<hbm>> -> memref<2200000x32xf32, #tpu.memory_space<hbm>>
    tpu.wait_indirect_dma semaphore(%arg11 : memref<!tpu.dma_semaphore, #tpu.memory_space<semaphore_mem>>) src(%dma_wait3A_1715 : memref<2200000x32xf32, #tpu.memory_space<hbm>>) dst(%dma_wait3A_1709 : memref<512x32xf32, #tpu.memory_space<vmem>>)
    %add3A_1716 = arith.constant 7168 : i32
    %add3A_1717 = arith.addi %mul3A_2, %add3A_1716 : i32
    %dma_start3A_1718 = arith.constant 0 : i32
    %dma_start3A_1719 = arith.constant 0 : i32
    %dma_start3A_1720 = arith.constant 0 : i32
    %dma_start3A_1721 = arith.constant 0 : i32
    %dma_start3A_1722 = tpu.memref_slice %arg7[%dma_start3A_1718, %dma_start3A_1720, %dma_start3A_1721] : memref<2x512x32xf32, #tpu.memory_space<vmem>> -> memref<1x512x32xf32, #tpu.memory_space<vmem>>
    %dma_start3A_1723 = tpu.memref_squeeze %dma_start3A_1722 : memref<1x512x32xf32, #tpu.memory_space<vmem>> -> memref<512x32xf32, #tpu.memory_space<vmem>>
    %dma_start3A_1724 = arith.constant 0 : i32
    %dma_start3A_1725 = tpu.memref_slice %arg5[%add3A_1717, %dma_start3A_1719, %dma_start3A_1724] : memref<360448x2x32xf32, #tpu.memory_space<hbm>> -> memref<512x1x32xf32, #tpu.memory_space<hbm>>
    %dma_start3A_1726 = tpu.memref_squeeze %dma_start3A_1725 : memref<512x1x32xf32, #tpu.memory_space<hbm>> -> memref<512x32xf32, #tpu.memory_space<hbm>>
    %dma_start3A_1727 = arith.constant 0 : i32
    %dma_start3A_1728 = tpu.memref_slice %arg5[%add3A_1717, %dma_start3A_1719, %dma_start3A_1727] : memref<360448x2x32xf32, #tpu.memory_space<hbm>> -> memref<512x1x32xf32, #tpu.memory_space<hbm>>
    %dma_start3A_1729 = tpu.memref_squeeze %dma_start3A_1728 : memref<512x1x32xf32, #tpu.memory_space<hbm>> -> memref<512x32xf32, #tpu.memory_space<hbm>>
    %dma_start3A_1730 = arith.constant 0 : i32
    %dma_start3A_1731 = arith.constant 0 : i32
    %dma_start3A_1732 = tpu.memref_slice %arg7[%dma_start3A_1718, %dma_start3A_1730, %dma_start3A_1731] : memref<2x512x32xf32, #tpu.memory_space<vmem>> -> memref<1x512x32xf32, #tpu.memory_space<vmem>>
    %dma_start3A_1733 = tpu.memref_squeeze %dma_start3A_1732 : memref<1x512x32xf32, #tpu.memory_space<vmem>> -> memref<512x32xf32, #tpu.memory_space<vmem>>
    tpu.enqueue_dma source(%dma_start3A_1733 : memref<512x32xf32, #tpu.memory_space<vmem>>) target(%dma_start3A_1729 : memref<512x32xf32, #tpu.memory_space<hbm>>) target_semaphore(%arg13 : memref<!tpu.dma_semaphore, #tpu.memory_space<semaphore_mem>>)
    %dma_start3A_1734 = arith.constant 0 : i32
    %dma_start3A_1735 = arith.constant 1 : i32
    %dma_start3A_1736 = arith.constant 0 : i32
    %dma_start3A_1737 = arith.constant 0 : i32
    %dma_start3A_1738 = tpu.memref_slice %arg8[%dma_start3A_1734, %dma_start3A_1736, %dma_start3A_1737] : memref<2x512x32xf32, #tpu.memory_space<vmem>> -> memref<1x512x32xf32, #tpu.memory_space<vmem>>
    %dma_start3A_1739 = tpu.memref_squeeze %dma_start3A_1738 : memref<1x512x32xf32, #tpu.memory_space<vmem>> -> memref<512x32xf32, #tpu.memory_space<vmem>>
    %dma_start3A_1740 = arith.constant 0 : i32
    %dma_start3A_1741 = tpu.memref_slice %arg5[%add3A_1717, %dma_start3A_1735, %dma_start3A_1740] : memref<360448x2x32xf32, #tpu.memory_space<hbm>> -> memref<512x1x32xf32, #tpu.memory_space<hbm>>
    %dma_start3A_1742 = tpu.memref_squeeze %dma_start3A_1741 : memref<512x1x32xf32, #tpu.memory_space<hbm>> -> memref<512x32xf32, #tpu.memory_space<hbm>>
    %dma_start3A_1743 = arith.constant 0 : i32
    %dma_start3A_1744 = tpu.memref_slice %arg5[%add3A_1717, %dma_start3A_1735, %dma_start3A_1743] : memref<360448x2x32xf32, #tpu.memory_space<hbm>> -> memref<512x1x32xf32, #tpu.memory_space<hbm>>
    %dma_start3A_1745 = tpu.memref_squeeze %dma_start3A_1744 : memref<512x1x32xf32, #tpu.memory_space<hbm>> -> memref<512x32xf32, #tpu.memory_space<hbm>>
    %dma_start3A_1746 = arith.constant 0 : i32
    %dma_start3A_1747 = arith.constant 0 : i32
    %dma_start3A_1748 = tpu.memref_slice %arg8[%dma_start3A_1734, %dma_start3A_1746, %dma_start3A_1747] : memref<2x512x32xf32, #tpu.memory_space<vmem>> -> memref<1x512x32xf32, #tpu.memory_space<vmem>>
    %dma_start3A_1749 = tpu.memref_squeeze %dma_start3A_1748 : memref<1x512x32xf32, #tpu.memory_space<vmem>> -> memref<512x32xf32, #tpu.memory_space<vmem>>
    tpu.enqueue_dma source(%dma_start3A_1749 : memref<512x32xf32, #tpu.memory_space<vmem>>) target(%dma_start3A_1745 : memref<512x32xf32, #tpu.memory_space<hbm>>) target_semaphore(%arg13 : memref<!tpu.dma_semaphore, #tpu.memory_space<semaphore_mem>>)
    %dma_wait3A_1750 = arith.constant 0 : i32
    %dma_wait3A_1751 = arith.constant 0 : i32
    %dma_wait3A_1752 = arith.constant 0 : i32
    %dma_wait3A_1753 = arith.constant 0 : i32
    %dma_wait3A_1754 = tpu.memref_slice %arg7[%dma_wait3A_1750, %dma_wait3A_1752, %dma_wait3A_1753] : memref<2x512x32xf32, #tpu.memory_space<vmem>> -> memref<1x512x32xf32, #tpu.memory_space<vmem>>
    %dma_wait3A_1755 = tpu.memref_squeeze %dma_wait3A_1754 : memref<1x512x32xf32, #tpu.memory_space<vmem>> -> memref<512x32xf32, #tpu.memory_space<vmem>>
    %dma_wait3A_1756 = arith.constant 0 : i32
    %dma_wait3A_1757 = tpu.memref_slice %arg5[%add3A_1717, %dma_wait3A_1751, %dma_wait3A_1756] : memref<360448x2x32xf32, #tpu.memory_space<hbm>> -> memref<512x1x32xf32, #tpu.memory_space<hbm>>
    %dma_wait3A_1758 = tpu.memref_squeeze %dma_wait3A_1757 : memref<512x1x32xf32, #tpu.memory_space<hbm>> -> memref<512x32xf32, #tpu.memory_space<hbm>>
    %dma_wait3A_1759 = arith.constant 0 : i32
    %dma_wait3A_1760 = tpu.memref_slice %arg5[%add3A_1717, %dma_wait3A_1751, %dma_wait3A_1759] : memref<360448x2x32xf32, #tpu.memory_space<hbm>> -> memref<512x1x32xf32, #tpu.memory_space<hbm>>
    %dma_wait3A_1761 = tpu.memref_squeeze %dma_wait3A_1760 : memref<512x1x32xf32, #tpu.memory_space<hbm>> -> memref<512x32xf32, #tpu.memory_space<hbm>>
    %dma_wait3A_1762 = arith.constant 0 : i32
    %dma_wait3A_1763 = arith.constant 0 : i32
    %dma_wait3A_1764 = tpu.memref_slice %arg7[%dma_wait3A_1750, %dma_wait3A_1762, %dma_wait3A_1763] : memref<2x512x32xf32, #tpu.memory_space<vmem>> -> memref<1x512x32xf32, #tpu.memory_space<vmem>>
    %dma_wait3A_1765 = tpu.memref_squeeze %dma_wait3A_1764 : memref<1x512x32xf32, #tpu.memory_space<vmem>> -> memref<512x32xf32, #tpu.memory_space<vmem>>
    tpu.wait_dma2 semaphore(%arg13 : memref<!tpu.dma_semaphore, #tpu.memory_space<semaphore_mem>>) src(%dma_wait3A_1765 : memref<512x32xf32, #tpu.memory_space<vmem>>) dst(%dma_wait3A_1761 : memref<512x32xf32, #tpu.memory_space<hbm>>)
    %dma_wait3A_1766 = arith.constant 0 : i32
    %dma_wait3A_1767 = arith.constant 1 : i32
    %dma_wait3A_1768 = arith.constant 0 : i32
    %dma_wait3A_1769 = arith.constant 0 : i32
    %dma_wait3A_1770 = tpu.memref_slice %arg8[%dma_wait3A_1766, %dma_wait3A_1768, %dma_wait3A_1769] : memref<2x512x32xf32, #tpu.memory_space<vmem>> -> memref<1x512x32xf32, #tpu.memory_space<vmem>>
    %dma_wait3A_1771 = tpu.memref_squeeze %dma_wait3A_1770 : memref<1x512x32xf32, #tpu.memory_space<vmem>> -> memref<512x32xf32, #tpu.memory_space<vmem>>
    %dma_wait3A_1772 = arith.constant 0 : i32
    %dma_wait3A_1773 = tpu.memref_slice %arg5[%add3A_1717, %dma_wait3A_1767, %dma_wait3A_1772] : memref<360448x2x32xf32, #tpu.memory_space<hbm>> -> memref<512x1x32xf32, #tpu.memory_space<hbm>>
    %dma_wait3A_1774 = tpu.memref_squeeze %dma_wait3A_1773 : memref<512x1x32xf32, #tpu.memory_space<hbm>> -> memref<512x32xf32, #tpu.memory_space<hbm>>
    %dma_wait3A_1775 = arith.constant 0 : i32
    %dma_wait3A_1776 = tpu.memref_slice %arg5[%add3A_1717, %dma_wait3A_1767, %dma_wait3A_1775] : memref<360448x2x32xf32, #tpu.memory_space<hbm>> -> memref<512x1x32xf32, #tpu.memory_space<hbm>>
    %dma_wait3A_1777 = tpu.memref_squeeze %dma_wait3A_1776 : memref<512x1x32xf32, #tpu.memory_space<hbm>> -> memref<512x32xf32, #tpu.memory_space<hbm>>
    %dma_wait3A_1778 = arith.constant 0 : i32
    %dma_wait3A_1779 = arith.constant 0 : i32
    %dma_wait3A_1780 = tpu.memref_slice %arg8[%dma_wait3A_1766, %dma_wait3A_1778, %dma_wait3A_1779] : memref<2x512x32xf32, #tpu.memory_space<vmem>> -> memref<1x512x32xf32, #tpu.memory_space<vmem>>
    %dma_wait3A_1781 = tpu.memref_squeeze %dma_wait3A_1780 : memref<1x512x32xf32, #tpu.memory_space<vmem>> -> memref<512x32xf32, #tpu.memory_space<vmem>>
    tpu.wait_dma2 semaphore(%arg13 : memref<!tpu.dma_semaphore, #tpu.memory_space<semaphore_mem>>) src(%dma_wait3A_1781 : memref<512x32xf32, #tpu.memory_space<vmem>>) dst(%dma_wait3A_1777 : memref<512x32xf32, #tpu.memory_space<hbm>>)
    %add3A_1782 = arith.constant 8192 : i32
    %add3A_1783 = arith.addi %mul3A_2, %add3A_1782 : i32
    %run_scoped3A_1784 = arith.constant 0 : i32
    "tpu.region"() ({
      %run_scoped3A_2574 = tpu.sem_alloc : memref<!tpu.dma_semaphore, #tpu.memory_space<semaphore_mem>>
      %dma_start3A_2575 = arith.constant 0 : i32
      %dma_start3A_2576 = tpu.memref_slice %arg6[%run_scoped3A_1784, %dma_start3A_2575] : memref<2x512xi32, #tpu.memory_space<vmem>> -> memref<1x512xi32, #tpu.memory_space<vmem>>
      %dma_start3A_2577 = tpu.memref_squeeze %dma_start3A_2576 : memref<1x512xi32, #tpu.memory_space<vmem>> -> memref<512xi32, #tpu.memory_space<vmem>>
      %dma_start3A_2578 = tpu.memref_slice %arg2[%add3A_1783] : memref<360448xi32, #tpu.memory_space<hbm>> -> memref<512xi32, #tpu.memory_space<hbm>>
      %dma_start3A_2579 = arith.constant 0 : i32
      %dma_start3A_2580 = tpu.memref_slice %arg6[%run_scoped3A_1784, %dma_start3A_2579] : memref<2x512xi32, #tpu.memory_space<vmem>> -> memref<1x512xi32, #tpu.memory_space<vmem>>
      %dma_start3A_2581 = tpu.memref_squeeze %dma_start3A_2580 : memref<1x512xi32, #tpu.memory_space<vmem>> -> memref<512xi32, #tpu.memory_space<vmem>>
      %dma_start3A_2582 = tpu.memref_slice %arg2[%add3A_1783] : memref<360448xi32, #tpu.memory_space<hbm>> -> memref<512xi32, #tpu.memory_space<hbm>>
      tpu.enqueue_dma source(%dma_start3A_2582 : memref<512xi32, #tpu.memory_space<hbm>>) target(%dma_start3A_2581 : memref<512xi32, #tpu.memory_space<vmem>>) target_semaphore(%run_scoped3A_2574 : memref<!tpu.dma_semaphore, #tpu.memory_space<semaphore_mem>>)
      %dma_wait3A_2583 = arith.constant 0 : i32
      %dma_wait3A_2584 = tpu.memref_slice %arg6[%run_scoped3A_1784, %dma_wait3A_2583] : memref<2x512xi32, #tpu.memory_space<vmem>> -> memref<1x512xi32, #tpu.memory_space<vmem>>
      %dma_wait3A_2585 = tpu.memref_squeeze %dma_wait3A_2584 : memref<1x512xi32, #tpu.memory_space<vmem>> -> memref<512xi32, #tpu.memory_space<vmem>>
      %dma_wait3A_2586 = tpu.memref_slice %arg2[%add3A_1783] : memref<360448xi32, #tpu.memory_space<hbm>> -> memref<512xi32, #tpu.memory_space<hbm>>
      %dma_wait3A_2587 = arith.constant 0 : i32
      %dma_wait3A_2588 = tpu.memref_slice %arg6[%run_scoped3A_1784, %dma_wait3A_2587] : memref<2x512xi32, #tpu.memory_space<vmem>> -> memref<1x512xi32, #tpu.memory_space<vmem>>
      %dma_wait3A_2589 = tpu.memref_squeeze %dma_wait3A_2588 : memref<1x512xi32, #tpu.memory_space<vmem>> -> memref<512xi32, #tpu.memory_space<vmem>>
      %dma_wait3A_2590 = tpu.memref_slice %arg2[%add3A_1783] : memref<360448xi32, #tpu.memory_space<hbm>> -> memref<512xi32, #tpu.memory_space<hbm>>
      tpu.wait_dma2 semaphore(%run_scoped3A_2574 : memref<!tpu.dma_semaphore, #tpu.memory_space<semaphore_mem>>) src(%dma_wait3A_2590 : memref<512xi32, #tpu.memory_space<hbm>>) dst(%dma_wait3A_2589 : memref<512xi32, #tpu.memory_space<vmem>>)
      tpu.yield
    }) : () -> ()
    %dma_start3A_1785 = arith.constant 0 : i32
    %dma_start3A_1786 = arith.constant 0 : i32
    %dma_start3A_1787 = arith.constant 0 : i32
    %dma_start3A_1788 = arith.constant 0 : i32
    %dma_start3A_1789 = tpu.memref_slice %arg7[%dma_start3A_1786, %dma_start3A_1787, %dma_start3A_1788] : memref<2x512x32xf32, #tpu.memory_space<vmem>> -> memref<1x512x32xf32, #tpu.memory_space<vmem>>
    %dma_start3A_1790 = tpu.memref_squeeze %dma_start3A_1789 : memref<1x512x32xf32, #tpu.memory_space<vmem>> -> memref<512x32xf32, #tpu.memory_space<vmem>>
    %dma_start3A_1791 = arith.constant 0 : i32
    %dma_start3A_1792 = tpu.memref_slice %arg6[%dma_start3A_1785, %dma_start3A_1791] : memref<2x512xi32, #tpu.memory_space<vmem>> -> memref<1x512xi32, #tpu.memory_space<vmem>>
    %dma_start3A_1793 = tpu.memref_squeeze %dma_start3A_1792 : memref<1x512xi32, #tpu.memory_space<vmem>> -> memref<512xi32, #tpu.memory_space<vmem>>
    %dma_start3A_1794 = arith.constant 0 : i32
    %dma_start3A_1795 = arith.constant 0 : i32
    %dma_start3A_1796 = tpu.memref_slice %arg3[%dma_start3A_1794, %dma_start3A_1795] : memref<2200000x32xf32, #tpu.memory_space<hbm>> -> memref<2200000x32xf32, #tpu.memory_space<hbm>>
    tpu.enqueue_indirect_dma source(%dma_start3A_1796 : memref<2200000x32xf32, #tpu.memory_space<hbm>>) target(%dma_start3A_1790 : memref<512x32xf32, #tpu.memory_space<vmem>>) offsets(%dma_start3A_1793 : memref<512xi32, #tpu.memory_space<vmem>>) semaphore(%arg9 : memref<!tpu.dma_semaphore, #tpu.memory_space<semaphore_mem>>)
    %dma_start3A_1797 = arith.constant 0 : i32
    %dma_start3A_1798 = arith.constant 0 : i32
    %dma_start3A_1799 = arith.constant 0 : i32
    %dma_start3A_1800 = arith.constant 0 : i32
    %dma_start3A_1801 = tpu.memref_slice %arg8[%dma_start3A_1798, %dma_start3A_1799, %dma_start3A_1800] : memref<2x512x32xf32, #tpu.memory_space<vmem>> -> memref<1x512x32xf32, #tpu.memory_space<vmem>>
    %dma_start3A_1802 = tpu.memref_squeeze %dma_start3A_1801 : memref<1x512x32xf32, #tpu.memory_space<vmem>> -> memref<512x32xf32, #tpu.memory_space<vmem>>
    %dma_start3A_1803 = arith.constant 0 : i32
    %dma_start3A_1804 = tpu.memref_slice %arg6[%dma_start3A_1797, %dma_start3A_1803] : memref<2x512xi32, #tpu.memory_space<vmem>> -> memref<1x512xi32, #tpu.memory_space<vmem>>
    %dma_start3A_1805 = tpu.memref_squeeze %dma_start3A_1804 : memref<1x512xi32, #tpu.memory_space<vmem>> -> memref<512xi32, #tpu.memory_space<vmem>>
    %dma_start3A_1806 = arith.constant 0 : i32
    %dma_start3A_1807 = arith.constant 0 : i32
    %dma_start3A_1808 = tpu.memref_slice %arg4[%dma_start3A_1806, %dma_start3A_1807] : memref<2200000x32xf32, #tpu.memory_space<hbm>> -> memref<2200000x32xf32, #tpu.memory_space<hbm>>
    tpu.enqueue_indirect_dma source(%dma_start3A_1808 : memref<2200000x32xf32, #tpu.memory_space<hbm>>) target(%dma_start3A_1802 : memref<512x32xf32, #tpu.memory_space<vmem>>) offsets(%dma_start3A_1805 : memref<512xi32, #tpu.memory_space<vmem>>) semaphore(%arg11 : memref<!tpu.dma_semaphore, #tpu.memory_space<semaphore_mem>>)
    %dma_wait3A_1809 = arith.constant 1 : i32
    %dma_wait3A_1810 = arith.constant 1 : i32
    %dma_wait3A_1811 = arith.constant 0 : i32
    %dma_wait3A_1812 = arith.constant 0 : i32
    %dma_wait3A_1813 = tpu.memref_slice %arg7[%dma_wait3A_1810, %dma_wait3A_1811, %dma_wait3A_1812] : memref<2x512x32xf32, #tpu.memory_space<vmem>> -> memref<1x512x32xf32, #tpu.memory_space<vmem>>
    %dma_wait3A_1814 = tpu.memref_squeeze %dma_wait3A_1813 : memref<1x512x32xf32, #tpu.memory_space<vmem>> -> memref<512x32xf32, #tpu.memory_space<vmem>>
    %dma_wait3A_1815 = arith.constant 0 : i32
    %dma_wait3A_1816 = tpu.memref_slice %arg6[%dma_wait3A_1809, %dma_wait3A_1815] : memref<2x512xi32, #tpu.memory_space<vmem>> -> memref<1x512xi32, #tpu.memory_space<vmem>>
    %dma_wait3A_1817 = tpu.memref_squeeze %dma_wait3A_1816 : memref<1x512xi32, #tpu.memory_space<vmem>> -> memref<512xi32, #tpu.memory_space<vmem>>
    %dma_wait3A_1818 = arith.constant 0 : i32
    %dma_wait3A_1819 = arith.constant 0 : i32
    %dma_wait3A_1820 = tpu.memref_slice %arg3[%dma_wait3A_1818, %dma_wait3A_1819] : memref<2200000x32xf32, #tpu.memory_space<hbm>> -> memref<2200000x32xf32, #tpu.memory_space<hbm>>
    tpu.wait_indirect_dma semaphore(%arg10 : memref<!tpu.dma_semaphore, #tpu.memory_space<semaphore_mem>>) src(%dma_wait3A_1820 : memref<2200000x32xf32, #tpu.memory_space<hbm>>) dst(%dma_wait3A_1814 : memref<512x32xf32, #tpu.memory_space<vmem>>)
    %dma_wait3A_1821 = arith.constant 1 : i32
    %dma_wait3A_1822 = arith.constant 1 : i32
    %dma_wait3A_1823 = arith.constant 0 : i32
    %dma_wait3A_1824 = arith.constant 0 : i32
    %dma_wait3A_1825 = tpu.memref_slice %arg8[%dma_wait3A_1822, %dma_wait3A_1823, %dma_wait3A_1824] : memref<2x512x32xf32, #tpu.memory_space<vmem>> -> memref<1x512x32xf32, #tpu.memory_space<vmem>>
    %dma_wait3A_1826 = tpu.memref_squeeze %dma_wait3A_1825 : memref<1x512x32xf32, #tpu.memory_space<vmem>> -> memref<512x32xf32, #tpu.memory_space<vmem>>
    %dma_wait3A_1827 = arith.constant 0 : i32
    %dma_wait3A_1828 = tpu.memref_slice %arg6[%dma_wait3A_1821, %dma_wait3A_1827] : memref<2x512xi32, #tpu.memory_space<vmem>> -> memref<1x512xi32, #tpu.memory_space<vmem>>
    %dma_wait3A_1829 = tpu.memref_squeeze %dma_wait3A_1828 : memref<1x512xi32, #tpu.memory_space<vmem>> -> memref<512xi32, #tpu.memory_space<vmem>>
    %dma_wait3A_1830 = arith.constant 0 : i32
    %dma_wait3A_1831 = arith.constant 0 : i32
    %dma_wait3A_1832 = tpu.memref_slice %arg4[%dma_wait3A_1830, %dma_wait3A_1831] : memref<2200000x32xf32, #tpu.memory_space<hbm>> -> memref<2200000x32xf32, #tpu.memory_space<hbm>>
    tpu.wait_indirect_dma semaphore(%arg12 : memref<!tpu.dma_semaphore, #tpu.memory_space<semaphore_mem>>) src(%dma_wait3A_1832 : memref<2200000x32xf32, #tpu.memory_space<hbm>>) dst(%dma_wait3A_1826 : memref<512x32xf32, #tpu.memory_space<vmem>>)
    %add3A_1833 = arith.constant 7680 : i32
    %add3A_1834 = arith.addi %mul3A_2, %add3A_1833 : i32
    %dma_start3A_1835 = arith.constant 1 : i32
    %dma_start3A_1836 = arith.constant 0 : i32
    %dma_start3A_1837 = arith.constant 0 : i32
    %dma_start3A_1838 = arith.constant 0 : i32
    %dma_start3A_1839 = tpu.memref_slice %arg7[%dma_start3A_1835, %dma_start3A_1837, %dma_start3A_1838] : memref<2x512x32xf32, #tpu.memory_space<vmem>> -> memref<1x512x32xf32, #tpu.memory_space<vmem>>
    %dma_start3A_1840 = tpu.memref_squeeze %dma_start3A_1839 : memref<1x512x32xf32, #tpu.memory_space<vmem>> -> memref<512x32xf32, #tpu.memory_space<vmem>>
    %dma_start3A_1841 = arith.constant 0 : i32
    %dma_start3A_1842 = tpu.memref_slice %arg5[%add3A_1834, %dma_start3A_1836, %dma_start3A_1841] : memref<360448x2x32xf32, #tpu.memory_space<hbm>> -> memref<512x1x32xf32, #tpu.memory_space<hbm>>
    %dma_start3A_1843 = tpu.memref_squeeze %dma_start3A_1842 : memref<512x1x32xf32, #tpu.memory_space<hbm>> -> memref<512x32xf32, #tpu.memory_space<hbm>>
    %dma_start3A_1844 = arith.constant 0 : i32
    %dma_start3A_1845 = tpu.memref_slice %arg5[%add3A_1834, %dma_start3A_1836, %dma_start3A_1844] : memref<360448x2x32xf32, #tpu.memory_space<hbm>> -> memref<512x1x32xf32, #tpu.memory_space<hbm>>
    %dma_start3A_1846 = tpu.memref_squeeze %dma_start3A_1845 : memref<512x1x32xf32, #tpu.memory_space<hbm>> -> memref<512x32xf32, #tpu.memory_space<hbm>>
    %dma_start3A_1847 = arith.constant 0 : i32
    %dma_start3A_1848 = arith.constant 0 : i32
    %dma_start3A_1849 = tpu.memref_slice %arg7[%dma_start3A_1835, %dma_start3A_1847, %dma_start3A_1848] : memref<2x512x32xf32, #tpu.memory_space<vmem>> -> memref<1x512x32xf32, #tpu.memory_space<vmem>>
    %dma_start3A_1850 = tpu.memref_squeeze %dma_start3A_1849 : memref<1x512x32xf32, #tpu.memory_space<vmem>> -> memref<512x32xf32, #tpu.memory_space<vmem>>
    tpu.enqueue_dma source(%dma_start3A_1850 : memref<512x32xf32, #tpu.memory_space<vmem>>) target(%dma_start3A_1846 : memref<512x32xf32, #tpu.memory_space<hbm>>) target_semaphore(%arg14 : memref<!tpu.dma_semaphore, #tpu.memory_space<semaphore_mem>>)
    %dma_start3A_1851 = arith.constant 1 : i32
    %dma_start3A_1852 = arith.constant 1 : i32
    %dma_start3A_1853 = arith.constant 0 : i32
    %dma_start3A_1854 = arith.constant 0 : i32
    %dma_start3A_1855 = tpu.memref_slice %arg8[%dma_start3A_1851, %dma_start3A_1853, %dma_start3A_1854] : memref<2x512x32xf32, #tpu.memory_space<vmem>> -> memref<1x512x32xf32, #tpu.memory_space<vmem>>
    %dma_start3A_1856 = tpu.memref_squeeze %dma_start3A_1855 : memref<1x512x32xf32, #tpu.memory_space<vmem>> -> memref<512x32xf32, #tpu.memory_space<vmem>>
    %dma_start3A_1857 = arith.constant 0 : i32
    %dma_start3A_1858 = tpu.memref_slice %arg5[%add3A_1834, %dma_start3A_1852, %dma_start3A_1857] : memref<360448x2x32xf32, #tpu.memory_space<hbm>> -> memref<512x1x32xf32, #tpu.memory_space<hbm>>
    %dma_start3A_1859 = tpu.memref_squeeze %dma_start3A_1858 : memref<512x1x32xf32, #tpu.memory_space<hbm>> -> memref<512x32xf32, #tpu.memory_space<hbm>>
    %dma_start3A_1860 = arith.constant 0 : i32
    %dma_start3A_1861 = tpu.memref_slice %arg5[%add3A_1834, %dma_start3A_1852, %dma_start3A_1860] : memref<360448x2x32xf32, #tpu.memory_space<hbm>> -> memref<512x1x32xf32, #tpu.memory_space<hbm>>
    %dma_start3A_1862 = tpu.memref_squeeze %dma_start3A_1861 : memref<512x1x32xf32, #tpu.memory_space<hbm>> -> memref<512x32xf32, #tpu.memory_space<hbm>>
    %dma_start3A_1863 = arith.constant 0 : i32
    %dma_start3A_1864 = arith.constant 0 : i32
    %dma_start3A_1865 = tpu.memref_slice %arg8[%dma_start3A_1851, %dma_start3A_1863, %dma_start3A_1864] : memref<2x512x32xf32, #tpu.memory_space<vmem>> -> memref<1x512x32xf32, #tpu.memory_space<vmem>>
    %dma_start3A_1866 = tpu.memref_squeeze %dma_start3A_1865 : memref<1x512x32xf32, #tpu.memory_space<vmem>> -> memref<512x32xf32, #tpu.memory_space<vmem>>
    tpu.enqueue_dma source(%dma_start3A_1866 : memref<512x32xf32, #tpu.memory_space<vmem>>) target(%dma_start3A_1862 : memref<512x32xf32, #tpu.memory_space<hbm>>) target_semaphore(%arg14 : memref<!tpu.dma_semaphore, #tpu.memory_space<semaphore_mem>>)
    %dma_wait3A_1867 = arith.constant 1 : i32
    %dma_wait3A_1868 = arith.constant 0 : i32
    %dma_wait3A_1869 = arith.constant 0 : i32
    %dma_wait3A_1870 = arith.constant 0 : i32
    %dma_wait3A_1871 = tpu.memref_slice %arg7[%dma_wait3A_1867, %dma_wait3A_1869, %dma_wait3A_1870] : memref<2x512x32xf32, #tpu.memory_space<vmem>> -> memref<1x512x32xf32, #tpu.memory_space<vmem>>
    %dma_wait3A_1872 = tpu.memref_squeeze %dma_wait3A_1871 : memref<1x512x32xf32, #tpu.memory_space<vmem>> -> memref<512x32xf32, #tpu.memory_space<vmem>>
    %dma_wait3A_1873 = arith.constant 0 : i32
    %dma_wait3A_1874 = tpu.memref_slice %arg5[%add3A_1834, %dma_wait3A_1868, %dma_wait3A_1873] : memref<360448x2x32xf32, #tpu.memory_space<hbm>> -> memref<512x1x32xf32, #tpu.memory_space<hbm>>
    %dma_wait3A_1875 = tpu.memref_squeeze %dma_wait3A_1874 : memref<512x1x32xf32, #tpu.memory_space<hbm>> -> memref<512x32xf32, #tpu.memory_space<hbm>>
    %dma_wait3A_1876 = arith.constant 0 : i32
    %dma_wait3A_1877 = tpu.memref_slice %arg5[%add3A_1834, %dma_wait3A_1868, %dma_wait3A_1876] : memref<360448x2x32xf32, #tpu.memory_space<hbm>> -> memref<512x1x32xf32, #tpu.memory_space<hbm>>
    %dma_wait3A_1878 = tpu.memref_squeeze %dma_wait3A_1877 : memref<512x1x32xf32, #tpu.memory_space<hbm>> -> memref<512x32xf32, #tpu.memory_space<hbm>>
    %dma_wait3A_1879 = arith.constant 0 : i32
    %dma_wait3A_1880 = arith.constant 0 : i32
    %dma_wait3A_1881 = tpu.memref_slice %arg7[%dma_wait3A_1867, %dma_wait3A_1879, %dma_wait3A_1880] : memref<2x512x32xf32, #tpu.memory_space<vmem>> -> memref<1x512x32xf32, #tpu.memory_space<vmem>>
    %dma_wait3A_1882 = tpu.memref_squeeze %dma_wait3A_1881 : memref<1x512x32xf32, #tpu.memory_space<vmem>> -> memref<512x32xf32, #tpu.memory_space<vmem>>
    tpu.wait_dma2 semaphore(%arg14 : memref<!tpu.dma_semaphore, #tpu.memory_space<semaphore_mem>>) src(%dma_wait3A_1882 : memref<512x32xf32, #tpu.memory_space<vmem>>) dst(%dma_wait3A_1878 : memref<512x32xf32, #tpu.memory_space<hbm>>)
    %dma_wait3A_1883 = arith.constant 1 : i32
    %dma_wait3A_1884 = arith.constant 1 : i32
    %dma_wait3A_1885 = arith.constant 0 : i32
    %dma_wait3A_1886 = arith.constant 0 : i32
    %dma_wait3A_1887 = tpu.memref_slice %arg8[%dma_wait3A_1883, %dma_wait3A_1885, %dma_wait3A_1886] : memref<2x512x32xf32, #tpu.memory_space<vmem>> -> memref<1x512x32xf32, #tpu.memory_space<vmem>>
    %dma_wait3A_1888 = tpu.memref_squeeze %dma_wait3A_1887 : memref<1x512x32xf32, #tpu.memory_space<vmem>> -> memref<512x32xf32, #tpu.memory_space<vmem>>
    %dma_wait3A_1889 = arith.constant 0 : i32
    %dma_wait3A_1890 = tpu.memref_slice %arg5[%add3A_1834, %dma_wait3A_1884, %dma_wait3A_1889] : memref<360448x2x32xf32, #tpu.memory_space<hbm>> -> memref<512x1x32xf32, #tpu.memory_space<hbm>>
    %dma_wait3A_1891 = tpu.memref_squeeze %dma_wait3A_1890 : memref<512x1x32xf32, #tpu.memory_space<hbm>> -> memref<512x32xf32, #tpu.memory_space<hbm>>
    %dma_wait3A_1892 = arith.constant 0 : i32
    %dma_wait3A_1893 = tpu.memref_slice %arg5[%add3A_1834, %dma_wait3A_1884, %dma_wait3A_1892] : memref<360448x2x32xf32, #tpu.memory_space<hbm>> -> memref<512x1x32xf32, #tpu.memory_space<hbm>>
    %dma_wait3A_1894 = tpu.memref_squeeze %dma_wait3A_1893 : memref<512x1x32xf32, #tpu.memory_space<hbm>> -> memref<512x32xf32, #tpu.memory_space<hbm>>
    %dma_wait3A_1895 = arith.constant 0 : i32
    %dma_wait3A_1896 = arith.constant 0 : i32
    %dma_wait3A_1897 = tpu.memref_slice %arg8[%dma_wait3A_1883, %dma_wait3A_1895, %dma_wait3A_1896] : memref<2x512x32xf32, #tpu.memory_space<vmem>> -> memref<1x512x32xf32, #tpu.memory_space<vmem>>
    %dma_wait3A_1898 = tpu.memref_squeeze %dma_wait3A_1897 : memref<1x512x32xf32, #tpu.memory_space<vmem>> -> memref<512x32xf32, #tpu.memory_space<vmem>>
    tpu.wait_dma2 semaphore(%arg14 : memref<!tpu.dma_semaphore, #tpu.memory_space<semaphore_mem>>) src(%dma_wait3A_1898 : memref<512x32xf32, #tpu.memory_space<vmem>>) dst(%dma_wait3A_1894 : memref<512x32xf32, #tpu.memory_space<hbm>>)
    %add3A_1899 = arith.constant 8704 : i32
    %add3A_1900 = arith.addi %mul3A_2, %add3A_1899 : i32
    %run_scoped3A_1901 = arith.constant 1 : i32
    "tpu.region"() ({
      %run_scoped3A_2574 = tpu.sem_alloc : memref<!tpu.dma_semaphore, #tpu.memory_space<semaphore_mem>>
      %dma_start3A_2575 = arith.constant 0 : i32
      %dma_start3A_2576 = tpu.memref_slice %arg6[%run_scoped3A_1901, %dma_start3A_2575] : memref<2x512xi32, #tpu.memory_space<vmem>> -> memref<1x512xi32, #tpu.memory_space<vmem>>
      %dma_start3A_2577 = tpu.memref_squeeze %dma_start3A_2576 : memref<1x512xi32, #tpu.memory_space<vmem>> -> memref<512xi32, #tpu.memory_space<vmem>>
      %dma_start3A_2578 = tpu.memref_slice %arg2[%add3A_1900] : memref<360448xi32, #tpu.memory_space<hbm>> -> memref<512xi32, #tpu.memory_space<hbm>>
      %dma_start3A_2579 = arith.constant 0 : i32
      %dma_start3A_2580 = tpu.memref_slice %arg6[%run_scoped3A_1901, %dma_start3A_2579] : memref<2x512xi32, #tpu.memory_space<vmem>> -> memref<1x512xi32, #tpu.memory_space<vmem>>
      %dma_start3A_2581 = tpu.memref_squeeze %dma_start3A_2580 : memref<1x512xi32, #tpu.memory_space<vmem>> -> memref<512xi32, #tpu.memory_space<vmem>>
      %dma_start3A_2582 = tpu.memref_slice %arg2[%add3A_1900] : memref<360448xi32, #tpu.memory_space<hbm>> -> memref<512xi32, #tpu.memory_space<hbm>>
      tpu.enqueue_dma source(%dma_start3A_2582 : memref<512xi32, #tpu.memory_space<hbm>>) target(%dma_start3A_2581 : memref<512xi32, #tpu.memory_space<vmem>>) target_semaphore(%run_scoped3A_2574 : memref<!tpu.dma_semaphore, #tpu.memory_space<semaphore_mem>>)
      %dma_wait3A_2583 = arith.constant 0 : i32
      %dma_wait3A_2584 = tpu.memref_slice %arg6[%run_scoped3A_1901, %dma_wait3A_2583] : memref<2x512xi32, #tpu.memory_space<vmem>> -> memref<1x512xi32, #tpu.memory_space<vmem>>
      %dma_wait3A_2585 = tpu.memref_squeeze %dma_wait3A_2584 : memref<1x512xi32, #tpu.memory_space<vmem>> -> memref<512xi32, #tpu.memory_space<vmem>>
      %dma_wait3A_2586 = tpu.memref_slice %arg2[%add3A_1900] : memref<360448xi32, #tpu.memory_space<hbm>> -> memref<512xi32, #tpu.memory_space<hbm>>
      %dma_wait3A_2587 = arith.constant 0 : i32
      %dma_wait3A_2588 = tpu.memref_slice %arg6[%run_scoped3A_1901, %dma_wait3A_2587] : memref<2x512xi32, #tpu.memory_space<vmem>> -> memref<1x512xi32, #tpu.memory_space<vmem>>
      %dma_wait3A_2589 = tpu.memref_squeeze %dma_wait3A_2588 : memref<1x512xi32, #tpu.memory_space<vmem>> -> memref<512xi32, #tpu.memory_space<vmem>>
      %dma_wait3A_2590 = tpu.memref_slice %arg2[%add3A_1900] : memref<360448xi32, #tpu.memory_space<hbm>> -> memref<512xi32, #tpu.memory_space<hbm>>
      tpu.wait_dma2 semaphore(%run_scoped3A_2574 : memref<!tpu.dma_semaphore, #tpu.memory_space<semaphore_mem>>) src(%dma_wait3A_2590 : memref<512xi32, #tpu.memory_space<hbm>>) dst(%dma_wait3A_2589 : memref<512xi32, #tpu.memory_space<vmem>>)
      tpu.yield
    }) : () -> ()
    %dma_start3A_1902 = arith.constant 1 : i32
    %dma_start3A_1903 = arith.constant 1 : i32
    %dma_start3A_1904 = arith.constant 0 : i32
    %dma_start3A_1905 = arith.constant 0 : i32
    %dma_start3A_1906 = tpu.memref_slice %arg7[%dma_start3A_1903, %dma_start3A_1904, %dma_start3A_1905] : memref<2x512x32xf32, #tpu.memory_space<vmem>> -> memref<1x512x32xf32, #tpu.memory_space<vmem>>
    %dma_start3A_1907 = tpu.memref_squeeze %dma_start3A_1906 : memref<1x512x32xf32, #tpu.memory_space<vmem>> -> memref<512x32xf32, #tpu.memory_space<vmem>>
    %dma_start3A_1908 = arith.constant 0 : i32
    %dma_start3A_1909 = tpu.memref_slice %arg6[%dma_start3A_1902, %dma_start3A_1908] : memref<2x512xi32, #tpu.memory_space<vmem>> -> memref<1x512xi32, #tpu.memory_space<vmem>>
    %dma_start3A_1910 = tpu.memref_squeeze %dma_start3A_1909 : memref<1x512xi32, #tpu.memory_space<vmem>> -> memref<512xi32, #tpu.memory_space<vmem>>
    %dma_start3A_1911 = arith.constant 0 : i32
    %dma_start3A_1912 = arith.constant 0 : i32
    %dma_start3A_1913 = tpu.memref_slice %arg3[%dma_start3A_1911, %dma_start3A_1912] : memref<2200000x32xf32, #tpu.memory_space<hbm>> -> memref<2200000x32xf32, #tpu.memory_space<hbm>>
    tpu.enqueue_indirect_dma source(%dma_start3A_1913 : memref<2200000x32xf32, #tpu.memory_space<hbm>>) target(%dma_start3A_1907 : memref<512x32xf32, #tpu.memory_space<vmem>>) offsets(%dma_start3A_1910 : memref<512xi32, #tpu.memory_space<vmem>>) semaphore(%arg10 : memref<!tpu.dma_semaphore, #tpu.memory_space<semaphore_mem>>)
    %dma_start3A_1914 = arith.constant 1 : i32
    %dma_start3A_1915 = arith.constant 1 : i32
    %dma_start3A_1916 = arith.constant 0 : i32
    %dma_start3A_1917 = arith.constant 0 : i32
    %dma_start3A_1918 = tpu.memref_slice %arg8[%dma_start3A_1915, %dma_start3A_1916, %dma_start3A_1917] : memref<2x512x32xf32, #tpu.memory_space<vmem>> -> memref<1x512x32xf32, #tpu.memory_space<vmem>>
    %dma_start3A_1919 = tpu.memref_squeeze %dma_start3A_1918 : memref<1x512x32xf32, #tpu.memory_space<vmem>> -> memref<512x32xf32, #tpu.memory_space<vmem>>
    %dma_start3A_1920 = arith.constant 0 : i32
    %dma_start3A_1921 = tpu.memref_slice %arg6[%dma_start3A_1914, %dma_start3A_1920] : memref<2x512xi32, #tpu.memory_space<vmem>> -> memref<1x512xi32, #tpu.memory_space<vmem>>
    %dma_start3A_1922 = tpu.memref_squeeze %dma_start3A_1921 : memref<1x512xi32, #tpu.memory_space<vmem>> -> memref<512xi32, #tpu.memory_space<vmem>>
    %dma_start3A_1923 = arith.constant 0 : i32
    %dma_start3A_1924 = arith.constant 0 : i32
    %dma_start3A_1925 = tpu.memref_slice %arg4[%dma_start3A_1923, %dma_start3A_1924] : memref<2200000x32xf32, #tpu.memory_space<hbm>> -> memref<2200000x32xf32, #tpu.memory_space<hbm>>
    tpu.enqueue_indirect_dma source(%dma_start3A_1925 : memref<2200000x32xf32, #tpu.memory_space<hbm>>) target(%dma_start3A_1919 : memref<512x32xf32, #tpu.memory_space<vmem>>) offsets(%dma_start3A_1922 : memref<512xi32, #tpu.memory_space<vmem>>) semaphore(%arg12 : memref<!tpu.dma_semaphore, #tpu.memory_space<semaphore_mem>>)
    %dma_wait3A_1926 = arith.constant 0 : i32
    %dma_wait3A_1927 = arith.constant 0 : i32
    %dma_wait3A_1928 = arith.constant 0 : i32
    %dma_wait3A_1929 = arith.constant 0 : i32
    %dma_wait3A_1930 = tpu.memref_slice %arg7[%dma_wait3A_1927, %dma_wait3A_1928, %dma_wait3A_1929] : memref<2x512x32xf32, #tpu.memory_space<vmem>> -> memref<1x512x32xf32, #tpu.memory_space<vmem>>
    %dma_wait3A_1931 = tpu.memref_squeeze %dma_wait3A_1930 : memref<1x512x32xf32, #tpu.memory_space<vmem>> -> memref<512x32xf32, #tpu.memory_space<vmem>>
    %dma_wait3A_1932 = arith.constant 0 : i32
    %dma_wait3A_1933 = tpu.memref_slice %arg6[%dma_wait3A_1926, %dma_wait3A_1932] : memref<2x512xi32, #tpu.memory_space<vmem>> -> memref<1x512xi32, #tpu.memory_space<vmem>>
    %dma_wait3A_1934 = tpu.memref_squeeze %dma_wait3A_1933 : memref<1x512xi32, #tpu.memory_space<vmem>> -> memref<512xi32, #tpu.memory_space<vmem>>
    %dma_wait3A_1935 = arith.constant 0 : i32
    %dma_wait3A_1936 = arith.constant 0 : i32
    %dma_wait3A_1937 = tpu.memref_slice %arg3[%dma_wait3A_1935, %dma_wait3A_1936] : memref<2200000x32xf32, #tpu.memory_space<hbm>> -> memref<2200000x32xf32, #tpu.memory_space<hbm>>
    tpu.wait_indirect_dma semaphore(%arg9 : memref<!tpu.dma_semaphore, #tpu.memory_space<semaphore_mem>>) src(%dma_wait3A_1937 : memref<2200000x32xf32, #tpu.memory_space<hbm>>) dst(%dma_wait3A_1931 : memref<512x32xf32, #tpu.memory_space<vmem>>)
    %dma_wait3A_1938 = arith.constant 0 : i32
    %dma_wait3A_1939 = arith.constant 0 : i32
    %dma_wait3A_1940 = arith.constant 0 : i32
    %dma_wait3A_1941 = arith.constant 0 : i32
    %dma_wait3A_1942 = tpu.memref_slice %arg8[%dma_wait3A_1939, %dma_wait3A_1940, %dma_wait3A_1941] : memref<2x512x32xf32, #tpu.memory_space<vmem>> -> memref<1x512x32xf32, #tpu.memory_space<vmem>>
    %dma_wait3A_1943 = tpu.memref_squeeze %dma_wait3A_1942 : memref<1x512x32xf32, #tpu.memory_space<vmem>> -> memref<512x32xf32, #tpu.memory_space<vmem>>
    %dma_wait3A_1944 = arith.constant 0 : i32
    %dma_wait3A_1945 = tpu.memref_slice %arg6[%dma_wait3A_1938, %dma_wait3A_1944] : memref<2x512xi32, #tpu.memory_space<vmem>> -> memref<1x512xi32, #tpu.memory_space<vmem>>
    %dma_wait3A_1946 = tpu.memref_squeeze %dma_wait3A_1945 : memref<1x512xi32, #tpu.memory_space<vmem>> -> memref<512xi32, #tpu.memory_space<vmem>>
    %dma_wait3A_1947 = arith.constant 0 : i32
    %dma_wait3A_1948 = arith.constant 0 : i32
    %dma_wait3A_1949 = tpu.memref_slice %arg4[%dma_wait3A_1947, %dma_wait3A_1948] : memref<2200000x32xf32, #tpu.memory_space<hbm>> -> memref<2200000x32xf32, #tpu.memory_space<hbm>>
    tpu.wait_indirect_dma semaphore(%arg11 : memref<!tpu.dma_semaphore, #tpu.memory_space<semaphore_mem>>) src(%dma_wait3A_1949 : memref<2200000x32xf32, #tpu.memory_space<hbm>>) dst(%dma_wait3A_1943 : memref<512x32xf32, #tpu.memory_space<vmem>>)
    %add3A_1950 = arith.constant 8192 : i32
    %add3A_1951 = arith.addi %mul3A_2, %add3A_1950 : i32
    %dma_start3A_1952 = arith.constant 0 : i32
    %dma_start3A_1953 = arith.constant 0 : i32
    %dma_start3A_1954 = arith.constant 0 : i32
    %dma_start3A_1955 = arith.constant 0 : i32
    %dma_start3A_1956 = tpu.memref_slice %arg7[%dma_start3A_1952, %dma_start3A_1954, %dma_start3A_1955] : memref<2x512x32xf32, #tpu.memory_space<vmem>> -> memref<1x512x32xf32, #tpu.memory_space<vmem>>
    %dma_start3A_1957 = tpu.memref_squeeze %dma_start3A_1956 : memref<1x512x32xf32, #tpu.memory_space<vmem>> -> memref<512x32xf32, #tpu.memory_space<vmem>>
    %dma_start3A_1958 = arith.constant 0 : i32
    %dma_start3A_1959 = tpu.memref_slice %arg5[%add3A_1951, %dma_start3A_1953, %dma_start3A_1958] : memref<360448x2x32xf32, #tpu.memory_space<hbm>> -> memref<512x1x32xf32, #tpu.memory_space<hbm>>
    %dma_start3A_1960 = tpu.memref_squeeze %dma_start3A_1959 : memref<512x1x32xf32, #tpu.memory_space<hbm>> -> memref<512x32xf32, #tpu.memory_space<hbm>>
    %dma_start3A_1961 = arith.constant 0 : i32
    %dma_start3A_1962 = tpu.memref_slice %arg5[%add3A_1951, %dma_start3A_1953, %dma_start3A_1961] : memref<360448x2x32xf32, #tpu.memory_space<hbm>> -> memref<512x1x32xf32, #tpu.memory_space<hbm>>
    %dma_start3A_1963 = tpu.memref_squeeze %dma_start3A_1962 : memref<512x1x32xf32, #tpu.memory_space<hbm>> -> memref<512x32xf32, #tpu.memory_space<hbm>>
    %dma_start3A_1964 = arith.constant 0 : i32
    %dma_start3A_1965 = arith.constant 0 : i32
    %dma_start3A_1966 = tpu.memref_slice %arg7[%dma_start3A_1952, %dma_start3A_1964, %dma_start3A_1965] : memref<2x512x32xf32, #tpu.memory_space<vmem>> -> memref<1x512x32xf32, #tpu.memory_space<vmem>>
    %dma_start3A_1967 = tpu.memref_squeeze %dma_start3A_1966 : memref<1x512x32xf32, #tpu.memory_space<vmem>> -> memref<512x32xf32, #tpu.memory_space<vmem>>
    tpu.enqueue_dma source(%dma_start3A_1967 : memref<512x32xf32, #tpu.memory_space<vmem>>) target(%dma_start3A_1963 : memref<512x32xf32, #tpu.memory_space<hbm>>) target_semaphore(%arg13 : memref<!tpu.dma_semaphore, #tpu.memory_space<semaphore_mem>>)
    %dma_start3A_1968 = arith.constant 0 : i32
    %dma_start3A_1969 = arith.constant 1 : i32
    %dma_start3A_1970 = arith.constant 0 : i32
    %dma_start3A_1971 = arith.constant 0 : i32
    %dma_start3A_1972 = tpu.memref_slice %arg8[%dma_start3A_1968, %dma_start3A_1970, %dma_start3A_1971] : memref<2x512x32xf32, #tpu.memory_space<vmem>> -> memref<1x512x32xf32, #tpu.memory_space<vmem>>
    %dma_start3A_1973 = tpu.memref_squeeze %dma_start3A_1972 : memref<1x512x32xf32, #tpu.memory_space<vmem>> -> memref<512x32xf32, #tpu.memory_space<vmem>>
    %dma_start3A_1974 = arith.constant 0 : i32
    %dma_start3A_1975 = tpu.memref_slice %arg5[%add3A_1951, %dma_start3A_1969, %dma_start3A_1974] : memref<360448x2x32xf32, #tpu.memory_space<hbm>> -> memref<512x1x32xf32, #tpu.memory_space<hbm>>
    %dma_start3A_1976 = tpu.memref_squeeze %dma_start3A_1975 : memref<512x1x32xf32, #tpu.memory_space<hbm>> -> memref<512x32xf32, #tpu.memory_space<hbm>>
    %dma_start3A_1977 = arith.constant 0 : i32
    %dma_start3A_1978 = tpu.memref_slice %arg5[%add3A_1951, %dma_start3A_1969, %dma_start3A_1977] : memref<360448x2x32xf32, #tpu.memory_space<hbm>> -> memref<512x1x32xf32, #tpu.memory_space<hbm>>
    %dma_start3A_1979 = tpu.memref_squeeze %dma_start3A_1978 : memref<512x1x32xf32, #tpu.memory_space<hbm>> -> memref<512x32xf32, #tpu.memory_space<hbm>>
    %dma_start3A_1980 = arith.constant 0 : i32
    %dma_start3A_1981 = arith.constant 0 : i32
    %dma_start3A_1982 = tpu.memref_slice %arg8[%dma_start3A_1968, %dma_start3A_1980, %dma_start3A_1981] : memref<2x512x32xf32, #tpu.memory_space<vmem>> -> memref<1x512x32xf32, #tpu.memory_space<vmem>>
    %dma_start3A_1983 = tpu.memref_squeeze %dma_start3A_1982 : memref<1x512x32xf32, #tpu.memory_space<vmem>> -> memref<512x32xf32, #tpu.memory_space<vmem>>
    tpu.enqueue_dma source(%dma_start3A_1983 : memref<512x32xf32, #tpu.memory_space<vmem>>) target(%dma_start3A_1979 : memref<512x32xf32, #tpu.memory_space<hbm>>) target_semaphore(%arg13 : memref<!tpu.dma_semaphore, #tpu.memory_space<semaphore_mem>>)
    %dma_wait3A_1984 = arith.constant 0 : i32
    %dma_wait3A_1985 = arith.constant 0 : i32
    %dma_wait3A_1986 = arith.constant 0 : i32
    %dma_wait3A_1987 = arith.constant 0 : i32
    %dma_wait3A_1988 = tpu.memref_slice %arg7[%dma_wait3A_1984, %dma_wait3A_1986, %dma_wait3A_1987] : memref<2x512x32xf32, #tpu.memory_space<vmem>> -> memref<1x512x32xf32, #tpu.memory_space<vmem>>
    %dma_wait3A_1989 = tpu.memref_squeeze %dma_wait3A_1988 : memref<1x512x32xf32, #tpu.memory_space<vmem>> -> memref<512x32xf32, #tpu.memory_space<vmem>>
    %dma_wait3A_1990 = arith.constant 0 : i32
    %dma_wait3A_1991 = tpu.memref_slice %arg5[%add3A_1951, %dma_wait3A_1985, %dma_wait3A_1990] : memref<360448x2x32xf32, #tpu.memory_space<hbm>> -> memref<512x1x32xf32, #tpu.memory_space<hbm>>
    %dma_wait3A_1992 = tpu.memref_squeeze %dma_wait3A_1991 : memref<512x1x32xf32, #tpu.memory_space<hbm>> -> memref<512x32xf32, #tpu.memory_space<hbm>>
    %dma_wait3A_1993 = arith.constant 0 : i32
    %dma_wait3A_1994 = tpu.memref_slice %arg5[%add3A_1951, %dma_wait3A_1985, %dma_wait3A_1993] : memref<360448x2x32xf32, #tpu.memory_space<hbm>> -> memref<512x1x32xf32, #tpu.memory_space<hbm>>
    %dma_wait3A_1995 = tpu.memref_squeeze %dma_wait3A_1994 : memref<512x1x32xf32, #tpu.memory_space<hbm>> -> memref<512x32xf32, #tpu.memory_space<hbm>>
    %dma_wait3A_1996 = arith.constant 0 : i32
    %dma_wait3A_1997 = arith.constant 0 : i32
    %dma_wait3A_1998 = tpu.memref_slice %arg7[%dma_wait3A_1984, %dma_wait3A_1996, %dma_wait3A_1997] : memref<2x512x32xf32, #tpu.memory_space<vmem>> -> memref<1x512x32xf32, #tpu.memory_space<vmem>>
    %dma_wait3A_1999 = tpu.memref_squeeze %dma_wait3A_1998 : memref<1x512x32xf32, #tpu.memory_space<vmem>> -> memref<512x32xf32, #tpu.memory_space<vmem>>
    tpu.wait_dma2 semaphore(%arg13 : memref<!tpu.dma_semaphore, #tpu.memory_space<semaphore_mem>>) src(%dma_wait3A_1999 : memref<512x32xf32, #tpu.memory_space<vmem>>) dst(%dma_wait3A_1995 : memref<512x32xf32, #tpu.memory_space<hbm>>)
    %dma_wait3A_2000 = arith.constant 0 : i32
    %dma_wait3A_2001 = arith.constant 1 : i32
    %dma_wait3A_2002 = arith.constant 0 : i32
    %dma_wait3A_2003 = arith.constant 0 : i32
    %dma_wait3A_2004 = tpu.memref_slice %arg8[%dma_wait3A_2000, %dma_wait3A_2002, %dma_wait3A_2003] : memref<2x512x32xf32, #tpu.memory_space<vmem>> -> memref<1x512x32xf32, #tpu.memory_space<vmem>>
    %dma_wait3A_2005 = tpu.memref_squeeze %dma_wait3A_2004 : memref<1x512x32xf32, #tpu.memory_space<vmem>> -> memref<512x32xf32, #tpu.memory_space<vmem>>
    %dma_wait3A_2006 = arith.constant 0 : i32
    %dma_wait3A_2007 = tpu.memref_slice %arg5[%add3A_1951, %dma_wait3A_2001, %dma_wait3A_2006] : memref<360448x2x32xf32, #tpu.memory_space<hbm>> -> memref<512x1x32xf32, #tpu.memory_space<hbm>>
    %dma_wait3A_2008 = tpu.memref_squeeze %dma_wait3A_2007 : memref<512x1x32xf32, #tpu.memory_space<hbm>> -> memref<512x32xf32, #tpu.memory_space<hbm>>
    %dma_wait3A_2009 = arith.constant 0 : i32
    %dma_wait3A_2010 = tpu.memref_slice %arg5[%add3A_1951, %dma_wait3A_2001, %dma_wait3A_2009] : memref<360448x2x32xf32, #tpu.memory_space<hbm>> -> memref<512x1x32xf32, #tpu.memory_space<hbm>>
    %dma_wait3A_2011 = tpu.memref_squeeze %dma_wait3A_2010 : memref<512x1x32xf32, #tpu.memory_space<hbm>> -> memref<512x32xf32, #tpu.memory_space<hbm>>
    %dma_wait3A_2012 = arith.constant 0 : i32
    %dma_wait3A_2013 = arith.constant 0 : i32
    %dma_wait3A_2014 = tpu.memref_slice %arg8[%dma_wait3A_2000, %dma_wait3A_2012, %dma_wait3A_2013] : memref<2x512x32xf32, #tpu.memory_space<vmem>> -> memref<1x512x32xf32, #tpu.memory_space<vmem>>
    %dma_wait3A_2015 = tpu.memref_squeeze %dma_wait3A_2014 : memref<1x512x32xf32, #tpu.memory_space<vmem>> -> memref<512x32xf32, #tpu.memory_space<vmem>>
    tpu.wait_dma2 semaphore(%arg13 : memref<!tpu.dma_semaphore, #tpu.memory_space<semaphore_mem>>) src(%dma_wait3A_2015 : memref<512x32xf32, #tpu.memory_space<vmem>>) dst(%dma_wait3A_2011 : memref<512x32xf32, #tpu.memory_space<hbm>>)
    %add3A_2016 = arith.constant 9216 : i32
    %add3A_2017 = arith.addi %mul3A_2, %add3A_2016 : i32
    %run_scoped3A_2018 = arith.constant 0 : i32
    "tpu.region"() ({
      %run_scoped3A_2574 = tpu.sem_alloc : memref<!tpu.dma_semaphore, #tpu.memory_space<semaphore_mem>>
      %dma_start3A_2575 = arith.constant 0 : i32
      %dma_start3A_2576 = tpu.memref_slice %arg6[%run_scoped3A_2018, %dma_start3A_2575] : memref<2x512xi32, #tpu.memory_space<vmem>> -> memref<1x512xi32, #tpu.memory_space<vmem>>
      %dma_start3A_2577 = tpu.memref_squeeze %dma_start3A_2576 : memref<1x512xi32, #tpu.memory_space<vmem>> -> memref<512xi32, #tpu.memory_space<vmem>>
      %dma_start3A_2578 = tpu.memref_slice %arg2[%add3A_2017] : memref<360448xi32, #tpu.memory_space<hbm>> -> memref<512xi32, #tpu.memory_space<hbm>>
      %dma_start3A_2579 = arith.constant 0 : i32
      %dma_start3A_2580 = tpu.memref_slice %arg6[%run_scoped3A_2018, %dma_start3A_2579] : memref<2x512xi32, #tpu.memory_space<vmem>> -> memref<1x512xi32, #tpu.memory_space<vmem>>
      %dma_start3A_2581 = tpu.memref_squeeze %dma_start3A_2580 : memref<1x512xi32, #tpu.memory_space<vmem>> -> memref<512xi32, #tpu.memory_space<vmem>>
      %dma_start3A_2582 = tpu.memref_slice %arg2[%add3A_2017] : memref<360448xi32, #tpu.memory_space<hbm>> -> memref<512xi32, #tpu.memory_space<hbm>>
      tpu.enqueue_dma source(%dma_start3A_2582 : memref<512xi32, #tpu.memory_space<hbm>>) target(%dma_start3A_2581 : memref<512xi32, #tpu.memory_space<vmem>>) target_semaphore(%run_scoped3A_2574 : memref<!tpu.dma_semaphore, #tpu.memory_space<semaphore_mem>>)
      %dma_wait3A_2583 = arith.constant 0 : i32
      %dma_wait3A_2584 = tpu.memref_slice %arg6[%run_scoped3A_2018, %dma_wait3A_2583] : memref<2x512xi32, #tpu.memory_space<vmem>> -> memref<1x512xi32, #tpu.memory_space<vmem>>
      %dma_wait3A_2585 = tpu.memref_squeeze %dma_wait3A_2584 : memref<1x512xi32, #tpu.memory_space<vmem>> -> memref<512xi32, #tpu.memory_space<vmem>>
      %dma_wait3A_2586 = tpu.memref_slice %arg2[%add3A_2017] : memref<360448xi32, #tpu.memory_space<hbm>> -> memref<512xi32, #tpu.memory_space<hbm>>
      %dma_wait3A_2587 = arith.constant 0 : i32
      %dma_wait3A_2588 = tpu.memref_slice %arg6[%run_scoped3A_2018, %dma_wait3A_2587] : memref<2x512xi32, #tpu.memory_space<vmem>> -> memref<1x512xi32, #tpu.memory_space<vmem>>
      %dma_wait3A_2589 = tpu.memref_squeeze %dma_wait3A_2588 : memref<1x512xi32, #tpu.memory_space<vmem>> -> memref<512xi32, #tpu.memory_space<vmem>>
      %dma_wait3A_2590 = tpu.memref_slice %arg2[%add3A_2017] : memref<360448xi32, #tpu.memory_space<hbm>> -> memref<512xi32, #tpu.memory_space<hbm>>
      tpu.wait_dma2 semaphore(%run_scoped3A_2574 : memref<!tpu.dma_semaphore, #tpu.memory_space<semaphore_mem>>) src(%dma_wait3A_2590 : memref<512xi32, #tpu.memory_space<hbm>>) dst(%dma_wait3A_2589 : memref<512xi32, #tpu.memory_space<vmem>>)
      tpu.yield
    }) : () -> ()
    %dma_start3A_2019 = arith.constant 0 : i32
    %dma_start3A_2020 = arith.constant 0 : i32
    %dma_start3A_2021 = arith.constant 0 : i32
    %dma_start3A_2022 = arith.constant 0 : i32
    %dma_start3A_2023 = tpu.memref_slice %arg7[%dma_start3A_2020, %dma_start3A_2021, %dma_start3A_2022] : memref<2x512x32xf32, #tpu.memory_space<vmem>> -> memref<1x512x32xf32, #tpu.memory_space<vmem>>
    %dma_start3A_2024 = tpu.memref_squeeze %dma_start3A_2023 : memref<1x512x32xf32, #tpu.memory_space<vmem>> -> memref<512x32xf32, #tpu.memory_space<vmem>>
    %dma_start3A_2025 = arith.constant 0 : i32
    %dma_start3A_2026 = tpu.memref_slice %arg6[%dma_start3A_2019, %dma_start3A_2025] : memref<2x512xi32, #tpu.memory_space<vmem>> -> memref<1x512xi32, #tpu.memory_space<vmem>>
    %dma_start3A_2027 = tpu.memref_squeeze %dma_start3A_2026 : memref<1x512xi32, #tpu.memory_space<vmem>> -> memref<512xi32, #tpu.memory_space<vmem>>
    %dma_start3A_2028 = arith.constant 0 : i32
    %dma_start3A_2029 = arith.constant 0 : i32
    %dma_start3A_2030 = tpu.memref_slice %arg3[%dma_start3A_2028, %dma_start3A_2029] : memref<2200000x32xf32, #tpu.memory_space<hbm>> -> memref<2200000x32xf32, #tpu.memory_space<hbm>>
    tpu.enqueue_indirect_dma source(%dma_start3A_2030 : memref<2200000x32xf32, #tpu.memory_space<hbm>>) target(%dma_start3A_2024 : memref<512x32xf32, #tpu.memory_space<vmem>>) offsets(%dma_start3A_2027 : memref<512xi32, #tpu.memory_space<vmem>>) semaphore(%arg9 : memref<!tpu.dma_semaphore, #tpu.memory_space<semaphore_mem>>)
    %dma_start3A_2031 = arith.constant 0 : i32
    %dma_start3A_2032 = arith.constant 0 : i32
    %dma_start3A_2033 = arith.constant 0 : i32
    %dma_start3A_2034 = arith.constant 0 : i32
    %dma_start3A_2035 = tpu.memref_slice %arg8[%dma_start3A_2032, %dma_start3A_2033, %dma_start3A_2034] : memref<2x512x32xf32, #tpu.memory_space<vmem>> -> memref<1x512x32xf32, #tpu.memory_space<vmem>>
    %dma_start3A_2036 = tpu.memref_squeeze %dma_start3A_2035 : memref<1x512x32xf32, #tpu.memory_space<vmem>> -> memref<512x32xf32, #tpu.memory_space<vmem>>
    %dma_start3A_2037 = arith.constant 0 : i32
    %dma_start3A_2038 = tpu.memref_slice %arg6[%dma_start3A_2031, %dma_start3A_2037] : memref<2x512xi32, #tpu.memory_space<vmem>> -> memref<1x512xi32, #tpu.memory_space<vmem>>
    %dma_start3A_2039 = tpu.memref_squeeze %dma_start3A_2038 : memref<1x512xi32, #tpu.memory_space<vmem>> -> memref<512xi32, #tpu.memory_space<vmem>>
    %dma_start3A_2040 = arith.constant 0 : i32
    %dma_start3A_2041 = arith.constant 0 : i32
    %dma_start3A_2042 = tpu.memref_slice %arg4[%dma_start3A_2040, %dma_start3A_2041] : memref<2200000x32xf32, #tpu.memory_space<hbm>> -> memref<2200000x32xf32, #tpu.memory_space<hbm>>
    tpu.enqueue_indirect_dma source(%dma_start3A_2042 : memref<2200000x32xf32, #tpu.memory_space<hbm>>) target(%dma_start3A_2036 : memref<512x32xf32, #tpu.memory_space<vmem>>) offsets(%dma_start3A_2039 : memref<512xi32, #tpu.memory_space<vmem>>) semaphore(%arg11 : memref<!tpu.dma_semaphore, #tpu.memory_space<semaphore_mem>>)
    %dma_wait3A_2043 = arith.constant 1 : i32
    %dma_wait3A_2044 = arith.constant 1 : i32
    %dma_wait3A_2045 = arith.constant 0 : i32
    %dma_wait3A_2046 = arith.constant 0 : i32
    %dma_wait3A_2047 = tpu.memref_slice %arg7[%dma_wait3A_2044, %dma_wait3A_2045, %dma_wait3A_2046] : memref<2x512x32xf32, #tpu.memory_space<vmem>> -> memref<1x512x32xf32, #tpu.memory_space<vmem>>
    %dma_wait3A_2048 = tpu.memref_squeeze %dma_wait3A_2047 : memref<1x512x32xf32, #tpu.memory_space<vmem>> -> memref<512x32xf32, #tpu.memory_space<vmem>>
    %dma_wait3A_2049 = arith.constant 0 : i32
    %dma_wait3A_2050 = tpu.memref_slice %arg6[%dma_wait3A_2043, %dma_wait3A_2049] : memref<2x512xi32, #tpu.memory_space<vmem>> -> memref<1x512xi32, #tpu.memory_space<vmem>>
    %dma_wait3A_2051 = tpu.memref_squeeze %dma_wait3A_2050 : memref<1x512xi32, #tpu.memory_space<vmem>> -> memref<512xi32, #tpu.memory_space<vmem>>
    %dma_wait3A_2052 = arith.constant 0 : i32
    %dma_wait3A_2053 = arith.constant 0 : i32
    %dma_wait3A_2054 = tpu.memref_slice %arg3[%dma_wait3A_2052, %dma_wait3A_2053] : memref<2200000x32xf32, #tpu.memory_space<hbm>> -> memref<2200000x32xf32, #tpu.memory_space<hbm>>
    tpu.wait_indirect_dma semaphore(%arg10 : memref<!tpu.dma_semaphore, #tpu.memory_space<semaphore_mem>>) src(%dma_wait3A_2054 : memref<2200000x32xf32, #tpu.memory_space<hbm>>) dst(%dma_wait3A_2048 : memref<512x32xf32, #tpu.memory_space<vmem>>)
    %dma_wait3A_2055 = arith.constant 1 : i32
    %dma_wait3A_2056 = arith.constant 1 : i32
    %dma_wait3A_2057 = arith.constant 0 : i32
    %dma_wait3A_2058 = arith.constant 0 : i32
    %dma_wait3A_2059 = tpu.memref_slice %arg8[%dma_wait3A_2056, %dma_wait3A_2057, %dma_wait3A_2058] : memref<2x512x32xf32, #tpu.memory_space<vmem>> -> memref<1x512x32xf32, #tpu.memory_space<vmem>>
    %dma_wait3A_2060 = tpu.memref_squeeze %dma_wait3A_2059 : memref<1x512x32xf32, #tpu.memory_space<vmem>> -> memref<512x32xf32, #tpu.memory_space<vmem>>
    %dma_wait3A_2061 = arith.constant 0 : i32
    %dma_wait3A_2062 = tpu.memref_slice %arg6[%dma_wait3A_2055, %dma_wait3A_2061] : memref<2x512xi32, #tpu.memory_space<vmem>> -> memref<1x512xi32, #tpu.memory_space<vmem>>
    %dma_wait3A_2063 = tpu.memref_squeeze %dma_wait3A_2062 : memref<1x512xi32, #tpu.memory_space<vmem>> -> memref<512xi32, #tpu.memory_space<vmem>>
    %dma_wait3A_2064 = arith.constant 0 : i32
    %dma_wait3A_2065 = arith.constant 0 : i32
    %dma_wait3A_2066 = tpu.memref_slice %arg4[%dma_wait3A_2064, %dma_wait3A_2065] : memref<2200000x32xf32, #tpu.memory_space<hbm>> -> memref<2200000x32xf32, #tpu.memory_space<hbm>>
    tpu.wait_indirect_dma semaphore(%arg12 : memref<!tpu.dma_semaphore, #tpu.memory_space<semaphore_mem>>) src(%dma_wait3A_2066 : memref<2200000x32xf32, #tpu.memory_space<hbm>>) dst(%dma_wait3A_2060 : memref<512x32xf32, #tpu.memory_space<vmem>>)
    %add3A_2067 = arith.constant 8704 : i32
    %add3A_2068 = arith.addi %mul3A_2, %add3A_2067 : i32
    %dma_start3A_2069 = arith.constant 1 : i32
    %dma_start3A_2070 = arith.constant 0 : i32
    %dma_start3A_2071 = arith.constant 0 : i32
    %dma_start3A_2072 = arith.constant 0 : i32
    %dma_start3A_2073 = tpu.memref_slice %arg7[%dma_start3A_2069, %dma_start3A_2071, %dma_start3A_2072] : memref<2x512x32xf32, #tpu.memory_space<vmem>> -> memref<1x512x32xf32, #tpu.memory_space<vmem>>
    %dma_start3A_2074 = tpu.memref_squeeze %dma_start3A_2073 : memref<1x512x32xf32, #tpu.memory_space<vmem>> -> memref<512x32xf32, #tpu.memory_space<vmem>>
    %dma_start3A_2075 = arith.constant 0 : i32
    %dma_start3A_2076 = tpu.memref_slice %arg5[%add3A_2068, %dma_start3A_2070, %dma_start3A_2075] : memref<360448x2x32xf32, #tpu.memory_space<hbm>> -> memref<512x1x32xf32, #tpu.memory_space<hbm>>
    %dma_start3A_2077 = tpu.memref_squeeze %dma_start3A_2076 : memref<512x1x32xf32, #tpu.memory_space<hbm>> -> memref<512x32xf32, #tpu.memory_space<hbm>>
    %dma_start3A_2078 = arith.constant 0 : i32
    %dma_start3A_2079 = tpu.memref_slice %arg5[%add3A_2068, %dma_start3A_2070, %dma_start3A_2078] : memref<360448x2x32xf32, #tpu.memory_space<hbm>> -> memref<512x1x32xf32, #tpu.memory_space<hbm>>
    %dma_start3A_2080 = tpu.memref_squeeze %dma_start3A_2079 : memref<512x1x32xf32, #tpu.memory_space<hbm>> -> memref<512x32xf32, #tpu.memory_space<hbm>>
    %dma_start3A_2081 = arith.constant 0 : i32
    %dma_start3A_2082 = arith.constant 0 : i32
    %dma_start3A_2083 = tpu.memref_slice %arg7[%dma_start3A_2069, %dma_start3A_2081, %dma_start3A_2082] : memref<2x512x32xf32, #tpu.memory_space<vmem>> -> memref<1x512x32xf32, #tpu.memory_space<vmem>>
    %dma_start3A_2084 = tpu.memref_squeeze %dma_start3A_2083 : memref<1x512x32xf32, #tpu.memory_space<vmem>> -> memref<512x32xf32, #tpu.memory_space<vmem>>
    tpu.enqueue_dma source(%dma_start3A_2084 : memref<512x32xf32, #tpu.memory_space<vmem>>) target(%dma_start3A_2080 : memref<512x32xf32, #tpu.memory_space<hbm>>) target_semaphore(%arg14 : memref<!tpu.dma_semaphore, #tpu.memory_space<semaphore_mem>>)
    %dma_start3A_2085 = arith.constant 1 : i32
    %dma_start3A_2086 = arith.constant 1 : i32
    %dma_start3A_2087 = arith.constant 0 : i32
    %dma_start3A_2088 = arith.constant 0 : i32
    %dma_start3A_2089 = tpu.memref_slice %arg8[%dma_start3A_2085, %dma_start3A_2087, %dma_start3A_2088] : memref<2x512x32xf32, #tpu.memory_space<vmem>> -> memref<1x512x32xf32, #tpu.memory_space<vmem>>
    %dma_start3A_2090 = tpu.memref_squeeze %dma_start3A_2089 : memref<1x512x32xf32, #tpu.memory_space<vmem>> -> memref<512x32xf32, #tpu.memory_space<vmem>>
    %dma_start3A_2091 = arith.constant 0 : i32
    %dma_start3A_2092 = tpu.memref_slice %arg5[%add3A_2068, %dma_start3A_2086, %dma_start3A_2091] : memref<360448x2x32xf32, #tpu.memory_space<hbm>> -> memref<512x1x32xf32, #tpu.memory_space<hbm>>
    %dma_start3A_2093 = tpu.memref_squeeze %dma_start3A_2092 : memref<512x1x32xf32, #tpu.memory_space<hbm>> -> memref<512x32xf32, #tpu.memory_space<hbm>>
    %dma_start3A_2094 = arith.constant 0 : i32
    %dma_start3A_2095 = tpu.memref_slice %arg5[%add3A_2068, %dma_start3A_2086, %dma_start3A_2094] : memref<360448x2x32xf32, #tpu.memory_space<hbm>> -> memref<512x1x32xf32, #tpu.memory_space<hbm>>
    %dma_start3A_2096 = tpu.memref_squeeze %dma_start3A_2095 : memref<512x1x32xf32, #tpu.memory_space<hbm>> -> memref<512x32xf32, #tpu.memory_space<hbm>>
    %dma_start3A_2097 = arith.constant 0 : i32
    %dma_start3A_2098 = arith.constant 0 : i32
    %dma_start3A_2099 = tpu.memref_slice %arg8[%dma_start3A_2085, %dma_start3A_2097, %dma_start3A_2098] : memref<2x512x32xf32, #tpu.memory_space<vmem>> -> memref<1x512x32xf32, #tpu.memory_space<vmem>>
    %dma_start3A_2100 = tpu.memref_squeeze %dma_start3A_2099 : memref<1x512x32xf32, #tpu.memory_space<vmem>> -> memref<512x32xf32, #tpu.memory_space<vmem>>
    tpu.enqueue_dma source(%dma_start3A_2100 : memref<512x32xf32, #tpu.memory_space<vmem>>) target(%dma_start3A_2096 : memref<512x32xf32, #tpu.memory_space<hbm>>) target_semaphore(%arg14 : memref<!tpu.dma_semaphore, #tpu.memory_space<semaphore_mem>>)
    %dma_wait3A_2101 = arith.constant 1 : i32
    %dma_wait3A_2102 = arith.constant 0 : i32
    %dma_wait3A_2103 = arith.constant 0 : i32
    %dma_wait3A_2104 = arith.constant 0 : i32
    %dma_wait3A_2105 = tpu.memref_slice %arg7[%dma_wait3A_2101, %dma_wait3A_2103, %dma_wait3A_2104] : memref<2x512x32xf32, #tpu.memory_space<vmem>> -> memref<1x512x32xf32, #tpu.memory_space<vmem>>
    %dma_wait3A_2106 = tpu.memref_squeeze %dma_wait3A_2105 : memref<1x512x32xf32, #tpu.memory_space<vmem>> -> memref<512x32xf32, #tpu.memory_space<vmem>>
    %dma_wait3A_2107 = arith.constant 0 : i32
    %dma_wait3A_2108 = tpu.memref_slice %arg5[%add3A_2068, %dma_wait3A_2102, %dma_wait3A_2107] : memref<360448x2x32xf32, #tpu.memory_space<hbm>> -> memref<512x1x32xf32, #tpu.memory_space<hbm>>
    %dma_wait3A_2109 = tpu.memref_squeeze %dma_wait3A_2108 : memref<512x1x32xf32, #tpu.memory_space<hbm>> -> memref<512x32xf32, #tpu.memory_space<hbm>>
    %dma_wait3A_2110 = arith.constant 0 : i32
    %dma_wait3A_2111 = tpu.memref_slice %arg5[%add3A_2068, %dma_wait3A_2102, %dma_wait3A_2110] : memref<360448x2x32xf32, #tpu.memory_space<hbm>> -> memref<512x1x32xf32, #tpu.memory_space<hbm>>
    %dma_wait3A_2112 = tpu.memref_squeeze %dma_wait3A_2111 : memref<512x1x32xf32, #tpu.memory_space<hbm>> -> memref<512x32xf32, #tpu.memory_space<hbm>>
    %dma_wait3A_2113 = arith.constant 0 : i32
    %dma_wait3A_2114 = arith.constant 0 : i32
    %dma_wait3A_2115 = tpu.memref_slice %arg7[%dma_wait3A_2101, %dma_wait3A_2113, %dma_wait3A_2114] : memref<2x512x32xf32, #tpu.memory_space<vmem>> -> memref<1x512x32xf32, #tpu.memory_space<vmem>>
    %dma_wait3A_2116 = tpu.memref_squeeze %dma_wait3A_2115 : memref<1x512x32xf32, #tpu.memory_space<vmem>> -> memref<512x32xf32, #tpu.memory_space<vmem>>
    tpu.wait_dma2 semaphore(%arg14 : memref<!tpu.dma_semaphore, #tpu.memory_space<semaphore_mem>>) src(%dma_wait3A_2116 : memref<512x32xf32, #tpu.memory_space<vmem>>) dst(%dma_wait3A_2112 : memref<512x32xf32, #tpu.memory_space<hbm>>)
    %dma_wait3A_2117 = arith.constant 1 : i32
    %dma_wait3A_2118 = arith.constant 1 : i32
    %dma_wait3A_2119 = arith.constant 0 : i32
    %dma_wait3A_2120 = arith.constant 0 : i32
    %dma_wait3A_2121 = tpu.memref_slice %arg8[%dma_wait3A_2117, %dma_wait3A_2119, %dma_wait3A_2120] : memref<2x512x32xf32, #tpu.memory_space<vmem>> -> memref<1x512x32xf32, #tpu.memory_space<vmem>>
    %dma_wait3A_2122 = tpu.memref_squeeze %dma_wait3A_2121 : memref<1x512x32xf32, #tpu.memory_space<vmem>> -> memref<512x32xf32, #tpu.memory_space<vmem>>
    %dma_wait3A_2123 = arith.constant 0 : i32
    %dma_wait3A_2124 = tpu.memref_slice %arg5[%add3A_2068, %dma_wait3A_2118, %dma_wait3A_2123] : memref<360448x2x32xf32, #tpu.memory_space<hbm>> -> memref<512x1x32xf32, #tpu.memory_space<hbm>>
    %dma_wait3A_2125 = tpu.memref_squeeze %dma_wait3A_2124 : memref<512x1x32xf32, #tpu.memory_space<hbm>> -> memref<512x32xf32, #tpu.memory_space<hbm>>
    %dma_wait3A_2126 = arith.constant 0 : i32
    %dma_wait3A_2127 = tpu.memref_slice %arg5[%add3A_2068, %dma_wait3A_2118, %dma_wait3A_2126] : memref<360448x2x32xf32, #tpu.memory_space<hbm>> -> memref<512x1x32xf32, #tpu.memory_space<hbm>>
    %dma_wait3A_2128 = tpu.memref_squeeze %dma_wait3A_2127 : memref<512x1x32xf32, #tpu.memory_space<hbm>> -> memref<512x32xf32, #tpu.memory_space<hbm>>
    %dma_wait3A_2129 = arith.constant 0 : i32
    %dma_wait3A_2130 = arith.constant 0 : i32
    %dma_wait3A_2131 = tpu.memref_slice %arg8[%dma_wait3A_2117, %dma_wait3A_2129, %dma_wait3A_2130] : memref<2x512x32xf32, #tpu.memory_space<vmem>> -> memref<1x512x32xf32, #tpu.memory_space<vmem>>
    %dma_wait3A_2132 = tpu.memref_squeeze %dma_wait3A_2131 : memref<1x512x32xf32, #tpu.memory_space<vmem>> -> memref<512x32xf32, #tpu.memory_space<vmem>>
    tpu.wait_dma2 semaphore(%arg14 : memref<!tpu.dma_semaphore, #tpu.memory_space<semaphore_mem>>) src(%dma_wait3A_2132 : memref<512x32xf32, #tpu.memory_space<vmem>>) dst(%dma_wait3A_2128 : memref<512x32xf32, #tpu.memory_space<hbm>>)
    %add3A_2133 = arith.constant 9728 : i32
    %add3A_2134 = arith.addi %mul3A_2, %add3A_2133 : i32
    %run_scoped3A_2135 = arith.constant 1 : i32
    "tpu.region"() ({
      %run_scoped3A_2574 = tpu.sem_alloc : memref<!tpu.dma_semaphore, #tpu.memory_space<semaphore_mem>>
      %dma_start3A_2575 = arith.constant 0 : i32
      %dma_start3A_2576 = tpu.memref_slice %arg6[%run_scoped3A_2135, %dma_start3A_2575] : memref<2x512xi32, #tpu.memory_space<vmem>> -> memref<1x512xi32, #tpu.memory_space<vmem>>
      %dma_start3A_2577 = tpu.memref_squeeze %dma_start3A_2576 : memref<1x512xi32, #tpu.memory_space<vmem>> -> memref<512xi32, #tpu.memory_space<vmem>>
      %dma_start3A_2578 = tpu.memref_slice %arg2[%add3A_2134] : memref<360448xi32, #tpu.memory_space<hbm>> -> memref<512xi32, #tpu.memory_space<hbm>>
      %dma_start3A_2579 = arith.constant 0 : i32
      %dma_start3A_2580 = tpu.memref_slice %arg6[%run_scoped3A_2135, %dma_start3A_2579] : memref<2x512xi32, #tpu.memory_space<vmem>> -> memref<1x512xi32, #tpu.memory_space<vmem>>
      %dma_start3A_2581 = tpu.memref_squeeze %dma_start3A_2580 : memref<1x512xi32, #tpu.memory_space<vmem>> -> memref<512xi32, #tpu.memory_space<vmem>>
      %dma_start3A_2582 = tpu.memref_slice %arg2[%add3A_2134] : memref<360448xi32, #tpu.memory_space<hbm>> -> memref<512xi32, #tpu.memory_space<hbm>>
      tpu.enqueue_dma source(%dma_start3A_2582 : memref<512xi32, #tpu.memory_space<hbm>>) target(%dma_start3A_2581 : memref<512xi32, #tpu.memory_space<vmem>>) target_semaphore(%run_scoped3A_2574 : memref<!tpu.dma_semaphore, #tpu.memory_space<semaphore_mem>>)
      %dma_wait3A_2583 = arith.constant 0 : i32
      %dma_wait3A_2584 = tpu.memref_slice %arg6[%run_scoped3A_2135, %dma_wait3A_2583] : memref<2x512xi32, #tpu.memory_space<vmem>> -> memref<1x512xi32, #tpu.memory_space<vmem>>
      %dma_wait3A_2585 = tpu.memref_squeeze %dma_wait3A_2584 : memref<1x512xi32, #tpu.memory_space<vmem>> -> memref<512xi32, #tpu.memory_space<vmem>>
      %dma_wait3A_2586 = tpu.memref_slice %arg2[%add3A_2134] : memref<360448xi32, #tpu.memory_space<hbm>> -> memref<512xi32, #tpu.memory_space<hbm>>
      %dma_wait3A_2587 = arith.constant 0 : i32
      %dma_wait3A_2588 = tpu.memref_slice %arg6[%run_scoped3A_2135, %dma_wait3A_2587] : memref<2x512xi32, #tpu.memory_space<vmem>> -> memref<1x512xi32, #tpu.memory_space<vmem>>
      %dma_wait3A_2589 = tpu.memref_squeeze %dma_wait3A_2588 : memref<1x512xi32, #tpu.memory_space<vmem>> -> memref<512xi32, #tpu.memory_space<vmem>>
      %dma_wait3A_2590 = tpu.memref_slice %arg2[%add3A_2134] : memref<360448xi32, #tpu.memory_space<hbm>> -> memref<512xi32, #tpu.memory_space<hbm>>
      tpu.wait_dma2 semaphore(%run_scoped3A_2574 : memref<!tpu.dma_semaphore, #tpu.memory_space<semaphore_mem>>) src(%dma_wait3A_2590 : memref<512xi32, #tpu.memory_space<hbm>>) dst(%dma_wait3A_2589 : memref<512xi32, #tpu.memory_space<vmem>>)
      tpu.yield
    }) : () -> ()
    %dma_start3A_2136 = arith.constant 1 : i32
    %dma_start3A_2137 = arith.constant 1 : i32
    %dma_start3A_2138 = arith.constant 0 : i32
    %dma_start3A_2139 = arith.constant 0 : i32
    %dma_start3A_2140 = tpu.memref_slice %arg7[%dma_start3A_2137, %dma_start3A_2138, %dma_start3A_2139] : memref<2x512x32xf32, #tpu.memory_space<vmem>> -> memref<1x512x32xf32, #tpu.memory_space<vmem>>
    %dma_start3A_2141 = tpu.memref_squeeze %dma_start3A_2140 : memref<1x512x32xf32, #tpu.memory_space<vmem>> -> memref<512x32xf32, #tpu.memory_space<vmem>>
    %dma_start3A_2142 = arith.constant 0 : i32
    %dma_start3A_2143 = tpu.memref_slice %arg6[%dma_start3A_2136, %dma_start3A_2142] : memref<2x512xi32, #tpu.memory_space<vmem>> -> memref<1x512xi32, #tpu.memory_space<vmem>>
    %dma_start3A_2144 = tpu.memref_squeeze %dma_start3A_2143 : memref<1x512xi32, #tpu.memory_space<vmem>> -> memref<512xi32, #tpu.memory_space<vmem>>
    %dma_start3A_2145 = arith.constant 0 : i32
    %dma_start3A_2146 = arith.constant 0 : i32
    %dma_start3A_2147 = tpu.memref_slice %arg3[%dma_start3A_2145, %dma_start3A_2146] : memref<2200000x32xf32, #tpu.memory_space<hbm>> -> memref<2200000x32xf32, #tpu.memory_space<hbm>>
    tpu.enqueue_indirect_dma source(%dma_start3A_2147 : memref<2200000x32xf32, #tpu.memory_space<hbm>>) target(%dma_start3A_2141 : memref<512x32xf32, #tpu.memory_space<vmem>>) offsets(%dma_start3A_2144 : memref<512xi32, #tpu.memory_space<vmem>>) semaphore(%arg10 : memref<!tpu.dma_semaphore, #tpu.memory_space<semaphore_mem>>)
    %dma_start3A_2148 = arith.constant 1 : i32
    %dma_start3A_2149 = arith.constant 1 : i32
    %dma_start3A_2150 = arith.constant 0 : i32
    %dma_start3A_2151 = arith.constant 0 : i32
    %dma_start3A_2152 = tpu.memref_slice %arg8[%dma_start3A_2149, %dma_start3A_2150, %dma_start3A_2151] : memref<2x512x32xf32, #tpu.memory_space<vmem>> -> memref<1x512x32xf32, #tpu.memory_space<vmem>>
    %dma_start3A_2153 = tpu.memref_squeeze %dma_start3A_2152 : memref<1x512x32xf32, #tpu.memory_space<vmem>> -> memref<512x32xf32, #tpu.memory_space<vmem>>
    %dma_start3A_2154 = arith.constant 0 : i32
    %dma_start3A_2155 = tpu.memref_slice %arg6[%dma_start3A_2148, %dma_start3A_2154] : memref<2x512xi32, #tpu.memory_space<vmem>> -> memref<1x512xi32, #tpu.memory_space<vmem>>
    %dma_start3A_2156 = tpu.memref_squeeze %dma_start3A_2155 : memref<1x512xi32, #tpu.memory_space<vmem>> -> memref<512xi32, #tpu.memory_space<vmem>>
    %dma_start3A_2157 = arith.constant 0 : i32
    %dma_start3A_2158 = arith.constant 0 : i32
    %dma_start3A_2159 = tpu.memref_slice %arg4[%dma_start3A_2157, %dma_start3A_2158] : memref<2200000x32xf32, #tpu.memory_space<hbm>> -> memref<2200000x32xf32, #tpu.memory_space<hbm>>
    tpu.enqueue_indirect_dma source(%dma_start3A_2159 : memref<2200000x32xf32, #tpu.memory_space<hbm>>) target(%dma_start3A_2153 : memref<512x32xf32, #tpu.memory_space<vmem>>) offsets(%dma_start3A_2156 : memref<512xi32, #tpu.memory_space<vmem>>) semaphore(%arg12 : memref<!tpu.dma_semaphore, #tpu.memory_space<semaphore_mem>>)
    %dma_wait3A_2160 = arith.constant 0 : i32
    %dma_wait3A_2161 = arith.constant 0 : i32
    %dma_wait3A_2162 = arith.constant 0 : i32
    %dma_wait3A_2163 = arith.constant 0 : i32
    %dma_wait3A_2164 = tpu.memref_slice %arg7[%dma_wait3A_2161, %dma_wait3A_2162, %dma_wait3A_2163] : memref<2x512x32xf32, #tpu.memory_space<vmem>> -> memref<1x512x32xf32, #tpu.memory_space<vmem>>
    %dma_wait3A_2165 = tpu.memref_squeeze %dma_wait3A_2164 : memref<1x512x32xf32, #tpu.memory_space<vmem>> -> memref<512x32xf32, #tpu.memory_space<vmem>>
    %dma_wait3A_2166 = arith.constant 0 : i32
    %dma_wait3A_2167 = tpu.memref_slice %arg6[%dma_wait3A_2160, %dma_wait3A_2166] : memref<2x512xi32, #tpu.memory_space<vmem>> -> memref<1x512xi32, #tpu.memory_space<vmem>>
    %dma_wait3A_2168 = tpu.memref_squeeze %dma_wait3A_2167 : memref<1x512xi32, #tpu.memory_space<vmem>> -> memref<512xi32, #tpu.memory_space<vmem>>
    %dma_wait3A_2169 = arith.constant 0 : i32
    %dma_wait3A_2170 = arith.constant 0 : i32
    %dma_wait3A_2171 = tpu.memref_slice %arg3[%dma_wait3A_2169, %dma_wait3A_2170] : memref<2200000x32xf32, #tpu.memory_space<hbm>> -> memref<2200000x32xf32, #tpu.memory_space<hbm>>
    tpu.wait_indirect_dma semaphore(%arg9 : memref<!tpu.dma_semaphore, #tpu.memory_space<semaphore_mem>>) src(%dma_wait3A_2171 : memref<2200000x32xf32, #tpu.memory_space<hbm>>) dst(%dma_wait3A_2165 : memref<512x32xf32, #tpu.memory_space<vmem>>)
    %dma_wait3A_2172 = arith.constant 0 : i32
    %dma_wait3A_2173 = arith.constant 0 : i32
    %dma_wait3A_2174 = arith.constant 0 : i32
    %dma_wait3A_2175 = arith.constant 0 : i32
    %dma_wait3A_2176 = tpu.memref_slice %arg8[%dma_wait3A_2173, %dma_wait3A_2174, %dma_wait3A_2175] : memref<2x512x32xf32, #tpu.memory_space<vmem>> -> memref<1x512x32xf32, #tpu.memory_space<vmem>>
    %dma_wait3A_2177 = tpu.memref_squeeze %dma_wait3A_2176 : memref<1x512x32xf32, #tpu.memory_space<vmem>> -> memref<512x32xf32, #tpu.memory_space<vmem>>
    %dma_wait3A_2178 = arith.constant 0 : i32
    %dma_wait3A_2179 = tpu.memref_slice %arg6[%dma_wait3A_2172, %dma_wait3A_2178] : memref<2x512xi32, #tpu.memory_space<vmem>> -> memref<1x512xi32, #tpu.memory_space<vmem>>
    %dma_wait3A_2180 = tpu.memref_squeeze %dma_wait3A_2179 : memref<1x512xi32, #tpu.memory_space<vmem>> -> memref<512xi32, #tpu.memory_space<vmem>>
    %dma_wait3A_2181 = arith.constant 0 : i32
    %dma_wait3A_2182 = arith.constant 0 : i32
    %dma_wait3A_2183 = tpu.memref_slice %arg4[%dma_wait3A_2181, %dma_wait3A_2182] : memref<2200000x32xf32, #tpu.memory_space<hbm>> -> memref<2200000x32xf32, #tpu.memory_space<hbm>>
    tpu.wait_indirect_dma semaphore(%arg11 : memref<!tpu.dma_semaphore, #tpu.memory_space<semaphore_mem>>) src(%dma_wait3A_2183 : memref<2200000x32xf32, #tpu.memory_space<hbm>>) dst(%dma_wait3A_2177 : memref<512x32xf32, #tpu.memory_space<vmem>>)
    %add3A_2184 = arith.constant 9216 : i32
    %add3A_2185 = arith.addi %mul3A_2, %add3A_2184 : i32
    %dma_start3A_2186 = arith.constant 0 : i32
    %dma_start3A_2187 = arith.constant 0 : i32
    %dma_start3A_2188 = arith.constant 0 : i32
    %dma_start3A_2189 = arith.constant 0 : i32
    %dma_start3A_2190 = tpu.memref_slice %arg7[%dma_start3A_2186, %dma_start3A_2188, %dma_start3A_2189] : memref<2x512x32xf32, #tpu.memory_space<vmem>> -> memref<1x512x32xf32, #tpu.memory_space<vmem>>
    %dma_start3A_2191 = tpu.memref_squeeze %dma_start3A_2190 : memref<1x512x32xf32, #tpu.memory_space<vmem>> -> memref<512x32xf32, #tpu.memory_space<vmem>>
    %dma_start3A_2192 = arith.constant 0 : i32
    %dma_start3A_2193 = tpu.memref_slice %arg5[%add3A_2185, %dma_start3A_2187, %dma_start3A_2192] : memref<360448x2x32xf32, #tpu.memory_space<hbm>> -> memref<512x1x32xf32, #tpu.memory_space<hbm>>
    %dma_start3A_2194 = tpu.memref_squeeze %dma_start3A_2193 : memref<512x1x32xf32, #tpu.memory_space<hbm>> -> memref<512x32xf32, #tpu.memory_space<hbm>>
    %dma_start3A_2195 = arith.constant 0 : i32
    %dma_start3A_2196 = tpu.memref_slice %arg5[%add3A_2185, %dma_start3A_2187, %dma_start3A_2195] : memref<360448x2x32xf32, #tpu.memory_space<hbm>> -> memref<512x1x32xf32, #tpu.memory_space<hbm>>
    %dma_start3A_2197 = tpu.memref_squeeze %dma_start3A_2196 : memref<512x1x32xf32, #tpu.memory_space<hbm>> -> memref<512x32xf32, #tpu.memory_space<hbm>>
    %dma_start3A_2198 = arith.constant 0 : i32
    %dma_start3A_2199 = arith.constant 0 : i32
    %dma_start3A_2200 = tpu.memref_slice %arg7[%dma_start3A_2186, %dma_start3A_2198, %dma_start3A_2199] : memref<2x512x32xf32, #tpu.memory_space<vmem>> -> memref<1x512x32xf32, #tpu.memory_space<vmem>>
    %dma_start3A_2201 = tpu.memref_squeeze %dma_start3A_2200 : memref<1x512x32xf32, #tpu.memory_space<vmem>> -> memref<512x32xf32, #tpu.memory_space<vmem>>
    tpu.enqueue_dma source(%dma_start3A_2201 : memref<512x32xf32, #tpu.memory_space<vmem>>) target(%dma_start3A_2197 : memref<512x32xf32, #tpu.memory_space<hbm>>) target_semaphore(%arg13 : memref<!tpu.dma_semaphore, #tpu.memory_space<semaphore_mem>>)
    %dma_start3A_2202 = arith.constant 0 : i32
    %dma_start3A_2203 = arith.constant 1 : i32
    %dma_start3A_2204 = arith.constant 0 : i32
    %dma_start3A_2205 = arith.constant 0 : i32
    %dma_start3A_2206 = tpu.memref_slice %arg8[%dma_start3A_2202, %dma_start3A_2204, %dma_start3A_2205] : memref<2x512x32xf32, #tpu.memory_space<vmem>> -> memref<1x512x32xf32, #tpu.memory_space<vmem>>
    %dma_start3A_2207 = tpu.memref_squeeze %dma_start3A_2206 : memref<1x512x32xf32, #tpu.memory_space<vmem>> -> memref<512x32xf32, #tpu.memory_space<vmem>>
    %dma_start3A_2208 = arith.constant 0 : i32
    %dma_start3A_2209 = tpu.memref_slice %arg5[%add3A_2185, %dma_start3A_2203, %dma_start3A_2208] : memref<360448x2x32xf32, #tpu.memory_space<hbm>> -> memref<512x1x32xf32, #tpu.memory_space<hbm>>
    %dma_start3A_2210 = tpu.memref_squeeze %dma_start3A_2209 : memref<512x1x32xf32, #tpu.memory_space<hbm>> -> memref<512x32xf32, #tpu.memory_space<hbm>>
    %dma_start3A_2211 = arith.constant 0 : i32
    %dma_start3A_2212 = tpu.memref_slice %arg5[%add3A_2185, %dma_start3A_2203, %dma_start3A_2211] : memref<360448x2x32xf32, #tpu.memory_space<hbm>> -> memref<512x1x32xf32, #tpu.memory_space<hbm>>
    %dma_start3A_2213 = tpu.memref_squeeze %dma_start3A_2212 : memref<512x1x32xf32, #tpu.memory_space<hbm>> -> memref<512x32xf32, #tpu.memory_space<hbm>>
    %dma_start3A_2214 = arith.constant 0 : i32
    %dma_start3A_2215 = arith.constant 0 : i32
    %dma_start3A_2216 = tpu.memref_slice %arg8[%dma_start3A_2202, %dma_start3A_2214, %dma_start3A_2215] : memref<2x512x32xf32, #tpu.memory_space<vmem>> -> memref<1x512x32xf32, #tpu.memory_space<vmem>>
    %dma_start3A_2217 = tpu.memref_squeeze %dma_start3A_2216 : memref<1x512x32xf32, #tpu.memory_space<vmem>> -> memref<512x32xf32, #tpu.memory_space<vmem>>
    tpu.enqueue_dma source(%dma_start3A_2217 : memref<512x32xf32, #tpu.memory_space<vmem>>) target(%dma_start3A_2213 : memref<512x32xf32, #tpu.memory_space<hbm>>) target_semaphore(%arg13 : memref<!tpu.dma_semaphore, #tpu.memory_space<semaphore_mem>>)
    %dma_wait3A_2218 = arith.constant 0 : i32
    %dma_wait3A_2219 = arith.constant 0 : i32
    %dma_wait3A_2220 = arith.constant 0 : i32
    %dma_wait3A_2221 = arith.constant 0 : i32
    %dma_wait3A_2222 = tpu.memref_slice %arg7[%dma_wait3A_2218, %dma_wait3A_2220, %dma_wait3A_2221] : memref<2x512x32xf32, #tpu.memory_space<vmem>> -> memref<1x512x32xf32, #tpu.memory_space<vmem>>
    %dma_wait3A_2223 = tpu.memref_squeeze %dma_wait3A_2222 : memref<1x512x32xf32, #tpu.memory_space<vmem>> -> memref<512x32xf32, #tpu.memory_space<vmem>>
    %dma_wait3A_2224 = arith.constant 0 : i32
    %dma_wait3A_2225 = tpu.memref_slice %arg5[%add3A_2185, %dma_wait3A_2219, %dma_wait3A_2224] : memref<360448x2x32xf32, #tpu.memory_space<hbm>> -> memref<512x1x32xf32, #tpu.memory_space<hbm>>
    %dma_wait3A_2226 = tpu.memref_squeeze %dma_wait3A_2225 : memref<512x1x32xf32, #tpu.memory_space<hbm>> -> memref<512x32xf32, #tpu.memory_space<hbm>>
    %dma_wait3A_2227 = arith.constant 0 : i32
    %dma_wait3A_2228 = tpu.memref_slice %arg5[%add3A_2185, %dma_wait3A_2219, %dma_wait3A_2227] : memref<360448x2x32xf32, #tpu.memory_space<hbm>> -> memref<512x1x32xf32, #tpu.memory_space<hbm>>
    %dma_wait3A_2229 = tpu.memref_squeeze %dma_wait3A_2228 : memref<512x1x32xf32, #tpu.memory_space<hbm>> -> memref<512x32xf32, #tpu.memory_space<hbm>>
    %dma_wait3A_2230 = arith.constant 0 : i32
    %dma_wait3A_2231 = arith.constant 0 : i32
    %dma_wait3A_2232 = tpu.memref_slice %arg7[%dma_wait3A_2218, %dma_wait3A_2230, %dma_wait3A_2231] : memref<2x512x32xf32, #tpu.memory_space<vmem>> -> memref<1x512x32xf32, #tpu.memory_space<vmem>>
    %dma_wait3A_2233 = tpu.memref_squeeze %dma_wait3A_2232 : memref<1x512x32xf32, #tpu.memory_space<vmem>> -> memref<512x32xf32, #tpu.memory_space<vmem>>
    tpu.wait_dma2 semaphore(%arg13 : memref<!tpu.dma_semaphore, #tpu.memory_space<semaphore_mem>>) src(%dma_wait3A_2233 : memref<512x32xf32, #tpu.memory_space<vmem>>) dst(%dma_wait3A_2229 : memref<512x32xf32, #tpu.memory_space<hbm>>)
    %dma_wait3A_2234 = arith.constant 0 : i32
    %dma_wait3A_2235 = arith.constant 1 : i32
    %dma_wait3A_2236 = arith.constant 0 : i32
    %dma_wait3A_2237 = arith.constant 0 : i32
    %dma_wait3A_2238 = tpu.memref_slice %arg8[%dma_wait3A_2234, %dma_wait3A_2236, %dma_wait3A_2237] : memref<2x512x32xf32, #tpu.memory_space<vmem>> -> memref<1x512x32xf32, #tpu.memory_space<vmem>>
    %dma_wait3A_2239 = tpu.memref_squeeze %dma_wait3A_2238 : memref<1x512x32xf32, #tpu.memory_space<vmem>> -> memref<512x32xf32, #tpu.memory_space<vmem>>
    %dma_wait3A_2240 = arith.constant 0 : i32
    %dma_wait3A_2241 = tpu.memref_slice %arg5[%add3A_2185, %dma_wait3A_2235, %dma_wait3A_2240] : memref<360448x2x32xf32, #tpu.memory_space<hbm>> -> memref<512x1x32xf32, #tpu.memory_space<hbm>>
    %dma_wait3A_2242 = tpu.memref_squeeze %dma_wait3A_2241 : memref<512x1x32xf32, #tpu.memory_space<hbm>> -> memref<512x32xf32, #tpu.memory_space<hbm>>
    %dma_wait3A_2243 = arith.constant 0 : i32
    %dma_wait3A_2244 = tpu.memref_slice %arg5[%add3A_2185, %dma_wait3A_2235, %dma_wait3A_2243] : memref<360448x2x32xf32, #tpu.memory_space<hbm>> -> memref<512x1x32xf32, #tpu.memory_space<hbm>>
    %dma_wait3A_2245 = tpu.memref_squeeze %dma_wait3A_2244 : memref<512x1x32xf32, #tpu.memory_space<hbm>> -> memref<512x32xf32, #tpu.memory_space<hbm>>
    %dma_wait3A_2246 = arith.constant 0 : i32
    %dma_wait3A_2247 = arith.constant 0 : i32
    %dma_wait3A_2248 = tpu.memref_slice %arg8[%dma_wait3A_2234, %dma_wait3A_2246, %dma_wait3A_2247] : memref<2x512x32xf32, #tpu.memory_space<vmem>> -> memref<1x512x32xf32, #tpu.memory_space<vmem>>
    %dma_wait3A_2249 = tpu.memref_squeeze %dma_wait3A_2248 : memref<1x512x32xf32, #tpu.memory_space<vmem>> -> memref<512x32xf32, #tpu.memory_space<vmem>>
    tpu.wait_dma2 semaphore(%arg13 : memref<!tpu.dma_semaphore, #tpu.memory_space<semaphore_mem>>) src(%dma_wait3A_2249 : memref<512x32xf32, #tpu.memory_space<vmem>>) dst(%dma_wait3A_2245 : memref<512x32xf32, #tpu.memory_space<hbm>>)
    %add3A_2250 = arith.constant 10240 : i32
    %add3A_2251 = arith.addi %mul3A_2, %add3A_2250 : i32
    %run_scoped3A_2252 = arith.constant 0 : i32
    "tpu.region"() ({
      %run_scoped3A_2574 = tpu.sem_alloc : memref<!tpu.dma_semaphore, #tpu.memory_space<semaphore_mem>>
      %dma_start3A_2575 = arith.constant 0 : i32
      %dma_start3A_2576 = tpu.memref_slice %arg6[%run_scoped3A_2252, %dma_start3A_2575] : memref<2x512xi32, #tpu.memory_space<vmem>> -> memref<1x512xi32, #tpu.memory_space<vmem>>
      %dma_start3A_2577 = tpu.memref_squeeze %dma_start3A_2576 : memref<1x512xi32, #tpu.memory_space<vmem>> -> memref<512xi32, #tpu.memory_space<vmem>>
      %dma_start3A_2578 = tpu.memref_slice %arg2[%add3A_2251] : memref<360448xi32, #tpu.memory_space<hbm>> -> memref<512xi32, #tpu.memory_space<hbm>>
      %dma_start3A_2579 = arith.constant 0 : i32
      %dma_start3A_2580 = tpu.memref_slice %arg6[%run_scoped3A_2252, %dma_start3A_2579] : memref<2x512xi32, #tpu.memory_space<vmem>> -> memref<1x512xi32, #tpu.memory_space<vmem>>
      %dma_start3A_2581 = tpu.memref_squeeze %dma_start3A_2580 : memref<1x512xi32, #tpu.memory_space<vmem>> -> memref<512xi32, #tpu.memory_space<vmem>>
      %dma_start3A_2582 = tpu.memref_slice %arg2[%add3A_2251] : memref<360448xi32, #tpu.memory_space<hbm>> -> memref<512xi32, #tpu.memory_space<hbm>>
      tpu.enqueue_dma source(%dma_start3A_2582 : memref<512xi32, #tpu.memory_space<hbm>>) target(%dma_start3A_2581 : memref<512xi32, #tpu.memory_space<vmem>>) target_semaphore(%run_scoped3A_2574 : memref<!tpu.dma_semaphore, #tpu.memory_space<semaphore_mem>>)
      %dma_wait3A_2583 = arith.constant 0 : i32
      %dma_wait3A_2584 = tpu.memref_slice %arg6[%run_scoped3A_2252, %dma_wait3A_2583] : memref<2x512xi32, #tpu.memory_space<vmem>> -> memref<1x512xi32, #tpu.memory_space<vmem>>
      %dma_wait3A_2585 = tpu.memref_squeeze %dma_wait3A_2584 : memref<1x512xi32, #tpu.memory_space<vmem>> -> memref<512xi32, #tpu.memory_space<vmem>>
      %dma_wait3A_2586 = tpu.memref_slice %arg2[%add3A_2251] : memref<360448xi32, #tpu.memory_space<hbm>> -> memref<512xi32, #tpu.memory_space<hbm>>
      %dma_wait3A_2587 = arith.constant 0 : i32
      %dma_wait3A_2588 = tpu.memref_slice %arg6[%run_scoped3A_2252, %dma_wait3A_2587] : memref<2x512xi32, #tpu.memory_space<vmem>> -> memref<1x512xi32, #tpu.memory_space<vmem>>
      %dma_wait3A_2589 = tpu.memref_squeeze %dma_wait3A_2588 : memref<1x512xi32, #tpu.memory_space<vmem>> -> memref<512xi32, #tpu.memory_space<vmem>>
      %dma_wait3A_2590 = tpu.memref_slice %arg2[%add3A_2251] : memref<360448xi32, #tpu.memory_space<hbm>> -> memref<512xi32, #tpu.memory_space<hbm>>
      tpu.wait_dma2 semaphore(%run_scoped3A_2574 : memref<!tpu.dma_semaphore, #tpu.memory_space<semaphore_mem>>) src(%dma_wait3A_2590 : memref<512xi32, #tpu.memory_space<hbm>>) dst(%dma_wait3A_2589 : memref<512xi32, #tpu.memory_space<vmem>>)
      tpu.yield
    }) : () -> ()
    %dma_start3A_2253 = arith.constant 0 : i32
    %dma_start3A_2254 = arith.constant 0 : i32
    %dma_start3A_2255 = arith.constant 0 : i32
    %dma_start3A_2256 = arith.constant 0 : i32
    %dma_start3A_2257 = tpu.memref_slice %arg7[%dma_start3A_2254, %dma_start3A_2255, %dma_start3A_2256] : memref<2x512x32xf32, #tpu.memory_space<vmem>> -> memref<1x512x32xf32, #tpu.memory_space<vmem>>
    %dma_start3A_2258 = tpu.memref_squeeze %dma_start3A_2257 : memref<1x512x32xf32, #tpu.memory_space<vmem>> -> memref<512x32xf32, #tpu.memory_space<vmem>>
    %dma_start3A_2259 = arith.constant 0 : i32
    %dma_start3A_2260 = tpu.memref_slice %arg6[%dma_start3A_2253, %dma_start3A_2259] : memref<2x512xi32, #tpu.memory_space<vmem>> -> memref<1x512xi32, #tpu.memory_space<vmem>>
    %dma_start3A_2261 = tpu.memref_squeeze %dma_start3A_2260 : memref<1x512xi32, #tpu.memory_space<vmem>> -> memref<512xi32, #tpu.memory_space<vmem>>
    %dma_start3A_2262 = arith.constant 0 : i32
    %dma_start3A_2263 = arith.constant 0 : i32
    %dma_start3A_2264 = tpu.memref_slice %arg3[%dma_start3A_2262, %dma_start3A_2263] : memref<2200000x32xf32, #tpu.memory_space<hbm>> -> memref<2200000x32xf32, #tpu.memory_space<hbm>>
    tpu.enqueue_indirect_dma source(%dma_start3A_2264 : memref<2200000x32xf32, #tpu.memory_space<hbm>>) target(%dma_start3A_2258 : memref<512x32xf32, #tpu.memory_space<vmem>>) offsets(%dma_start3A_2261 : memref<512xi32, #tpu.memory_space<vmem>>) semaphore(%arg9 : memref<!tpu.dma_semaphore, #tpu.memory_space<semaphore_mem>>)
    %dma_start3A_2265 = arith.constant 0 : i32
    %dma_start3A_2266 = arith.constant 0 : i32
    %dma_start3A_2267 = arith.constant 0 : i32
    %dma_start3A_2268 = arith.constant 0 : i32
    %dma_start3A_2269 = tpu.memref_slice %arg8[%dma_start3A_2266, %dma_start3A_2267, %dma_start3A_2268] : memref<2x512x32xf32, #tpu.memory_space<vmem>> -> memref<1x512x32xf32, #tpu.memory_space<vmem>>
    %dma_start3A_2270 = tpu.memref_squeeze %dma_start3A_2269 : memref<1x512x32xf32, #tpu.memory_space<vmem>> -> memref<512x32xf32, #tpu.memory_space<vmem>>
    %dma_start3A_2271 = arith.constant 0 : i32
    %dma_start3A_2272 = tpu.memref_slice %arg6[%dma_start3A_2265, %dma_start3A_2271] : memref<2x512xi32, #tpu.memory_space<vmem>> -> memref<1x512xi32, #tpu.memory_space<vmem>>
    %dma_start3A_2273 = tpu.memref_squeeze %dma_start3A_2272 : memref<1x512xi32, #tpu.memory_space<vmem>> -> memref<512xi32, #tpu.memory_space<vmem>>
    %dma_start3A_2274 = arith.constant 0 : i32
    %dma_start3A_2275 = arith.constant 0 : i32
    %dma_start3A_2276 = tpu.memref_slice %arg4[%dma_start3A_2274, %dma_start3A_2275] : memref<2200000x32xf32, #tpu.memory_space<hbm>> -> memref<2200000x32xf32, #tpu.memory_space<hbm>>
    tpu.enqueue_indirect_dma source(%dma_start3A_2276 : memref<2200000x32xf32, #tpu.memory_space<hbm>>) target(%dma_start3A_2270 : memref<512x32xf32, #tpu.memory_space<vmem>>) offsets(%dma_start3A_2273 : memref<512xi32, #tpu.memory_space<vmem>>) semaphore(%arg11 : memref<!tpu.dma_semaphore, #tpu.memory_space<semaphore_mem>>)
    %dma_wait3A_2277 = arith.constant 1 : i32
    %dma_wait3A_2278 = arith.constant 1 : i32
    %dma_wait3A_2279 = arith.constant 0 : i32
    %dma_wait3A_2280 = arith.constant 0 : i32
    %dma_wait3A_2281 = tpu.memref_slice %arg7[%dma_wait3A_2278, %dma_wait3A_2279, %dma_wait3A_2280] : memref<2x512x32xf32, #tpu.memory_space<vmem>> -> memref<1x512x32xf32, #tpu.memory_space<vmem>>
    %dma_wait3A_2282 = tpu.memref_squeeze %dma_wait3A_2281 : memref<1x512x32xf32, #tpu.memory_space<vmem>> -> memref<512x32xf32, #tpu.memory_space<vmem>>
    %dma_wait3A_2283 = arith.constant 0 : i32
    %dma_wait3A_2284 = tpu.memref_slice %arg6[%dma_wait3A_2277, %dma_wait3A_2283] : memref<2x512xi32, #tpu.memory_space<vmem>> -> memref<1x512xi32, #tpu.memory_space<vmem>>
    %dma_wait3A_2285 = tpu.memref_squeeze %dma_wait3A_2284 : memref<1x512xi32, #tpu.memory_space<vmem>> -> memref<512xi32, #tpu.memory_space<vmem>>
    %dma_wait3A_2286 = arith.constant 0 : i32
    %dma_wait3A_2287 = arith.constant 0 : i32
    %dma_wait3A_2288 = tpu.memref_slice %arg3[%dma_wait3A_2286, %dma_wait3A_2287] : memref<2200000x32xf32, #tpu.memory_space<hbm>> -> memref<2200000x32xf32, #tpu.memory_space<hbm>>
    tpu.wait_indirect_dma semaphore(%arg10 : memref<!tpu.dma_semaphore, #tpu.memory_space<semaphore_mem>>) src(%dma_wait3A_2288 : memref<2200000x32xf32, #tpu.memory_space<hbm>>) dst(%dma_wait3A_2282 : memref<512x32xf32, #tpu.memory_space<vmem>>)
    %dma_wait3A_2289 = arith.constant 1 : i32
    %dma_wait3A_2290 = arith.constant 1 : i32
    %dma_wait3A_2291 = arith.constant 0 : i32
    %dma_wait3A_2292 = arith.constant 0 : i32
    %dma_wait3A_2293 = tpu.memref_slice %arg8[%dma_wait3A_2290, %dma_wait3A_2291, %dma_wait3A_2292] : memref<2x512x32xf32, #tpu.memory_space<vmem>> -> memref<1x512x32xf32, #tpu.memory_space<vmem>>
    %dma_wait3A_2294 = tpu.memref_squeeze %dma_wait3A_2293 : memref<1x512x32xf32, #tpu.memory_space<vmem>> -> memref<512x32xf32, #tpu.memory_space<vmem>>
    %dma_wait3A_2295 = arith.constant 0 : i32
    %dma_wait3A_2296 = tpu.memref_slice %arg6[%dma_wait3A_2289, %dma_wait3A_2295] : memref<2x512xi32, #tpu.memory_space<vmem>> -> memref<1x512xi32, #tpu.memory_space<vmem>>
    %dma_wait3A_2297 = tpu.memref_squeeze %dma_wait3A_2296 : memref<1x512xi32, #tpu.memory_space<vmem>> -> memref<512xi32, #tpu.memory_space<vmem>>
    %dma_wait3A_2298 = arith.constant 0 : i32
    %dma_wait3A_2299 = arith.constant 0 : i32
    %dma_wait3A_2300 = tpu.memref_slice %arg4[%dma_wait3A_2298, %dma_wait3A_2299] : memref<2200000x32xf32, #tpu.memory_space<hbm>> -> memref<2200000x32xf32, #tpu.memory_space<hbm>>
    tpu.wait_indirect_dma semaphore(%arg12 : memref<!tpu.dma_semaphore, #tpu.memory_space<semaphore_mem>>) src(%dma_wait3A_2300 : memref<2200000x32xf32, #tpu.memory_space<hbm>>) dst(%dma_wait3A_2294 : memref<512x32xf32, #tpu.memory_space<vmem>>)
    %add3A_2301 = arith.constant 9728 : i32
    %add3A_2302 = arith.addi %mul3A_2, %add3A_2301 : i32
    %dma_start3A_2303 = arith.constant 1 : i32
    %dma_start3A_2304 = arith.constant 0 : i32
    %dma_start3A_2305 = arith.constant 0 : i32
    %dma_start3A_2306 = arith.constant 0 : i32
    %dma_start3A_2307 = tpu.memref_slice %arg7[%dma_start3A_2303, %dma_start3A_2305, %dma_start3A_2306] : memref<2x512x32xf32, #tpu.memory_space<vmem>> -> memref<1x512x32xf32, #tpu.memory_space<vmem>>
    %dma_start3A_2308 = tpu.memref_squeeze %dma_start3A_2307 : memref<1x512x32xf32, #tpu.memory_space<vmem>> -> memref<512x32xf32, #tpu.memory_space<vmem>>
    %dma_start3A_2309 = arith.constant 0 : i32
    %dma_start3A_2310 = tpu.memref_slice %arg5[%add3A_2302, %dma_start3A_2304, %dma_start3A_2309] : memref<360448x2x32xf32, #tpu.memory_space<hbm>> -> memref<512x1x32xf32, #tpu.memory_space<hbm>>
    %dma_start3A_2311 = tpu.memref_squeeze %dma_start3A_2310 : memref<512x1x32xf32, #tpu.memory_space<hbm>> -> memref<512x32xf32, #tpu.memory_space<hbm>>
    %dma_start3A_2312 = arith.constant 0 : i32
    %dma_start3A_2313 = tpu.memref_slice %arg5[%add3A_2302, %dma_start3A_2304, %dma_start3A_2312] : memref<360448x2x32xf32, #tpu.memory_space<hbm>> -> memref<512x1x32xf32, #tpu.memory_space<hbm>>
    %dma_start3A_2314 = tpu.memref_squeeze %dma_start3A_2313 : memref<512x1x32xf32, #tpu.memory_space<hbm>> -> memref<512x32xf32, #tpu.memory_space<hbm>>
    %dma_start3A_2315 = arith.constant 0 : i32
    %dma_start3A_2316 = arith.constant 0 : i32
    %dma_start3A_2317 = tpu.memref_slice %arg7[%dma_start3A_2303, %dma_start3A_2315, %dma_start3A_2316] : memref<2x512x32xf32, #tpu.memory_space<vmem>> -> memref<1x512x32xf32, #tpu.memory_space<vmem>>
    %dma_start3A_2318 = tpu.memref_squeeze %dma_start3A_2317 : memref<1x512x32xf32, #tpu.memory_space<vmem>> -> memref<512x32xf32, #tpu.memory_space<vmem>>
    tpu.enqueue_dma source(%dma_start3A_2318 : memref<512x32xf32, #tpu.memory_space<vmem>>) target(%dma_start3A_2314 : memref<512x32xf32, #tpu.memory_space<hbm>>) target_semaphore(%arg14 : memref<!tpu.dma_semaphore, #tpu.memory_space<semaphore_mem>>)
    %dma_start3A_2319 = arith.constant 1 : i32
    %dma_start3A_2320 = arith.constant 1 : i32
    %dma_start3A_2321 = arith.constant 0 : i32
    %dma_start3A_2322 = arith.constant 0 : i32
    %dma_start3A_2323 = tpu.memref_slice %arg8[%dma_start3A_2319, %dma_start3A_2321, %dma_start3A_2322] : memref<2x512x32xf32, #tpu.memory_space<vmem>> -> memref<1x512x32xf32, #tpu.memory_space<vmem>>
    %dma_start3A_2324 = tpu.memref_squeeze %dma_start3A_2323 : memref<1x512x32xf32, #tpu.memory_space<vmem>> -> memref<512x32xf32, #tpu.memory_space<vmem>>
    %dma_start3A_2325 = arith.constant 0 : i32
    %dma_start3A_2326 = tpu.memref_slice %arg5[%add3A_2302, %dma_start3A_2320, %dma_start3A_2325] : memref<360448x2x32xf32, #tpu.memory_space<hbm>> -> memref<512x1x32xf32, #tpu.memory_space<hbm>>
    %dma_start3A_2327 = tpu.memref_squeeze %dma_start3A_2326 : memref<512x1x32xf32, #tpu.memory_space<hbm>> -> memref<512x32xf32, #tpu.memory_space<hbm>>
    %dma_start3A_2328 = arith.constant 0 : i32
    %dma_start3A_2329 = tpu.memref_slice %arg5[%add3A_2302, %dma_start3A_2320, %dma_start3A_2328] : memref<360448x2x32xf32, #tpu.memory_space<hbm>> -> memref<512x1x32xf32, #tpu.memory_space<hbm>>
    %dma_start3A_2330 = tpu.memref_squeeze %dma_start3A_2329 : memref<512x1x32xf32, #tpu.memory_space<hbm>> -> memref<512x32xf32, #tpu.memory_space<hbm>>
    %dma_start3A_2331 = arith.constant 0 : i32
    %dma_start3A_2332 = arith.constant 0 : i32
    %dma_start3A_2333 = tpu.memref_slice %arg8[%dma_start3A_2319, %dma_start3A_2331, %dma_start3A_2332] : memref<2x512x32xf32, #tpu.memory_space<vmem>> -> memref<1x512x32xf32, #tpu.memory_space<vmem>>
    %dma_start3A_2334 = tpu.memref_squeeze %dma_start3A_2333 : memref<1x512x32xf32, #tpu.memory_space<vmem>> -> memref<512x32xf32, #tpu.memory_space<vmem>>
    tpu.enqueue_dma source(%dma_start3A_2334 : memref<512x32xf32, #tpu.memory_space<vmem>>) target(%dma_start3A_2330 : memref<512x32xf32, #tpu.memory_space<hbm>>) target_semaphore(%arg14 : memref<!tpu.dma_semaphore, #tpu.memory_space<semaphore_mem>>)
    %dma_wait3A_2335 = arith.constant 1 : i32
    %dma_wait3A_2336 = arith.constant 0 : i32
    %dma_wait3A_2337 = arith.constant 0 : i32
    %dma_wait3A_2338 = arith.constant 0 : i32
    %dma_wait3A_2339 = tpu.memref_slice %arg7[%dma_wait3A_2335, %dma_wait3A_2337, %dma_wait3A_2338] : memref<2x512x32xf32, #tpu.memory_space<vmem>> -> memref<1x512x32xf32, #tpu.memory_space<vmem>>
    %dma_wait3A_2340 = tpu.memref_squeeze %dma_wait3A_2339 : memref<1x512x32xf32, #tpu.memory_space<vmem>> -> memref<512x32xf32, #tpu.memory_space<vmem>>
    %dma_wait3A_2341 = arith.constant 0 : i32
    %dma_wait3A_2342 = tpu.memref_slice %arg5[%add3A_2302, %dma_wait3A_2336, %dma_wait3A_2341] : memref<360448x2x32xf32, #tpu.memory_space<hbm>> -> memref<512x1x32xf32, #tpu.memory_space<hbm>>
    %dma_wait3A_2343 = tpu.memref_squeeze %dma_wait3A_2342 : memref<512x1x32xf32, #tpu.memory_space<hbm>> -> memref<512x32xf32, #tpu.memory_space<hbm>>
    %dma_wait3A_2344 = arith.constant 0 : i32
    %dma_wait3A_2345 = tpu.memref_slice %arg5[%add3A_2302, %dma_wait3A_2336, %dma_wait3A_2344] : memref<360448x2x32xf32, #tpu.memory_space<hbm>> -> memref<512x1x32xf32, #tpu.memory_space<hbm>>
    %dma_wait3A_2346 = tpu.memref_squeeze %dma_wait3A_2345 : memref<512x1x32xf32, #tpu.memory_space<hbm>> -> memref<512x32xf32, #tpu.memory_space<hbm>>
    %dma_wait3A_2347 = arith.constant 0 : i32
    %dma_wait3A_2348 = arith.constant 0 : i32
    %dma_wait3A_2349 = tpu.memref_slice %arg7[%dma_wait3A_2335, %dma_wait3A_2347, %dma_wait3A_2348] : memref<2x512x32xf32, #tpu.memory_space<vmem>> -> memref<1x512x32xf32, #tpu.memory_space<vmem>>
    %dma_wait3A_2350 = tpu.memref_squeeze %dma_wait3A_2349 : memref<1x512x32xf32, #tpu.memory_space<vmem>> -> memref<512x32xf32, #tpu.memory_space<vmem>>
    tpu.wait_dma2 semaphore(%arg14 : memref<!tpu.dma_semaphore, #tpu.memory_space<semaphore_mem>>) src(%dma_wait3A_2350 : memref<512x32xf32, #tpu.memory_space<vmem>>) dst(%dma_wait3A_2346 : memref<512x32xf32, #tpu.memory_space<hbm>>)
    %dma_wait3A_2351 = arith.constant 1 : i32
    %dma_wait3A_2352 = arith.constant 1 : i32
    %dma_wait3A_2353 = arith.constant 0 : i32
    %dma_wait3A_2354 = arith.constant 0 : i32
    %dma_wait3A_2355 = tpu.memref_slice %arg8[%dma_wait3A_2351, %dma_wait3A_2353, %dma_wait3A_2354] : memref<2x512x32xf32, #tpu.memory_space<vmem>> -> memref<1x512x32xf32, #tpu.memory_space<vmem>>
    %dma_wait3A_2356 = tpu.memref_squeeze %dma_wait3A_2355 : memref<1x512x32xf32, #tpu.memory_space<vmem>> -> memref<512x32xf32, #tpu.memory_space<vmem>>
    %dma_wait3A_2357 = arith.constant 0 : i32
    %dma_wait3A_2358 = tpu.memref_slice %arg5[%add3A_2302, %dma_wait3A_2352, %dma_wait3A_2357] : memref<360448x2x32xf32, #tpu.memory_space<hbm>> -> memref<512x1x32xf32, #tpu.memory_space<hbm>>
    %dma_wait3A_2359 = tpu.memref_squeeze %dma_wait3A_2358 : memref<512x1x32xf32, #tpu.memory_space<hbm>> -> memref<512x32xf32, #tpu.memory_space<hbm>>
    %dma_wait3A_2360 = arith.constant 0 : i32
    %dma_wait3A_2361 = tpu.memref_slice %arg5[%add3A_2302, %dma_wait3A_2352, %dma_wait3A_2360] : memref<360448x2x32xf32, #tpu.memory_space<hbm>> -> memref<512x1x32xf32, #tpu.memory_space<hbm>>
    %dma_wait3A_2362 = tpu.memref_squeeze %dma_wait3A_2361 : memref<512x1x32xf32, #tpu.memory_space<hbm>> -> memref<512x32xf32, #tpu.memory_space<hbm>>
    %dma_wait3A_2363 = arith.constant 0 : i32
    %dma_wait3A_2364 = arith.constant 0 : i32
    %dma_wait3A_2365 = tpu.memref_slice %arg8[%dma_wait3A_2351, %dma_wait3A_2363, %dma_wait3A_2364] : memref<2x512x32xf32, #tpu.memory_space<vmem>> -> memref<1x512x32xf32, #tpu.memory_space<vmem>>
    %dma_wait3A_2366 = tpu.memref_squeeze %dma_wait3A_2365 : memref<1x512x32xf32, #tpu.memory_space<vmem>> -> memref<512x32xf32, #tpu.memory_space<vmem>>
    tpu.wait_dma2 semaphore(%arg14 : memref<!tpu.dma_semaphore, #tpu.memory_space<semaphore_mem>>) src(%dma_wait3A_2366 : memref<512x32xf32, #tpu.memory_space<vmem>>) dst(%dma_wait3A_2362 : memref<512x32xf32, #tpu.memory_space<hbm>>)
    %add3A_2367 = arith.constant 10752 : i32
    %add3A_2368 = arith.addi %mul3A_2, %add3A_2367 : i32
    %run_scoped3A_2369 = arith.constant 1 : i32
    "tpu.region"() ({
      %run_scoped3A_2574 = tpu.sem_alloc : memref<!tpu.dma_semaphore, #tpu.memory_space<semaphore_mem>>
      %dma_start3A_2575 = arith.constant 0 : i32
      %dma_start3A_2576 = tpu.memref_slice %arg6[%run_scoped3A_2369, %dma_start3A_2575] : memref<2x512xi32, #tpu.memory_space<vmem>> -> memref<1x512xi32, #tpu.memory_space<vmem>>
      %dma_start3A_2577 = tpu.memref_squeeze %dma_start3A_2576 : memref<1x512xi32, #tpu.memory_space<vmem>> -> memref<512xi32, #tpu.memory_space<vmem>>
      %dma_start3A_2578 = tpu.memref_slice %arg2[%add3A_2368] : memref<360448xi32, #tpu.memory_space<hbm>> -> memref<512xi32, #tpu.memory_space<hbm>>
      %dma_start3A_2579 = arith.constant 0 : i32
      %dma_start3A_2580 = tpu.memref_slice %arg6[%run_scoped3A_2369, %dma_start3A_2579] : memref<2x512xi32, #tpu.memory_space<vmem>> -> memref<1x512xi32, #tpu.memory_space<vmem>>
      %dma_start3A_2581 = tpu.memref_squeeze %dma_start3A_2580 : memref<1x512xi32, #tpu.memory_space<vmem>> -> memref<512xi32, #tpu.memory_space<vmem>>
      %dma_start3A_2582 = tpu.memref_slice %arg2[%add3A_2368] : memref<360448xi32, #tpu.memory_space<hbm>> -> memref<512xi32, #tpu.memory_space<hbm>>
      tpu.enqueue_dma source(%dma_start3A_2582 : memref<512xi32, #tpu.memory_space<hbm>>) target(%dma_start3A_2581 : memref<512xi32, #tpu.memory_space<vmem>>) target_semaphore(%run_scoped3A_2574 : memref<!tpu.dma_semaphore, #tpu.memory_space<semaphore_mem>>)
      %dma_wait3A_2583 = arith.constant 0 : i32
      %dma_wait3A_2584 = tpu.memref_slice %arg6[%run_scoped3A_2369, %dma_wait3A_2583] : memref<2x512xi32, #tpu.memory_space<vmem>> -> memref<1x512xi32, #tpu.memory_space<vmem>>
      %dma_wait3A_2585 = tpu.memref_squeeze %dma_wait3A_2584 : memref<1x512xi32, #tpu.memory_space<vmem>> -> memref<512xi32, #tpu.memory_space<vmem>>
      %dma_wait3A_2586 = tpu.memref_slice %arg2[%add3A_2368] : memref<360448xi32, #tpu.memory_space<hbm>> -> memref<512xi32, #tpu.memory_space<hbm>>
      %dma_wait3A_2587 = arith.constant 0 : i32
      %dma_wait3A_2588 = tpu.memref_slice %arg6[%run_scoped3A_2369, %dma_wait3A_2587] : memref<2x512xi32, #tpu.memory_space<vmem>> -> memref<1x512xi32, #tpu.memory_space<vmem>>
      %dma_wait3A_2589 = tpu.memref_squeeze %dma_wait3A_2588 : memref<1x512xi32, #tpu.memory_space<vmem>> -> memref<512xi32, #tpu.memory_space<vmem>>
      %dma_wait3A_2590 = tpu.memref_slice %arg2[%add3A_2368] : memref<360448xi32, #tpu.memory_space<hbm>> -> memref<512xi32, #tpu.memory_space<hbm>>
      tpu.wait_dma2 semaphore(%run_scoped3A_2574 : memref<!tpu.dma_semaphore, #tpu.memory_space<semaphore_mem>>) src(%dma_wait3A_2590 : memref<512xi32, #tpu.memory_space<hbm>>) dst(%dma_wait3A_2589 : memref<512xi32, #tpu.memory_space<vmem>>)
      tpu.yield
    }) : () -> ()
    %dma_start3A_2370 = arith.constant 1 : i32
    %dma_start3A_2371 = arith.constant 1 : i32
    %dma_start3A_2372 = arith.constant 0 : i32
    %dma_start3A_2373 = arith.constant 0 : i32
    %dma_start3A_2374 = tpu.memref_slice %arg7[%dma_start3A_2371, %dma_start3A_2372, %dma_start3A_2373] : memref<2x512x32xf32, #tpu.memory_space<vmem>> -> memref<1x512x32xf32, #tpu.memory_space<vmem>>
    %dma_start3A_2375 = tpu.memref_squeeze %dma_start3A_2374 : memref<1x512x32xf32, #tpu.memory_space<vmem>> -> memref<512x32xf32, #tpu.memory_space<vmem>>
    %dma_start3A_2376 = arith.constant 0 : i32
    %dma_start3A_2377 = tpu.memref_slice %arg6[%dma_start3A_2370, %dma_start3A_2376] : memref<2x512xi32, #tpu.memory_space<vmem>> -> memref<1x512xi32, #tpu.memory_space<vmem>>
    %dma_start3A_2378 = tpu.memref_squeeze %dma_start3A_2377 : memref<1x512xi32, #tpu.memory_space<vmem>> -> memref<512xi32, #tpu.memory_space<vmem>>
    %dma_start3A_2379 = arith.constant 0 : i32
    %dma_start3A_2380 = arith.constant 0 : i32
    %dma_start3A_2381 = tpu.memref_slice %arg3[%dma_start3A_2379, %dma_start3A_2380] : memref<2200000x32xf32, #tpu.memory_space<hbm>> -> memref<2200000x32xf32, #tpu.memory_space<hbm>>
    tpu.enqueue_indirect_dma source(%dma_start3A_2381 : memref<2200000x32xf32, #tpu.memory_space<hbm>>) target(%dma_start3A_2375 : memref<512x32xf32, #tpu.memory_space<vmem>>) offsets(%dma_start3A_2378 : memref<512xi32, #tpu.memory_space<vmem>>) semaphore(%arg10 : memref<!tpu.dma_semaphore, #tpu.memory_space<semaphore_mem>>)
    %dma_start3A_2382 = arith.constant 1 : i32
    %dma_start3A_2383 = arith.constant 1 : i32
    %dma_start3A_2384 = arith.constant 0 : i32
    %dma_start3A_2385 = arith.constant 0 : i32
    %dma_start3A_2386 = tpu.memref_slice %arg8[%dma_start3A_2383, %dma_start3A_2384, %dma_start3A_2385] : memref<2x512x32xf32, #tpu.memory_space<vmem>> -> memref<1x512x32xf32, #tpu.memory_space<vmem>>
    %dma_start3A_2387 = tpu.memref_squeeze %dma_start3A_2386 : memref<1x512x32xf32, #tpu.memory_space<vmem>> -> memref<512x32xf32, #tpu.memory_space<vmem>>
    %dma_start3A_2388 = arith.constant 0 : i32
    %dma_start3A_2389 = tpu.memref_slice %arg6[%dma_start3A_2382, %dma_start3A_2388] : memref<2x512xi32, #tpu.memory_space<vmem>> -> memref<1x512xi32, #tpu.memory_space<vmem>>
    %dma_start3A_2390 = tpu.memref_squeeze %dma_start3A_2389 : memref<1x512xi32, #tpu.memory_space<vmem>> -> memref<512xi32, #tpu.memory_space<vmem>>
    %dma_start3A_2391 = arith.constant 0 : i32
    %dma_start3A_2392 = arith.constant 0 : i32
    %dma_start3A_2393 = tpu.memref_slice %arg4[%dma_start3A_2391, %dma_start3A_2392] : memref<2200000x32xf32, #tpu.memory_space<hbm>> -> memref<2200000x32xf32, #tpu.memory_space<hbm>>
    tpu.enqueue_indirect_dma source(%dma_start3A_2393 : memref<2200000x32xf32, #tpu.memory_space<hbm>>) target(%dma_start3A_2387 : memref<512x32xf32, #tpu.memory_space<vmem>>) offsets(%dma_start3A_2390 : memref<512xi32, #tpu.memory_space<vmem>>) semaphore(%arg12 : memref<!tpu.dma_semaphore, #tpu.memory_space<semaphore_mem>>)
    %dma_wait3A_2394 = arith.constant 0 : i32
    %dma_wait3A_2395 = arith.constant 0 : i32
    %dma_wait3A_2396 = arith.constant 0 : i32
    %dma_wait3A_2397 = arith.constant 0 : i32
    %dma_wait3A_2398 = tpu.memref_slice %arg7[%dma_wait3A_2395, %dma_wait3A_2396, %dma_wait3A_2397] : memref<2x512x32xf32, #tpu.memory_space<vmem>> -> memref<1x512x32xf32, #tpu.memory_space<vmem>>
    %dma_wait3A_2399 = tpu.memref_squeeze %dma_wait3A_2398 : memref<1x512x32xf32, #tpu.memory_space<vmem>> -> memref<512x32xf32, #tpu.memory_space<vmem>>
    %dma_wait3A_2400 = arith.constant 0 : i32
    %dma_wait3A_2401 = tpu.memref_slice %arg6[%dma_wait3A_2394, %dma_wait3A_2400] : memref<2x512xi32, #tpu.memory_space<vmem>> -> memref<1x512xi32, #tpu.memory_space<vmem>>
    %dma_wait3A_2402 = tpu.memref_squeeze %dma_wait3A_2401 : memref<1x512xi32, #tpu.memory_space<vmem>> -> memref<512xi32, #tpu.memory_space<vmem>>
    %dma_wait3A_2403 = arith.constant 0 : i32
    %dma_wait3A_2404 = arith.constant 0 : i32
    %dma_wait3A_2405 = tpu.memref_slice %arg3[%dma_wait3A_2403, %dma_wait3A_2404] : memref<2200000x32xf32, #tpu.memory_space<hbm>> -> memref<2200000x32xf32, #tpu.memory_space<hbm>>
    tpu.wait_indirect_dma semaphore(%arg9 : memref<!tpu.dma_semaphore, #tpu.memory_space<semaphore_mem>>) src(%dma_wait3A_2405 : memref<2200000x32xf32, #tpu.memory_space<hbm>>) dst(%dma_wait3A_2399 : memref<512x32xf32, #tpu.memory_space<vmem>>)
    %dma_wait3A_2406 = arith.constant 0 : i32
    %dma_wait3A_2407 = arith.constant 0 : i32
    %dma_wait3A_2408 = arith.constant 0 : i32
    %dma_wait3A_2409 = arith.constant 0 : i32
    %dma_wait3A_2410 = tpu.memref_slice %arg8[%dma_wait3A_2407, %dma_wait3A_2408, %dma_wait3A_2409] : memref<2x512x32xf32, #tpu.memory_space<vmem>> -> memref<1x512x32xf32, #tpu.memory_space<vmem>>
    %dma_wait3A_2411 = tpu.memref_squeeze %dma_wait3A_2410 : memref<1x512x32xf32, #tpu.memory_space<vmem>> -> memref<512x32xf32, #tpu.memory_space<vmem>>
    %dma_wait3A_2412 = arith.constant 0 : i32
    %dma_wait3A_2413 = tpu.memref_slice %arg6[%dma_wait3A_2406, %dma_wait3A_2412] : memref<2x512xi32, #tpu.memory_space<vmem>> -> memref<1x512xi32, #tpu.memory_space<vmem>>
    %dma_wait3A_2414 = tpu.memref_squeeze %dma_wait3A_2413 : memref<1x512xi32, #tpu.memory_space<vmem>> -> memref<512xi32, #tpu.memory_space<vmem>>
    %dma_wait3A_2415 = arith.constant 0 : i32
    %dma_wait3A_2416 = arith.constant 0 : i32
    %dma_wait3A_2417 = tpu.memref_slice %arg4[%dma_wait3A_2415, %dma_wait3A_2416] : memref<2200000x32xf32, #tpu.memory_space<hbm>> -> memref<2200000x32xf32, #tpu.memory_space<hbm>>
    tpu.wait_indirect_dma semaphore(%arg11 : memref<!tpu.dma_semaphore, #tpu.memory_space<semaphore_mem>>) src(%dma_wait3A_2417 : memref<2200000x32xf32, #tpu.memory_space<hbm>>) dst(%dma_wait3A_2411 : memref<512x32xf32, #tpu.memory_space<vmem>>)
    %add3A_2418 = arith.constant 10240 : i32
    %add3A_2419 = arith.addi %mul3A_2, %add3A_2418 : i32
    %dma_start3A_2420 = arith.constant 0 : i32
    %dma_start3A_2421 = arith.constant 0 : i32
    %dma_start3A_2422 = arith.constant 0 : i32
    %dma_start3A_2423 = arith.constant 0 : i32
    %dma_start3A_2424 = tpu.memref_slice %arg7[%dma_start3A_2420, %dma_start3A_2422, %dma_start3A_2423] : memref<2x512x32xf32, #tpu.memory_space<vmem>> -> memref<1x512x32xf32, #tpu.memory_space<vmem>>
    %dma_start3A_2425 = tpu.memref_squeeze %dma_start3A_2424 : memref<1x512x32xf32, #tpu.memory_space<vmem>> -> memref<512x32xf32, #tpu.memory_space<vmem>>
    %dma_start3A_2426 = arith.constant 0 : i32
    %dma_start3A_2427 = tpu.memref_slice %arg5[%add3A_2419, %dma_start3A_2421, %dma_start3A_2426] : memref<360448x2x32xf32, #tpu.memory_space<hbm>> -> memref<512x1x32xf32, #tpu.memory_space<hbm>>
    %dma_start3A_2428 = tpu.memref_squeeze %dma_start3A_2427 : memref<512x1x32xf32, #tpu.memory_space<hbm>> -> memref<512x32xf32, #tpu.memory_space<hbm>>
    %dma_start3A_2429 = arith.constant 0 : i32
    %dma_start3A_2430 = tpu.memref_slice %arg5[%add3A_2419, %dma_start3A_2421, %dma_start3A_2429] : memref<360448x2x32xf32, #tpu.memory_space<hbm>> -> memref<512x1x32xf32, #tpu.memory_space<hbm>>
    %dma_start3A_2431 = tpu.memref_squeeze %dma_start3A_2430 : memref<512x1x32xf32, #tpu.memory_space<hbm>> -> memref<512x32xf32, #tpu.memory_space<hbm>>
    %dma_start3A_2432 = arith.constant 0 : i32
    %dma_start3A_2433 = arith.constant 0 : i32
    %dma_start3A_2434 = tpu.memref_slice %arg7[%dma_start3A_2420, %dma_start3A_2432, %dma_start3A_2433] : memref<2x512x32xf32, #tpu.memory_space<vmem>> -> memref<1x512x32xf32, #tpu.memory_space<vmem>>
    %dma_start3A_2435 = tpu.memref_squeeze %dma_start3A_2434 : memref<1x512x32xf32, #tpu.memory_space<vmem>> -> memref<512x32xf32, #tpu.memory_space<vmem>>
    tpu.enqueue_dma source(%dma_start3A_2435 : memref<512x32xf32, #tpu.memory_space<vmem>>) target(%dma_start3A_2431 : memref<512x32xf32, #tpu.memory_space<hbm>>) target_semaphore(%arg13 : memref<!tpu.dma_semaphore, #tpu.memory_space<semaphore_mem>>)
    %dma_start3A_2436 = arith.constant 0 : i32
    %dma_start3A_2437 = arith.constant 1 : i32
    %dma_start3A_2438 = arith.constant 0 : i32
    %dma_start3A_2439 = arith.constant 0 : i32
    %dma_start3A_2440 = tpu.memref_slice %arg8[%dma_start3A_2436, %dma_start3A_2438, %dma_start3A_2439] : memref<2x512x32xf32, #tpu.memory_space<vmem>> -> memref<1x512x32xf32, #tpu.memory_space<vmem>>
    %dma_start3A_2441 = tpu.memref_squeeze %dma_start3A_2440 : memref<1x512x32xf32, #tpu.memory_space<vmem>> -> memref<512x32xf32, #tpu.memory_space<vmem>>
    %dma_start3A_2442 = arith.constant 0 : i32
    %dma_start3A_2443 = tpu.memref_slice %arg5[%add3A_2419, %dma_start3A_2437, %dma_start3A_2442] : memref<360448x2x32xf32, #tpu.memory_space<hbm>> -> memref<512x1x32xf32, #tpu.memory_space<hbm>>
    %dma_start3A_2444 = tpu.memref_squeeze %dma_start3A_2443 : memref<512x1x32xf32, #tpu.memory_space<hbm>> -> memref<512x32xf32, #tpu.memory_space<hbm>>
    %dma_start3A_2445 = arith.constant 0 : i32
    %dma_start3A_2446 = tpu.memref_slice %arg5[%add3A_2419, %dma_start3A_2437, %dma_start3A_2445] : memref<360448x2x32xf32, #tpu.memory_space<hbm>> -> memref<512x1x32xf32, #tpu.memory_space<hbm>>
    %dma_start3A_2447 = tpu.memref_squeeze %dma_start3A_2446 : memref<512x1x32xf32, #tpu.memory_space<hbm>> -> memref<512x32xf32, #tpu.memory_space<hbm>>
    %dma_start3A_2448 = arith.constant 0 : i32
    %dma_start3A_2449 = arith.constant 0 : i32
    %dma_start3A_2450 = tpu.memref_slice %arg8[%dma_start3A_2436, %dma_start3A_2448, %dma_start3A_2449] : memref<2x512x32xf32, #tpu.memory_space<vmem>> -> memref<1x512x32xf32, #tpu.memory_space<vmem>>
    %dma_start3A_2451 = tpu.memref_squeeze %dma_start3A_2450 : memref<1x512x32xf32, #tpu.memory_space<vmem>> -> memref<512x32xf32, #tpu.memory_space<vmem>>
    tpu.enqueue_dma source(%dma_start3A_2451 : memref<512x32xf32, #tpu.memory_space<vmem>>) target(%dma_start3A_2447 : memref<512x32xf32, #tpu.memory_space<hbm>>) target_semaphore(%arg13 : memref<!tpu.dma_semaphore, #tpu.memory_space<semaphore_mem>>)
    %dma_wait3A_2452 = arith.constant 1 : i32
    %dma_wait3A_2453 = arith.constant 1 : i32
    %dma_wait3A_2454 = arith.constant 0 : i32
    %dma_wait3A_2455 = arith.constant 0 : i32
    %dma_wait3A_2456 = tpu.memref_slice %arg7[%dma_wait3A_2453, %dma_wait3A_2454, %dma_wait3A_2455] : memref<2x512x32xf32, #tpu.memory_space<vmem>> -> memref<1x512x32xf32, #tpu.memory_space<vmem>>
    %dma_wait3A_2457 = tpu.memref_squeeze %dma_wait3A_2456 : memref<1x512x32xf32, #tpu.memory_space<vmem>> -> memref<512x32xf32, #tpu.memory_space<vmem>>
    %dma_wait3A_2458 = arith.constant 0 : i32
    %dma_wait3A_2459 = tpu.memref_slice %arg6[%dma_wait3A_2452, %dma_wait3A_2458] : memref<2x512xi32, #tpu.memory_space<vmem>> -> memref<1x512xi32, #tpu.memory_space<vmem>>
    %dma_wait3A_2460 = tpu.memref_squeeze %dma_wait3A_2459 : memref<1x512xi32, #tpu.memory_space<vmem>> -> memref<512xi32, #tpu.memory_space<vmem>>
    %dma_wait3A_2461 = arith.constant 0 : i32
    %dma_wait3A_2462 = arith.constant 0 : i32
    %dma_wait3A_2463 = tpu.memref_slice %arg3[%dma_wait3A_2461, %dma_wait3A_2462] : memref<2200000x32xf32, #tpu.memory_space<hbm>> -> memref<2200000x32xf32, #tpu.memory_space<hbm>>
    tpu.wait_indirect_dma semaphore(%arg10 : memref<!tpu.dma_semaphore, #tpu.memory_space<semaphore_mem>>) src(%dma_wait3A_2463 : memref<2200000x32xf32, #tpu.memory_space<hbm>>) dst(%dma_wait3A_2457 : memref<512x32xf32, #tpu.memory_space<vmem>>)
    %dma_wait3A_2464 = arith.constant 1 : i32
    %dma_wait3A_2465 = arith.constant 1 : i32
    %dma_wait3A_2466 = arith.constant 0 : i32
    %dma_wait3A_2467 = arith.constant 0 : i32
    %dma_wait3A_2468 = tpu.memref_slice %arg8[%dma_wait3A_2465, %dma_wait3A_2466, %dma_wait3A_2467] : memref<2x512x32xf32, #tpu.memory_space<vmem>> -> memref<1x512x32xf32, #tpu.memory_space<vmem>>
    %dma_wait3A_2469 = tpu.memref_squeeze %dma_wait3A_2468 : memref<1x512x32xf32, #tpu.memory_space<vmem>> -> memref<512x32xf32, #tpu.memory_space<vmem>>
    %dma_wait3A_2470 = arith.constant 0 : i32
    %dma_wait3A_2471 = tpu.memref_slice %arg6[%dma_wait3A_2464, %dma_wait3A_2470] : memref<2x512xi32, #tpu.memory_space<vmem>> -> memref<1x512xi32, #tpu.memory_space<vmem>>
    %dma_wait3A_2472 = tpu.memref_squeeze %dma_wait3A_2471 : memref<1x512xi32, #tpu.memory_space<vmem>> -> memref<512xi32, #tpu.memory_space<vmem>>
    %dma_wait3A_2473 = arith.constant 0 : i32
    %dma_wait3A_2474 = arith.constant 0 : i32
    %dma_wait3A_2475 = tpu.memref_slice %arg4[%dma_wait3A_2473, %dma_wait3A_2474] : memref<2200000x32xf32, #tpu.memory_space<hbm>> -> memref<2200000x32xf32, #tpu.memory_space<hbm>>
    tpu.wait_indirect_dma semaphore(%arg12 : memref<!tpu.dma_semaphore, #tpu.memory_space<semaphore_mem>>) src(%dma_wait3A_2475 : memref<2200000x32xf32, #tpu.memory_space<hbm>>) dst(%dma_wait3A_2469 : memref<512x32xf32, #tpu.memory_space<vmem>>)
    %add3A_2476 = arith.constant 10752 : i32
    %add3A_2477 = arith.addi %mul3A_2, %add3A_2476 : i32
    %dma_start3A_2478 = arith.constant 1 : i32
    %dma_start3A_2479 = arith.constant 0 : i32
    %dma_start3A_2480 = arith.constant 0 : i32
    %dma_start3A_2481 = arith.constant 0 : i32
    %dma_start3A_2482 = tpu.memref_slice %arg7[%dma_start3A_2478, %dma_start3A_2480, %dma_start3A_2481] : memref<2x512x32xf32, #tpu.memory_space<vmem>> -> memref<1x512x32xf32, #tpu.memory_space<vmem>>
    %dma_start3A_2483 = tpu.memref_squeeze %dma_start3A_2482 : memref<1x512x32xf32, #tpu.memory_space<vmem>> -> memref<512x32xf32, #tpu.memory_space<vmem>>
    %dma_start3A_2484 = arith.constant 0 : i32
    %dma_start3A_2485 = tpu.memref_slice %arg5[%add3A_2477, %dma_start3A_2479, %dma_start3A_2484] : memref<360448x2x32xf32, #tpu.memory_space<hbm>> -> memref<512x1x32xf32, #tpu.memory_space<hbm>>
    %dma_start3A_2486 = tpu.memref_squeeze %dma_start3A_2485 : memref<512x1x32xf32, #tpu.memory_space<hbm>> -> memref<512x32xf32, #tpu.memory_space<hbm>>
    %dma_start3A_2487 = arith.constant 0 : i32
    %dma_start3A_2488 = tpu.memref_slice %arg5[%add3A_2477, %dma_start3A_2479, %dma_start3A_2487] : memref<360448x2x32xf32, #tpu.memory_space<hbm>> -> memref<512x1x32xf32, #tpu.memory_space<hbm>>
    %dma_start3A_2489 = tpu.memref_squeeze %dma_start3A_2488 : memref<512x1x32xf32, #tpu.memory_space<hbm>> -> memref<512x32xf32, #tpu.memory_space<hbm>>
    %dma_start3A_2490 = arith.constant 0 : i32
    %dma_start3A_2491 = arith.constant 0 : i32
    %dma_start3A_2492 = tpu.memref_slice %arg7[%dma_start3A_2478, %dma_start3A_2490, %dma_start3A_2491] : memref<2x512x32xf32, #tpu.memory_space<vmem>> -> memref<1x512x32xf32, #tpu.memory_space<vmem>>
    %dma_start3A_2493 = tpu.memref_squeeze %dma_start3A_2492 : memref<1x512x32xf32, #tpu.memory_space<vmem>> -> memref<512x32xf32, #tpu.memory_space<vmem>>
    tpu.enqueue_dma source(%dma_start3A_2493 : memref<512x32xf32, #tpu.memory_space<vmem>>) target(%dma_start3A_2489 : memref<512x32xf32, #tpu.memory_space<hbm>>) target_semaphore(%arg14 : memref<!tpu.dma_semaphore, #tpu.memory_space<semaphore_mem>>)
    %dma_start3A_2494 = arith.constant 1 : i32
    %dma_start3A_2495 = arith.constant 1 : i32
    %dma_start3A_2496 = arith.constant 0 : i32
    %dma_start3A_2497 = arith.constant 0 : i32
    %dma_start3A_2498 = tpu.memref_slice %arg8[%dma_start3A_2494, %dma_start3A_2496, %dma_start3A_2497] : memref<2x512x32xf32, #tpu.memory_space<vmem>> -> memref<1x512x32xf32, #tpu.memory_space<vmem>>
    %dma_start3A_2499 = tpu.memref_squeeze %dma_start3A_2498 : memref<1x512x32xf32, #tpu.memory_space<vmem>> -> memref<512x32xf32, #tpu.memory_space<vmem>>
    %dma_start3A_2500 = arith.constant 0 : i32
    %dma_start3A_2501 = tpu.memref_slice %arg5[%add3A_2477, %dma_start3A_2495, %dma_start3A_2500] : memref<360448x2x32xf32, #tpu.memory_space<hbm>> -> memref<512x1x32xf32, #tpu.memory_space<hbm>>
    %dma_start3A_2502 = tpu.memref_squeeze %dma_start3A_2501 : memref<512x1x32xf32, #tpu.memory_space<hbm>> -> memref<512x32xf32, #tpu.memory_space<hbm>>
    %dma_start3A_2503 = arith.constant 0 : i32
    %dma_start3A_2504 = tpu.memref_slice %arg5[%add3A_2477, %dma_start3A_2495, %dma_start3A_2503] : memref<360448x2x32xf32, #tpu.memory_space<hbm>> -> memref<512x1x32xf32, #tpu.memory_space<hbm>>
    %dma_start3A_2505 = tpu.memref_squeeze %dma_start3A_2504 : memref<512x1x32xf32, #tpu.memory_space<hbm>> -> memref<512x32xf32, #tpu.memory_space<hbm>>
    %dma_start3A_2506 = arith.constant 0 : i32
    %dma_start3A_2507 = arith.constant 0 : i32
    %dma_start3A_2508 = tpu.memref_slice %arg8[%dma_start3A_2494, %dma_start3A_2506, %dma_start3A_2507] : memref<2x512x32xf32, #tpu.memory_space<vmem>> -> memref<1x512x32xf32, #tpu.memory_space<vmem>>
    %dma_start3A_2509 = tpu.memref_squeeze %dma_start3A_2508 : memref<1x512x32xf32, #tpu.memory_space<vmem>> -> memref<512x32xf32, #tpu.memory_space<vmem>>
    tpu.enqueue_dma source(%dma_start3A_2509 : memref<512x32xf32, #tpu.memory_space<vmem>>) target(%dma_start3A_2505 : memref<512x32xf32, #tpu.memory_space<hbm>>) target_semaphore(%arg14 : memref<!tpu.dma_semaphore, #tpu.memory_space<semaphore_mem>>)
    %dma_wait3A_2510 = arith.constant 0 : i32
    %dma_wait3A_2511 = arith.constant 0 : i32
    %dma_wait3A_2512 = arith.constant 0 : i32
    %dma_wait3A_2513 = arith.constant 0 : i32
    %dma_wait3A_2514 = tpu.memref_slice %arg7[%dma_wait3A_2510, %dma_wait3A_2512, %dma_wait3A_2513] : memref<2x512x32xf32, #tpu.memory_space<vmem>> -> memref<1x512x32xf32, #tpu.memory_space<vmem>>
    %dma_wait3A_2515 = tpu.memref_squeeze %dma_wait3A_2514 : memref<1x512x32xf32, #tpu.memory_space<vmem>> -> memref<512x32xf32, #tpu.memory_space<vmem>>
    %dma_wait3A_2516 = arith.constant 0 : i32
    %dma_wait3A_2517 = tpu.memref_slice %arg5[%add3A_2419, %dma_wait3A_2511, %dma_wait3A_2516] : memref<360448x2x32xf32, #tpu.memory_space<hbm>> -> memref<512x1x32xf32, #tpu.memory_space<hbm>>
    %dma_wait3A_2518 = tpu.memref_squeeze %dma_wait3A_2517 : memref<512x1x32xf32, #tpu.memory_space<hbm>> -> memref<512x32xf32, #tpu.memory_space<hbm>>
    %dma_wait3A_2519 = arith.constant 0 : i32
    %dma_wait3A_2520 = tpu.memref_slice %arg5[%add3A_2419, %dma_wait3A_2511, %dma_wait3A_2519] : memref<360448x2x32xf32, #tpu.memory_space<hbm>> -> memref<512x1x32xf32, #tpu.memory_space<hbm>>
    %dma_wait3A_2521 = tpu.memref_squeeze %dma_wait3A_2520 : memref<512x1x32xf32, #tpu.memory_space<hbm>> -> memref<512x32xf32, #tpu.memory_space<hbm>>
    %dma_wait3A_2522 = arith.constant 0 : i32
    %dma_wait3A_2523 = arith.constant 0 : i32
    %dma_wait3A_2524 = tpu.memref_slice %arg7[%dma_wait3A_2510, %dma_wait3A_2522, %dma_wait3A_2523] : memref<2x512x32xf32, #tpu.memory_space<vmem>> -> memref<1x512x32xf32, #tpu.memory_space<vmem>>
    %dma_wait3A_2525 = tpu.memref_squeeze %dma_wait3A_2524 : memref<1x512x32xf32, #tpu.memory_space<vmem>> -> memref<512x32xf32, #tpu.memory_space<vmem>>
    tpu.wait_dma2 semaphore(%arg13 : memref<!tpu.dma_semaphore, #tpu.memory_space<semaphore_mem>>) src(%dma_wait3A_2525 : memref<512x32xf32, #tpu.memory_space<vmem>>) dst(%dma_wait3A_2521 : memref<512x32xf32, #tpu.memory_space<hbm>>)
    %dma_wait3A_2526 = arith.constant 0 : i32
    %dma_wait3A_2527 = arith.constant 1 : i32
    %dma_wait3A_2528 = arith.constant 0 : i32
    %dma_wait3A_2529 = arith.constant 0 : i32
    %dma_wait3A_2530 = tpu.memref_slice %arg8[%dma_wait3A_2526, %dma_wait3A_2528, %dma_wait3A_2529] : memref<2x512x32xf32, #tpu.memory_space<vmem>> -> memref<1x512x32xf32, #tpu.memory_space<vmem>>
    %dma_wait3A_2531 = tpu.memref_squeeze %dma_wait3A_2530 : memref<1x512x32xf32, #tpu.memory_space<vmem>> -> memref<512x32xf32, #tpu.memory_space<vmem>>
    %dma_wait3A_2532 = arith.constant 0 : i32
    %dma_wait3A_2533 = tpu.memref_slice %arg5[%add3A_2419, %dma_wait3A_2527, %dma_wait3A_2532] : memref<360448x2x32xf32, #tpu.memory_space<hbm>> -> memref<512x1x32xf32, #tpu.memory_space<hbm>>
    %dma_wait3A_2534 = tpu.memref_squeeze %dma_wait3A_2533 : memref<512x1x32xf32, #tpu.memory_space<hbm>> -> memref<512x32xf32, #tpu.memory_space<hbm>>
    %dma_wait3A_2535 = arith.constant 0 : i32
    %dma_wait3A_2536 = tpu.memref_slice %arg5[%add3A_2419, %dma_wait3A_2527, %dma_wait3A_2535] : memref<360448x2x32xf32, #tpu.memory_space<hbm>> -> memref<512x1x32xf32, #tpu.memory_space<hbm>>
    %dma_wait3A_2537 = tpu.memref_squeeze %dma_wait3A_2536 : memref<512x1x32xf32, #tpu.memory_space<hbm>> -> memref<512x32xf32, #tpu.memory_space<hbm>>
    %dma_wait3A_2538 = arith.constant 0 : i32
    %dma_wait3A_2539 = arith.constant 0 : i32
    %dma_wait3A_2540 = tpu.memref_slice %arg8[%dma_wait3A_2526, %dma_wait3A_2538, %dma_wait3A_2539] : memref<2x512x32xf32, #tpu.memory_space<vmem>> -> memref<1x512x32xf32, #tpu.memory_space<vmem>>
    %dma_wait3A_2541 = tpu.memref_squeeze %dma_wait3A_2540 : memref<1x512x32xf32, #tpu.memory_space<vmem>> -> memref<512x32xf32, #tpu.memory_space<vmem>>
    tpu.wait_dma2 semaphore(%arg13 : memref<!tpu.dma_semaphore, #tpu.memory_space<semaphore_mem>>) src(%dma_wait3A_2541 : memref<512x32xf32, #tpu.memory_space<vmem>>) dst(%dma_wait3A_2537 : memref<512x32xf32, #tpu.memory_space<hbm>>)
    %dma_wait3A_2542 = arith.constant 1 : i32
    %dma_wait3A_2543 = arith.constant 0 : i32
    %dma_wait3A_2544 = arith.constant 0 : i32
    %dma_wait3A_2545 = arith.constant 0 : i32
    %dma_wait3A_2546 = tpu.memref_slice %arg7[%dma_wait3A_2542, %dma_wait3A_2544, %dma_wait3A_2545] : memref<2x512x32xf32, #tpu.memory_space<vmem>> -> memref<1x512x32xf32, #tpu.memory_space<vmem>>
    %dma_wait3A_2547 = tpu.memref_squeeze %dma_wait3A_2546 : memref<1x512x32xf32, #tpu.memory_space<vmem>> -> memref<512x32xf32, #tpu.memory_space<vmem>>
    %dma_wait3A_2548 = arith.constant 0 : i32
    %dma_wait3A_2549 = tpu.memref_slice %arg5[%add3A_2477, %dma_wait3A_2543, %dma_wait3A_2548] : memref<360448x2x32xf32, #tpu.memory_space<hbm>> -> memref<512x1x32xf32, #tpu.memory_space<hbm>>
    %dma_wait3A_2550 = tpu.memref_squeeze %dma_wait3A_2549 : memref<512x1x32xf32, #tpu.memory_space<hbm>> -> memref<512x32xf32, #tpu.memory_space<hbm>>
    %dma_wait3A_2551 = arith.constant 0 : i32
    %dma_wait3A_2552 = tpu.memref_slice %arg5[%add3A_2477, %dma_wait3A_2543, %dma_wait3A_2551] : memref<360448x2x32xf32, #tpu.memory_space<hbm>> -> memref<512x1x32xf32, #tpu.memory_space<hbm>>
    %dma_wait3A_2553 = tpu.memref_squeeze %dma_wait3A_2552 : memref<512x1x32xf32, #tpu.memory_space<hbm>> -> memref<512x32xf32, #tpu.memory_space<hbm>>
    %dma_wait3A_2554 = arith.constant 0 : i32
    %dma_wait3A_2555 = arith.constant 0 : i32
    %dma_wait3A_2556 = tpu.memref_slice %arg7[%dma_wait3A_2542, %dma_wait3A_2554, %dma_wait3A_2555] : memref<2x512x32xf32, #tpu.memory_space<vmem>> -> memref<1x512x32xf32, #tpu.memory_space<vmem>>
    %dma_wait3A_2557 = tpu.memref_squeeze %dma_wait3A_2556 : memref<1x512x32xf32, #tpu.memory_space<vmem>> -> memref<512x32xf32, #tpu.memory_space<vmem>>
    tpu.wait_dma2 semaphore(%arg14 : memref<!tpu.dma_semaphore, #tpu.memory_space<semaphore_mem>>) src(%dma_wait3A_2557 : memref<512x32xf32, #tpu.memory_space<vmem>>) dst(%dma_wait3A_2553 : memref<512x32xf32, #tpu.memory_space<hbm>>)
    %dma_wait3A_2558 = arith.constant 1 : i32
    %dma_wait3A_2559 = arith.constant 1 : i32
    %dma_wait3A_2560 = arith.constant 0 : i32
    %dma_wait3A_2561 = arith.constant 0 : i32
    %dma_wait3A_2562 = tpu.memref_slice %arg8[%dma_wait3A_2558, %dma_wait3A_2560, %dma_wait3A_2561] : memref<2x512x32xf32, #tpu.memory_space<vmem>> -> memref<1x512x32xf32, #tpu.memory_space<vmem>>
    %dma_wait3A_2563 = tpu.memref_squeeze %dma_wait3A_2562 : memref<1x512x32xf32, #tpu.memory_space<vmem>> -> memref<512x32xf32, #tpu.memory_space<vmem>>
    %dma_wait3A_2564 = arith.constant 0 : i32
    %dma_wait3A_2565 = tpu.memref_slice %arg5[%add3A_2477, %dma_wait3A_2559, %dma_wait3A_2564] : memref<360448x2x32xf32, #tpu.memory_space<hbm>> -> memref<512x1x32xf32, #tpu.memory_space<hbm>>
    %dma_wait3A_2566 = tpu.memref_squeeze %dma_wait3A_2565 : memref<512x1x32xf32, #tpu.memory_space<hbm>> -> memref<512x32xf32, #tpu.memory_space<hbm>>
    %dma_wait3A_2567 = arith.constant 0 : i32
    %dma_wait3A_2568 = tpu.memref_slice %arg5[%add3A_2477, %dma_wait3A_2559, %dma_wait3A_2567] : memref<360448x2x32xf32, #tpu.memory_space<hbm>> -> memref<512x1x32xf32, #tpu.memory_space<hbm>>
    %dma_wait3A_2569 = tpu.memref_squeeze %dma_wait3A_2568 : memref<512x1x32xf32, #tpu.memory_space<hbm>> -> memref<512x32xf32, #tpu.memory_space<hbm>>
    %dma_wait3A_2570 = arith.constant 0 : i32
    %dma_wait3A_2571 = arith.constant 0 : i32
    %dma_wait3A_2572 = tpu.memref_slice %arg8[%dma_wait3A_2558, %dma_wait3A_2570, %dma_wait3A_2571] : memref<2x512x32xf32, #tpu.memory_space<vmem>> -> memref<1x512x32xf32, #tpu.memory_space<vmem>>
    %dma_wait3A_2573 = tpu.memref_squeeze %dma_wait3A_2572 : memref<1x512x32xf32, #tpu.memory_space<vmem>> -> memref<512x32xf32, #tpu.memory_space<vmem>>
    tpu.wait_dma2 semaphore(%arg14 : memref<!tpu.dma_semaphore, #tpu.memory_space<semaphore_mem>>) src(%dma_wait3A_2573 : memref<512x32xf32, #tpu.memory_space<vmem>>) dst(%dma_wait3A_2569 : memref<512x32xf32, #tpu.memory_space<hbm>>)
    return
  }
}

</mosaic_0001>

<sc_bundles>
// kernel: kernel.3.cloned.1.call-start
scs
__scs_entry_jumppad:
0x0: {  	(pc) =	sbr.rel $0x88, $3  }
0x1: {  	(tag) =	ssettag $0x0;
	lr =	simm.s32 $0x1  }
0x2: {  	[smem:$0x3F9E] =	sst lr;
	_ =	strace $0xD0000000  }
0x3: {  	_ = 	snop  }
0x4: {  	_ = 	snop  }
0x5: {  	_ = 	snop  }
0x6: {  	_ = 	snop  }
0x7: {  	_ = 	snop  }
__scs_overlays_trampoline_lowered:
0x8: {  	[smem:$0x3FAD] =	sst s0  }
0x9: {  	[smem:$0x3FAE] =	sst s1  }
0xa: {  	[smem:$0x3FAF] =	sst s2  }
0xb: {  	[smem:$0x3FB0] =	sst s3  }
0xc: {  	[smem:$0x3FB1] =	sst s4  }
0xd: {  	[smem:$0x3FB2] =	sst s5  }
0xe: {  	[smem:$0x3FB3] =	sst s6  }
0xf: {  	[smem:$0x3FB4] =	sst s7  }
0x10: {  	[smem:$0x3FB5] =	sst s8  }
0x11: {  	[smem:$0x3FB6] =	sst s9;
	s0 =	simm.s32 @!p0 $0x0  }
0x12: {  	s1 =	sld [smem:$0x3F9C];
	s0 =	simm.s32 @p0 $0x1  }
0x13: {  	[smem:$0x3FB7] =	sst s0;
	s0 =	simm.s32 @!p1 $0x0  }
0x14: {  	s2 =	sld [smem:$0x3F9B];
	s0 =	simm.s32 @p1 $0x1  }
0x15: {  	[smem:$0x3FB8] =	sst s0;
	s0 =	simm.s32 @!p2 $0x0  }
0x16: {  	s3 =	sld [smem:$0x3FDB];
	s0 =	simm.s32 @p2 $0x1  }
0x17: {  	s4 =	simm.s32 $0x1BF5;
	[smem:$0x3FBA] =	sst s0  }
0x18: {  	s0 =	sld [smem:$0x3F9D];
	_ =	swait.ge [sflag:s4], $0x0  }
0x19: {  	s7 =	sld [smem:$0x3F9E]  }
0x1a: {  	s8 =	sadd.s32 $0xFFFFE003, lr  }
0x1b: {  	s9 =	sadd.s32 $0xFFFFFEF7, lr;
	s5 =	simm.s32 $0xFFFFFFFF;
	p2 =	slt.u32 s8, $0xFFFFF086  }
0x1c: {  	p1 =	slt.u32 s9, $0xF7A;
	s5 =	simm.s32 @!p2 $0x0  }
0x1d: {  	s5 =	simm.s32 @p1 $0x1;
	p0 =	seq.s32 s7, s2  }
0x1e: {  	s7 =	smul.u32 @!p0 $0xF7A, s2;
	p2 =	seq.s32 @!p0 s5, $0x0  }
0x1f: {  	s9 =	smul.u32 $0xF7A, s1;
	s8 =	simm.s32 @!p0 $0x1BF5;
	p2 =	por !p2, p0  }
0x20: {  	[sflag:s8] =	ssyncset.s32 @!p0 $0xFFFFF086;
	s6 =	sadd.s32 @!p0 s3, s7;
	s7 =	simm.s32 @!p0 $0x108  }
0x21: {  	s3 =	sadd.s32 s3, s9;
	s6 =	sadd.s32 @!p0 $0x88, s6;
	s7 =	simm.s32 @p2 $0x1082  }
0x22: {  	[simem:s7], [sflag:s8] =	dma.local @!p0 [hbm:s6], $0xF7A  }
0x23: {  	s9 =	sor.u32 $0xD0000000, s2;
	s6 =	simm.s32 $0x108;
	_ =	swait.ge @!p0 [sflag:s8], $0x0  }
0x24: {  	s3 =	sadd.s32 $0x88, s3;
	s6 =	simm.s32 @!p1 $0x1082;
	[sflag:s4] =	ssyncset.s32 $0xFFFFF086  }
0x25: {  	[simem:s6], [sflag:s4] =	dma.local [hbm:s3], $0xF7A  }
0x26: {  	[smem:$0x3F9E] =	sst s1;
	(tag) =	ssettag s2;
	_ =	strace s9  }
0x27: {  	s1 =	sld [smem:$0x3FAE]  }
0x28: {  	s2 =	sld [smem:$0x3FAF]  }
0x29: {  	s4 =	sld [smem:$0x3FB1]  }
0x2a: {  	p0 =	seq.s32 s5, $0x0;
	s5 =	sld [smem:$0x3FB2]  }
0x2b: {  	s6 =	sld [smem:$0x3FB3]  }
0x2c: {  	s7 =	sld [smem:$0x3FB4]  }
0x2d: {  	s3 =	simm.s32 $0x108;
	s8 =	sld [smem:$0x3FB5]  }
0x2e: {  	s3 =	simm.s32 @!p0 $0x1082;
	s9 =	sld [smem:$0x3FB6]  }
0x2f: {  	lr =	sadd.s32 s0, s3;
	s0 =	sld [smem:$0x3FAD]  }
0x30: {  	s3 =	sld [smem:$0x3FB0]  }
0x31: {  	[smem:$0x3FB9] =	sst s10  }
0x32: {  	s10 =	sld [smem:$0x3FB7];
	_ =	sdelay $0x3  }
0x33: {  	p0 =	seq.s32 s10, $0x1;
	s10 =	sld [smem:$0x3FB9];
	_ =	sdelay $0x3  }
0x34: {  	[smem:$0x3FB9] =	sst s10  }
0x35: {  	s10 =	sld [smem:$0x3FB8];
	_ =	sdelay $0x3  }
0x36: {  	p1 =	seq.s32 s10, $0x1;
	s10 =	sld [smem:$0x3FB9];
	_ =	sdelay $0x3  }
0x37: {  	[smem:$0x3FB9] =	sst s10  }
0x38: {  	s10 =	sld [smem:$0x3FBA]  }
0x39: {  	_ = 	snop;
	(pc) =	sbr.ind lr, $3  }
0x3a: {  	_ = 	snop  }
0x3b: {  	_ = 	snop  }
0x3c: {  	p2 =	seq.s32 s10, $0x1;
	s10 =	sld [smem:$0x3FB9]  }
0x3d: {  	_ =	shalt  }
0x3e: {  	_ =	shalt  }
0x3f: {  	_ =	shalt  }
0x40: {  	_ =	shalt  }
0x41: {  	_ =	shalt  }
0x42: {  	_ =	shalt  }
0x43: {  	_ =	shalt  }
0x44: {  	_ =	shalt  }
0x45: {  	_ =	shalt  }
0x46: {  	_ =	shalt  }
0x47: {  	_ =	shalt  }
0x48: {  	_ =	shalt  }
0x49: {  	_ =	shalt  }
0x4a: {  	_ =	shalt  }
0x4b: {  	_ =	shalt  }
0x4c: {  	_ =	shalt  }
0x4d: {  	_ =	shalt  }
0x4e: {  	_ =	shalt  }
0x4f: {  	_ =	shalt  }
0x50: {  	_ =	shalt  }
0x51: {  	_ =	shalt  }
0x52: {  	_ =	shalt  }
0x53: {  	_ =	shalt  }
0x54: {  	_ =	shalt  }
0x55: {  	_ =	shalt  }
0x56: {  	_ =	shalt  }
0x57: {  	_ =	shalt  }
0x58: {  	_ =	shalt  }
0x59: {  	_ =	shalt  }
0x5a: {  	_ =	shalt  }
0x5b: {  	_ =	shalt  }
0x5c: {  	_ =	shalt  }
0x5d: {  	_ =	shalt  }
0x5e: {  	_ =	shalt  }
0x5f: {  	_ =	shalt  }
0x60: {  	_ =	shalt  }
0x61: {  	_ =	shalt  }
0x62: {  	_ =	shalt  }
0x63: {  	_ =	shalt  }
0x64: {  	_ =	shalt  }
0x65: {  	_ =	shalt  }
0x66: {  	_ =	shalt  }
0x67: {  	_ =	shalt  }
0x68: {  	_ =	shalt  }
0x69: {  	_ =	shalt  }
0x6a: {  	_ =	shalt  }
0x6b: {  	_ =	shalt  }
0x6c: {  	_ =	shalt  }
0x6d: {  	_ =	shalt  }
0x6e: {  	_ =	shalt  }
0x6f: {  	_ =	shalt  }
0x70: {  	_ =	shalt  }
0x71: {  	_ =	shalt  }
0x72: {  	_ =	shalt  }
0x73: {  	_ =	shalt  }
0x74: {  	_ =	shalt  }
0x75: {  	_ =	shalt  }
0x76: {  	_ =	shalt  }
0x77: {  	_ =	shalt  }
0x78: {  	_ =	shalt  }
0x79: {  	_ =	shalt  }
0x7a: {  	_ =	shalt  }
0x7b: {  	_ =	shalt  }
0x7c: {  	_ =	shalt  }
0x7d: {  	_ =	shalt  }
0x7e: {  	_ =	shalt  }
0x7f: {  	_ =	shalt  }
0x80: {  	_ =	shalt  }
0x81: {  	_ =	shalt  }
0x82: {  	_ =	shalt  }
0x83: {  	_ =	shalt  }
0x84: {  	_ =	shalt  }
0x85: {  	_ =	shalt  }
0x86: {  	_ =	shalt  }
0x87: {  	_ =	shalt  }
.Lfunc_end0:
.L_simem_size_0:
called_computation.1_lowered:
.L_overlay_start_0:
0x88: {  	s2 =	sld [smem:$0x3FD9]  }
0x89: {  	s3 =	sld [smem:$0x3FFE];
	_ =	sdelay $0x1  }
0x8a: {  	s1 =	srdreg.scid  }
0x8b: {  	s0 =	sand.u32 $0x1, s1  }
0x8c: {  	s17 =	sshll.u32 s0, $0xA;
	s2 =	sadd.s32 s3, s2  }
0x8d: {  	s2 =	sadd.s32 s2, s17  }
0x8e: {  	[smem:$0x3FC5] =	sst s2  }
0x8f: {  	_ = 	snop  }
0x90: {  	s2 =	sld [smem:$0x3FD0];
	(tm) =	ssettm $0x1  }
0x91: {  	s18 =	sld [smem:$0x3FFB];
	_ =	sdelay $0x3  }
0x92: {  	_ =	strace s18  }
0x93: {  	s3 =	sld [smem:$0x3FFC];
	_ =	sdelay $0x3  }
0x94: {  	_ =	strace s3  }
0x95: {  	s3 =	sld [smem:$0x3FFD];
	_ =	sdelay $0x3  }
0x96: {  	_ =	strace s3  }
0x97: {  	_ =	strace $0x8FFFFFFF  }
0x98: {  	s19 =	sld [smem:$0x3FDB];
	_ =	sdelay $0x1  }
0x99: {  	s4 =	simm.s32 $_scs_section_size  }
0x9a: {  	s5 =	simm.s32 $_size__tile_overlayer_lowered;
	s6 =	simm.s32 $_tile_overlayer_lowered  }
0x9b: {  	s22 =	simm.s32 $0x1BFF;
	s21 =	sshll.u32 s6, $0x1;
	s3 =	sadd.s32 s4, s19  }
0x9c: {  	s7 =	simm.s32 $0x0;
	s20 =	sshll.u32 s5, $0x1;
	s5 =	sadd.s32 s21, s3  }
0x9d: {  	[timem:s7], [sflag:s22] =	dma.local [hbm:s5], s20  }
0x9e: {  	_ =	swait.ge [sflag:s22], s20  }
0x9f: {  	s4 =	ssub.s32 $0x0, s20;
	[sflag:s22] =	ssyncset.done $0x0  }
0xa0: {  	[sflag:s22] =	ssyncadd.s32 s4;
	_ =	sdelay $0x1  }
0xa1: {  	s23 =	simm.s32 $0x1B8B  }
0xa2: {  	_ =	swait.ge [sflag:s23], $0x1  }
0xa3: {  	[sflag:s23] =	ssyncset.done $0x0  }
0xa4: {  	s25 =	simm.s32 $0x1B8E;
	s24 =	sld [smem:$0x3FFE];
	[sflag:s23] =	ssyncadd.s32 $0xFFFFFFFF  }
0xa5: {  	s26 =	simm.s32 $execute0_lowered;
	[smem:$0x3FD2] =	sst s25  }
0xa6: {  	s5 =	sshll.u32 s26, $0x1;
	_ =	strace $0x80000046;
	[dreg:$0x1] =	wrdreg $0xFFFFFFFF  }
0xa7: {  	s28 =	simm.s32 $_size_execute0_lowered;
	s3 =	sadd.s32 s3, s5;
	[dreg:$0x0] =	wrdreg $0x0  }
0xa8: {  	s5 =	sshll.u32 s28, $0x1;
	[dreg:$0x2] =	wrdreg s3  }
0xa9: {  	[dreg:$0x3] =	wrdreg s5  }
0xaa: {  	[dreg:$0x4] =	wrdreg $0xC0  }
0xab: {  	_ =	task [dreg:s7], $0x5FFFF  }
0xac: {  	[dreg:$0x1] =	wrdreg $0xFFFFFFFF  }
0xad: {  	[dreg:$0x0] =	wrdreg $0x60  }
0xae: {  	[dreg:$0x2] =	wrdreg s24  }
0xaf: {  	[dreg:$0x3] =	wrdreg s2  }
0xb0: {  	[dreg:$0x4] =	wrdreg $0x9  }
0xb1: {  	_ =	task.clear_ibuf [dreg:s7], $0x5FFFF;
	_ =	strace $0x90000046  }
0xb2: {  	s29 =	simm.s32 $0x9;
	_ =	strace $0x80000048  }
0xb3: {  	_ =	swait.ge [sflag:s29], $0x1  }
0xb4: {  	[sflag:s29] =	ssyncadd.s32 $0xFFFFFFFF  }
0xb5: {  	_ =	strace $0x90000048  }
0xb6: {  	_ =	sfence  }
0xb7: {  	s30 =	sld [smem:$0x0];
	_ =	sdelay $0x2  }
0xb8: {  	s31 =	sshll.u32 s1, $0xD;
	s1 =	sshrl.u32 s1, $0x2  }
0xb9: {  	s3 =	sand.u32 $0x4000, s31;
	s1 =	sadd.s32 s1, s30  }
0xba: {  	s0 =	sor.u32 s3, s0;
	s1 =	sshll.u32 s1, $0x11  }
0xbb: {  	s0 =	sor.u32 s1, s0  }
0xbc: {  	s0 =	sadd.s32 $0x8F2B, s0  }
0xbd: {  	[sflag:s0] =	ssyncadd.remote.s32 $0x1  }
0xbe: {  	_ =	sfence.sel $0xFFFF  }
0xbf: {  	[dreg:$0x0] =	wrdreg $0xFFFFFFFF;
	(pc) =	sbr.abs _section_cstart, $3  }
0xc0: {  	[dreg:$0x1] =	wrdreg $0xFFFFFFFF  }
0xc1: {  	_ =	task.clear_ibuf [dreg:s7], $0x2FFFF;
	_ =	strace $0x9FFFFFFF  }
0xc2: {  	(tm) =	ssettm $0x7FFFFFFF  }
0xc3: {  	_ =	shalt  }
tec
execute0_lowered:
.L_overlay_start_1:
0x0: {  	(tag) =	ssettag $0x1  }
0x1: {  	s0 =	rddreg [dreg:$0x0];
	s2 =	srdreg.scid  }
0x2: {  	s3 =	stileid.u32;
	s1 =	rddreg [dreg:$0x1]  }
0x3: {  	p0 =	por $0x0, $0x0;
	s4 =	sand.u32 $0x1, s2;
	s3 =	sshll.u32 s3, $0x1  }
0x4: {  	s2 =	simm.s32 $0x0;
	s5 =	sadd.s32 $0xC00, s0;
	s8 =	sor.u32 s4, s3  }
0x5: {  	[smem:$0x7FF] =	sst s2;
	s3 =	sadd.s32 $0x29F7000, s0;
	s6 =	smul.u32 $0x2C00, s8  }
0x6: {  	s7 =	ssub.s32 $0x2, s4;
	s4 =	sadd.s32 $0x2192800, s0;
	s11 =	smul.u32 $0x16000, s8  }
0x7: {  	_ =	strace $0x80000047;
	s8 =	sshrl.u32 s7, $0x1;
	s9 =	sshrl.u32 s6, $0x3  }
0x8: {  	s10 =	sor.u32 $0x200, s6;
	s19 =	sadd.s32 s1, s11;
	s12 =	sadd.s32 $0x400, s6  }
0x9: {  	s24 =	sadd.s32 $0x600, s6;
	s14 =	sadd.s32 $0x800, s6;
	s17 =	sadd.s32 s5, s9  }
0xa: {  	s18 =	sshrl.u32 s10, $0x3;
	[dreg:$0x5] =	wrdreg s19;
	s21 =	sshrl.u32 s12, $0x3  }
0xb: {  	s10 =	sshll.u32 s10, $0x3;
	[dreg:$0x3] =	wrdreg s17;
	s9 =	sadd.s32 s5, s18  }
0xc: {  	s26 =	sshrl.u32 s24, $0x3;
	s22 =	sadd.s32 s5, s21;
	[dreg:$0x4] =	wrdreg s9  }
0xd: {  	s12 =	sshll.u32 s12, $0x3;
	s23 =	sadd.s32 s1, s10;
	[dreg:$0x7] =	wrdreg s22  }
0xe: {  	s16 =	sshrl.u32 s14, $0x3;
	s13 =	sadd.s32 s1, s12;
	[dreg:$0x8] =	wrdreg s23  }
0xf: {  	s17 =	sadd.s32 s5, s16;
	s18 =	sshll.u32 s24, $0x3;
	[dreg:$0xb] =	wrdreg s13  }
0x10: {  	s9 =	sadd.s32 $0x4, s1;
	[dreg:$0xd] =	wrdreg s17;
	s19 =	sadd.s32 s1, s18  }
0x11: {  	s24 =	sshll.u32 s14, $0x3;
	s20 =	sadd.s32 s11, s9;
	[dreg:$0xe] =	wrdreg s19  }
0x12: {  	s25 =	sadd.s32 s10, s9;
	s10 =	sadd.s32 s5, s26;
	[dreg:$0x6] =	wrdreg s20  }
0x13: {  	s15 =	sadd.s32 s12, s9;
	s21 =	sadd.s32 s18, s9;
	[dreg:$0x9] =	wrdreg s25  }
0x14: {  	s26 =	sadd.s32 $0xC00, s6;
	s13 =	sadd.s32 s24, s9;
	[dreg:$0xa] =	wrdreg s10  }
0x15: {  	s18 =	sadd.s32 $0xE00, s6;
	[dreg:$0xc] =	wrdreg s15;
	s20 =	sadd.s32 $0xA00, s6  }
0x16: {  	[dreg:$0xf] =	wrdreg s21;
	s25 =	sadd.s32 s1, s24;
	s14 =	sshrl.u32 s26, $0x3  }
0x17: {  	[dreg:$0x12] =	wrdreg s13;
	s24 =	sadd.s32 $0x1000, s6;
	s11 =	sshll.u32 s18, $0x3  }
0x18: {  	s22 =	sshrl.u32 s20, $0x3;
	[dreg:$0x11] =	wrdreg s25;
	s15 =	sadd.s32 s5, s14  }
0x19: {  	s16 =	sshll.u32 s20, $0x3;
	s13 =	sadd.s32 s1, s11;
	[dreg:$0x13] =	wrdreg s15  }
0x1a: {  	s20 =	sshrl.u32 s18, $0x3;
	s23 =	sadd.s32 s5, s22;
	[dreg:$0x1a] =	wrdreg s13  }
0x1b: {  	s14 =	sadd.s32 $0x1200, s6;
	s17 =	sadd.s32 s1, s16;
	[dreg:$0x10] =	wrdreg s23  }
0x1c: {  	s18 =	sshll.u32 s24, $0x3;
	s19 =	sadd.s32 s16, s9;
	[dreg:$0x14] =	wrdreg s17  }
0x1d: {  	s21 =	sadd.s32 s5, s20;
	s22 =	sshll.u32 s26, $0x3;
	[dreg:$0x15] =	wrdreg s19  }
0x1e: {  	s26 =	sshrl.u32 s24, $0x3;
	s15 =	sadd.s32 s11, s9;
	[dreg:$0x16] =	wrdreg s21  }
0x1f: {  	s16 =	sshrl.u32 s14, $0x3;
	s23 =	sadd.s32 s1, s22;
	[dreg:$0x1b] =	wrdreg s15  }
0x20: {  	s20 =	sadd.s32 $0x1400, s6;
	s25 =	sadd.s32 s22, s9;
	[dreg:$0x17] =	wrdreg s23  }
0x21: {  	s24 =	sshll.u32 s14, $0x3;
	s10 =	sadd.s32 s5, s26;
	[dreg:$0x18] =	wrdreg s25  }
0x22: {  	s17 =	sadd.s32 s5, s16;
	s19 =	sadd.s32 s1, s18;
	[dreg:$0x19] =	wrdreg s10  }
0x23: {  	s21 =	sadd.s32 s18, s9;
	s22 =	sshrl.u32 s20, $0x3;
	[dreg:$0x1c] =	wrdreg s17  }
0x24: {  	s26 =	sadd.s32 $0x1600, s6;
	s13 =	sadd.s32 s24, s9;
	[dreg:$0x1d] =	wrdreg s19  }
0x25: {  	s16 =	sshll.u32 s20, $0x3;
	s18 =	sadd.s32 $0x1800, s6;
	[dreg:$0x1e] =	wrdreg s21  }
0x26: {  	s23 =	sadd.s32 s5, s22;
	s25 =	sadd.s32 s1, s24;
	[smem:$0x7E6] =	sst s13  }
0x27: {  	s14 =	sshrl.u32 s26, $0x3;
	s17 =	sadd.s32 s1, s16;
	[dreg:$0x1f] =	wrdreg s23  }
0x28: {  	s19 =	sadd.s32 s16, s9;
	s20 =	sshrl.u32 s18, $0x3;
	[smem:$0x7E5] =	sst s25  }
0x29: {  	s22 =	sshll.u32 s26, $0x3;
	s24 =	sadd.s32 $0x1A00, s6;
	[smem:$0x7E8] =	sst s17  }
0x2a: {  	s12 =	sshll.u32 s18, $0x3;
	s15 =	sadd.s32 s5, s14;
	[smem:$0x7E9] =	sst s19  }
0x2b: {  	s21 =	sadd.s32 s5, s20;
	s23 =	sadd.s32 s1, s22;
	[smem:$0x7E7] =	sst s15  }
0x2c: {  	s25 =	sadd.s32 s22, s9;
	s26 =	sshrl.u32 s24, $0x3;
	[smem:$0x7EA] =	sst s21  }
0x2d: {  	s13 =	sadd.s32 s1, s12;
	s14 =	sadd.s32 $0x1C00, s6;
	[smem:$0x7EB] =	sst s23  }
0x2e: {  	s18 =	sshll.u32 s24, $0x3;
	s20 =	sadd.s32 $0x1E00, s6;
	[smem:$0x7EC] =	sst s25  }
0x2f: {  	s10 =	sadd.s32 s5, s26;
	[smem:$0x7EE] =	sst s13;
	s15 =	sadd.s32 s12, s9  }
0x30: {  	s16 =	sshrl.u32 s14, $0x3;
	s19 =	sadd.s32 s1, s18;
	s21 =	sadd.s32 s18, s9  }
0x31: {  	s22 =	sshrl.u32 s20, $0x3;
	s24 =	sshll.u32 s14, $0x3;
	[smem:$0x7ED] =	sst s10  }
0x32: {  	s26 =	sadd.s32 $0x2000, s6;
	s18 =	sadd.s32 $0x2200, s6;
	[smem:$0x7EF] =	sst s15  }
0x33: {  	s12 =	simm.s32 $0x5;
	s17 =	sadd.s32 s5, s16;
	[smem:$0x7F1] =	sst s19  }
0x34: {  	[smem:$0x7F2] =	sst s21;
	s23 =	sadd.s32 s5, s22;
	s25 =	sadd.s32 s1, s24  }
0x35: {  	s13 =	sadd.s32 s24, s9;
	s14 =	sshrl.u32 s26, $0x3;
	[smem:$0x7F0] =	sst s17  }
0x36: {  	s16 =	sshll.u32 s20, $0x3;
	s20 =	sshrl.u32 s18, $0x3;
	[smem:$0x7F3] =	sst s23  }
0x37: {  	s22 =	sshll.u32 s26, $0x3;
	s24 =	sadd.s32 $0x2400, s6;
	[smem:$0x7F4] =	sst s25  }
0x38: {  	s11 =	sshll.u32 s18, $0x3;
	[smem:$0x7F5] =	sst s13;
	s15 =	sadd.s32 s5, s14  }
0x39: {  	s18 =	sadd.s32 $0x2800, s6;
	s17 =	sadd.s32 s1, s16;
	[smem:$0x7F6] =	sst s15  }
0x3a: {  	s19 =	sadd.s32 s16, s9;
	s21 =	sadd.s32 s5, s20;
	[smem:$0x7F7] =	sst s17  }
0x3b: {  	s23 =	sadd.s32 s1, s22;
	s25 =	sadd.s32 s22, s9;
	[smem:$0x7F8] =	sst s19  }
0x3c: {  	s26 =	sshrl.u32 s24, $0x3;
	s14 =	sadd.s32 s1, s11;
	[smem:$0x7F9] =	sst s21  }
0x3d: {  	s13 =	ssub.s32 s7, s8;
	s31 =	sadd.s32 s11, s9;
	[smem:$0x7FA] =	sst s23  }
0x3e: {  	s0 =	sshll.u32 s18, $0x3;
	s11 =	simm.s32 $0xC400;
	[smem:$0x7FB] =	sst s25  }
0x3f: {  	s10 =	sadd.s32 s5, s26;
	s15 =	sadd.s32 $0x2600, s6;
	[smem:$0x7FD] =	sst s14  }
0x40: {  	s17 =	sshll.u32 s24, $0x3;
	s19 =	sshrl.u32 s18, $0x3;
	s6 =	sadd.s32 $0x2A00, s6  }
0x41: {  	s7 =	sadd.s32 s1, s0;
	s8 =	sadd.s32 s0, s9;
	s25 =	smax.u32 s13, $0x1  }
0x42: {  	s18 =	simm.s32 $0x200;
	s13 =	simm.s32 $0x400;
	s0 =	rddreg [dreg:$0x3]  }
0x43: {  	s14 =	simm.s32 $0x8400;
	[smem:$0x7FC] =	sst s10;
	s16 =	sshrl.u32 s15, $0x3  }
0x44: {  	s28 =	sadd.s32 s1, s17;
	s29 =	sadd.s32 s17, s9;
	s20 =	sshll.u32 s15, $0x3  }
0x45: {  	s26 =	sadd.s32 s5, s19;
	s22 =	sshrl.u32 s6, $0x3;
	s24 =	sshll.u32 s6, $0x3  }
0x46: {  	s10 =	simm.s32 $0x4400;
	s19 =	simm.s32 $0x3;
	p1 =	sne.s32 s25, $0x1  }
.Ltmp0:
0x47: {  	s15 =	simm.s32 $0x20;
	s30 =	sadd.s32 s5, s16;
	(pc) =	sbr.rel @!p1 .LBB2_3-.Ltmp0, $4  }
0x48: {  	s21 =	sadd.s32 s1, s20;
	s23 =	sadd.s32 s20, s9;
	s17 =	sadd.s32 s5, s22  }
0x49: {  	s5 =	sadd.s32 s1, s24;
	s6 =	sadd.s32 s24, s9;
	s22 =	simm.s32 $0x7  }
0x4a: {  	s24 =	simm.s32 $0x1;
	s1 =	sadd.s32 $0xFFFFFFFF, s25;
	s16 =	simm.s32 $0x40  }
0x4b: {  	s25 =	simm.s32 $0x2;
	s20 =	simm.s32 $0x4;
	s9 =	simm.s32 $0x6  }
0x4c: {  	[tilespmem:s2], [sflag:$0x7] =	stream.linear.gather [hbm4b:s0+s2], $0x200, $0x38;
	[tilespmem:$0x10400] =	vst v63  }
0x4d: {  	_ =	swait.ge [sflag:s22], $0x200  }
0x4e: {  	[sflag:s22] =	ssyncset.done $0x0  }
0x4f: {  	[sflag:s22] =	ssyncadd.s32 $0xFFFFFE00  }
0x50: {  	[tilespmem:s13], [sflag:$0x1] =	stream.indirect.gather [hbm4b:s3+s18], $0x20, s2, s18, $0xb8;
	[tilespmem:$0x10400] =	vst v63  }
0x51: {  	_ = 	snop  }
0x52: {  	[tilespmem:s14], [sflag:$0x3] =	stream.indirect.gather [hbm4b:s4+s18], $0x20, s2, s18, $0xb8;
	[tilespmem:$0x10400] =	vst v63  }
0x53: {  	s0 =	rddreg [dreg:$0x4]  }
0x54: {  	[tilespmem:s18], [sflag:$0x7] =	stream.linear.gather [hbm4b:s0+s2], $0x200, $0x38;
	[tilespmem:$0x10400] =	vst v63  }
0x55: {  	_ =	swait.ge [sflag:s22], $0x200  }
0x56: {  	[sflag:s22] =	ssyncset.done $0x0  }
0x57: {  	[sflag:s22] =	ssyncadd.s32 $0xFFFFFE00  }
0x58: {  	[tilespmem:s10], [sflag:$0x2] =	stream.indirect.gather [hbm4b:s3+s18], $0x20, s18, s18, $0xb8;
	[tilespmem:$0x10400] =	vst v63  }
0x59: {  	_ = 	snop  }
0x5a: {  	[tilespmem:s11], [sflag:$0x4] =	stream.indirect.gather [hbm4b:s4+s18], $0x20, s18, s18, $0xb8;
	[tilespmem:$0x10400] =	vst v63  }
0x5b: {  	_ =	swait.ge [sflag:s24], $0x4000  }
0x5c: {  	[sflag:s24] =	ssyncset.done $0x0  }
0x5d: {  	[sflag:s24] =	ssyncadd.s32 $0xFFFFC000  }
0x5e: {  	_ =	swait.ge [sflag:s19], $0x4000  }
0x5f: {  	s0 =	rddreg [dreg:$0x5];
	[sflag:s19] =	ssyncset.done $0x0  }
0x60: {  	[smem:$0x7E3] =	sst s1;
	[sflag:s19] =	ssyncadd.s32 $0xFFFFC000  }
0x61: {  	[hbm4b:s0+s15] =	stream.strided.scatter [tilespmem:s13], [sflag:$0x5], $0x4000, s16, s15, $0x38;
	[tilespmem:$0x10400] =	vst v63  }
0x62: {  	s1 =	rddreg [dreg:$0x6]  }
0x63: {  	[hbm4b:s1+s15] =	stream.strided.scatter [tilespmem:s14], [sflag:$0x5], $0x4000, s16, s15, $0x38;
	[tilespmem:$0x10400] =	vst v63  }
0x64: {  	_ =	swait.ge [sflag:s12], $0x4000  }
0x65: {  	[sflag:s12] =	ssyncset.done $0x0  }
0x66: {  	[sflag:s12] =	ssyncadd.s32 $0xFFFFC000  }
0x67: {  	_ =	swait.ge [sflag:s12], $0x4000  }
0x68: {  	[sflag:s12] =	ssyncset.done $0x0  }
0x69: {  	s1 =	rddreg [dreg:$0x7];
	[sflag:s12] =	ssyncadd.s32 $0xFFFFC000  }
0x6a: {  	[tilespmem:s2], [sflag:$0x7] =	stream.linear.gather [hbm4b:s1+s2], $0x200, $0x38;
	[tilespmem:$0x10400] =	vst v63  }
0x6b: {  	_ =	swait.ge [sflag:s22], $0x200  }
0x6c: {  	[sflag:s22] =	ssyncset.done $0x0  }
0x6d: {  	[sflag:s22] =	ssyncadd.s32 $0xFFFFFE00  }
0x6e: {  	[tilespmem:s13], [sflag:$0x1] =	stream.indirect.gather [hbm4b:s3+s18], $0x20, s2, s18, $0xb8;
	[tilespmem:$0x10400] =	vst v63  }
0x6f: {  	_ = 	snop  }
0x70: {  	[tilespmem:s14], [sflag:$0x3] =	stream.indirect.gather [hbm4b:s4+s18], $0x20, s2, s18, $0xb8;
	[tilespmem:$0x10400] =	vst v63  }
0x71: {  	_ =	swait.ge [sflag:s25], $0x4000  }
0x72: {  	[sflag:s25] =	ssyncset.done $0x0  }
0x73: {  	[sflag:s25] =	ssyncadd.s32 $0xFFFFC000  }
0x74: {  	_ =	swait.ge [sflag:s20], $0x4000  }
0x75: {  	[sflag:s20] =	ssyncset.done $0x0  }
0x76: {  	s0 =	rddreg [dreg:$0x8];
	[sflag:s20] =	ssyncadd.s32 $0xFFFFC000  }
0x77: {  	[hbm4b:s0+s15] =	stream.strided.scatter [tilespmem:s10], [sflag:$0x6], $0x4000, s16, s15, $0x38;
	[tilespmem:$0x10400] =	vst v63  }
0x78: {  	s1 =	rddreg [dreg:$0x9]  }
0x79: {  	[hbm4b:s1+s15] =	stream.strided.scatter [tilespmem:s11], [sflag:$0x6], $0x4000, s16, s15, $0x38;
	[tilespmem:$0x10400] =	vst v63  }
0x7a: {  	_ =	swait.ge [sflag:s9], $0x4000  }
0x7b: {  	[sflag:s9] =	ssyncset.done $0x0  }
0x7c: {  	[sflag:s9] =	ssyncadd.s32 $0xFFFFC000  }
0x7d: {  	_ =	swait.ge [sflag:s9], $0x4000  }
0x7e: {  	[sflag:s9] =	ssyncset.done $0x0  }
0x7f: {  	s1 =	rddreg [dreg:$0xa];
	[sflag:s9] =	ssyncadd.s32 $0xFFFFC000  }
0x80: {  	[tilespmem:s18], [sflag:$0x7] =	stream.linear.gather [hbm4b:s1+s2], $0x200, $0x38;
	[tilespmem:$0x10400] =	vst v63  }
0x81: {  	_ =	swait.ge [sflag:s22], $0x200  }
0x82: {  	[sflag:s22] =	ssyncset.done $0x0  }
0x83: {  	[sflag:s22] =	ssyncadd.s32 $0xFFFFFE00  }
0x84: {  	[tilespmem:s10], [sflag:$0x2] =	stream.indirect.gather [hbm4b:s3+s18], $0x20, s18, s18, $0xb8;
	[tilespmem:$0x10400] =	vst v63  }
0x85: {  	_ = 	snop  }
0x86: {  	[tilespmem:s11], [sflag:$0x4] =	stream.indirect.gather [hbm4b:s4+s18], $0x20, s18, s18, $0xb8;
	[tilespmem:$0x10400] =	vst v63  }
0x87: {  	_ =	swait.ge [sflag:s24], $0x4000  }
0x88: {  	[sflag:s24] =	ssyncset.done $0x0  }
0x89: {  	[sflag:s24] =	ssyncadd.s32 $0xFFFFC000  }
0x8a: {  	_ =	swait.ge [sflag:s19], $0x4000  }
0x8b: {  	[sflag:s19] =	ssyncset.done $0x0  }
0x8c: {  	s0 =	rddreg [dreg:$0xb];
	[sflag:s19] =	ssyncadd.s32 $0xFFFFC000  }
0x8d: {  	[hbm4b:s0+s15] =	stream.strided.scatter [tilespmem:s13], [sflag:$0x5], $0x4000, s16, s15, $0x38;
	[tilespmem:$0x10400] =	vst v63  }
0x8e: {  	s1 =	rddreg [dreg:$0xc]  }
0x8f: {  	[hbm4b:s1+s15] =	stream.strided.scatter [tilespmem:s14], [sflag:$0x5], $0x4000, s16, s15, $0x38;
	[tilespmem:$0x10400] =	vst v63  }
0x90: {  	_ =	swait.ge [sflag:s12], $0x4000  }
0x91: {  	[sflag:s12] =	ssyncset.done $0x0  }
0x92: {  	[sflag:s12] =	ssyncadd.s32 $0xFFFFC000  }
0x93: {  	_ =	swait.ge [sflag:s12], $0x4000  }
0x94: {  	[sflag:s12] =	ssyncset.done $0x0  }
0x95: {  	s1 =	rddreg [dreg:$0xd];
	[sflag:s12] =	ssyncadd.s32 $0xFFFFC000  }
0x96: {  	[tilespmem:s2], [sflag:$0x7] =	stream.linear.gather [hbm4b:s1+s2], $0x200, $0x38;
	[tilespmem:$0x10400] =	vst v63  }
0x97: {  	_ =	swait.ge [sflag:s22], $0x200  }
0x98: {  	[sflag:s22] =	ssyncset.done $0x0  }
0x99: {  	[sflag:s22] =	ssyncadd.s32 $0xFFFFFE00  }
0x9a: {  	[tilespmem:s13], [sflag:$0x1] =	stream.indirect.gather [hbm4b:s3+s18], $0x20, s2, s18, $0xb8;
	[tilespmem:$0x10400] =	vst v63  }
0x9b: {  	_ = 	snop  }
0x9c: {  	[tilespmem:s14], [sflag:$0x3] =	stream.indirect.gather [hbm4b:s4+s18], $0x20, s2, s18, $0xb8;
	[tilespmem:$0x10400] =	vst v63  }
0x9d: {  	_ =	swait.ge [sflag:s25], $0x4000  }
0x9e: {  	[sflag:s25] =	ssyncset.done $0x0  }
0x9f: {  	[sflag:s25] =	ssyncadd.s32 $0xFFFFC000  }
0xa0: {  	_ =	swait.ge [sflag:s20], $0x4000  }
0xa1: {  	[sflag:s20] =	ssyncset.done $0x0  }
0xa2: {  	s0 =	rddreg [dreg:$0xe];
	[sflag:s20] =	ssyncadd.s32 $0xFFFFC000  }
0xa3: {  	[hbm4b:s0+s15] =	stream.strided.scatter [tilespmem:s10], [sflag:$0x6], $0x4000, s16, s15, $0x38;
	[tilespmem:$0x10400] =	vst v63  }
0xa4: {  	s1 =	rddreg [dreg:$0xf]  }
0xa5: {  	[hbm4b:s1+s15] =	stream.strided.scatter [tilespmem:s11], [sflag:$0x6], $0x4000, s16, s15, $0x38;
	[tilespmem:$0x10400] =	vst v63  }
0xa6: {  	_ =	swait.ge [sflag:s9], $0x4000  }
0xa7: {  	[sflag:s9] =	ssyncset.done $0x0  }
0xa8: {  	[sflag:s9] =	ssyncadd.s32 $0xFFFFC000  }
0xa9: {  	_ =	swait.ge [sflag:s9], $0x4000  }
0xaa: {  	[sflag:s9] =	ssyncset.done $0x0  }
0xab: {  	s1 =	rddreg [dreg:$0x10];
	[sflag:s9] =	ssyncadd.s32 $0xFFFFC000  }
0xac: {  	[tilespmem:s18], [sflag:$0x7] =	stream.linear.gather [hbm4b:s1+s2], $0x200, $0x38;
	[tilespmem:$0x10400] =	vst v63  }
0xad: {  	_ =	swait.ge [sflag:s22], $0x200  }
0xae: {  	[sflag:s22] =	ssyncset.done $0x0  }
0xaf: {  	[sflag:s22] =	ssyncadd.s32 $0xFFFFFE00  }
0xb0: {  	[tilespmem:s10], [sflag:$0x2] =	stream.indirect.gather [hbm4b:s3+s18], $0x20, s18, s18, $0xb8;
	[tilespmem:$0x10400] =	vst v63  }
0xb1: {  	_ = 	snop  }
0xb2: {  	[tilespmem:s11], [sflag:$0x4] =	stream.indirect.gather [hbm4b:s4+s18], $0x20, s18, s18, $0xb8;
	[tilespmem:$0x10400] =	vst v63  }
0xb3: {  	_ =	swait.ge [sflag:s24], $0x4000  }
0xb4: {  	[sflag:s24] =	ssyncset.done $0x0  }
0xb5: {  	[sflag:s24] =	ssyncadd.s32 $0xFFFFC000  }
0xb6: {  	_ =	swait.ge [sflag:s19], $0x4000  }
0xb7: {  	[sflag:s19] =	ssyncset.done $0x0  }
0xb8: {  	s0 =	rddreg [dreg:$0x11];
	[sflag:s19] =	ssyncadd.s32 $0xFFFFC000  }
0xb9: {  	[hbm4b:s0+s15] =	stream.strided.scatter [tilespmem:s13], [sflag:$0x5], $0x4000, s16, s15, $0x38;
	[tilespmem:$0x10400] =	vst v63  }
0xba: {  	s1 =	rddreg [dreg:$0x12]  }
0xbb: {  	[hbm4b:s1+s15] =	stream.strided.scatter [tilespmem:s14], [sflag:$0x5], $0x4000, s16, s15, $0x38;
	[tilespmem:$0x10400] =	vst v63  }
0xbc: {  	_ =	swait.ge [sflag:s12], $0x4000  }
0xbd: {  	[sflag:s12] =	ssyncset.done $0x0  }
0xbe: {  	[sflag:s12] =	ssyncadd.s32 $0xFFFFC000  }
0xbf: {  	_ =	swait.ge [sflag:s12], $0x4000  }
0xc0: {  	[sflag:s12] =	ssyncset.done $0x0  }
0xc1: {  	s1 =	rddreg [dreg:$0x13];
	[sflag:s12] =	ssyncadd.s32 $0xFFFFC000  }
0xc2: {  	[tilespmem:s2], [sflag:$0x7] =	stream.linear.gather [hbm4b:s1+s2], $0x200, $0x38;
	[tilespmem:$0x10400] =	vst v63  }
0xc3: {  	_ =	swait.ge [sflag:s22], $0x200  }
0xc4: {  	[sflag:s22] =	ssyncset.done $0x0  }
0xc5: {  	[sflag:s22] =	ssyncadd.s32 $0xFFFFFE00  }
0xc6: {  	[tilespmem:s13], [sflag:$0x1] =	stream.indirect.gather [hbm4b:s3+s18], $0x20, s2, s18, $0xb8;
	[tilespmem:$0x10400] =	vst v63  }
0xc7: {  	_ = 	snop  }
0xc8: {  	[tilespmem:s14], [sflag:$0x3] =	stream.indirect.gather [hbm4b:s4+s18], $0x20, s2, s18, $0xb8;
	[tilespmem:$0x10400] =	vst v63  }
0xc9: {  	_ =	swait.ge [sflag:s25], $0x4000  }
0xca: {  	[sflag:s25] =	ssyncset.done $0x0  }
0xcb: {  	[sflag:s25] =	ssyncadd.s32 $0xFFFFC000  }
0xcc: {  	_ =	swait.ge [sflag:s20], $0x4000  }
0xcd: {  	[sflag:s20] =	ssyncset.done $0x0  }
0xce: {  	s0 =	rddreg [dreg:$0x14];
	[sflag:s20] =	ssyncadd.s32 $0xFFFFC000  }
0xcf: {  	[hbm4b:s0+s15] =	stream.strided.scatter [tilespmem:s10], [sflag:$0x6], $0x4000, s16, s15, $0x38;
	[tilespmem:$0x10400] =	vst v63  }
0xd0: {  	s1 =	rddreg [dreg:$0x15]  }
0xd1: {  	[hbm4b:s1+s15] =	stream.strided.scatter [tilespmem:s11], [sflag:$0x6], $0x4000, s16, s15, $0x38;
	[tilespmem:$0x10400] =	vst v63  }
0xd2: {  	_ =	swait.ge [sflag:s9], $0x4000  }
0xd3: {  	[sflag:s9] =	ssyncset.done $0x0  }
0xd4: {  	[sflag:s9] =	ssyncadd.s32 $0xFFFFC000  }
0xd5: {  	_ =	swait.ge [sflag:s9], $0x4000  }
0xd6: {  	[sflag:s9] =	ssyncset.done $0x0  }
0xd7: {  	s1 =	rddreg [dreg:$0x16];
	[sflag:s9] =	ssyncadd.s32 $0xFFFFC000  }
0xd8: {  	[tilespmem:s18], [sflag:$0x7] =	stream.linear.gather [hbm4b:s1+s2], $0x200, $0x38;
	[tilespmem:$0x10400] =	vst v63  }
0xd9: {  	_ =	swait.ge [sflag:s22], $0x200  }
0xda: {  	[sflag:s22] =	ssyncset.done $0x0  }
0xdb: {  	[sflag:s22] =	ssyncadd.s32 $0xFFFFFE00  }
0xdc: {  	[tilespmem:s10], [sflag:$0x2] =	stream.indirect.gather [hbm4b:s3+s18], $0x20, s18, s18, $0xb8;
	[tilespmem:$0x10400] =	vst v63  }
0xdd: {  	_ = 	snop  }
0xde: {  	[tilespmem:s11], [sflag:$0x4] =	stream.indirect.gather [hbm4b:s4+s18], $0x20, s18, s18, $0xb8;
	[tilespmem:$0x10400] =	vst v63  }
0xdf: {  	_ =	swait.ge [sflag:s24], $0x4000  }
0xe0: {  	[sflag:s24] =	ssyncset.done $0x0  }
0xe1: {  	[sflag:s24] =	ssyncadd.s32 $0xFFFFC000  }
0xe2: {  	_ =	swait.ge [sflag:s19], $0x4000  }
0xe3: {  	[sflag:s19] =	ssyncset.done $0x0  }
0xe4: {  	s0 =	rddreg [dreg:$0x17];
	[sflag:s19] =	ssyncadd.s32 $0xFFFFC000  }
0xe5: {  	[hbm4b:s0+s15] =	stream.strided.scatter [tilespmem:s13], [sflag:$0x5], $0x4000, s16, s15, $0x38;
	[tilespmem:$0x10400] =	vst v63  }
0xe6: {  	s1 =	rddreg [dreg:$0x18]  }
0xe7: {  	[hbm4b:s1+s15] =	stream.strided.scatter [tilespmem:s14], [sflag:$0x5], $0x4000, s16, s15, $0x38;
	[tilespmem:$0x10400] =	vst v63  }
0xe8: {  	_ =	swait.ge [sflag:s12], $0x4000  }
0xe9: {  	[sflag:s12] =	ssyncset.done $0x0  }
0xea: {  	[sflag:s12] =	ssyncadd.s32 $0xFFFFC000  }
0xeb: {  	_ =	swait.ge [sflag:s12], $0x4000  }
0xec: {  	[sflag:s12] =	ssyncset.done $0x0  }
0xed: {  	s1 =	rddreg [dreg:$0x19];
	[sflag:s12] =	ssyncadd.s32 $0xFFFFC000  }
0xee: {  	[tilespmem:s2], [sflag:$0x7] =	stream.linear.gather [hbm4b:s1+s2], $0x200, $0x38;
	[tilespmem:$0x10400] =	vst v63  }
0xef: {  	_ =	swait.ge [sflag:s22], $0x200  }
0xf0: {  	[sflag:s22] =	ssyncset.done $0x0  }
0xf1: {  	[sflag:s22] =	ssyncadd.s32 $0xFFFFFE00  }
0xf2: {  	[tilespmem:s13], [sflag:$0x1] =	stream.indirect.gather [hbm4b:s3+s18], $0x20, s2, s18, $0xb8;
	[tilespmem:$0x10400] =	vst v63  }
0xf3: {  	_ = 	snop  }
0xf4: {  	[tilespmem:s14], [sflag:$0x3] =	stream.indirect.gather [hbm4b:s4+s18], $0x20, s2, s18, $0xb8;
	[tilespmem:$0x10400] =	vst v63  }
0xf5: {  	_ =	swait.ge [sflag:s25], $0x4000  }
0xf6: {  	[sflag:s25] =	ssyncset.done $0x0  }
0xf7: {  	[sflag:s25] =	ssyncadd.s32 $0xFFFFC000  }
0xf8: {  	_ =	swait.ge [sflag:s20], $0x4000  }
0xf9: {  	[sflag:s20] =	ssyncset.done $0x0  }
0xfa: {  	s0 =	rddreg [dreg:$0x1a];
	[sflag:s20] =	ssyncadd.s32 $0xFFFFC000  }
0xfb: {  	[hbm4b:s0+s15] =	stream.strided.scatter [tilespmem:s10], [sflag:$0x6], $0x4000, s16, s15, $0x38;
	[tilespmem:$0x10400] =	vst v63  }
0xfc: {  	s1 =	rddreg [dreg:$0x1b]  }
0xfd: {  	[hbm4b:s1+s15] =	stream.strided.scatter [tilespmem:s11], [sflag:$0x6], $0x4000, s16, s15, $0x38;
	[tilespmem:$0x10400] =	vst v63  }
0xfe: {  	_ =	swait.ge [sflag:s9], $0x4000  }
0xff: {  	[sflag:s9] =	ssyncset.done $0x0  }
0x100: {  	[sflag:s9] =	ssyncadd.s32 $0xFFFFC000  }
0x101: {  	_ =	swait.ge [sflag:s9], $0x4000  }
0x102: {  	[sflag:s9] =	ssyncset.done $0x0  }
0x103: {  	s1 =	rddreg [dreg:$0x1c];
	[sflag:s9] =	ssyncadd.s32 $0xFFFFC000  }
0x104: {  	[tilespmem:s18], [sflag:$0x7] =	stream.linear.gather [hbm4b:s1+s2], $0x200, $0x38;
	[tilespmem:$0x10400] =	vst v63  }
0x105: {  	_ =	swait.ge [sflag:s22], $0x200  }
0x106: {  	[sflag:s22] =	ssyncset.done $0x0  }
0x107: {  	[sflag:s22] =	ssyncadd.s32 $0xFFFFFE00  }
0x108: {  	[tilespmem:s10], [sflag:$0x2] =	stream.indirect.gather [hbm4b:s3+s18], $0x20, s18, s18, $0xb8;
	[tilespmem:$0x10400] =	vst v63  }
0x109: {  	_ = 	snop  }
0x10a: {  	[tilespmem:s11], [sflag:$0x4] =	stream.indirect.gather [hbm4b:s4+s18], $0x20, s18, s18, $0xb8;
	[tilespmem:$0x10400] =	vst v63  }
0x10b: {  	_ =	swait.ge [sflag:s24], $0x4000  }
0x10c: {  	[sflag:s24] =	ssyncset.done $0x0  }
0x10d: {  	[sflag:s24] =	ssyncadd.s32 $0xFFFFC000  }
0x10e: {  	_ =	swait.ge [sflag:s19], $0x4000  }
0x10f: {  	[sflag:s19] =	ssyncset.done $0x0  }
0x110: {  	s0 =	rddreg [dreg:$0x1d];
	[sflag:s19] =	ssyncadd.s32 $0xFFFFC000  }
0x111: {  	[hbm4b:s0+s15] =	stream.strided.scatter [tilespmem:s13], [sflag:$0x5], $0x4000, s16, s15, $0x38;
	[tilespmem:$0x10400] =	vst v63  }
0x112: {  	s1 =	rddreg [dreg:$0x1e]  }
0x113: {  	[hbm4b:s1+s15] =	stream.strided.scatter [tilespmem:s14], [sflag:$0x5], $0x4000, s16, s15, $0x38;
	[tilespmem:$0x10400] =	vst v63  }
0x114: {  	_ =	swait.ge [sflag:s12], $0x4000  }
0x115: {  	[sflag:s12] =	ssyncset.done $0x0  }
0x116: {  	[sflag:s12] =	ssyncadd.s32 $0xFFFFC000  }
0x117: {  	_ =	swait.ge [sflag:s12], $0x4000  }
0x118: {  	[sflag:s12] =	ssyncset.done $0x0  }
0x119: {  	s1 =	rddreg [dreg:$0x1f];
	[sflag:s12] =	ssyncadd.s32 $0xFFFFC000  }
0x11a: {  	[tilespmem:s2], [sflag:$0x7] =	stream.linear.gather [hbm4b:s1+s2], $0x200, $0x38;
	[tilespmem:$0x10400] =	vst v63  }
0x11b: {  	_ =	swait.ge [sflag:s22], $0x200  }
0x11c: {  	[sflag:s22] =	ssyncset.done $0x0  }
0x11d: {  	[sflag:s22] =	ssyncadd.s32 $0xFFFFFE00  }
0x11e: {  	[tilespmem:s13], [sflag:$0x1] =	stream.indirect.gather [hbm4b:s3+s18], $0x20, s2, s18, $0xb8;
	[tilespmem:$0x10400] =	vst v63  }
0x11f: {  	_ = 	snop  }
0x120: {  	[tilespmem:s14], [sflag:$0x3] =	stream.indirect.gather [hbm4b:s4+s18], $0x20, s2, s18, $0xb8;
	[tilespmem:$0x10400] =	vst v63  }
0x121: {  	_ =	swait.ge [sflag:s25], $0x4000  }
0x122: {  	[sflag:s25] =	ssyncset.done $0x0  }
0x123: {  	[sflag:s25] =	ssyncadd.s32 $0xFFFFC000  }
0x124: {  	_ =	swait.ge [sflag:s20], $0x4000  }
0x125: {  	s0 =	sld [smem:$0x7E5]  }
0x126: {  	[sflag:s20] =	ssyncset.done $0x0  }
0x127: {  	s1 =	sld [smem:$0x7E6];
	[sflag:s20] =	ssyncadd.s32 $0xFFFFC000  }
0x128: {  	[hbm4b:s0+s15] =	stream.strided.scatter [tilespmem:s10], [sflag:$0x6], $0x4000, s16, s15, $0x38;
	[tilespmem:$0x10400] =	vst v63  }
0x129: {  	_ = 	snop  }
0x12a: {  	[hbm4b:s1+s15] =	stream.strided.scatter [tilespmem:s11], [sflag:$0x6], $0x4000, s16, s15, $0x38;
	[tilespmem:$0x10400] =	vst v63  }
0x12b: {  	_ =	swait.ge [sflag:s9], $0x4000  }
0x12c: {  	[sflag:s9] =	ssyncset.done $0x0  }
0x12d: {  	[sflag:s9] =	ssyncadd.s32 $0xFFFFC000  }
0x12e: {  	_ =	swait.ge [sflag:s9], $0x4000  }
0x12f: {  	s1 =	sld [smem:$0x7E7]  }
0x130: {  	[sflag:s9] =	ssyncset.done $0x0  }
0x131: {  	[sflag:s9] =	ssyncadd.s32 $0xFFFFC000  }
0x132: {  	[tilespmem:s18], [sflag:$0x7] =	stream.linear.gather [hbm4b:s1+s2], $0x200, $0x38;
	[tilespmem:$0x10400] =	vst v63  }
0x133: {  	_ =	swait.ge [sflag:s22], $0x200  }
0x134: {  	[sflag:s22] =	ssyncset.done $0x0  }
0x135: {  	[sflag:s22] =	ssyncadd.s32 $0xFFFFFE00  }
0x136: {  	[tilespmem:s10], [sflag:$0x2] =	stream.indirect.gather [hbm4b:s3+s18], $0x20, s18, s18, $0xb8;
	[tilespmem:$0x10400] =	vst v63  }
0x137: {  	_ = 	snop  }
0x138: {  	[tilespmem:s11], [sflag:$0x4] =	stream.indirect.gather [hbm4b:s4+s18], $0x20, s18, s18, $0xb8;
	[tilespmem:$0x10400] =	vst v63  }
0x139: {  	_ =	swait.ge [sflag:s24], $0x4000  }
0x13a: {  	[sflag:s24] =	ssyncset.done $0x0  }
0x13b: {  	[sflag:s24] =	ssyncadd.s32 $0xFFFFC000  }
0x13c: {  	_ =	swait.ge [sflag:s19], $0x4000  }
0x13d: {  	s0 =	sld [smem:$0x7E8]  }
0x13e: {  	[sflag:s19] =	ssyncset.done $0x0  }
0x13f: {  	s1 =	sld [smem:$0x7E9];
	[sflag:s19] =	ssyncadd.s32 $0xFFFFC000  }
0x140: {  	[hbm4b:s0+s15] =	stream.strided.scatter [tilespmem:s13], [sflag:$0x5], $0x4000, s16, s15, $0x38;
	[tilespmem:$0x10400] =	vst v63  }
0x141: {  	_ = 	snop  }
0x142: {  	[hbm4b:s1+s15] =	stream.strided.scatter [tilespmem:s14], [sflag:$0x5], $0x4000, s16, s15, $0x38;
	[tilespmem:$0x10400] =	vst v63  }
0x143: {  	_ =	swait.ge [sflag:s12], $0x4000  }
0x144: {  	[sflag:s12] =	ssyncset.done $0x0  }
0x145: {  	[sflag:s12] =	ssyncadd.s32 $0xFFFFC000  }
0x146: {  	_ =	swait.ge [sflag:s12], $0x4000  }
0x147: {  	s1 =	sld [smem:$0x7EA]  }
0x148: {  	[sflag:s12] =	ssyncset.done $0x0  }
0x149: {  	[sflag:s12] =	ssyncadd.s32 $0xFFFFC000  }
0x14a: {  	[tilespmem:s2], [sflag:$0x7] =	stream.linear.gather [hbm4b:s1+s2], $0x200, $0x38;
	[tilespmem:$0x10400] =	vst v63  }
0x14b: {  	_ =	swait.ge [sflag:s22], $0x200  }
0x14c: {  	[sflag:s22] =	ssyncset.done $0x0  }
0x14d: {  	[sflag:s22] =	ssyncadd.s32 $0xFFFFFE00  }
0x14e: {  	[tilespmem:s13], [sflag:$0x1] =	stream.indirect.gather [hbm4b:s3+s18], $0x20, s2, s18, $0xb8;
	[tilespmem:$0x10400] =	vst v63  }
0x14f: {  	_ = 	snop  }
0x150: {  	[tilespmem:s14], [sflag:$0x3] =	stream.indirect.gather [hbm4b:s4+s18], $0x20, s2, s18, $0xb8;
	[tilespmem:$0x10400] =	vst v63  }
0x151: {  	_ =	swait.ge [sflag:s25], $0x4000  }
0x152: {  	[sflag:s25] =	ssyncset.done $0x0  }
0x153: {  	[sflag:s25] =	ssyncadd.s32 $0xFFFFC000  }
0x154: {  	_ =	swait.ge [sflag:s20], $0x4000  }
0x155: {  	s0 =	sld [smem:$0x7EB]  }
0x156: {  	[sflag:s20] =	ssyncset.done $0x0  }
0x157: {  	s1 =	sld [smem:$0x7EC];
	[sflag:s20] =	ssyncadd.s32 $0xFFFFC000  }
0x158: {  	[hbm4b:s0+s15] =	stream.strided.scatter [tilespmem:s10], [sflag:$0x6], $0x4000, s16, s15, $0x38;
	[tilespmem:$0x10400] =	vst v63  }
0x159: {  	_ = 	snop  }
0x15a: {  	[hbm4b:s1+s15] =	stream.strided.scatter [tilespmem:s11], [sflag:$0x6], $0x4000, s16, s15, $0x38;
	[tilespmem:$0x10400] =	vst v63  }
0x15b: {  	_ =	swait.ge [sflag:s9], $0x4000  }
0x15c: {  	[sflag:s9] =	ssyncset.done $0x0  }
0x15d: {  	[sflag:s9] =	ssyncadd.s32 $0xFFFFC000  }
0x15e: {  	_ =	swait.ge [sflag:s9], $0x4000  }
0x15f: {  	s1 =	sld [smem:$0x7ED]  }
0x160: {  	[sflag:s9] =	ssyncset.done $0x0  }
0x161: {  	[sflag:s9] =	ssyncadd.s32 $0xFFFFC000  }
0x162: {  	[tilespmem:s18], [sflag:$0x7] =	stream.linear.gather [hbm4b:s1+s2], $0x200, $0x38;
	[tilespmem:$0x10400] =	vst v63  }
0x163: {  	_ =	swait.ge [sflag:s22], $0x200  }
0x164: {  	[sflag:s22] =	ssyncset.done $0x0  }
0x165: {  	[sflag:s22] =	ssyncadd.s32 $0xFFFFFE00  }
0x166: {  	[tilespmem:s10], [sflag:$0x2] =	stream.indirect.gather [hbm4b:s3+s18], $0x20, s18, s18, $0xb8;
	[tilespmem:$0x10400] =	vst v63  }
0x167: {  	_ = 	snop  }
0x168: {  	[tilespmem:s11], [sflag:$0x4] =	stream.indirect.gather [hbm4b:s4+s18], $0x20, s18, s18, $0xb8;
	[tilespmem:$0x10400] =	vst v63  }
0x169: {  	_ =	swait.ge [sflag:s24], $0x4000  }
0x16a: {  	[sflag:s24] =	ssyncset.done $0x0  }
0x16b: {  	[sflag:s24] =	ssyncadd.s32 $0xFFFFC000  }
0x16c: {  	_ =	swait.ge [sflag:s19], $0x4000  }
0x16d: {  	s0 =	sld [smem:$0x7EE]  }
0x16e: {  	[sflag:s19] =	ssyncset.done $0x0  }
0x16f: {  	s1 =	sld [smem:$0x7EF];
	[sflag:s19] =	ssyncadd.s32 $0xFFFFC000  }
0x170: {  	[hbm4b:s0+s15] =	stream.strided.scatter [tilespmem:s13], [sflag:$0x5], $0x4000, s16, s15, $0x38;
	[tilespmem:$0x10400] =	vst v63  }
0x171: {  	_ = 	snop  }
0x172: {  	[hbm4b:s1+s15] =	stream.strided.scatter [tilespmem:s14], [sflag:$0x5], $0x4000, s16, s15, $0x38;
	[tilespmem:$0x10400] =	vst v63  }
0x173: {  	_ =	swait.ge [sflag:s12], $0x4000  }
0x174: {  	[sflag:s12] =	ssyncset.done $0x0  }
0x175: {  	[sflag:s12] =	ssyncadd.s32 $0xFFFFC000  }
0x176: {  	_ =	swait.ge [sflag:s12], $0x4000  }
0x177: {  	s1 =	sld [smem:$0x7F0]  }
0x178: {  	[sflag:s12] =	ssyncset.done $0x0  }
0x179: {  	[sflag:s12] =	ssyncadd.s32 $0xFFFFC000  }
0x17a: {  	[tilespmem:s2], [sflag:$0x7] =	stream.linear.gather [hbm4b:s1+s2], $0x200, $0x38;
	[tilespmem:$0x10400] =	vst v63  }
0x17b: {  	_ =	swait.ge [sflag:s22], $0x200  }
0x17c: {  	[sflag:s22] =	ssyncset.done $0x0  }
0x17d: {  	[sflag:s22] =	ssyncadd.s32 $0xFFFFFE00  }
0x17e: {  	[tilespmem:s13], [sflag:$0x1] =	stream.indirect.gather [hbm4b:s3+s18], $0x20, s2, s18, $0xb8;
	[tilespmem:$0x10400] =	vst v63  }
0x17f: {  	_ = 	snop  }
0x180: {  	[tilespmem:s14], [sflag:$0x3] =	stream.indirect.gather [hbm4b:s4+s18], $0x20, s2, s18, $0xb8;
	[tilespmem:$0x10400] =	vst v63  }
0x181: {  	_ =	swait.ge [sflag:s25], $0x4000  }
0x182: {  	[sflag:s25] =	ssyncset.done $0x0  }
0x183: {  	[sflag:s25] =	ssyncadd.s32 $0xFFFFC000  }
0x184: {  	_ =	swait.ge [sflag:s20], $0x4000  }
0x185: {  	s0 =	sld [smem:$0x7F1]  }
0x186: {  	[sflag:s20] =	ssyncset.done $0x0  }
0x187: {  	s1 =	sld [smem:$0x7F2];
	[sflag:s20] =	ssyncadd.s32 $0xFFFFC000  }
0x188: {  	[hbm4b:s0+s15] =	stream.strided.scatter [tilespmem:s10], [sflag:$0x6], $0x4000, s16, s15, $0x38;
	[tilespmem:$0x10400] =	vst v63  }
0x189: {  	_ = 	snop  }
0x18a: {  	[hbm4b:s1+s15] =	stream.strided.scatter [tilespmem:s11], [sflag:$0x6], $0x4000, s16, s15, $0x38;
	[tilespmem:$0x10400] =	vst v63  }
0x18b: {  	_ =	swait.ge [sflag:s9], $0x4000  }
0x18c: {  	[sflag:s9] =	ssyncset.done $0x0  }
0x18d: {  	[sflag:s9] =	ssyncadd.s32 $0xFFFFC000  }
0x18e: {  	_ =	swait.ge [sflag:s9], $0x4000  }
0x18f: {  	s1 =	sld [smem:$0x7F3]  }
0x190: {  	[sflag:s9] =	ssyncset.done $0x0  }
0x191: {  	[sflag:s9] =	ssyncadd.s32 $0xFFFFC000  }
0x192: {  	[tilespmem:s18], [sflag:$0x7] =	stream.linear.gather [hbm4b:s1+s2], $0x200, $0x38;
	[tilespmem:$0x10400] =	vst v63  }
0x193: {  	_ =	swait.ge [sflag:s22], $0x200  }
0x194: {  	[sflag:s22] =	ssyncset.done $0x0  }
0x195: {  	[sflag:s22] =	ssyncadd.s32 $0xFFFFFE00  }
0x196: {  	[tilespmem:s10], [sflag:$0x2] =	stream.indirect.gather [hbm4b:s3+s18], $0x20, s18, s18, $0xb8;
	[tilespmem:$0x10400] =	vst v63  }
0x197: {  	_ = 	snop  }
0x198: {  	[tilespmem:s11], [sflag:$0x4] =	stream.indirect.gather [hbm4b:s4+s18], $0x20, s18, s18, $0xb8;
	[tilespmem:$0x10400] =	vst v63  }
0x199: {  	_ =	swait.ge [sflag:s24], $0x4000  }
0x19a: {  	[sflag:s24] =	ssyncset.done $0x0  }
0x19b: {  	[sflag:s24] =	ssyncadd.s32 $0xFFFFC000  }
0x19c: {  	_ =	swait.ge [sflag:s19], $0x4000  }
0x19d: {  	s0 =	sld [smem:$0x7F4]  }
0x19e: {  	[sflag:s19] =	ssyncset.done $0x0  }
0x19f: {  	s1 =	sld [smem:$0x7F5];
	[sflag:s19] =	ssyncadd.s32 $0xFFFFC000  }
0x1a0: {  	[hbm4b:s0+s15] =	stream.strided.scatter [tilespmem:s13], [sflag:$0x5], $0x4000, s16, s15, $0x38;
	[tilespmem:$0x10400] =	vst v63  }
0x1a1: {  	_ = 	snop  }
0x1a2: {  	[hbm4b:s1+s15] =	stream.strided.scatter [tilespmem:s14], [sflag:$0x5], $0x4000, s16, s15, $0x38;
	[tilespmem:$0x10400] =	vst v63  }
0x1a3: {  	_ =	swait.ge [sflag:s12], $0x4000  }
0x1a4: {  	[sflag:s12] =	ssyncset.done $0x0  }
0x1a5: {  	[sflag:s12] =	ssyncadd.s32 $0xFFFFC000  }
0x1a6: {  	_ =	swait.ge [sflag:s12], $0x4000  }
0x1a7: {  	s1 =	sld [smem:$0x7F6]  }
0x1a8: {  	[sflag:s12] =	ssyncset.done $0x0  }
0x1a9: {  	[sflag:s12] =	ssyncadd.s32 $0xFFFFC000  }
0x1aa: {  	[tilespmem:s2], [sflag:$0x7] =	stream.linear.gather [hbm4b:s1+s2], $0x200, $0x38;
	[tilespmem:$0x10400] =	vst v63  }
0x1ab: {  	_ =	swait.ge [sflag:s22], $0x200  }
0x1ac: {  	[sflag:s22] =	ssyncset.done $0x0  }
0x1ad: {  	[sflag:s22] =	ssyncadd.s32 $0xFFFFFE00  }
0x1ae: {  	[tilespmem:s13], [sflag:$0x1] =	stream.indirect.gather [hbm4b:s3+s18], $0x20, s2, s18, $0xb8;
	[tilespmem:$0x10400] =	vst v63  }
0x1af: {  	_ = 	snop  }
0x1b0: {  	[tilespmem:s14], [sflag:$0x3] =	stream.indirect.gather [hbm4b:s4+s18], $0x20, s2, s18, $0xb8;
	[tilespmem:$0x10400] =	vst v63  }
0x1b1: {  	_ =	swait.ge [sflag:s25], $0x4000  }
0x1b2: {  	[sflag:s25] =	ssyncset.done $0x0  }
0x1b3: {  	[sflag:s25] =	ssyncadd.s32 $0xFFFFC000  }
0x1b4: {  	_ =	swait.ge [sflag:s20], $0x4000  }
0x1b5: {  	s0 =	sld [smem:$0x7F7]  }
0x1b6: {  	[sflag:s20] =	ssyncset.done $0x0  }
0x1b7: {  	s1 =	sld [smem:$0x7F8];
	[sflag:s20] =	ssyncadd.s32 $0xFFFFC000  }
0x1b8: {  	[hbm4b:s0+s15] =	stream.strided.scatter [tilespmem:s10], [sflag:$0x6], $0x4000, s16, s15, $0x38;
	[tilespmem:$0x10400] =	vst v63  }
0x1b9: {  	_ = 	snop  }
0x1ba: {  	[hbm4b:s1+s15] =	stream.strided.scatter [tilespmem:s11], [sflag:$0x6], $0x4000, s16, s15, $0x38;
	[tilespmem:$0x10400] =	vst v63  }
0x1bb: {  	_ =	swait.ge [sflag:s9], $0x4000  }
0x1bc: {  	[sflag:s9] =	ssyncset.done $0x0  }
0x1bd: {  	[sflag:s9] =	ssyncadd.s32 $0xFFFFC000  }
0x1be: {  	_ =	swait.ge [sflag:s9], $0x4000  }
0x1bf: {  	s1 =	sld [smem:$0x7F9]  }
0x1c0: {  	[sflag:s9] =	ssyncset.done $0x0  }
0x1c1: {  	[sflag:s9] =	ssyncadd.s32 $0xFFFFC000  }
0x1c2: {  	[tilespmem:s18], [sflag:$0x7] =	stream.linear.gather [hbm4b:s1+s2], $0x200, $0x38;
	[tilespmem:$0x10400] =	vst v63  }
0x1c3: {  	_ =	swait.ge [sflag:s22], $0x200  }
0x1c4: {  	[sflag:s22] =	ssyncset.done $0x0  }
0x1c5: {  	[sflag:s22] =	ssyncadd.s32 $0xFFFFFE00  }
0x1c6: {  	[tilespmem:s10], [sflag:$0x2] =	stream.indirect.gather [hbm4b:s3+s18], $0x20, s18, s18, $0xb8;
	[tilespmem:$0x10400] =	vst v63  }
0x1c7: {  	_ = 	snop  }
0x1c8: {  	[tilespmem:s11], [sflag:$0x4] =	stream.indirect.gather [hbm4b:s4+s18], $0x20, s18, s18, $0xb8;
	[tilespmem:$0x10400] =	vst v63  }
0x1c9: {  	_ =	swait.ge [sflag:s24], $0x4000  }
0x1ca: {  	[sflag:s24] =	ssyncset.done $0x0  }
0x1cb: {  	[sflag:s24] =	ssyncadd.s32 $0xFFFFC000  }
0x1cc: {  	_ =	swait.ge [sflag:s19], $0x4000  }
0x1cd: {  	s0 =	sld [smem:$0x7FA]  }
0x1ce: {  	[sflag:s19] =	ssyncset.done $0x0  }
0x1cf: {  	s1 =	sld [smem:$0x7FB];
	[sflag:s19] =	ssyncadd.s32 $0xFFFFC000  }
0x1d0: {  	[hbm4b:s0+s15] =	stream.strided.scatter [tilespmem:s13], [sflag:$0x5], $0x4000, s16, s15, $0x38;
	[tilespmem:$0x10400] =	vst v63  }
0x1d1: {  	_ = 	snop  }
0x1d2: {  	[hbm4b:s1+s15] =	stream.strided.scatter [tilespmem:s14], [sflag:$0x5], $0x4000, s16, s15, $0x38;
	[tilespmem:$0x10400] =	vst v63  }
0x1d3: {  	_ =	swait.ge [sflag:s12], $0x4000  }
0x1d4: {  	[sflag:s12] =	ssyncset.done $0x0  }
0x1d5: {  	[sflag:s12] =	ssyncadd.s32 $0xFFFFC000  }
0x1d6: {  	_ =	swait.ge [sflag:s12], $0x4000  }
0x1d7: {  	s1 =	sld [smem:$0x7FC]  }
0x1d8: {  	[sflag:s12] =	ssyncset.done $0x0  }
0x1d9: {  	[sflag:s12] =	ssyncadd.s32 $0xFFFFC000  }
0x1da: {  	[tilespmem:s2], [sflag:$0x7] =	stream.linear.gather [hbm4b:s1+s2], $0x200, $0x38;
	[tilespmem:$0x10400] =	vst v63  }
0x1db: {  	_ =	swait.ge [sflag:s22], $0x200  }
0x1dc: {  	[sflag:s22] =	ssyncset.done $0x0  }
0x1dd: {  	[sflag:s22] =	ssyncadd.s32 $0xFFFFFE00  }
0x1de: {  	[tilespmem:s13], [sflag:$0x1] =	stream.indirect.gather [hbm4b:s3+s18], $0x20, s2, s18, $0xb8;
	[tilespmem:$0x10400] =	vst v63  }
0x1df: {  	_ = 	snop  }
0x1e0: {  	[tilespmem:s14], [sflag:$0x3] =	stream.indirect.gather [hbm4b:s4+s18], $0x20, s2, s18, $0xb8;
	[tilespmem:$0x10400] =	vst v63  }
0x1e1: {  	_ =	swait.ge [sflag:s25], $0x4000  }
0x1e2: {  	[sflag:s25] =	ssyncset.done $0x0  }
0x1e3: {  	[sflag:s25] =	ssyncadd.s32 $0xFFFFC000  }
0x1e4: {  	_ =	swait.ge [sflag:s20], $0x4000  }
0x1e5: {  	s1 =	sld [smem:$0x7FD]  }
0x1e6: {  	[sflag:s20] =	ssyncset.done $0x0  }
0x1e7: {  	[sflag:s20] =	ssyncadd.s32 $0xFFFFC000  }
0x1e8: {  	[hbm4b:s1+s15] =	stream.strided.scatter [tilespmem:s10], [sflag:$0x6], $0x4000, s16, s15, $0x38;
	[tilespmem:$0x10400] =	vst v63  }
0x1e9: {  	_ = 	snop  }
0x1ea: {  	[hbm4b:s31+s15] =	stream.strided.scatter [tilespmem:s11], [sflag:$0x6], $0x4000, s16, s15, $0x38;
	[tilespmem:$0x10400] =	vst v63  }
0x1eb: {  	_ =	swait.ge [sflag:s9], $0x4000  }
0x1ec: {  	[sflag:s9] =	ssyncset.done $0x0  }
0x1ed: {  	[sflag:s9] =	ssyncadd.s32 $0xFFFFC000  }
0x1ee: {  	_ =	swait.ge [sflag:s9], $0x4000  }
0x1ef: {  	[sflag:s9] =	ssyncset.done $0x0  }
0x1f0: {  	[sflag:s9] =	ssyncadd.s32 $0xFFFFC000  }
0x1f1: {  	[tilespmem:s18], [sflag:$0x7] =	stream.linear.gather [hbm4b:s30+s2], $0x200, $0x38;
	[tilespmem:$0x10400] =	vst v63  }
0x1f2: {  	_ =	swait.ge [sflag:s22], $0x200  }
0x1f3: {  	[sflag:s22] =	ssyncset.done $0x0  }
0x1f4: {  	[sflag:s22] =	ssyncadd.s32 $0xFFFFFE00  }
0x1f5: {  	[tilespmem:s10], [sflag:$0x2] =	stream.indirect.gather [hbm4b:s3+s18], $0x20, s18, s18, $0xb8;
	[tilespmem:$0x10400] =	vst v63  }
0x1f6: {  	_ = 	snop  }
0x1f7: {  	[tilespmem:s11], [sflag:$0x4] =	stream.indirect.gather [hbm4b:s4+s18], $0x20, s18, s18, $0xb8;
	[tilespmem:$0x10400] =	vst v63  }
0x1f8: {  	_ =	swait.ge [sflag:s24], $0x4000  }
0x1f9: {  	[sflag:s24] =	ssyncset.done $0x0  }
0x1fa: {  	[sflag:s24] =	ssyncadd.s32 $0xFFFFC000  }
0x1fb: {  	_ =	swait.ge [sflag:s19], $0x4000  }
0x1fc: {  	[sflag:s19] =	ssyncset.done $0x0  }
0x1fd: {  	[sflag:s19] =	ssyncadd.s32 $0xFFFFC000  }
0x1fe: {  	[hbm4b:s28+s15] =	stream.strided.scatter [tilespmem:s13], [sflag:$0x5], $0x4000, s16, s15, $0x38;
	[tilespmem:$0x10400] =	vst v63  }
0x1ff: {  	_ = 	snop  }
0x200: {  	[hbm4b:s29+s15] =	stream.strided.scatter [tilespmem:s14], [sflag:$0x5], $0x4000, s16, s15, $0x38;
	[tilespmem:$0x10400] =	vst v63  }
0x201: {  	_ =	swait.ge [sflag:s12], $0x4000  }
0x202: {  	[sflag:s12] =	ssyncset.done $0x0  }
0x203: {  	[sflag:s12] =	ssyncadd.s32 $0xFFFFC000  }
0x204: {  	_ =	swait.ge [sflag:s12], $0x4000  }
0x205: {  	[sflag:s12] =	ssyncset.done $0x0  }
0x206: {  	[sflag:s12] =	ssyncadd.s32 $0xFFFFC000  }
0x207: {  	[tilespmem:s2], [sflag:$0x7] =	stream.linear.gather [hbm4b:s26+s2], $0x200, $0x38;
	[tilespmem:$0x10400] =	vst v63  }
0x208: {  	_ =	swait.ge [sflag:s22], $0x200  }
0x209: {  	[sflag:s22] =	ssyncset.done $0x0  }
0x20a: {  	[sflag:s22] =	ssyncadd.s32 $0xFFFFFE00  }
0x20b: {  	[tilespmem:s13], [sflag:$0x1] =	stream.indirect.gather [hbm4b:s3+s18], $0x20, s2, s18, $0xb8;
	[tilespmem:$0x10400] =	vst v63  }
0x20c: {  	_ = 	snop  }
0x20d: {  	[tilespmem:s14], [sflag:$0x3] =	stream.indirect.gather [hbm4b:s4+s18], $0x20, s2, s18, $0xb8;
	[tilespmem:$0x10400] =	vst v63  }
0x20e: {  	_ =	swait.ge [sflag:s25], $0x4000  }
0x20f: {  	[sflag:s25] =	ssyncset.done $0x0  }
0x210: {  	[sflag:s25] =	ssyncadd.s32 $0xFFFFC000  }
0x211: {  	_ =	swait.ge [sflag:s20], $0x4000  }
0x212: {  	[sflag:s20] =	ssyncset.done $0x0  }
0x213: {  	[sflag:s20] =	ssyncadd.s32 $0xFFFFC000  }
0x214: {  	[hbm4b:s21+s15] =	stream.strided.scatter [tilespmem:s10], [sflag:$0x6], $0x4000, s16, s15, $0x38;
	[tilespmem:$0x10400] =	vst v63  }
0x215: {  	_ = 	snop  }
0x216: {  	[hbm4b:s23+s15] =	stream.strided.scatter [tilespmem:s11], [sflag:$0x6], $0x4000, s16, s15, $0x38;
	[tilespmem:$0x10400] =	vst v63  }
0x217: {  	_ =	swait.ge [sflag:s9], $0x4000  }
0x218: {  	[sflag:s9] =	ssyncset.done $0x0  }
0x219: {  	[sflag:s9] =	ssyncadd.s32 $0xFFFFC000  }
0x21a: {  	_ =	swait.ge [sflag:s9], $0x4000  }
0x21b: {  	[sflag:s9] =	ssyncset.done $0x0  }
0x21c: {  	[sflag:s9] =	ssyncadd.s32 $0xFFFFC000  }
0x21d: {  	[tilespmem:s18], [sflag:$0x7] =	stream.linear.gather [hbm4b:s17+s2], $0x200, $0x38;
	[tilespmem:$0x10400] =	vst v63  }
0x21e: {  	_ =	swait.ge [sflag:s22], $0x200  }
0x21f: {  	[sflag:s22] =	ssyncset.done $0x0  }
0x220: {  	[sflag:s22] =	ssyncadd.s32 $0xFFFFFE00  }
0x221: {  	[tilespmem:s10], [sflag:$0x2] =	stream.indirect.gather [hbm4b:s3+s18], $0x20, s18, s18, $0xb8;
	[tilespmem:$0x10400] =	vst v63  }
0x222: {  	_ = 	snop  }
0x223: {  	[tilespmem:s11], [sflag:$0x4] =	stream.indirect.gather [hbm4b:s4+s18], $0x20, s18, s18, $0xb8;
	[tilespmem:$0x10400] =	vst v63  }
0x224: {  	_ =	swait.ge [sflag:s24], $0x4000  }
0x225: {  	[sflag:s24] =	ssyncset.done $0x0  }
0x226: {  	[sflag:s24] =	ssyncadd.s32 $0xFFFFC000  }
0x227: {  	_ =	swait.ge [sflag:s19], $0x4000  }
0x228: {  	[sflag:s19] =	ssyncset.done $0x0  }
0x229: {  	[sflag:s19] =	ssyncadd.s32 $0xFFFFC000  }
0x22a: {  	[hbm4b:s7+s15] =	stream.strided.scatter [tilespmem:s13], [sflag:$0x5], $0x4000, s16, s15, $0x38;
	[tilespmem:$0x10400] =	vst v63  }
0x22b: {  	_ = 	snop  }
0x22c: {  	[hbm4b:s8+s15] =	stream.strided.scatter [tilespmem:s14], [sflag:$0x5], $0x4000, s16, s15, $0x38;
	[tilespmem:$0x10400] =	vst v63  }
0x22d: {  	_ =	swait.ge [sflag:s25], $0x4000  }
0x22e: {  	[sflag:s25] =	ssyncset.done $0x0  }
0x22f: {  	[sflag:s25] =	ssyncadd.s32 $0xFFFFC000  }
0x230: {  	_ =	swait.ge [sflag:s20], $0x4000  }
0x231: {  	[sflag:s20] =	ssyncset.done $0x0  }
0x232: {  	[sflag:s20] =	ssyncadd.s32 $0xFFFFC000  }
0x233: {  	[hbm4b:s5+s15] =	stream.strided.scatter [tilespmem:s10], [sflag:$0x6], $0x4000, s16, s15, $0x38;
	[tilespmem:$0x10400] =	vst v63  }
0x234: {  	_ = 	snop  }
0x235: {  	[hbm4b:s6+s15] =	stream.strided.scatter [tilespmem:s11], [sflag:$0x6], $0x4000, s16, s15, $0x38;
	[tilespmem:$0x10400] =	vst v63  }
0x236: {  	_ =	swait.ge [sflag:s12], $0x4000  }
0x237: {  	[sflag:s12] =	ssyncset.done $0x0  }
0x238: {  	[sflag:s12] =	ssyncadd.s32 $0xFFFFC000  }
0x239: {  	_ =	swait.ge [sflag:s12], $0x4000  }
0x23a: {  	[sflag:s12] =	ssyncset.done $0x0  }
0x23b: {  	[sflag:s12] =	ssyncadd.s32 $0xFFFFC000  }
0x23c: {  	_ =	swait.ge [sflag:s9], $0x4000  }
0x23d: {  	s1 =	sld [smem:$0x7E3];
	_ =	sdelay $0x2  }
0x23e: {  	p1 =	sne.s32 s1, $0x1  }
.Ltmp1:
0x23f: {  	[sflag:s9] =	ssyncset.done $0x0;
	(pc) =	sbr.rel @!p1 .LBB2_3-.Ltmp1, $4  }
0x240: {  	[sflag:s9] =	ssyncadd.s32 $0xFFFFC000  }
0x241: {  	_ =	swait.ge [sflag:s9], $0x4000  }
0x242: {  	p0 =	por $0x1, $0x1;
	s0 =	rddreg [dreg:$0x3]  }
0x243: {  	s1 =	sadd.s32 $0xFFFFFFFF, s1;
	[sflag:s9] =	ssyncset.done $0x0;
	[smem:$0x7E4] =	sst s31  }
.LBB2_2:
0x244: {  	[sflag:s9] =	ssyncadd.s32 $0xFFFFC000  }
0x245: {  	[tilespmem:s2], [sflag:$0x7] =	stream.linear.gather [hbm4b:s0+s2], $0x200, $0x38;
	[tilespmem:$0x10400] =	vst v63  }
0x246: {  	_ =	swait.ge [sflag:s22], $0x200  }
0x247: {  	[sflag:s22] =	ssyncset.done $0x0  }
0x248: {  	[sflag:s22] =	ssyncadd.s32 $0xFFFFFE00  }
0x249: {  	[tilespmem:s13], [sflag:$0x1] =	stream.indirect.gather [hbm4b:s3+s18], $0x20, s2, s18, $0xb8;
	[tilespmem:$0x10400] =	vst v63  }
0x24a: {  	_ = 	snop  }
0x24b: {  	[tilespmem:s14], [sflag:$0x3] =	stream.indirect.gather [hbm4b:s4+s18], $0x20, s2, s18, $0xb8;
	[tilespmem:$0x10400] =	vst v63  }
0x24c: {  	s0 =	rddreg [dreg:$0x4]  }
0x24d: {  	[tilespmem:s18], [sflag:$0x7] =	stream.linear.gather [hbm4b:s0+s2], $0x200, $0x38;
	[tilespmem:$0x10400] =	vst v63  }
0x24e: {  	_ =	swait.ge [sflag:s22], $0x200  }
0x24f: {  	[sflag:s22] =	ssyncset.done $0x0  }
0x250: {  	[sflag:s22] =	ssyncadd.s32 $0xFFFFFE00  }
0x251: {  	[tilespmem:s10], [sflag:$0x2] =	stream.indirect.gather [hbm4b:s3+s18], $0x20, s18, s18, $0xb8;
	[tilespmem:$0x10400] =	vst v63  }
0x252: {  	_ = 	snop  }
0x253: {  	[tilespmem:s11], [sflag:$0x4] =	stream.indirect.gather [hbm4b:s4+s18], $0x20, s18, s18, $0xb8;
	[tilespmem:$0x10400] =	vst v63  }
0x254: {  	_ =	swait.ge [sflag:s24], $0x4000  }
0x255: {  	s31 =	smov.u32 s30;
	s30 =	smov.u32 s29;
	[sflag:s24] =	ssyncset.done $0x0  }
0x256: {  	s29 =	smov.u32 s28;
	s28 =	smov.u32 s26;
	[sflag:s24] =	ssyncadd.s32 $0xFFFFC000  }
0x257: {  	s26 =	smov.u32 s23;
	s23 =	smov.u32 s21;
	_ =	swait.ge [sflag:s19], $0x4000  }
0x258: {  	s21 =	smov.u32 s17;
	s17 =	smov.u32 s8;
	[sflag:s19] =	ssyncset.done $0x0  }
0x259: {  	s8 =	smov.u32 s7;
	s0 =	rddreg [dreg:$0x5];
	[sflag:s19] =	ssyncadd.s32 $0xFFFFC000  }
0x25a: {  	[hbm4b:s0+s15] =	stream.strided.scatter [tilespmem:s13], [sflag:$0x5], $0x4000, s16, s15, $0x38;
	[tilespmem:$0x10400] =	vst v63  }
0x25b: {  	s7 =	smov.u32 s6;
	s6 =	smov.u32 s5;
	s5 =	rddreg [dreg:$0x6]  }
0x25c: {  	[hbm4b:s5+s15] =	stream.strided.scatter [tilespmem:s14], [sflag:$0x5], $0x4000, s16, s15, $0x38;
	[tilespmem:$0x10400] =	vst v63  }
0x25d: {  	_ =	swait.ge [sflag:s12], $0x4000  }
0x25e: {  	[sflag:s12] =	ssyncset.done $0x0  }
0x25f: {  	[sflag:s12] =	ssyncadd.s32 $0xFFFFC000  }
0x260: {  	_ =	swait.ge [sflag:s12], $0x4000  }
0x261: {  	[sflag:s12] =	ssyncset.done $0x0  }
0x262: {  	s5 =	rddreg [dreg:$0x7];
	[sflag:s12] =	ssyncadd.s32 $0xFFFFC000  }
0x263: {  	[tilespmem:s2], [sflag:$0x7] =	stream.linear.gather [hbm4b:s5+s2], $0x200, $0x38;
	[tilespmem:$0x10400] =	vst v63  }
0x264: {  	_ =	swait.ge [sflag:s22], $0x200  }
0x265: {  	[sflag:s22] =	ssyncset.done $0x0  }
0x266: {  	[sflag:s22] =	ssyncadd.s32 $0xFFFFFE00  }
0x267: {  	[tilespmem:s13], [sflag:$0x1] =	stream.indirect.gather [hbm4b:s3+s18], $0x20, s2, s18, $0xb8;
	[tilespmem:$0x10400] =	vst v63  }
0x268: {  	_ = 	snop  }
0x269: {  	[tilespmem:s14], [sflag:$0x3] =	stream.indirect.gather [hbm4b:s4+s18], $0x20, s2, s18, $0xb8;
	[tilespmem:$0x10400] =	vst v63  }
0x26a: {  	_ =	swait.ge [sflag:s25], $0x4000  }
0x26b: {  	[sflag:s25] =	ssyncset.done $0x0  }
0x26c: {  	[sflag:s25] =	ssyncadd.s32 $0xFFFFC000  }
0x26d: {  	_ =	swait.ge [sflag:s20], $0x4000  }
0x26e: {  	[sflag:s20] =	ssyncset.done $0x0  }
0x26f: {  	s0 =	rddreg [dreg:$0x8];
	[sflag:s20] =	ssyncadd.s32 $0xFFFFC000  }
0x270: {  	[hbm4b:s0+s15] =	stream.strided.scatter [tilespmem:s10], [sflag:$0x6], $0x4000, s16, s15, $0x38;
	[tilespmem:$0x10400] =	vst v63  }
0x271: {  	s5 =	rddreg [dreg:$0x9]  }
0x272: {  	[hbm4b:s5+s15] =	stream.strided.scatter [tilespmem:s11], [sflag:$0x6], $0x4000, s16, s15, $0x38;
	[tilespmem:$0x10400] =	vst v63  }
0x273: {  	_ =	swait.ge [sflag:s9], $0x4000  }
0x274: {  	[sflag:s9] =	ssyncset.done $0x0  }
0x275: {  	[sflag:s9] =	ssyncadd.s32 $0xFFFFC000  }
0x276: {  	_ =	swait.ge [sflag:s9], $0x4000  }
0x277: {  	[sflag:s9] =	ssyncset.done $0x0  }
0x278: {  	s5 =	rddreg [dreg:$0xa];
	[sflag:s9] =	ssyncadd.s32 $0xFFFFC000  }
0x279: {  	[tilespmem:s18], [sflag:$0x7] =	stream.linear.gather [hbm4b:s5+s2], $0x200, $0x38;
	[tilespmem:$0x10400] =	vst v63  }
0x27a: {  	_ =	swait.ge [sflag:s22], $0x200  }
0x27b: {  	[sflag:s22] =	ssyncset.done $0x0  }
0x27c: {  	[sflag:s22] =	ssyncadd.s32 $0xFFFFFE00  }
0x27d: {  	[tilespmem:s10], [sflag:$0x2] =	stream.indirect.gather [hbm4b:s3+s18], $0x20, s18, s18, $0xb8;
	[tilespmem:$0x10400] =	vst v63  }
0x27e: {  	_ = 	snop  }
0x27f: {  	[tilespmem:s11], [sflag:$0x4] =	stream.indirect.gather [hbm4b:s4+s18], $0x20, s18, s18, $0xb8;
	[tilespmem:$0x10400] =	vst v63  }
0x280: {  	_ =	swait.ge [sflag:s24], $0x4000  }
0x281: {  	[sflag:s24] =	ssyncset.done $0x0  }
0x282: {  	[sflag:s24] =	ssyncadd.s32 $0xFFFFC000  }
0x283: {  	_ =	swait.ge [sflag:s19], $0x4000  }
0x284: {  	[sflag:s19] =	ssyncset.done $0x0  }
0x285: {  	s0 =	rddreg [dreg:$0xb];
	[sflag:s19] =	ssyncadd.s32 $0xFFFFC000  }
0x286: {  	[hbm4b:s0+s15] =	stream.strided.scatter [tilespmem:s13], [sflag:$0x5], $0x4000, s16, s15, $0x38;
	[tilespmem:$0x10400] =	vst v63  }
0x287: {  	s5 =	rddreg [dreg:$0xc]  }
0x288: {  	[hbm4b:s5+s15] =	stream.strided.scatter [tilespmem:s14], [sflag:$0x5], $0x4000, s16, s15, $0x38;
	[tilespmem:$0x10400] =	vst v63  }
0x289: {  	_ =	swait.ge [sflag:s12], $0x4000  }
0x28a: {  	[sflag:s12] =	ssyncset.done $0x0  }
0x28b: {  	[sflag:s12] =	ssyncadd.s32 $0xFFFFC000  }
0x28c: {  	_ =	swait.ge [sflag:s12], $0x4000  }
0x28d: {  	[sflag:s12] =	ssyncset.done $0x0  }
0x28e: {  	s5 =	rddreg [dreg:$0xd];
	[sflag:s12] =	ssyncadd.s32 $0xFFFFC000  }
0x28f: {  	[tilespmem:s2], [sflag:$0x7] =	stream.linear.gather [hbm4b:s5+s2], $0x200, $0x38;
	[tilespmem:$0x10400] =	vst v63  }
0x290: {  	_ =	swait.ge [sflag:s22], $0x200  }
0x291: {  	[sflag:s22] =	ssyncset.done $0x0  }
0x292: {  	[sflag:s22] =	ssyncadd.s32 $0xFFFFFE00  }
0x293: {  	[tilespmem:s13], [sflag:$0x1] =	stream.indirect.gather [hbm4b:s3+s18], $0x20, s2, s18, $0xb8;
	[tilespmem:$0x10400] =	vst v63  }
0x294: {  	_ = 	snop  }
0x295: {  	[tilespmem:s14], [sflag:$0x3] =	stream.indirect.gather [hbm4b:s4+s18], $0x20, s2, s18, $0xb8;
	[tilespmem:$0x10400] =	vst v63  }
0x296: {  	_ =	swait.ge [sflag:s25], $0x4000  }
0x297: {  	[sflag:s25] =	ssyncset.done $0x0  }
0x298: {  	[sflag:s25] =	ssyncadd.s32 $0xFFFFC000  }
0x299: {  	_ =	swait.ge [sflag:s20], $0x4000  }
0x29a: {  	[sflag:s20] =	ssyncset.done $0x0  }
0x29b: {  	s0 =	rddreg [dreg:$0xe];
	[sflag:s20] =	ssyncadd.s32 $0xFFFFC000  }
0x29c: {  	[hbm4b:s0+s15] =	stream.strided.scatter [tilespmem:s10], [sflag:$0x6], $0x4000, s16, s15, $0x38;
	[tilespmem:$0x10400] =	vst v63  }
0x29d: {  	s5 =	rddreg [dreg:$0xf]  }
0x29e: {  	[hbm4b:s5+s15] =	stream.strided.scatter [tilespmem:s11], [sflag:$0x6], $0x4000, s16, s15, $0x38;
	[tilespmem:$0x10400] =	vst v63  }
0x29f: {  	_ =	swait.ge [sflag:s9], $0x4000  }
0x2a0: {  	[sflag:s9] =	ssyncset.done $0x0  }
0x2a1: {  	[sflag:s9] =	ssyncadd.s32 $0xFFFFC000  }
0x2a2: {  	_ =	swait.ge [sflag:s9], $0x4000  }
0x2a3: {  	[sflag:s9] =	ssyncset.done $0x0  }
0x2a4: {  	s5 =	rddreg [dreg:$0x10];
	[sflag:s9] =	ssyncadd.s32 $0xFFFFC000  }
0x2a5: {  	[tilespmem:s18], [sflag:$0x7] =	stream.linear.gather [hbm4b:s5+s2], $0x200, $0x38;
	[tilespmem:$0x10400] =	vst v63  }
0x2a6: {  	_ =	swait.ge [sflag:s22], $0x200  }
0x2a7: {  	[sflag:s22] =	ssyncset.done $0x0  }
0x2a8: {  	[sflag:s22] =	ssyncadd.s32 $0xFFFFFE00  }
0x2a9: {  	[tilespmem:s10], [sflag:$0x2] =	stream.indirect.gather [hbm4b:s3+s18], $0x20, s18, s18, $0xb8;
	[tilespmem:$0x10400] =	vst v63  }
0x2aa: {  	_ = 	snop  }
0x2ab: {  	[tilespmem:s11], [sflag:$0x4] =	stream.indirect.gather [hbm4b:s4+s18], $0x20, s18, s18, $0xb8;
	[tilespmem:$0x10400] =	vst v63  }
0x2ac: {  	_ =	swait.ge [sflag:s24], $0x4000  }
0x2ad: {  	[sflag:s24] =	ssyncset.done $0x0  }
0x2ae: {  	[sflag:s24] =	ssyncadd.s32 $0xFFFFC000  }
0x2af: {  	_ =	swait.ge [sflag:s19], $0x4000  }
0x2b0: {  	[sflag:s19] =	ssyncset.done $0x0  }
0x2b1: {  	s0 =	rddreg [dreg:$0x11];
	[sflag:s19] =	ssyncadd.s32 $0xFFFFC000  }
0x2b2: {  	[hbm4b:s0+s15] =	stream.strided.scatter [tilespmem:s13], [sflag:$0x5], $0x4000, s16, s15, $0x38;
	[tilespmem:$0x10400] =	vst v63  }
0x2b3: {  	s5 =	rddreg [dreg:$0x12]  }
0x2b4: {  	[hbm4b:s5+s15] =	stream.strided.scatter [tilespmem:s14], [sflag:$0x5], $0x4000, s16, s15, $0x38;
	[tilespmem:$0x10400] =	vst v63  }
0x2b5: {  	_ =	swait.ge [sflag:s12], $0x4000  }
0x2b6: {  	[sflag:s12] =	ssyncset.done $0x0  }
0x2b7: {  	[sflag:s12] =	ssyncadd.s32 $0xFFFFC000  }
0x2b8: {  	_ =	swait.ge [sflag:s12], $0x4000  }
0x2b9: {  	[sflag:s12] =	ssyncset.done $0x0  }
0x2ba: {  	s5 =	rddreg [dreg:$0x13];
	[sflag:s12] =	ssyncadd.s32 $0xFFFFC000  }
0x2bb: {  	[tilespmem:s2], [sflag:$0x7] =	stream.linear.gather [hbm4b:s5+s2], $0x200, $0x38;
	[tilespmem:$0x10400] =	vst v63  }
0x2bc: {  	_ =	swait.ge [sflag:s22], $0x200  }
0x2bd: {  	[sflag:s22] =	ssyncset.done $0x0  }
0x2be: {  	[sflag:s22] =	ssyncadd.s32 $0xFFFFFE00  }
0x2bf: {  	[tilespmem:s13], [sflag:$0x1] =	stream.indirect.gather [hbm4b:s3+s18], $0x20, s2, s18, $0xb8;
	[tilespmem:$0x10400] =	vst v63  }
0x2c0: {  	_ = 	snop  }
0x2c1: {  	[tilespmem:s14], [sflag:$0x3] =	stream.indirect.gather [hbm4b:s4+s18], $0x20, s2, s18, $0xb8;
	[tilespmem:$0x10400] =	vst v63  }
0x2c2: {  	_ =	swait.ge [sflag:s25], $0x4000  }
0x2c3: {  	[sflag:s25] =	ssyncset.done $0x0  }
0x2c4: {  	[sflag:s25] =	ssyncadd.s32 $0xFFFFC000  }
0x2c5: {  	_ =	swait.ge [sflag:s20], $0x4000  }
0x2c6: {  	[sflag:s20] =	ssyncset.done $0x0  }
0x2c7: {  	s0 =	rddreg [dreg:$0x14];
	[sflag:s20] =	ssyncadd.s32 $0xFFFFC000  }
0x2c8: {  	[hbm4b:s0+s15] =	stream.strided.scatter [tilespmem:s10], [sflag:$0x6], $0x4000, s16, s15, $0x38;
	[tilespmem:$0x10400] =	vst v63  }
0x2c9: {  	s5 =	rddreg [dreg:$0x15]  }
0x2ca: {  	[hbm4b:s5+s15] =	stream.strided.scatter [tilespmem:s11], [sflag:$0x6], $0x4000, s16, s15, $0x38;
	[tilespmem:$0x10400] =	vst v63  }
0x2cb: {  	_ =	swait.ge [sflag:s9], $0x4000  }
0x2cc: {  	[sflag:s9] =	ssyncset.done $0x0  }
0x2cd: {  	[sflag:s9] =	ssyncadd.s32 $0xFFFFC000  }
0x2ce: {  	_ =	swait.ge [sflag:s9], $0x4000  }
0x2cf: {  	[sflag:s9] =	ssyncset.done $0x0  }
0x2d0: {  	s5 =	rddreg [dreg:$0x16];
	[sflag:s9] =	ssyncadd.s32 $0xFFFFC000  }
0x2d1: {  	[tilespmem:s18], [sflag:$0x7] =	stream.linear.gather [hbm4b:s5+s2], $0x200, $0x38;
	[tilespmem:$0x10400] =	vst v63  }
0x2d2: {  	_ =	swait.ge [sflag:s22], $0x200  }
0x2d3: {  	[sflag:s22] =	ssyncset.done $0x0  }
0x2d4: {  	[sflag:s22] =	ssyncadd.s32 $0xFFFFFE00  }
0x2d5: {  	[tilespmem:s10], [sflag:$0x2] =	stream.indirect.gather [hbm4b:s3+s18], $0x20, s18, s18, $0xb8;
	[tilespmem:$0x10400] =	vst v63  }
0x2d6: {  	_ = 	snop  }
0x2d7: {  	[tilespmem:s11], [sflag:$0x4] =	stream.indirect.gather [hbm4b:s4+s18], $0x20, s18, s18, $0xb8;
	[tilespmem:$0x10400] =	vst v63  }
0x2d8: {  	_ =	swait.ge [sflag:s24], $0x4000  }
0x2d9: {  	[sflag:s24] =	ssyncset.done $0x0  }
0x2da: {  	[sflag:s24] =	ssyncadd.s32 $0xFFFFC000  }
0x2db: {  	_ =	swait.ge [sflag:s19], $0x4000  }
0x2dc: {  	[sflag:s19] =	ssyncset.done $0x0  }
0x2dd: {  	s0 =	rddreg [dreg:$0x17];
	[sflag:s19] =	ssyncadd.s32 $0xFFFFC000  }
0x2de: {  	[hbm4b:s0+s15] =	stream.strided.scatter [tilespmem:s13], [sflag:$0x5], $0x4000, s16, s15, $0x38;
	[tilespmem:$0x10400] =	vst v63  }
0x2df: {  	s5 =	rddreg [dreg:$0x18]  }
0x2e0: {  	[hbm4b:s5+s15] =	stream.strided.scatter [tilespmem:s14], [sflag:$0x5], $0x4000, s16, s15, $0x38;
	[tilespmem:$0x10400] =	vst v63  }
0x2e1: {  	_ =	swait.ge [sflag:s12], $0x4000  }
0x2e2: {  	[sflag:s12] =	ssyncset.done $0x0  }
0x2e3: {  	[sflag:s12] =	ssyncadd.s32 $0xFFFFC000  }
0x2e4: {  	_ =	swait.ge [sflag:s12], $0x4000  }
0x2e5: {  	[sflag:s12] =	ssyncset.done $0x0  }
0x2e6: {  	s5 =	rddreg [dreg:$0x19];
	[sflag:s12] =	ssyncadd.s32 $0xFFFFC000  }
0x2e7: {  	[tilespmem:s2], [sflag:$0x7] =	stream.linear.gather [hbm4b:s5+s2], $0x200, $0x38;
	[tilespmem:$0x10400] =	vst v63  }
0x2e8: {  	_ =	swait.ge [sflag:s22], $0x200  }
0x2e9: {  	[sflag:s22] =	ssyncset.done $0x0  }
0x2ea: {  	[sflag:s22] =	ssyncadd.s32 $0xFFFFFE00  }
0x2eb: {  	[tilespmem:s13], [sflag:$0x1] =	stream.indirect.gather [hbm4b:s3+s18], $0x20, s2, s18, $0xb8;
	[tilespmem:$0x10400] =	vst v63  }
0x2ec: {  	_ = 	snop  }
0x2ed: {  	[tilespmem:s14], [sflag:$0x3] =	stream.indirect.gather [hbm4b:s4+s18], $0x20, s2, s18, $0xb8;
	[tilespmem:$0x10400] =	vst v63  }
0x2ee: {  	_ =	swait.ge [sflag:s25], $0x4000  }
0x2ef: {  	[sflag:s25] =	ssyncset.done $0x0  }
0x2f0: {  	[sflag:s25] =	ssyncadd.s32 $0xFFFFC000  }
0x2f1: {  	_ =	swait.ge [sflag:s20], $0x4000  }
0x2f2: {  	[sflag:s20] =	ssyncset.done $0x0  }
0x2f3: {  	s0 =	rddreg [dreg:$0x1a];
	[sflag:s20] =	ssyncadd.s32 $0xFFFFC000  }
0x2f4: {  	[hbm4b:s0+s15] =	stream.strided.scatter [tilespmem:s10], [sflag:$0x6], $0x4000, s16, s15, $0x38;
	[tilespmem:$0x10400] =	vst v63  }
0x2f5: {  	s5 =	rddreg [dreg:$0x1b]  }
0x2f6: {  	[hbm4b:s5+s15] =	stream.strided.scatter [tilespmem:s11], [sflag:$0x6], $0x4000, s16, s15, $0x38;
	[tilespmem:$0x10400] =	vst v63  }
0x2f7: {  	_ =	swait.ge [sflag:s9], $0x4000  }
0x2f8: {  	[sflag:s9] =	ssyncset.done $0x0  }
0x2f9: {  	[sflag:s9] =	ssyncadd.s32 $0xFFFFC000  }
0x2fa: {  	_ =	swait.ge [sflag:s9], $0x4000  }
0x2fb: {  	[sflag:s9] =	ssyncset.done $0x0  }
0x2fc: {  	s5 =	rddreg [dreg:$0x1c];
	[sflag:s9] =	ssyncadd.s32 $0xFFFFC000  }
0x2fd: {  	[tilespmem:s18], [sflag:$0x7] =	stream.linear.gather [hbm4b:s5+s2], $0x200, $0x38;
	[tilespmem:$0x10400] =	vst v63  }
0x2fe: {  	_ =	swait.ge [sflag:s22], $0x200  }
0x2ff: {  	[sflag:s22] =	ssyncset.done $0x0  }
0x300: {  	[sflag:s22] =	ssyncadd.s32 $0xFFFFFE00  }
0x301: {  	[tilespmem:s10], [sflag:$0x2] =	stream.indirect.gather [hbm4b:s3+s18], $0x20, s18, s18, $0xb8;
	[tilespmem:$0x10400] =	vst v63  }
0x302: {  	_ = 	snop  }
0x303: {  	[tilespmem:s11], [sflag:$0x4] =	stream.indirect.gather [hbm4b:s4+s18], $0x20, s18, s18, $0xb8;
	[tilespmem:$0x10400] =	vst v63  }
0x304: {  	_ =	swait.ge [sflag:s24], $0x4000  }
0x305: {  	[sflag:s24] =	ssyncset.done $0x0  }
0x306: {  	[sflag:s24] =	ssyncadd.s32 $0xFFFFC000  }
0x307: {  	_ =	swait.ge [sflag:s19], $0x4000  }
0x308: {  	[sflag:s19] =	ssyncset.done $0x0  }
0x309: {  	s0 =	rddreg [dreg:$0x1d];
	[sflag:s19] =	ssyncadd.s32 $0xFFFFC000  }
0x30a: {  	[hbm4b:s0+s15] =	stream.strided.scatter [tilespmem:s13], [sflag:$0x5], $0x4000, s16, s15, $0x38;
	[tilespmem:$0x10400] =	vst v63  }
0x30b: {  	s5 =	rddreg [dreg:$0x1e]  }
0x30c: {  	[hbm4b:s5+s15] =	stream.strided.scatter [tilespmem:s14], [sflag:$0x5], $0x4000, s16, s15, $0x38;
	[tilespmem:$0x10400] =	vst v63  }
0x30d: {  	_ =	swait.ge [sflag:s12], $0x4000  }
0x30e: {  	[sflag:s12] =	ssyncset.done $0x0  }
0x30f: {  	[sflag:s12] =	ssyncadd.s32 $0xFFFFC000  }
0x310: {  	_ =	swait.ge [sflag:s12], $0x4000  }
0x311: {  	[sflag:s12] =	ssyncset.done $0x0  }
0x312: {  	s5 =	rddreg [dreg:$0x1f];
	[sflag:s12] =	ssyncadd.s32 $0xFFFFC000  }
0x313: {  	[tilespmem:s2], [sflag:$0x7] =	stream.linear.gather [hbm4b:s5+s2], $0x200, $0x38;
	[tilespmem:$0x10400] =	vst v63  }
0x314: {  	_ =	swait.ge [sflag:s22], $0x200  }
0x315: {  	[sflag:s22] =	ssyncset.done $0x0  }
0x316: {  	[sflag:s22] =	ssyncadd.s32 $0xFFFFFE00  }
0x317: {  	[tilespmem:s13], [sflag:$0x1] =	stream.indirect.gather [hbm4b:s3+s18], $0x20, s2, s18, $0xb8;
	[tilespmem:$0x10400] =	vst v63  }
0x318: {  	_ = 	snop  }
0x319: {  	[tilespmem:s14], [sflag:$0x3] =	stream.indirect.gather [hbm4b:s4+s18], $0x20, s2, s18, $0xb8;
	[tilespmem:$0x10400] =	vst v63  }
0x31a: {  	_ =	swait.ge [sflag:s25], $0x4000  }
0x31b: {  	[sflag:s25] =	ssyncset.done $0x0  }
0x31c: {  	[sflag:s25] =	ssyncadd.s32 $0xFFFFC000  }
0x31d: {  	_ =	swait.ge [sflag:s20], $0x4000  }
0x31e: {  	s0 =	sld [smem:$0x7E5]  }
0x31f: {  	[sflag:s20] =	ssyncset.done $0x0  }
0x320: {  	s5 =	sld [smem:$0x7E6];
	[sflag:s20] =	ssyncadd.s32 $0xFFFFC000  }
0x321: {  	[hbm4b:s0+s15] =	stream.strided.scatter [tilespmem:s10], [sflag:$0x6], $0x4000, s16, s15, $0x38;
	[tilespmem:$0x10400] =	vst v63  }
0x322: {  	_ = 	snop  }
0x323: {  	[hbm4b:s5+s15] =	stream.strided.scatter [tilespmem:s11], [sflag:$0x6], $0x4000, s16, s15, $0x38;
	[tilespmem:$0x10400] =	vst v63  }
0x324: {  	_ =	swait.ge [sflag:s9], $0x4000  }
0x325: {  	[sflag:s9] =	ssyncset.done $0x0  }
0x326: {  	[sflag:s9] =	ssyncadd.s32 $0xFFFFC000  }
0x327: {  	_ =	swait.ge [sflag:s9], $0x4000  }
0x328: {  	s5 =	sld [smem:$0x7E7]  }
0x329: {  	[sflag:s9] =	ssyncset.done $0x0  }
0x32a: {  	[sflag:s9] =	ssyncadd.s32 $0xFFFFC000  }
0x32b: {  	[tilespmem:s18], [sflag:$0x7] =	stream.linear.gather [hbm4b:s5+s2], $0x200, $0x38;
	[tilespmem:$0x10400] =	vst v63  }
0x32c: {  	_ =	swait.ge [sflag:s22], $0x200  }
0x32d: {  	[sflag:s22] =	ssyncset.done $0x0  }
0x32e: {  	[sflag:s22] =	ssyncadd.s32 $0xFFFFFE00  }
0x32f: {  	[tilespmem:s10], [sflag:$0x2] =	stream.indirect.gather [hbm4b:s3+s18], $0x20, s18, s18, $0xb8;
	[tilespmem:$0x10400] =	vst v63  }
0x330: {  	_ = 	snop  }
0x331: {  	[tilespmem:s11], [sflag:$0x4] =	stream.indirect.gather [hbm4b:s4+s18], $0x20, s18, s18, $0xb8;
	[tilespmem:$0x10400] =	vst v63  }
0x332: {  	_ =	swait.ge [sflag:s24], $0x4000  }
0x333: {  	[sflag:s24] =	ssyncset.done $0x0  }
0x334: {  	[sflag:s24] =	ssyncadd.s32 $0xFFFFC000  }
0x335: {  	_ =	swait.ge [sflag:s19], $0x4000  }
0x336: {  	s0 =	sld [smem:$0x7E8]  }
0x337: {  	[sflag:s19] =	ssyncset.done $0x0  }
0x338: {  	s5 =	sld [smem:$0x7E9];
	[sflag:s19] =	ssyncadd.s32 $0xFFFFC000  }
0x339: {  	[hbm4b:s0+s15] =	stream.strided.scatter [tilespmem:s13], [sflag:$0x5], $0x4000, s16, s15, $0x38;
	[tilespmem:$0x10400] =	vst v63  }
0x33a: {  	_ = 	snop  }
0x33b: {  	[hbm4b:s5+s15] =	stream.strided.scatter [tilespmem:s14], [sflag:$0x5], $0x4000, s16, s15, $0x38;
	[tilespmem:$0x10400] =	vst v63  }
0x33c: {  	_ =	swait.ge [sflag:s12], $0x4000  }
0x33d: {  	[sflag:s12] =	ssyncset.done $0x0  }
0x33e: {  	[sflag:s12] =	ssyncadd.s32 $0xFFFFC000  }
0x33f: {  	_ =	swait.ge [sflag:s12], $0x4000  }
0x340: {  	s5 =	sld [smem:$0x7EA]  }
0x341: {  	[sflag:s12] =	ssyncset.done $0x0  }
0x342: {  	[sflag:s12] =	ssyncadd.s32 $0xFFFFC000  }
0x343: {  	[tilespmem:s2], [sflag:$0x7] =	stream.linear.gather [hbm4b:s5+s2], $0x200, $0x38;
	[tilespmem:$0x10400] =	vst v63  }
0x344: {  	_ =	swait.ge [sflag:s22], $0x200  }
0x345: {  	[sflag:s22] =	ssyncset.done $0x0  }
0x346: {  	[sflag:s22] =	ssyncadd.s32 $0xFFFFFE00  }
0x347: {  	[tilespmem:s13], [sflag:$0x1] =	stream.indirect.gather [hbm4b:s3+s18], $0x20, s2, s18, $0xb8;
	[tilespmem:$0x10400] =	vst v63  }
0x348: {  	_ = 	snop  }
0x349: {  	[tilespmem:s14], [sflag:$0x3] =	stream.indirect.gather [hbm4b:s4+s18], $0x20, s2, s18, $0xb8;
	[tilespmem:$0x10400] =	vst v63  }
0x34a: {  	_ =	swait.ge [sflag:s25], $0x4000  }
0x34b: {  	[sflag:s25] =	ssyncset.done $0x0  }
0x34c: {  	[sflag:s25] =	ssyncadd.s32 $0xFFFFC000  }
0x34d: {  	_ =	swait.ge [sflag:s20], $0x4000  }
0x34e: {  	s0 =	sld [smem:$0x7EB]  }
0x34f: {  	[sflag:s20] =	ssyncset.done $0x0  }
0x350: {  	s5 =	sld [smem:$0x7EC];
	[sflag:s20] =	ssyncadd.s32 $0xFFFFC000  }
0x351: {  	[hbm4b:s0+s15] =	stream.strided.scatter [tilespmem:s10], [sflag:$0x6], $0x4000, s16, s15, $0x38;
	[tilespmem:$0x10400] =	vst v63  }
0x352: {  	_ = 	snop  }
0x353: {  	[hbm4b:s5+s15] =	stream.strided.scatter [tilespmem:s11], [sflag:$0x6], $0x4000, s16, s15, $0x38;
	[tilespmem:$0x10400] =	vst v63  }
0x354: {  	_ =	swait.ge [sflag:s9], $0x4000  }
0x355: {  	[sflag:s9] =	ssyncset.done $0x0  }
0x356: {  	[sflag:s9] =	ssyncadd.s32 $0xFFFFC000  }
0x357: {  	_ =	swait.ge [sflag:s9], $0x4000  }
0x358: {  	s5 =	sld [smem:$0x7ED]  }
0x359: {  	[sflag:s9] =	ssyncset.done $0x0  }
0x35a: {  	[sflag:s9] =	ssyncadd.s32 $0xFFFFC000  }
0x35b: {  	[tilespmem:s18], [sflag:$0x7] =	stream.linear.gather [hbm4b:s5+s2], $0x200, $0x38;
	[tilespmem:$0x10400] =	vst v63  }
0x35c: {  	_ =	swait.ge [sflag:s22], $0x200  }
0x35d: {  	[sflag:s22] =	ssyncset.done $0x0  }
0x35e: {  	[sflag:s22] =	ssyncadd.s32 $0xFFFFFE00  }
0x35f: {  	[tilespmem:s10], [sflag:$0x2] =	stream.indirect.gather [hbm4b:s3+s18], $0x20, s18, s18, $0xb8;
	[tilespmem:$0x10400] =	vst v63  }
0x360: {  	_ = 	snop  }
0x361: {  	[tilespmem:s11], [sflag:$0x4] =	stream.indirect.gather [hbm4b:s4+s18], $0x20, s18, s18, $0xb8;
	[tilespmem:$0x10400] =	vst v63  }
0x362: {  	_ =	swait.ge [sflag:s24], $0x4000  }
0x363: {  	[sflag:s24] =	ssyncset.done $0x0  }
0x364: {  	[sflag:s24] =	ssyncadd.s32 $0xFFFFC000  }
0x365: {  	_ =	swait.ge [sflag:s19], $0x4000  }
0x366: {  	s0 =	sld [smem:$0x7EE]  }
0x367: {  	[sflag:s19] =	ssyncset.done $0x0  }
0x368: {  	s5 =	sld [smem:$0x7EF];
	[sflag:s19] =	ssyncadd.s32 $0xFFFFC000  }
0x369: {  	[hbm4b:s0+s15] =	stream.strided.scatter [tilespmem:s13], [sflag:$0x5], $0x4000, s16, s15, $0x38;
	[tilespmem:$0x10400] =	vst v63  }
0x36a: {  	_ = 	snop  }
0x36b: {  	[hbm4b:s5+s15] =	stream.strided.scatter [tilespmem:s14], [sflag:$0x5], $0x4000, s16, s15, $0x38;
	[tilespmem:$0x10400] =	vst v63  }
0x36c: {  	_ =	swait.ge [sflag:s12], $0x4000  }
0x36d: {  	[sflag:s12] =	ssyncset.done $0x0  }
0x36e: {  	[sflag:s12] =	ssyncadd.s32 $0xFFFFC000  }
0x36f: {  	_ =	swait.ge [sflag:s12], $0x4000  }
0x370: {  	s5 =	sld [smem:$0x7F0]  }
0x371: {  	[sflag:s12] =	ssyncset.done $0x0  }
0x372: {  	[sflag:s12] =	ssyncadd.s32 $0xFFFFC000  }
0x373: {  	[tilespmem:s2], [sflag:$0x7] =	stream.linear.gather [hbm4b:s5+s2], $0x200, $0x38;
	[tilespmem:$0x10400] =	vst v63  }
0x374: {  	_ =	swait.ge [sflag:s22], $0x200  }
0x375: {  	[sflag:s22] =	ssyncset.done $0x0  }
0x376: {  	[sflag:s22] =	ssyncadd.s32 $0xFFFFFE00  }
0x377: {  	[tilespmem:s13], [sflag:$0x1] =	stream.indirect.gather [hbm4b:s3+s18], $0x20, s2, s18, $0xb8;
	[tilespmem:$0x10400] =	vst v63  }
0x378: {  	_ = 	snop  }
0x379: {  	[tilespmem:s14], [sflag:$0x3] =	stream.indirect.gather [hbm4b:s4+s18], $0x20, s2, s18, $0xb8;
	[tilespmem:$0x10400] =	vst v63  }
0x37a: {  	_ =	swait.ge [sflag:s25], $0x4000  }
0x37b: {  	[sflag:s25] =	ssyncset.done $0x0  }
0x37c: {  	[sflag:s25] =	ssyncadd.s32 $0xFFFFC000  }
0x37d: {  	_ =	swait.ge [sflag:s20], $0x4000  }
0x37e: {  	s0 =	sld [smem:$0x7F1]  }
0x37f: {  	[sflag:s20] =	ssyncset.done $0x0  }
0x380: {  	s5 =	sld [smem:$0x7F2];
	[sflag:s20] =	ssyncadd.s32 $0xFFFFC000  }
0x381: {  	[hbm4b:s0+s15] =	stream.strided.scatter [tilespmem:s10], [sflag:$0x6], $0x4000, s16, s15, $0x38;
	[tilespmem:$0x10400] =	vst v63  }
0x382: {  	_ = 	snop  }
0x383: {  	[hbm4b:s5+s15] =	stream.strided.scatter [tilespmem:s11], [sflag:$0x6], $0x4000, s16, s15, $0x38;
	[tilespmem:$0x10400] =	vst v63  }
0x384: {  	_ =	swait.ge [sflag:s9], $0x4000  }
0x385: {  	[sflag:s9] =	ssyncset.done $0x0  }
0x386: {  	[sflag:s9] =	ssyncadd.s32 $0xFFFFC000  }
0x387: {  	_ =	swait.ge [sflag:s9], $0x4000  }
0x388: {  	s5 =	sld [smem:$0x7F3]  }
0x389: {  	[sflag:s9] =	ssyncset.done $0x0  }
0x38a: {  	[sflag:s9] =	ssyncadd.s32 $0xFFFFC000  }
0x38b: {  	[tilespmem:s18], [sflag:$0x7] =	stream.linear.gather [hbm4b:s5+s2], $0x200, $0x38;
	[tilespmem:$0x10400] =	vst v63  }
0x38c: {  	_ =	swait.ge [sflag:s22], $0x200  }
0x38d: {  	[sflag:s22] =	ssyncset.done $0x0  }
0x38e: {  	[sflag:s22] =	ssyncadd.s32 $0xFFFFFE00  }
0x38f: {  	[tilespmem:s10], [sflag:$0x2] =	stream.indirect.gather [hbm4b:s3+s18], $0x20, s18, s18, $0xb8;
	[tilespmem:$0x10400] =	vst v63  }
0x390: {  	_ = 	snop  }
0x391: {  	[tilespmem:s11], [sflag:$0x4] =	stream.indirect.gather [hbm4b:s4+s18], $0x20, s18, s18, $0xb8;
	[tilespmem:$0x10400] =	vst v63  }
0x392: {  	_ =	swait.ge [sflag:s24], $0x4000  }
0x393: {  	[sflag:s24] =	ssyncset.done $0x0  }
0x394: {  	[sflag:s24] =	ssyncadd.s32 $0xFFFFC000  }
0x395: {  	_ =	swait.ge [sflag:s19], $0x4000  }
0x396: {  	s0 =	sld [smem:$0x7F4]  }
0x397: {  	[sflag:s19] =	ssyncset.done $0x0  }
0x398: {  	s5 =	sld [smem:$0x7F5];
	[sflag:s19] =	ssyncadd.s32 $0xFFFFC000  }
0x399: {  	[hbm4b:s0+s15] =	stream.strided.scatter [tilespmem:s13], [sflag:$0x5], $0x4000, s16, s15, $0x38;
	[tilespmem:$0x10400] =	vst v63  }
0x39a: {  	_ = 	snop  }
0x39b: {  	[hbm4b:s5+s15] =	stream.strided.scatter [tilespmem:s14], [sflag:$0x5], $0x4000, s16, s15, $0x38;
	[tilespmem:$0x10400] =	vst v63  }
0x39c: {  	_ =	swait.ge [sflag:s12], $0x4000  }
0x39d: {  	[sflag:s12] =	ssyncset.done $0x0  }
0x39e: {  	[sflag:s12] =	ssyncadd.s32 $0xFFFFC000  }
0x39f: {  	_ =	swait.ge [sflag:s12], $0x4000  }
0x3a0: {  	s5 =	sld [smem:$0x7F6]  }
0x3a1: {  	[sflag:s12] =	ssyncset.done $0x0  }
0x3a2: {  	[sflag:s12] =	ssyncadd.s32 $0xFFFFC000  }
0x3a3: {  	[tilespmem:s2], [sflag:$0x7] =	stream.linear.gather [hbm4b:s5+s2], $0x200, $0x38;
	[tilespmem:$0x10400] =	vst v63  }
0x3a4: {  	_ =	swait.ge [sflag:s22], $0x200  }
0x3a5: {  	[sflag:s22] =	ssyncset.done $0x0  }
0x3a6: {  	[sflag:s22] =	ssyncadd.s32 $0xFFFFFE00  }
0x3a7: {  	[tilespmem:s13], [sflag:$0x1] =	stream.indirect.gather [hbm4b:s3+s18], $0x20, s2, s18, $0xb8;
	[tilespmem:$0x10400] =	vst v63  }
0x3a8: {  	_ = 	snop  }
0x3a9: {  	[tilespmem:s14], [sflag:$0x3] =	stream.indirect.gather [hbm4b:s4+s18], $0x20, s2, s18, $0xb8;
	[tilespmem:$0x10400] =	vst v63  }
0x3aa: {  	_ =	swait.ge [sflag:s25], $0x4000  }
0x3ab: {  	[sflag:s25] =	ssyncset.done $0x0  }
0x3ac: {  	[sflag:s25] =	ssyncadd.s32 $0xFFFFC000  }
0x3ad: {  	_ =	swait.ge [sflag:s20], $0x4000  }
0x3ae: {  	s0 =	sld [smem:$0x7F7]  }
0x3af: {  	[sflag:s20] =	ssyncset.done $0x0  }
0x3b0: {  	s5 =	sld [smem:$0x7F8];
	[sflag:s20] =	ssyncadd.s32 $0xFFFFC000  }
0x3b1: {  	[hbm4b:s0+s15] =	stream.strided.scatter [tilespmem:s10], [sflag:$0x6], $0x4000, s16, s15, $0x38;
	[tilespmem:$0x10400] =	vst v63  }
0x3b2: {  	_ = 	snop  }
0x3b3: {  	[hbm4b:s5+s15] =	stream.strided.scatter [tilespmem:s11], [sflag:$0x6], $0x4000, s16, s15, $0x38;
	[tilespmem:$0x10400] =	vst v63  }
0x3b4: {  	_ =	swait.ge [sflag:s9], $0x4000  }
0x3b5: {  	[sflag:s9] =	ssyncset.done $0x0  }
0x3b6: {  	[sflag:s9] =	ssyncadd.s32 $0xFFFFC000  }
0x3b7: {  	_ =	swait.ge [sflag:s9], $0x4000  }
0x3b8: {  	s5 =	sld [smem:$0x7F9]  }
0x3b9: {  	[sflag:s9] =	ssyncset.done $0x0  }
0x3ba: {  	[sflag:s9] =	ssyncadd.s32 $0xFFFFC000  }
0x3bb: {  	[tilespmem:s18], [sflag:$0x7] =	stream.linear.gather [hbm4b:s5+s2], $0x200, $0x38;
	[tilespmem:$0x10400] =	vst v63  }
0x3bc: {  	_ =	swait.ge [sflag:s22], $0x200  }
0x3bd: {  	[sflag:s22] =	ssyncset.done $0x0  }
0x3be: {  	[sflag:s22] =	ssyncadd.s32 $0xFFFFFE00  }
0x3bf: {  	[tilespmem:s10], [sflag:$0x2] =	stream.indirect.gather [hbm4b:s3+s18], $0x20, s18, s18, $0xb8;
	[tilespmem:$0x10400] =	vst v63  }
0x3c0: {  	_ = 	snop  }
0x3c1: {  	[tilespmem:s11], [sflag:$0x4] =	stream.indirect.gather [hbm4b:s4+s18], $0x20, s18, s18, $0xb8;
	[tilespmem:$0x10400] =	vst v63  }
0x3c2: {  	_ =	swait.ge [sflag:s24], $0x4000  }
0x3c3: {  	[sflag:s24] =	ssyncset.done $0x0  }
0x3c4: {  	[sflag:s24] =	ssyncadd.s32 $0xFFFFC000  }
0x3c5: {  	_ =	swait.ge [sflag:s19], $0x4000  }
0x3c6: {  	s0 =	sld [smem:$0x7FA]  }
0x3c7: {  	[sflag:s19] =	ssyncset.done $0x0  }
0x3c8: {  	s5 =	sld [smem:$0x7FB];
	[sflag:s19] =	ssyncadd.s32 $0xFFFFC000  }
0x3c9: {  	[hbm4b:s0+s15] =	stream.strided.scatter [tilespmem:s13], [sflag:$0x5], $0x4000, s16, s15, $0x38;
	[tilespmem:$0x10400] =	vst v63  }
0x3ca: {  	_ = 	snop  }
0x3cb: {  	[hbm4b:s5+s15] =	stream.strided.scatter [tilespmem:s14], [sflag:$0x5], $0x4000, s16, s15, $0x38;
	[tilespmem:$0x10400] =	vst v63  }
0x3cc: {  	s5 =	smov.u32 s6  }
0x3cd: {  	s6 =	smov.u32 s7;
	s7 =	smov.u32 s8;
	s8 =	smov.u32 s17  }
0x3ce: {  	s17 =	smov.u32 s21;
	s21 =	smov.u32 s23;
	s23 =	smov.u32 s26  }
0x3cf: {  	s26 =	smov.u32 s28;
	s28 =	smov.u32 s29;
	s29 =	smov.u32 s30  }
0x3d0: {  	s30 =	smov.u32 s31;
	s31 =	sld [smem:$0x7E4];
	_ =	swait.ge [sflag:s12], $0x4000  }
0x3d1: {  	[sflag:s12] =	ssyncset.done $0x0  }
0x3d2: {  	[sflag:s12] =	ssyncadd.s32 $0xFFFFC000  }
0x3d3: {  	_ =	swait.ge [sflag:s12], $0x4000  }
0x3d4: {  	s0 =	sld [smem:$0x7FC]  }
0x3d5: {  	[sflag:s12] =	ssyncset.done $0x0  }
0x3d6: {  	[sflag:s12] =	ssyncadd.s32 $0xFFFFC000  }
0x3d7: {  	[tilespmem:s2], [sflag:$0x7] =	stream.linear.gather [hbm4b:s0+s2], $0x200, $0x38;
	[tilespmem:$0x10400] =	vst v63  }
0x3d8: {  	_ =	swait.ge [sflag:s22], $0x200  }
0x3d9: {  	[sflag:s22] =	ssyncset.done $0x0  }
0x3da: {  	[sflag:s22] =	ssyncadd.s32 $0xFFFFFE00  }
0x3db: {  	[tilespmem:s13], [sflag:$0x1] =	stream.indirect.gather [hbm4b:s3+s18], $0x20, s2, s18, $0xb8;
	[tilespmem:$0x10400] =	vst v63  }
0x3dc: {  	_ = 	snop  }
0x3dd: {  	[tilespmem:s14], [sflag:$0x3] =	stream.indirect.gather [hbm4b:s4+s18], $0x20, s2, s18, $0xb8;
	[tilespmem:$0x10400] =	vst v63  }
0x3de: {  	_ =	swait.ge [sflag:s25], $0x4000  }
0x3df: {  	[sflag:s25] =	ssyncset.done $0x0  }
0x3e0: {  	[sflag:s25] =	ssyncadd.s32 $0xFFFFC000  }
0x3e1: {  	_ =	swait.ge [sflag:s20], $0x4000  }
0x3e2: {  	s0 =	sld [smem:$0x7FD]  }
0x3e3: {  	[sflag:s20] =	ssyncset.done $0x0  }
0x3e4: {  	[sflag:s20] =	ssyncadd.s32 $0xFFFFC000  }
0x3e5: {  	[hbm4b:s0+s15] =	stream.strided.scatter [tilespmem:s10], [sflag:$0x6], $0x4000, s16, s15, $0x38;
	[tilespmem:$0x10400] =	vst v63  }
0x3e6: {  	_ = 	snop  }
0x3e7: {  	[hbm4b:s31+s15] =	stream.strided.scatter [tilespmem:s11], [sflag:$0x6], $0x4000, s16, s15, $0x38;
	[tilespmem:$0x10400] =	vst v63  }
0x3e8: {  	_ =	swait.ge [sflag:s9], $0x4000  }
0x3e9: {  	[sflag:s9] =	ssyncset.done $0x0  }
0x3ea: {  	[sflag:s9] =	ssyncadd.s32 $0xFFFFC000  }
0x3eb: {  	_ =	swait.ge [sflag:s9], $0x4000  }
0x3ec: {  	[sflag:s9] =	ssyncset.done $0x0  }
0x3ed: {  	[sflag:s9] =	ssyncadd.s32 $0xFFFFC000  }
0x3ee: {  	[tilespmem:s18], [sflag:$0x7] =	stream.linear.gather [hbm4b:s30+s2], $0x200, $0x38;
	[tilespmem:$0x10400] =	vst v63  }
0x3ef: {  	_ =	swait.ge [sflag:s22], $0x200  }
0x3f0: {  	[sflag:s22] =	ssyncset.done $0x0  }
0x3f1: {  	[sflag:s22] =	ssyncadd.s32 $0xFFFFFE00  }
0x3f2: {  	[tilespmem:s10], [sflag:$0x2] =	stream.indirect.gather [hbm4b:s3+s18], $0x20, s18, s18, $0xb8;
	[tilespmem:$0x10400] =	vst v63  }
0x3f3: {  	_ = 	snop  }
0x3f4: {  	[tilespmem:s11], [sflag:$0x4] =	stream.indirect.gather [hbm4b:s4+s18], $0x20, s18, s18, $0xb8;
	[tilespmem:$0x10400] =	vst v63  }
0x3f5: {  	_ =	swait.ge [sflag:s24], $0x4000  }
0x3f6: {  	[sflag:s24] =	ssyncset.done $0x0  }
0x3f7: {  	[sflag:s24] =	ssyncadd.s32 $0xFFFFC000  }
0x3f8: {  	_ =	swait.ge [sflag:s19], $0x4000  }
0x3f9: {  	[sflag:s19] =	ssyncset.done $0x0  }
0x3fa: {  	[sflag:s19] =	ssyncadd.s32 $0xFFFFC000  }
0x3fb: {  	[hbm4b:s28+s15] =	stream.strided.scatter [tilespmem:s13], [sflag:$0x5], $0x4000, s16, s15, $0x38;
	[tilespmem:$0x10400] =	vst v63  }
0x3fc: {  	_ = 	snop  }
0x3fd: {  	[hbm4b:s29+s15] =	stream.strided.scatter [tilespmem:s14], [sflag:$0x5], $0x4000, s16, s15, $0x38;
	[tilespmem:$0x10400] =	vst v63  }
0x3fe: {  	_ =	swait.ge [sflag:s12], $0x4000  }
0x3ff: {  	[sflag:s12] =	ssyncset.done $0x0  }
0x400: {  	[sflag:s12] =	ssyncadd.s32 $0xFFFFC000  }
0x401: {  	_ =	swait.ge [sflag:s12], $0x4000  }
0x402: {  	[sflag:s12] =	ssyncset.done $0x0  }
0x403: {  	[sflag:s12] =	ssyncadd.s32 $0xFFFFC000  }
0x404: {  	[tilespmem:s2], [sflag:$0x7] =	stream.linear.gather [hbm4b:s26+s2], $0x200, $0x38;
	[tilespmem:$0x10400] =	vst v63  }
0x405: {  	_ =	swait.ge [sflag:s22], $0x200  }
0x406: {  	[sflag:s22] =	ssyncset.done $0x0  }
0x407: {  	[sflag:s22] =	ssyncadd.s32 $0xFFFFFE00  }
0x408: {  	[tilespmem:s13], [sflag:$0x1] =	stream.indirect.gather [hbm4b:s3+s18], $0x20, s2, s18, $0xb8;
	[tilespmem:$0x10400] =	vst v63  }
0x409: {  	_ = 	snop  }
0x40a: {  	[tilespmem:s14], [sflag:$0x3] =	stream.indirect.gather [hbm4b:s4+s18], $0x20, s2, s18, $0xb8;
	[tilespmem:$0x10400] =	vst v63  }
0x40b: {  	_ =	swait.ge [sflag:s25], $0x4000  }
0x40c: {  	[sflag:s25] =	ssyncset.done $0x0  }
0x40d: {  	[sflag:s25] =	ssyncadd.s32 $0xFFFFC000  }
0x40e: {  	_ =	swait.ge [sflag:s20], $0x4000  }
0x40f: {  	[sflag:s20] =	ssyncset.done $0x0  }
0x410: {  	[sflag:s20] =	ssyncadd.s32 $0xFFFFC000  }
0x411: {  	[hbm4b:s21+s15] =	stream.strided.scatter [tilespmem:s10], [sflag:$0x6], $0x4000, s16, s15, $0x38;
	[tilespmem:$0x10400] =	vst v63  }
0x412: {  	_ = 	snop  }
0x413: {  	[hbm4b:s23+s15] =	stream.strided.scatter [tilespmem:s11], [sflag:$0x6], $0x4000, s16, s15, $0x38;
	[tilespmem:$0x10400] =	vst v63  }
0x414: {  	_ =	swait.ge [sflag:s9], $0x4000  }
0x415: {  	[sflag:s9] =	ssyncset.done $0x0  }
0x416: {  	[sflag:s9] =	ssyncadd.s32 $0xFFFFC000  }
0x417: {  	_ =	swait.ge [sflag:s9], $0x4000  }
0x418: {  	[sflag:s9] =	ssyncset.done $0x0  }
0x419: {  	[sflag:s9] =	ssyncadd.s32 $0xFFFFC000  }
0x41a: {  	[tilespmem:s18], [sflag:$0x7] =	stream.linear.gather [hbm4b:s17+s2], $0x200, $0x38;
	[tilespmem:$0x10400] =	vst v63  }
0x41b: {  	_ =	swait.ge [sflag:s22], $0x200  }
0x41c: {  	[sflag:s22] =	ssyncset.done $0x0  }
0x41d: {  	[sflag:s22] =	ssyncadd.s32 $0xFFFFFE00  }
0x41e: {  	[tilespmem:s10], [sflag:$0x2] =	stream.indirect.gather [hbm4b:s3+s18], $0x20, s18, s18, $0xb8;
	[tilespmem:$0x10400] =	vst v63  }
0x41f: {  	_ = 	snop  }
0x420: {  	[tilespmem:s11], [sflag:$0x4] =	stream.indirect.gather [hbm4b:s4+s18], $0x20, s18, s18, $0xb8;
	[tilespmem:$0x10400] =	vst v63  }
0x421: {  	_ =	swait.ge [sflag:s24], $0x4000  }
0x422: {  	[sflag:s24] =	ssyncset.done $0x0  }
0x423: {  	[sflag:s24] =	ssyncadd.s32 $0xFFFFC000  }
0x424: {  	_ =	swait.ge [sflag:s19], $0x4000  }
0x425: {  	[sflag:s19] =	ssyncset.done $0x0  }
0x426: {  	[sflag:s19] =	ssyncadd.s32 $0xFFFFC000  }
0x427: {  	[hbm4b:s7+s15] =	stream.strided.scatter [tilespmem:s13], [sflag:$0x5], $0x4000, s16, s15, $0x38;
	[tilespmem:$0x10400] =	vst v63  }
0x428: {  	_ = 	snop  }
0x429: {  	[hbm4b:s8+s15] =	stream.strided.scatter [tilespmem:s14], [sflag:$0x5], $0x4000, s16, s15, $0x38;
	[tilespmem:$0x10400] =	vst v63  }
0x42a: {  	_ =	swait.ge [sflag:s25], $0x4000  }
0x42b: {  	[sflag:s25] =	ssyncset.done $0x0  }
0x42c: {  	[sflag:s25] =	ssyncadd.s32 $0xFFFFC000  }
0x42d: {  	_ =	swait.ge [sflag:s20], $0x4000  }
0x42e: {  	[sflag:s20] =	ssyncset.done $0x0  }
0x42f: {  	[sflag:s20] =	ssyncadd.s32 $0xFFFFC000  }
0x430: {  	[hbm4b:s5+s15] =	stream.strided.scatter [tilespmem:s10], [sflag:$0x6], $0x4000, s16, s15, $0x38;
	[tilespmem:$0x10400] =	vst v63  }
0x431: {  	_ = 	snop  }
0x432: {  	[hbm4b:s6+s15] =	stream.strided.scatter [tilespmem:s11], [sflag:$0x6], $0x4000, s16, s15, $0x38;
	[tilespmem:$0x10400] =	vst v63  }
0x433: {  	_ =	swait.ge [sflag:s12], $0x4000  }
0x434: {  	[sflag:s12] =	ssyncset.done $0x0  }
0x435: {  	[sflag:s12] =	ssyncadd.s32 $0xFFFFC000  }
0x436: {  	_ =	swait.ge [sflag:s12], $0x4000  }
0x437: {  	[sflag:s12] =	ssyncset.done $0x0  }
0x438: {  	p1 =	sne.s32 s1, $0x1;
	[sflag:s12] =	ssyncadd.s32 $0xFFFFC000  }
.Ltmp2:
0x439: {  	_ =	swait.ge [sflag:s9], $0x4000;
	(pc) =	sbr.rel @p1 .LBB2_2-.Ltmp2, $4  }
0x43a: {  	[sflag:s9] =	ssyncset.done $0x0  }
0x43b: {  	[sflag:s9] =	ssyncadd.s32 $0xFFFFC000  }
0x43c: {  	_ =	swait.ge [sflag:s9], $0x4000  }
0x43d: {  	s1 =	sadd.s32 $0xFFFFFFFF, s1;
	s0 =	rddreg [dreg:$0x3];
	[sflag:s9] =	ssyncset.done $0x0  }
.LBB2_3:
0x43e: {  	[sflag:s9] =	ssyncadd.s32 @p0 $0xFFFFC000  }
0x43f: {  	[tilespmem:s2], [sflag:$0x7] =	stream.linear.gather [hbm4b:s0+s2], $0x200, $0x38;
	[tilespmem:$0x10400] =	vst v63  }
0x440: {  	_ =	swait.ge [sflag:s22], $0x200  }
0x441: {  	[sflag:s22] =	ssyncset.done $0x0  }
0x442: {  	[sflag:s22] =	ssyncadd.s32 $0xFFFFFE00  }
0x443: {  	[tilespmem:s13], [sflag:$0x1] =	stream.indirect.gather [hbm4b:s3+s18], $0x20, s2, s18, $0xb8;
	[tilespmem:$0x10400] =	vst v63  }
0x444: {  	_ = 	snop  }
0x445: {  	[tilespmem:s14], [sflag:$0x3] =	stream.indirect.gather [hbm4b:s4+s18], $0x20, s2, s18, $0xb8;
	[tilespmem:$0x10400] =	vst v63  }
0x446: {  	s1 =	rddreg [dreg:$0x4]  }
0x447: {  	[tilespmem:s18], [sflag:$0x7] =	stream.linear.gather [hbm4b:s1+s2], $0x200, $0x38;
	[tilespmem:$0x10400] =	vst v63  }
0x448: {  	_ =	swait.ge [sflag:s22], $0x200  }
0x449: {  	[sflag:s22] =	ssyncset.done $0x0  }
0x44a: {  	[sflag:s22] =	ssyncadd.s32 $0xFFFFFE00  }
0x44b: {  	[tilespmem:s10], [sflag:$0x2] =	stream.indirect.gather [hbm4b:s3+s18], $0x20, s18, s18, $0xb8;
	[tilespmem:$0x10400] =	vst v63  }
0x44c: {  	_ = 	snop  }
0x44d: {  	[tilespmem:s11], [sflag:$0x4] =	stream.indirect.gather [hbm4b:s4+s18], $0x20, s18, s18, $0xb8;
	[tilespmem:$0x10400] =	vst v63  }
0x44e: {  	_ =	swait.ge [sflag:s24], $0x4000  }
0x44f: {  	[sflag:s24] =	ssyncset.done $0x0  }
0x450: {  	[sflag:s24] =	ssyncadd.s32 $0xFFFFC000  }
0x451: {  	_ =	swait.ge [sflag:s19], $0x4000  }
0x452: {  	[sflag:s19] =	ssyncset.done $0x0  }
0x453: {  	s0 =	rddreg [dreg:$0x5];
	[sflag:s19] =	ssyncadd.s32 $0xFFFFC000  }
0x454: {  	[hbm4b:s0+s15] =	stream.strided.scatter [tilespmem:s13], [sflag:$0x5], $0x4000, s16, s15, $0x38;
	[tilespmem:$0x10400] =	vst v63  }
0x455: {  	s1 =	rddreg [dreg:$0x6]  }
0x456: {  	[hbm4b:s1+s15] =	stream.strided.scatter [tilespmem:s14], [sflag:$0x5], $0x4000, s16, s15, $0x38;
	[tilespmem:$0x10400] =	vst v63  }
0x457: {  	_ =	swait.ge [sflag:s12], $0x4000  }
0x458: {  	[sflag:s12] =	ssyncset.done $0x0  }
0x459: {  	[sflag:s12] =	ssyncadd.s32 $0xFFFFC000  }
0x45a: {  	_ =	swait.ge [sflag:s12], $0x4000  }
0x45b: {  	[sflag:s12] =	ssyncset.done $0x0  }
0x45c: {  	s1 =	rddreg [dreg:$0x7];
	[sflag:s12] =	ssyncadd.s32 $0xFFFFC000  }
0x45d: {  	[tilespmem:s2], [sflag:$0x7] =	stream.linear.gather [hbm4b:s1+s2], $0x200, $0x38;
	[tilespmem:$0x10400] =	vst v63  }
0x45e: {  	_ =	swait.ge [sflag:s22], $0x200  }
0x45f: {  	[sflag:s22] =	ssyncset.done $0x0  }
0x460: {  	[sflag:s22] =	ssyncadd.s32 $0xFFFFFE00  }
0x461: {  	[tilespmem:s13], [sflag:$0x1] =	stream.indirect.gather [hbm4b:s3+s18], $0x20, s2, s18, $0xb8;
	[tilespmem:$0x10400] =	vst v63  }
0x462: {  	_ = 	snop  }
0x463: {  	[tilespmem:s14], [sflag:$0x3] =	stream.indirect.gather [hbm4b:s4+s18], $0x20, s2, s18, $0xb8;
	[tilespmem:$0x10400] =	vst v63  }
0x464: {  	_ =	swait.ge [sflag:s25], $0x4000  }
0x465: {  	[sflag:s25] =	ssyncset.done $0x0  }
0x466: {  	[sflag:s25] =	ssyncadd.s32 $0xFFFFC000  }
0x467: {  	_ =	swait.ge [sflag:s20], $0x4000  }
0x468: {  	[sflag:s20] =	ssyncset.done $0x0  }
0x469: {  	s0 =	rddreg [dreg:$0x8];
	[sflag:s20] =	ssyncadd.s32 $0xFFFFC000  }
0x46a: {  	[hbm4b:s0+s15] =	stream.strided.scatter [tilespmem:s10], [sflag:$0x6], $0x4000, s16, s15, $0x38;
	[tilespmem:$0x10400] =	vst v63  }
0x46b: {  	s1 =	rddreg [dreg:$0x9]  }
0x46c: {  	[hbm4b:s1+s15] =	stream.strided.scatter [tilespmem:s11], [sflag:$0x6], $0x4000, s16, s15, $0x38;
	[tilespmem:$0x10400] =	vst v63  }
0x46d: {  	_ =	swait.ge [sflag:s9], $0x4000  }
0x46e: {  	[sflag:s9] =	ssyncset.done $0x0  }
0x46f: {  	[sflag:s9] =	ssyncadd.s32 $0xFFFFC000  }
0x470: {  	_ =	swait.ge [sflag:s9], $0x4000  }
0x471: {  	[sflag:s9] =	ssyncset.done $0x0  }
0x472: {  	s1 =	rddreg [dreg:$0xa];
	[sflag:s9] =	ssyncadd.s32 $0xFFFFC000  }
0x473: {  	[tilespmem:s18], [sflag:$0x7] =	stream.linear.gather [hbm4b:s1+s2], $0x200, $0x38;
	[tilespmem:$0x10400] =	vst v63  }
0x474: {  	_ =	swait.ge [sflag:s22], $0x200  }
0x475: {  	[sflag:s22] =	ssyncset.done $0x0  }
0x476: {  	[sflag:s22] =	ssyncadd.s32 $0xFFFFFE00  }
0x477: {  	[tilespmem:s10], [sflag:$0x2] =	stream.indirect.gather [hbm4b:s3+s18], $0x20, s18, s18, $0xb8;
	[tilespmem:$0x10400] =	vst v63  }
0x478: {  	_ = 	snop  }
0x479: {  	[tilespmem:s11], [sflag:$0x4] =	stream.indirect.gather [hbm4b:s4+s18], $0x20, s18, s18, $0xb8;
	[tilespmem:$0x10400] =	vst v63  }
0x47a: {  	_ =	swait.ge [sflag:s24], $0x4000  }
0x47b: {  	[sflag:s24] =	ssyncset.done $0x0  }
0x47c: {  	[sflag:s24] =	ssyncadd.s32 $0xFFFFC000  }
0x47d: {  	_ =	swait.ge [sflag:s19], $0x4000  }
0x47e: {  	[sflag:s19] =	ssyncset.done $0x0  }
0x47f: {  	s0 =	rddreg [dreg:$0xb];
	[sflag:s19] =	ssyncadd.s32 $0xFFFFC000  }
0x480: {  	[hbm4b:s0+s15] =	stream.strided.scatter [tilespmem:s13], [sflag:$0x5], $0x4000, s16, s15, $0x38;
	[tilespmem:$0x10400] =	vst v63  }
0x481: {  	s1 =	rddreg [dreg:$0xc]  }
0x482: {  	[hbm4b:s1+s15] =	stream.strided.scatter [tilespmem:s14], [sflag:$0x5], $0x4000, s16, s15, $0x38;
	[tilespmem:$0x10400] =	vst v63  }
0x483: {  	_ =	swait.ge [sflag:s12], $0x4000  }
0x484: {  	[sflag:s12] =	ssyncset.done $0x0  }
0x485: {  	[sflag:s12] =	ssyncadd.s32 $0xFFFFC000  }
0x486: {  	_ =	swait.ge [sflag:s12], $0x4000  }
0x487: {  	[sflag:s12] =	ssyncset.done $0x0  }
0x488: {  	s1 =	rddreg [dreg:$0xd];
	[sflag:s12] =	ssyncadd.s32 $0xFFFFC000  }
0x489: {  	[tilespmem:s2], [sflag:$0x7] =	stream.linear.gather [hbm4b:s1+s2], $0x200, $0x38;
	[tilespmem:$0x10400] =	vst v63  }
0x48a: {  	_ =	swait.ge [sflag:s22], $0x200  }
0x48b: {  	[sflag:s22] =	ssyncset.done $0x0  }
0x48c: {  	[sflag:s22] =	ssyncadd.s32 $0xFFFFFE00  }
0x48d: {  	[tilespmem:s13], [sflag:$0x1] =	stream.indirect.gather [hbm4b:s3+s18], $0x20, s2, s18, $0xb8;
	[tilespmem:$0x10400] =	vst v63  }
0x48e: {  	_ = 	snop  }
0x48f: {  	[tilespmem:s14], [sflag:$0x3] =	stream.indirect.gather [hbm4b:s4+s18], $0x20, s2, s18, $0xb8;
	[tilespmem:$0x10400] =	vst v63  }
0x490: {  	_ =	swait.ge [sflag:s25], $0x4000  }
0x491: {  	[sflag:s25] =	ssyncset.done $0x0  }
0x492: {  	[sflag:s25] =	ssyncadd.s32 $0xFFFFC000  }
0x493: {  	_ =	swait.ge [sflag:s20], $0x4000  }
0x494: {  	[sflag:s20] =	ssyncset.done $0x0  }
0x495: {  	s0 =	rddreg [dreg:$0xe];
	[sflag:s20] =	ssyncadd.s32 $0xFFFFC000  }
0x496: {  	[hbm4b:s0+s15] =	stream.strided.scatter [tilespmem:s10], [sflag:$0x6], $0x4000, s16, s15, $0x38;
	[tilespmem:$0x10400] =	vst v63  }
0x497: {  	s1 =	rddreg [dreg:$0xf]  }
0x498: {  	[hbm4b:s1+s15] =	stream.strided.scatter [tilespmem:s11], [sflag:$0x6], $0x4000, s16, s15, $0x38;
	[tilespmem:$0x10400] =	vst v63  }
0x499: {  	_ =	swait.ge [sflag:s9], $0x4000  }
0x49a: {  	[sflag:s9] =	ssyncset.done $0x0  }
0x49b: {  	[sflag:s9] =	ssyncadd.s32 $0xFFFFC000  }
0x49c: {  	_ =	swait.ge [sflag:s9], $0x4000  }
0x49d: {  	[sflag:s9] =	ssyncset.done $0x0  }
0x49e: {  	s1 =	rddreg [dreg:$0x10];
	[sflag:s9] =	ssyncadd.s32 $0xFFFFC000  }
0x49f: {  	[tilespmem:s18], [sflag:$0x7] =	stream.linear.gather [hbm4b:s1+s2], $0x200, $0x38;
	[tilespmem:$0x10400] =	vst v63  }
0x4a0: {  	_ =	swait.ge [sflag:s22], $0x200  }
0x4a1: {  	[sflag:s22] =	ssyncset.done $0x0  }
0x4a2: {  	[sflag:s22] =	ssyncadd.s32 $0xFFFFFE00  }
0x4a3: {  	[tilespmem:s10], [sflag:$0x2] =	stream.indirect.gather [hbm4b:s3+s18], $0x20, s18, s18, $0xb8;
	[tilespmem:$0x10400] =	vst v63  }
0x4a4: {  	_ = 	snop  }
0x4a5: {  	[tilespmem:s11], [sflag:$0x4] =	stream.indirect.gather [hbm4b:s4+s18], $0x20, s18, s18, $0xb8;
	[tilespmem:$0x10400] =	vst v63  }
0x4a6: {  	_ =	swait.ge [sflag:s24], $0x4000  }
0x4a7: {  	[sflag:s24] =	ssyncset.done $0x0  }
0x4a8: {  	[sflag:s24] =	ssyncadd.s32 $0xFFFFC000  }
0x4a9: {  	_ =	swait.ge [sflag:s19], $0x4000  }
0x4aa: {  	[sflag:s19] =	ssyncset.done $0x0  }
0x4ab: {  	s0 =	rddreg [dreg:$0x11];
	[sflag:s19] =	ssyncadd.s32 $0xFFFFC000  }
0x4ac: {  	[hbm4b:s0+s15] =	stream.strided.scatter [tilespmem:s13], [sflag:$0x5], $0x4000, s16, s15, $0x38;
	[tilespmem:$0x10400] =	vst v63  }
0x4ad: {  	s1 =	rddreg [dreg:$0x12]  }
0x4ae: {  	[hbm4b:s1+s15] =	stream.strided.scatter [tilespmem:s14], [sflag:$0x5], $0x4000, s16, s15, $0x38;
	[tilespmem:$0x10400] =	vst v63  }
0x4af: {  	_ =	swait.ge [sflag:s12], $0x4000  }
0x4b0: {  	[sflag:s12] =	ssyncset.done $0x0  }
0x4b1: {  	[sflag:s12] =	ssyncadd.s32 $0xFFFFC000  }
0x4b2: {  	_ =	swait.ge [sflag:s12], $0x4000  }
0x4b3: {  	[sflag:s12] =	ssyncset.done $0x0  }
0x4b4: {  	s1 =	rddreg [dreg:$0x13];
	[sflag:s12] =	ssyncadd.s32 $0xFFFFC000  }
0x4b5: {  	[tilespmem:s2], [sflag:$0x7] =	stream.linear.gather [hbm4b:s1+s2], $0x200, $0x38;
	[tilespmem:$0x10400] =	vst v63  }
0x4b6: {  	_ =	swait.ge [sflag:s22], $0x200  }
0x4b7: {  	[sflag:s22] =	ssyncset.done $0x0  }
0x4b8: {  	[sflag:s22] =	ssyncadd.s32 $0xFFFFFE00  }
0x4b9: {  	[tilespmem:s13], [sflag:$0x1] =	stream.indirect.gather [hbm4b:s3+s18], $0x20, s2, s18, $0xb8;
	[tilespmem:$0x10400] =	vst v63  }
0x4ba: {  	_ = 	snop  }
0x4bb: {  	[tilespmem:s14], [sflag:$0x3] =	stream.indirect.gather [hbm4b:s4+s18], $0x20, s2, s18, $0xb8;
	[tilespmem:$0x10400] =	vst v63  }
0x4bc: {  	_ =	swait.ge [sflag:s25], $0x4000  }
0x4bd: {  	[sflag:s25] =	ssyncset.done $0x0  }
0x4be: {  	[sflag:s25] =	ssyncadd.s32 $0xFFFFC000  }
0x4bf: {  	_ =	swait.ge [sflag:s20], $0x4000  }
0x4c0: {  	[sflag:s20] =	ssyncset.done $0x0  }
0x4c1: {  	s0 =	rddreg [dreg:$0x14];
	[sflag:s20] =	ssyncadd.s32 $0xFFFFC000  }
0x4c2: {  	[hbm4b:s0+s15] =	stream.strided.scatter [tilespmem:s10], [sflag:$0x6], $0x4000, s16, s15, $0x38;
	[tilespmem:$0x10400] =	vst v63  }
0x4c3: {  	s1 =	rddreg [dreg:$0x15]  }
0x4c4: {  	[hbm4b:s1+s15] =	stream.strided.scatter [tilespmem:s11], [sflag:$0x6], $0x4000, s16, s15, $0x38;
	[tilespmem:$0x10400] =	vst v63  }
0x4c5: {  	_ =	swait.ge [sflag:s9], $0x4000  }
0x4c6: {  	[sflag:s9] =	ssyncset.done $0x0  }
0x4c7: {  	[sflag:s9] =	ssyncadd.s32 $0xFFFFC000  }
0x4c8: {  	_ =	swait.ge [sflag:s9], $0x4000  }
0x4c9: {  	[sflag:s9] =	ssyncset.done $0x0  }
0x4ca: {  	s1 =	rddreg [dreg:$0x16];
	[sflag:s9] =	ssyncadd.s32 $0xFFFFC000  }
0x4cb: {  	[tilespmem:s18], [sflag:$0x7] =	stream.linear.gather [hbm4b:s1+s2], $0x200, $0x38;
	[tilespmem:$0x10400] =	vst v63  }
0x4cc: {  	_ =	swait.ge [sflag:s22], $0x200  }
0x4cd: {  	[sflag:s22] =	ssyncset.done $0x0  }
0x4ce: {  	[sflag:s22] =	ssyncadd.s32 $0xFFFFFE00  }
0x4cf: {  	[tilespmem:s10], [sflag:$0x2] =	stream.indirect.gather [hbm4b:s3+s18], $0x20, s18, s18, $0xb8;
	[tilespmem:$0x10400] =	vst v63  }
0x4d0: {  	_ = 	snop  }
0x4d1: {  	[tilespmem:s11], [sflag:$0x4] =	stream.indirect.gather [hbm4b:s4+s18], $0x20, s18, s18, $0xb8;
	[tilespmem:$0x10400] =	vst v63  }
0x4d2: {  	_ =	swait.ge [sflag:s24], $0x4000  }
0x4d3: {  	[sflag:s24] =	ssyncset.done $0x0  }
0x4d4: {  	[sflag:s24] =	ssyncadd.s32 $0xFFFFC000  }
0x4d5: {  	_ =	swait.ge [sflag:s19], $0x4000  }
0x4d6: {  	[sflag:s19] =	ssyncset.done $0x0  }
0x4d7: {  	s0 =	rddreg [dreg:$0x17];
	[sflag:s19] =	ssyncadd.s32 $0xFFFFC000  }
0x4d8: {  	[hbm4b:s0+s15] =	stream.strided.scatter [tilespmem:s13], [sflag:$0x5], $0x4000, s16, s15, $0x38;
	[tilespmem:$0x10400] =	vst v63  }
0x4d9: {  	s1 =	rddreg [dreg:$0x18]  }
0x4da: {  	[hbm4b:s1+s15] =	stream.strided.scatter [tilespmem:s14], [sflag:$0x5], $0x4000, s16, s15, $0x38;
	[tilespmem:$0x10400] =	vst v63  }
0x4db: {  	_ =	swait.ge [sflag:s12], $0x4000  }
0x4dc: {  	[sflag:s12] =	ssyncset.done $0x0  }
0x4dd: {  	[sflag:s12] =	ssyncadd.s32 $0xFFFFC000  }
0x4de: {  	_ =	swait.ge [sflag:s12], $0x4000  }
0x4df: {  	[sflag:s12] =	ssyncset.done $0x0  }
0x4e0: {  	s1 =	rddreg [dreg:$0x19];
	[sflag:s12] =	ssyncadd.s32 $0xFFFFC000  }
0x4e1: {  	[tilespmem:s2], [sflag:$0x7] =	stream.linear.gather [hbm4b:s1+s2], $0x200, $0x38;
	[tilespmem:$0x10400] =	vst v63  }
0x4e2: {  	_ =	swait.ge [sflag:s22], $0x200  }
0x4e3: {  	[sflag:s22] =	ssyncset.done $0x0  }
0x4e4: {  	[sflag:s22] =	ssyncadd.s32 $0xFFFFFE00  }
0x4e5: {  	[tilespmem:s13], [sflag:$0x1] =	stream.indirect.gather [hbm4b:s3+s18], $0x20, s2, s18, $0xb8;
	[tilespmem:$0x10400] =	vst v63  }
0x4e6: {  	_ = 	snop  }
0x4e7: {  	[tilespmem:s14], [sflag:$0x3] =	stream.indirect.gather [hbm4b:s4+s18], $0x20, s2, s18, $0xb8;
	[tilespmem:$0x10400] =	vst v63  }
0x4e8: {  	_ =	swait.ge [sflag:s25], $0x4000  }
0x4e9: {  	[sflag:s25] =	ssyncset.done $0x0  }
0x4ea: {  	[sflag:s25] =	ssyncadd.s32 $0xFFFFC000  }
0x4eb: {  	_ =	swait.ge [sflag:s20], $0x4000  }
0x4ec: {  	[sflag:s20] =	ssyncset.done $0x0  }
0x4ed: {  	s0 =	rddreg [dreg:$0x1a];
	[sflag:s20] =	ssyncadd.s32 $0xFFFFC000  }
0x4ee: {  	[hbm4b:s0+s15] =	stream.strided.scatter [tilespmem:s10], [sflag:$0x6], $0x4000, s16, s15, $0x38;
	[tilespmem:$0x10400] =	vst v63  }
0x4ef: {  	s1 =	rddreg [dreg:$0x1b]  }
0x4f0: {  	[hbm4b:s1+s15] =	stream.strided.scatter [tilespmem:s11], [sflag:$0x6], $0x4000, s16, s15, $0x38;
	[tilespmem:$0x10400] =	vst v63  }
0x4f1: {  	_ =	swait.ge [sflag:s9], $0x4000  }
0x4f2: {  	[sflag:s9] =	ssyncset.done $0x0  }
0x4f3: {  	[sflag:s9] =	ssyncadd.s32 $0xFFFFC000  }
0x4f4: {  	_ =	swait.ge [sflag:s9], $0x4000  }
0x4f5: {  	[sflag:s9] =	ssyncset.done $0x0  }
0x4f6: {  	s1 =	rddreg [dreg:$0x1c];
	[sflag:s9] =	ssyncadd.s32 $0xFFFFC000  }
0x4f7: {  	[tilespmem:s18], [sflag:$0x7] =	stream.linear.gather [hbm4b:s1+s2], $0x200, $0x38;
	[tilespmem:$0x10400] =	vst v63  }
0x4f8: {  	_ =	swait.ge [sflag:s22], $0x200  }
0x4f9: {  	[sflag:s22] =	ssyncset.done $0x0  }
0x4fa: {  	[sflag:s22] =	ssyncadd.s32 $0xFFFFFE00  }
0x4fb: {  	[tilespmem:s10], [sflag:$0x2] =	stream.indirect.gather [hbm4b:s3+s18], $0x20, s18, s18, $0xb8;
	[tilespmem:$0x10400] =	vst v63  }
0x4fc: {  	_ = 	snop  }
0x4fd: {  	[tilespmem:s11], [sflag:$0x4] =	stream.indirect.gather [hbm4b:s4+s18], $0x20, s18, s18, $0xb8;
	[tilespmem:$0x10400] =	vst v63  }
0x4fe: {  	_ =	swait.ge [sflag:s24], $0x4000  }
0x4ff: {  	[sflag:s24] =	ssyncset.done $0x0  }
0x500: {  	[sflag:s24] =	ssyncadd.s32 $0xFFFFC000  }
0x501: {  	_ =	swait.ge [sflag:s19], $0x4000  }
0x502: {  	[sflag:s19] =	ssyncset.done $0x0  }
0x503: {  	s0 =	rddreg [dreg:$0x1d];
	[sflag:s19] =	ssyncadd.s32 $0xFFFFC000  }
0x504: {  	[hbm4b:s0+s15] =	stream.strided.scatter [tilespmem:s13], [sflag:$0x5], $0x4000, s16, s15, $0x38;
	[tilespmem:$0x10400] =	vst v63  }
0x505: {  	s1 =	rddreg [dreg:$0x1e]  }
0x506: {  	[hbm4b:s1+s15] =	stream.strided.scatter [tilespmem:s14], [sflag:$0x5], $0x4000, s16, s15, $0x38;
	[tilespmem:$0x10400] =	vst v63  }
0x507: {  	_ =	swait.ge [sflag:s12], $0x4000  }
0x508: {  	[sflag:s12] =	ssyncset.done $0x0  }
0x509: {  	[sflag:s12] =	ssyncadd.s32 $0xFFFFC000  }
0x50a: {  	_ =	swait.ge [sflag:s12], $0x4000  }
0x50b: {  	[sflag:s12] =	ssyncset.done $0x0  }
0x50c: {  	s1 =	rddreg [dreg:$0x1f];
	[sflag:s12] =	ssyncadd.s32 $0xFFFFC000  }
0x50d: {  	[tilespmem:s2], [sflag:$0x7] =	stream.linear.gather [hbm4b:s1+s2], $0x200, $0x38;
	[tilespmem:$0x10400] =	vst v63  }
0x50e: {  	_ =	swait.ge [sflag:s22], $0x200  }
0x50f: {  	[sflag:s22] =	ssyncset.done $0x0  }
0x510: {  	[sflag:s22] =	ssyncadd.s32 $0xFFFFFE00  }
0x511: {  	[tilespmem:s13], [sflag:$0x1] =	stream.indirect.gather [hbm4b:s3+s18], $0x20, s2, s18, $0xb8;
	[tilespmem:$0x10400] =	vst v63  }
0x512: {  	_ = 	snop  }
0x513: {  	[tilespmem:s14], [sflag:$0x3] =	stream.indirect.gather [hbm4b:s4+s18], $0x20, s2, s18, $0xb8;
	[tilespmem:$0x10400] =	vst v63  }
0x514: {  	_ =	swait.ge [sflag:s25], $0x4000  }
0x515: {  	[sflag:s25] =	ssyncset.done $0x0  }
0x516: {  	[sflag:s25] =	ssyncadd.s32 $0xFFFFC000  }
0x517: {  	_ =	swait.ge [sflag:s20], $0x4000  }
0x518: {  	s0 =	sld [smem:$0x7E5]  }
0x519: {  	[sflag:s20] =	ssyncset.done $0x0  }
0x51a: {  	s1 =	sld [smem:$0x7E6];
	[sflag:s20] =	ssyncadd.s32 $0xFFFFC000  }
0x51b: {  	[hbm4b:s0+s15] =	stream.strided.scatter [tilespmem:s10], [sflag:$0x6], $0x4000, s16, s15, $0x38;
	[tilespmem:$0x10400] =	vst v63  }
0x51c: {  	_ = 	snop  }
0x51d: {  	[hbm4b:s1+s15] =	stream.strided.scatter [tilespmem:s11], [sflag:$0x6], $0x4000, s16, s15, $0x38;
	[tilespmem:$0x10400] =	vst v63  }
0x51e: {  	_ =	swait.ge [sflag:s9], $0x4000  }
0x51f: {  	[sflag:s9] =	ssyncset.done $0x0  }
0x520: {  	[sflag:s9] =	ssyncadd.s32 $0xFFFFC000  }
0x521: {  	_ =	swait.ge [sflag:s9], $0x4000  }
0x522: {  	s1 =	sld [smem:$0x7E7]  }
0x523: {  	[sflag:s9] =	ssyncset.done $0x0  }
0x524: {  	[sflag:s9] =	ssyncadd.s32 $0xFFFFC000  }
0x525: {  	[tilespmem:s18], [sflag:$0x7] =	stream.linear.gather [hbm4b:s1+s2], $0x200, $0x38;
	[tilespmem:$0x10400] =	vst v63  }
0x526: {  	_ =	swait.ge [sflag:s22], $0x200  }
0x527: {  	[sflag:s22] =	ssyncset.done $0x0  }
0x528: {  	[sflag:s22] =	ssyncadd.s32 $0xFFFFFE00  }
0x529: {  	[tilespmem:s10], [sflag:$0x2] =	stream.indirect.gather [hbm4b:s3+s18], $0x20, s18, s18, $0xb8;
	[tilespmem:$0x10400] =	vst v63  }
0x52a: {  	_ = 	snop  }
0x52b: {  	[tilespmem:s11], [sflag:$0x4] =	stream.indirect.gather [hbm4b:s4+s18], $0x20, s18, s18, $0xb8;
	[tilespmem:$0x10400] =	vst v63  }
0x52c: {  	_ =	swait.ge [sflag:s24], $0x4000  }
0x52d: {  	[sflag:s24] =	ssyncset.done $0x0  }
0x52e: {  	[sflag:s24] =	ssyncadd.s32 $0xFFFFC000  }
0x52f: {  	_ =	swait.ge [sflag:s19], $0x4000  }
0x530: {  	s0 =	sld [smem:$0x7E8]  }
0x531: {  	[sflag:s19] =	ssyncset.done $0x0  }
0x532: {  	s1 =	sld [smem:$0x7E9];
	[sflag:s19] =	ssyncadd.s32 $0xFFFFC000  }
0x533: {  	[hbm4b:s0+s15] =	stream.strided.scatter [tilespmem:s13], [sflag:$0x5], $0x4000, s16, s15, $0x38;
	[tilespmem:$0x10400] =	vst v63  }
0x534: {  	_ = 	snop  }
0x535: {  	[hbm4b:s1+s15] =	stream.strided.scatter [tilespmem:s14], [sflag:$0x5], $0x4000, s16, s15, $0x38;
	[tilespmem:$0x10400] =	vst v63  }
0x536: {  	_ =	swait.ge [sflag:s12], $0x4000  }
0x537: {  	[sflag:s12] =	ssyncset.done $0x0  }
0x538: {  	[sflag:s12] =	ssyncadd.s32 $0xFFFFC000  }
0x539: {  	_ =	swait.ge [sflag:s12], $0x4000  }
0x53a: {  	s1 =	sld [smem:$0x7EA]  }
0x53b: {  	[sflag:s12] =	ssyncset.done $0x0  }
0x53c: {  	[sflag:s12] =	ssyncadd.s32 $0xFFFFC000  }
0x53d: {  	[tilespmem:s2], [sflag:$0x7] =	stream.linear.gather [hbm4b:s1+s2], $0x200, $0x38;
	[tilespmem:$0x10400] =	vst v63  }
0x53e: {  	_ =	swait.ge [sflag:s22], $0x200  }
0x53f: {  	[sflag:s22] =	ssyncset.done $0x0  }
0x540: {  	[sflag:s22] =	ssyncadd.s32 $0xFFFFFE00  }
0x541: {  	[tilespmem:s13], [sflag:$0x1] =	stream.indirect.gather [hbm4b:s3+s18], $0x20, s2, s18, $0xb8;
	[tilespmem:$0x10400] =	vst v63  }
0x542: {  	_ = 	snop  }
0x543: {  	[tilespmem:s14], [sflag:$0x3] =	stream.indirect.gather [hbm4b:s4+s18], $0x20, s2, s18, $0xb8;
	[tilespmem:$0x10400] =	vst v63  }
0x544: {  	_ =	swait.ge [sflag:s25], $0x4000  }
0x545: {  	[sflag:s25] =	ssyncset.done $0x0  }
0x546: {  	[sflag:s25] =	ssyncadd.s32 $0xFFFFC000  }
0x547: {  	_ =	swait.ge [sflag:s20], $0x4000  }
0x548: {  	s0 =	sld [smem:$0x7EB]  }
0x549: {  	[sflag:s20] =	ssyncset.done $0x0  }
0x54a: {  	s1 =	sld [smem:$0x7EC];
	[sflag:s20] =	ssyncadd.s32 $0xFFFFC000  }
0x54b: {  	[hbm4b:s0+s15] =	stream.strided.scatter [tilespmem:s10], [sflag:$0x6], $0x4000, s16, s15, $0x38;
	[tilespmem:$0x10400] =	vst v63  }
0x54c: {  	_ = 	snop  }
0x54d: {  	[hbm4b:s1+s15] =	stream.strided.scatter [tilespmem:s11], [sflag:$0x6], $0x4000, s16, s15, $0x38;
	[tilespmem:$0x10400] =	vst v63  }
0x54e: {  	_ =	swait.ge [sflag:s9], $0x4000  }
0x54f: {  	[sflag:s9] =	ssyncset.done $0x0  }
0x550: {  	[sflag:s9] =	ssyncadd.s32 $0xFFFFC000  }
0x551: {  	_ =	swait.ge [sflag:s9], $0x4000  }
0x552: {  	s1 =	sld [smem:$0x7ED]  }
0x553: {  	[sflag:s9] =	ssyncset.done $0x0  }
0x554: {  	[sflag:s9] =	ssyncadd.s32 $0xFFFFC000  }
0x555: {  	[tilespmem:s18], [sflag:$0x7] =	stream.linear.gather [hbm4b:s1+s2], $0x200, $0x38;
	[tilespmem:$0x10400] =	vst v63  }
0x556: {  	_ =	swait.ge [sflag:s22], $0x200  }
0x557: {  	[sflag:s22] =	ssyncset.done $0x0  }
0x558: {  	[sflag:s22] =	ssyncadd.s32 $0xFFFFFE00  }
0x559: {  	[tilespmem:s10], [sflag:$0x2] =	stream.indirect.gather [hbm4b:s3+s18], $0x20, s18, s18, $0xb8;
	[tilespmem:$0x10400] =	vst v63  }
0x55a: {  	_ = 	snop  }
0x55b: {  	[tilespmem:s11], [sflag:$0x4] =	stream.indirect.gather [hbm4b:s4+s18], $0x20, s18, s18, $0xb8;
	[tilespmem:$0x10400] =	vst v63  }
0x55c: {  	_ =	swait.ge [sflag:s24], $0x4000  }
0x55d: {  	[sflag:s24] =	ssyncset.done $0x0  }
0x55e: {  	[sflag:s24] =	ssyncadd.s32 $0xFFFFC000  }
0x55f: {  	_ =	swait.ge [sflag:s19], $0x4000  }
0x560: {  	s0 =	sld [smem:$0x7EE]  }
0x561: {  	[sflag:s19] =	ssyncset.done $0x0  }
0x562: {  	s1 =	sld [smem:$0x7EF];
	[sflag:s19] =	ssyncadd.s32 $0xFFFFC000  }
0x563: {  	[hbm4b:s0+s15] =	stream.strided.scatter [tilespmem:s13], [sflag:$0x5], $0x4000, s16, s15, $0x38;
	[tilespmem:$0x10400] =	vst v63  }
0x564: {  	_ = 	snop  }
0x565: {  	[hbm4b:s1+s15] =	stream.strided.scatter [tilespmem:s14], [sflag:$0x5], $0x4000, s16, s15, $0x38;
	[tilespmem:$0x10400] =	vst v63  }
0x566: {  	_ =	swait.ge [sflag:s12], $0x4000  }
0x567: {  	[sflag:s12] =	ssyncset.done $0x0  }
0x568: {  	[sflag:s12] =	ssyncadd.s32 $0xFFFFC000  }
0x569: {  	_ =	swait.ge [sflag:s12], $0x4000  }
0x56a: {  	s1 =	sld [smem:$0x7F0]  }
0x56b: {  	[sflag:s12] =	ssyncset.done $0x0  }
0x56c: {  	[sflag:s12] =	ssyncadd.s32 $0xFFFFC000  }
0x56d: {  	[tilespmem:s2], [sflag:$0x7] =	stream.linear.gather [hbm4b:s1+s2], $0x200, $0x38;
	[tilespmem:$0x10400] =	vst v63  }
0x56e: {  	_ =	swait.ge [sflag:s22], $0x200  }
0x56f: {  	[sflag:s22] =	ssyncset.done $0x0  }
0x570: {  	[sflag:s22] =	ssyncadd.s32 $0xFFFFFE00  }
0x571: {  	[tilespmem:s13], [sflag:$0x1] =	stream.indirect.gather [hbm4b:s3+s18], $0x20, s2, s18, $0xb8;
	[tilespmem:$0x10400] =	vst v63  }
0x572: {  	_ = 	snop  }
0x573: {  	[tilespmem:s14], [sflag:$0x3] =	stream.indirect.gather [hbm4b:s4+s18], $0x20, s2, s18, $0xb8;
	[tilespmem:$0x10400] =	vst v63  }
0x574: {  	_ =	swait.ge [sflag:s25], $0x4000  }
0x575: {  	[sflag:s25] =	ssyncset.done $0x0  }
0x576: {  	[sflag:s25] =	ssyncadd.s32 $0xFFFFC000  }
0x577: {  	_ =	swait.ge [sflag:s20], $0x4000  }
0x578: {  	s0 =	sld [smem:$0x7F1]  }
0x579: {  	[sflag:s20] =	ssyncset.done $0x0  }
0x57a: {  	s1 =	sld [smem:$0x7F2];
	[sflag:s20] =	ssyncadd.s32 $0xFFFFC000  }
0x57b: {  	[hbm4b:s0+s15] =	stream.strided.scatter [tilespmem:s10], [sflag:$0x6], $0x4000, s16, s15, $0x38;
	[tilespmem:$0x10400] =	vst v63  }
0x57c: {  	_ = 	snop  }
0x57d: {  	[hbm4b:s1+s15] =	stream.strided.scatter [tilespmem:s11], [sflag:$0x6], $0x4000, s16, s15, $0x38;
	[tilespmem:$0x10400] =	vst v63  }
0x57e: {  	_ =	swait.ge [sflag:s9], $0x4000  }
0x57f: {  	[sflag:s9] =	ssyncset.done $0x0  }
0x580: {  	[sflag:s9] =	ssyncadd.s32 $0xFFFFC000  }
0x581: {  	_ =	swait.ge [sflag:s9], $0x4000  }
0x582: {  	s1 =	sld [smem:$0x7F3]  }
0x583: {  	[sflag:s9] =	ssyncset.done $0x0  }
0x584: {  	[sflag:s9] =	ssyncadd.s32 $0xFFFFC000  }
0x585: {  	[tilespmem:s18], [sflag:$0x7] =	stream.linear.gather [hbm4b:s1+s2], $0x200, $0x38;
	[tilespmem:$0x10400] =	vst v63  }
0x586: {  	_ =	swait.ge [sflag:s22], $0x200  }
0x587: {  	[sflag:s22] =	ssyncset.done $0x0  }
0x588: {  	[sflag:s22] =	ssyncadd.s32 $0xFFFFFE00  }
0x589: {  	[tilespmem:s10], [sflag:$0x2] =	stream.indirect.gather [hbm4b:s3+s18], $0x20, s18, s18, $0xb8;
	[tilespmem:$0x10400] =	vst v63  }
0x58a: {  	_ = 	snop  }
0x58b: {  	[tilespmem:s11], [sflag:$0x4] =	stream.indirect.gather [hbm4b:s4+s18], $0x20, s18, s18, $0xb8;
	[tilespmem:$0x10400] =	vst v63  }
0x58c: {  	_ =	swait.ge [sflag:s24], $0x4000  }
0x58d: {  	[sflag:s24] =	ssyncset.done $0x0  }
0x58e: {  	[sflag:s24] =	ssyncadd.s32 $0xFFFFC000  }
0x58f: {  	_ =	swait.ge [sflag:s19], $0x4000  }
0x590: {  	s0 =	sld [smem:$0x7F4]  }
0x591: {  	[sflag:s19] =	ssyncset.done $0x0  }
0x592: {  	s1 =	sld [smem:$0x7F5];
	[sflag:s19] =	ssyncadd.s32 $0xFFFFC000  }
0x593: {  	[hbm4b:s0+s15] =	stream.strided.scatter [tilespmem:s13], [sflag:$0x5], $0x4000, s16, s15, $0x38;
	[tilespmem:$0x10400] =	vst v63  }
0x594: {  	_ = 	snop  }
0x595: {  	[hbm4b:s1+s15] =	stream.strided.scatter [tilespmem:s14], [sflag:$0x5], $0x4000, s16, s15, $0x38;
	[tilespmem:$0x10400] =	vst v63  }
0x596: {  	_ =	swait.ge [sflag:s12], $0x4000  }
0x597: {  	[sflag:s12] =	ssyncset.done $0x0  }
0x598: {  	[sflag:s12] =	ssyncadd.s32 $0xFFFFC000  }
0x599: {  	_ =	swait.ge [sflag:s12], $0x4000  }
0x59a: {  	s1 =	sld [smem:$0x7F6]  }
0x59b: {  	[sflag:s12] =	ssyncset.done $0x0  }
0x59c: {  	[sflag:s12] =	ssyncadd.s32 $0xFFFFC000  }
0x59d: {  	[tilespmem:s2], [sflag:$0x7] =	stream.linear.gather [hbm4b:s1+s2], $0x200, $0x38;
	[tilespmem:$0x10400] =	vst v63  }
0x59e: {  	_ =	swait.ge [sflag:s22], $0x200  }
0x59f: {  	[sflag:s22] =	ssyncset.done $0x0  }
0x5a0: {  	[sflag:s22] =	ssyncadd.s32 $0xFFFFFE00  }
0x5a1: {  	[tilespmem:s13], [sflag:$0x1] =	stream.indirect.gather [hbm4b:s3+s18], $0x20, s2, s18, $0xb8;
	[tilespmem:$0x10400] =	vst v63  }
0x5a2: {  	_ = 	snop  }
0x5a3: {  	[tilespmem:s14], [sflag:$0x3] =	stream.indirect.gather [hbm4b:s4+s18], $0x20, s2, s18, $0xb8;
	[tilespmem:$0x10400] =	vst v63  }
0x5a4: {  	_ =	swait.ge [sflag:s25], $0x4000  }
0x5a5: {  	[sflag:s25] =	ssyncset.done $0x0  }
0x5a6: {  	[sflag:s25] =	ssyncadd.s32 $0xFFFFC000  }
0x5a7: {  	_ =	swait.ge [sflag:s20], $0x4000  }
0x5a8: {  	s0 =	sld [smem:$0x7F7]  }
0x5a9: {  	[sflag:s20] =	ssyncset.done $0x0  }
0x5aa: {  	s1 =	sld [smem:$0x7F8];
	[sflag:s20] =	ssyncadd.s32 $0xFFFFC000  }
0x5ab: {  	[hbm4b:s0+s15] =	stream.strided.scatter [tilespmem:s10], [sflag:$0x6], $0x4000, s16, s15, $0x38;
	[tilespmem:$0x10400] =	vst v63  }
0x5ac: {  	_ = 	snop  }
0x5ad: {  	[hbm4b:s1+s15] =	stream.strided.scatter [tilespmem:s11], [sflag:$0x6], $0x4000, s16, s15, $0x38;
	[tilespmem:$0x10400] =	vst v63  }
0x5ae: {  	_ =	swait.ge [sflag:s9], $0x4000  }
0x5af: {  	[sflag:s9] =	ssyncset.done $0x0  }
0x5b0: {  	[sflag:s9] =	ssyncadd.s32 $0xFFFFC000  }
0x5b1: {  	_ =	swait.ge [sflag:s9], $0x4000  }
0x5b2: {  	s1 =	sld [smem:$0x7F9]  }
0x5b3: {  	[sflag:s9] =	ssyncset.done $0x0  }
0x5b4: {  	[sflag:s9] =	ssyncadd.s32 $0xFFFFC000  }
0x5b5: {  	[tilespmem:s18], [sflag:$0x7] =	stream.linear.gather [hbm4b:s1+s2], $0x200, $0x38;
	[tilespmem:$0x10400] =	vst v63  }
0x5b6: {  	_ =	swait.ge [sflag:s22], $0x200  }
0x5b7: {  	[sflag:s22] =	ssyncset.done $0x0  }
0x5b8: {  	[sflag:s22] =	ssyncadd.s32 $0xFFFFFE00  }
0x5b9: {  	[tilespmem:s10], [sflag:$0x2] =	stream.indirect.gather [hbm4b:s3+s18], $0x20, s18, s18, $0xb8;
	[tilespmem:$0x10400] =	vst v63  }
0x5ba: {  	_ = 	snop  }
0x5bb: {  	[tilespmem:s11], [sflag:$0x4] =	stream.indirect.gather [hbm4b:s4+s18], $0x20, s18, s18, $0xb8;
	[tilespmem:$0x10400] =	vst v63  }
0x5bc: {  	_ =	swait.ge [sflag:s24], $0x4000  }
0x5bd: {  	[sflag:s24] =	ssyncset.done $0x0  }
0x5be: {  	[sflag:s24] =	ssyncadd.s32 $0xFFFFC000  }
0x5bf: {  	_ =	swait.ge [sflag:s19], $0x4000  }
0x5c0: {  	s0 =	sld [smem:$0x7FA]  }
0x5c1: {  	[sflag:s19] =	ssyncset.done $0x0  }
0x5c2: {  	s1 =	sld [smem:$0x7FB];
	[sflag:s19] =	ssyncadd.s32 $0xFFFFC000  }
0x5c3: {  	[hbm4b:s0+s15] =	stream.strided.scatter [tilespmem:s13], [sflag:$0x5], $0x4000, s16, s15, $0x38;
	[tilespmem:$0x10400] =	vst v63  }
0x5c4: {  	_ = 	snop  }
0x5c5: {  	[hbm4b:s1+s15] =	stream.strided.scatter [tilespmem:s14], [sflag:$0x5], $0x4000, s16, s15, $0x38;
	[tilespmem:$0x10400] =	vst v63  }
0x5c6: {  	_ =	swait.ge [sflag:s12], $0x4000  }
0x5c7: {  	[sflag:s12] =	ssyncset.done $0x0  }
0x5c8: {  	[sflag:s12] =	ssyncadd.s32 $0xFFFFC000  }
0x5c9: {  	_ =	swait.ge [sflag:s12], $0x4000  }
0x5ca: {  	s1 =	sld [smem:$0x7FC]  }
0x5cb: {  	[sflag:s12] =	ssyncset.done $0x0  }
0x5cc: {  	[sflag:s12] =	ssyncadd.s32 $0xFFFFC000  }
0x5cd: {  	[tilespmem:s2], [sflag:$0x7] =	stream.linear.gather [hbm4b:s1+s2], $0x200, $0x38;
	[tilespmem:$0x10400] =	vst v63  }
0x5ce: {  	_ =	swait.ge [sflag:s22], $0x200  }
0x5cf: {  	[sflag:s22] =	ssyncset.done $0x0  }
0x5d0: {  	[sflag:s22] =	ssyncadd.s32 $0xFFFFFE00  }
0x5d1: {  	[tilespmem:s13], [sflag:$0x1] =	stream.indirect.gather [hbm4b:s3+s18], $0x20, s2, s18, $0xb8;
	[tilespmem:$0x10400] =	vst v63  }
0x5d2: {  	_ = 	snop  }
0x5d3: {  	[tilespmem:s14], [sflag:$0x3] =	stream.indirect.gather [hbm4b:s4+s18], $0x20, s2, s18, $0xb8;
	[tilespmem:$0x10400] =	vst v63  }
0x5d4: {  	_ =	swait.ge [sflag:s25], $0x4000  }
0x5d5: {  	[sflag:s25] =	ssyncset.done $0x0  }
0x5d6: {  	[sflag:s25] =	ssyncadd.s32 $0xFFFFC000  }
0x5d7: {  	_ =	swait.ge [sflag:s20], $0x4000  }
0x5d8: {  	s1 =	sld [smem:$0x7FD]  }
0x5d9: {  	[sflag:s20] =	ssyncset.done $0x0  }
0x5da: {  	[sflag:s20] =	ssyncadd.s32 $0xFFFFC000  }
0x5db: {  	[hbm4b:s1+s15] =	stream.strided.scatter [tilespmem:s10], [sflag:$0x6], $0x4000, s16, s15, $0x38;
	[tilespmem:$0x10400] =	vst v63  }
0x5dc: {  	_ = 	snop  }
0x5dd: {  	[hbm4b:s31+s15] =	stream.strided.scatter [tilespmem:s11], [sflag:$0x6], $0x4000, s16, s15, $0x38;
	[tilespmem:$0x10400] =	vst v63  }
0x5de: {  	_ =	swait.ge [sflag:s9], $0x4000  }
0x5df: {  	[sflag:s9] =	ssyncset.done $0x0  }
0x5e0: {  	[sflag:s9] =	ssyncadd.s32 $0xFFFFC000  }
0x5e1: {  	_ =	swait.ge [sflag:s9], $0x4000  }
0x5e2: {  	[sflag:s9] =	ssyncset.done $0x0  }
0x5e3: {  	[sflag:s9] =	ssyncadd.s32 $0xFFFFC000  }
0x5e4: {  	[tilespmem:s18], [sflag:$0x7] =	stream.linear.gather [hbm4b:s30+s2], $0x200, $0x38;
	[tilespmem:$0x10400] =	vst v63  }
0x5e5: {  	_ =	swait.ge [sflag:s22], $0x200  }
0x5e6: {  	[sflag:s22] =	ssyncset.done $0x0  }
0x5e7: {  	[sflag:s22] =	ssyncadd.s32 $0xFFFFFE00  }
0x5e8: {  	[tilespmem:s10], [sflag:$0x2] =	stream.indirect.gather [hbm4b:s3+s18], $0x20, s18, s18, $0xb8;
	[tilespmem:$0x10400] =	vst v63  }
0x5e9: {  	_ = 	snop  }
0x5ea: {  	[tilespmem:s11], [sflag:$0x4] =	stream.indirect.gather [hbm4b:s4+s18], $0x20, s18, s18, $0xb8;
	[tilespmem:$0x10400] =	vst v63  }
0x5eb: {  	_ =	swait.ge [sflag:s24], $0x4000  }
0x5ec: {  	[sflag:s24] =	ssyncset.done $0x0  }
0x5ed: {  	[sflag:s24] =	ssyncadd.s32 $0xFFFFC000  }
0x5ee: {  	_ =	swait.ge [sflag:s19], $0x4000  }
0x5ef: {  	[sflag:s19] =	ssyncset.done $0x0  }
0x5f0: {  	[sflag:s19] =	ssyncadd.s32 $0xFFFFC000  }
0x5f1: {  	[hbm4b:s28+s15] =	stream.strided.scatter [tilespmem:s13], [sflag:$0x5], $0x4000, s16, s15, $0x38;
	[tilespmem:$0x10400] =	vst v63  }
0x5f2: {  	_ = 	snop  }
0x5f3: {  	[hbm4b:s29+s15] =	stream.strided.scatter [tilespmem:s14], [sflag:$0x5], $0x4000, s16, s15, $0x38;
	[tilespmem:$0x10400] =	vst v63  }
0x5f4: {  	_ =	swait.ge [sflag:s12], $0x4000  }
0x5f5: {  	[sflag:s12] =	ssyncset.done $0x0  }
0x5f6: {  	[sflag:s12] =	ssyncadd.s32 $0xFFFFC000  }
0x5f7: {  	_ =	swait.ge [sflag:s12], $0x4000  }
0x5f8: {  	[sflag:s12] =	ssyncset.done $0x0  }
0x5f9: {  	[sflag:s12] =	ssyncadd.s32 $0xFFFFC000  }
0x5fa: {  	[tilespmem:s2], [sflag:$0x7] =	stream.linear.gather [hbm4b:s26+s2], $0x200, $0x38;
	[tilespmem:$0x10400] =	vst v63  }
0x5fb: {  	_ =	swait.ge [sflag:s22], $0x200  }
0x5fc: {  	[sflag:s22] =	ssyncset.done $0x0  }
0x5fd: {  	[sflag:s22] =	ssyncadd.s32 $0xFFFFFE00  }
0x5fe: {  	[tilespmem:s13], [sflag:$0x1] =	stream.indirect.gather [hbm4b:s3+s18], $0x20, s2, s18, $0xb8;
	[tilespmem:$0x10400] =	vst v63  }
0x5ff: {  	_ = 	snop  }
0x600: {  	[tilespmem:s14], [sflag:$0x3] =	stream.indirect.gather [hbm4b:s4+s18], $0x20, s2, s18, $0xb8;
	[tilespmem:$0x10400] =	vst v63  }
0x601: {  	_ =	swait.ge [sflag:s25], $0x4000  }
0x602: {  	[sflag:s25] =	ssyncset.done $0x0  }
0x603: {  	[sflag:s25] =	ssyncadd.s32 $0xFFFFC000  }
0x604: {  	_ =	swait.ge [sflag:s20], $0x4000  }
0x605: {  	[sflag:s20] =	ssyncset.done $0x0  }
0x606: {  	[sflag:s20] =	ssyncadd.s32 $0xFFFFC000  }
0x607: {  	[hbm4b:s21+s15] =	stream.strided.scatter [tilespmem:s10], [sflag:$0x6], $0x4000, s16, s15, $0x38;
	[tilespmem:$0x10400] =	vst v63  }
0x608: {  	_ = 	snop  }
0x609: {  	[hbm4b:s23+s15] =	stream.strided.scatter [tilespmem:s11], [sflag:$0x6], $0x4000, s16, s15, $0x38;
	[tilespmem:$0x10400] =	vst v63  }
0x60a: {  	_ =	swait.ge [sflag:s9], $0x4000  }
0x60b: {  	[sflag:s9] =	ssyncset.done $0x0  }
0x60c: {  	[sflag:s9] =	ssyncadd.s32 $0xFFFFC000  }
0x60d: {  	_ =	swait.ge [sflag:s9], $0x4000  }
0x60e: {  	[sflag:s9] =	ssyncset.done $0x0  }
0x60f: {  	[sflag:s9] =	ssyncadd.s32 $0xFFFFC000  }
0x610: {  	[tilespmem:s18], [sflag:$0x7] =	stream.linear.gather [hbm4b:s17+s2], $0x200, $0x38;
	[tilespmem:$0x10400] =	vst v63  }
0x611: {  	_ =	swait.ge [sflag:s22], $0x200  }
0x612: {  	[sflag:s22] =	ssyncset.done $0x0  }
0x613: {  	[sflag:s22] =	ssyncadd.s32 $0xFFFFFE00  }
0x614: {  	[tilespmem:s10], [sflag:$0x2] =	stream.indirect.gather [hbm4b:s3+s18], $0x20, s18, s18, $0xb8;
	[tilespmem:$0x10400] =	vst v63  }
0x615: {  	_ = 	snop  }
0x616: {  	[tilespmem:s11], [sflag:$0x4] =	stream.indirect.gather [hbm4b:s4+s18], $0x20, s18, s18, $0xb8;
	[tilespmem:$0x10400] =	vst v63  }
0x617: {  	_ =	swait.ge [sflag:s24], $0x4000  }
0x618: {  	[sflag:s24] =	ssyncset.done $0x0  }
0x619: {  	[sflag:s24] =	ssyncadd.s32 $0xFFFFC000  }
0x61a: {  	_ =	swait.ge [sflag:s19], $0x4000  }
0x61b: {  	[sflag:s19] =	ssyncset.done $0x0  }
0x61c: {  	[sflag:s19] =	ssyncadd.s32 $0xFFFFC000  }
0x61d: {  	[hbm4b:s7+s15] =	stream.strided.scatter [tilespmem:s13], [sflag:$0x5], $0x4000, s16, s15, $0x38;
	[tilespmem:$0x10400] =	vst v63  }
0x61e: {  	_ = 	snop  }
0x61f: {  	[hbm4b:s8+s15] =	stream.strided.scatter [tilespmem:s14], [sflag:$0x5], $0x4000, s16, s15, $0x38;
	[tilespmem:$0x10400] =	vst v63  }
0x620: {  	_ =	swait.ge [sflag:s25], $0x4000  }
0x621: {  	[sflag:s25] =	ssyncset.done $0x0  }
0x622: {  	[sflag:s25] =	ssyncadd.s32 $0xFFFFC000  }
0x623: {  	_ =	swait.ge [sflag:s20], $0x4000  }
0x624: {  	[sflag:s20] =	ssyncset.done $0x0  }
0x625: {  	[sflag:s20] =	ssyncadd.s32 $0xFFFFC000  }
0x626: {  	[hbm4b:s5+s15] =	stream.strided.scatter [tilespmem:s10], [sflag:$0x6], $0x4000, s16, s15, $0x38;
	[tilespmem:$0x10400] =	vst v63  }
0x627: {  	_ = 	snop  }
0x628: {  	[hbm4b:s6+s15] =	stream.strided.scatter [tilespmem:s11], [sflag:$0x6], $0x4000, s16, s15, $0x38;
	[tilespmem:$0x10400] =	vst v63  }
0x629: {  	_ =	swait.ge [sflag:s12], $0x4000  }
0x62a: {  	[sflag:s12] =	ssyncset.done $0x0  }
0x62b: {  	[sflag:s12] =	ssyncadd.s32 $0xFFFFC000  }
0x62c: {  	_ =	swait.ge [sflag:s12], $0x4000  }
0x62d: {  	[sflag:s12] =	ssyncset.done $0x0  }
0x62e: {  	[sflag:s12] =	ssyncadd.s32 $0xFFFFC000  }
0x62f: {  	_ =	swait.ge [sflag:s9], $0x4000  }
0x630: {  	[sflag:s9] =	ssyncset.done $0x0  }
0x631: {  	[sflag:s9] =	ssyncadd.s32 $0xFFFFC000  }
0x632: {  	_ =	swait.ge [sflag:s9], $0x4000  }
0x633: {  	[sflag:s9] =	ssyncset.done $0x0  }
0x634: {  	[sflag:s9] =	ssyncadd.s32 $0xFFFFC000  }
0x635: {  	_ =	sfence.sel $0x180000  }
0x636: {  	[bflag:$0x0] =	sbarrier.arrive $0xFFFF  }
0x637: {  	_ =	strace $0x90000047  }
0x638: {  	s31 =	stileid.u32;
	[bflag:$0x2] =	sbarrier.arrive $0xFFFF  }
0x639: {  	p0 =	sne.s32 s31, $0x0;
	s0 =	rddreg [dreg:$0x2]  }
0x63a: {  	s0 =	sadd.s32 @!p0 $0x100000, s0  }
0x63b: {  	[sflag:s0] =	ssyncadd.tile.s32 @!p0 $0x1;
	_ =	shalt  }
.Lfunc_end2:
_tile_overlayer_lowered:
.L_overlay_start_2:
0x63c: {  	(tag) =	ssettag $0x2  }
0x63d: {  	s0 =	rddreg [dreg:$0x0];
	s2 =	stileid.u32  }
0x63e: {  	s1 =	rddreg [dreg:$0x1];
	p0 =	sne.s32 s2, $0x0  }
0x63f: {  	s3 =	rddreg [dreg:$0x2];
	[bflag:$0x3] =	sbarrier.arrive $0xFFFF;
	s2 =	simm.s32 @!p0 $0x1C07  }
0x640: {  	[timem:s3], [sflag:s2] =	dma.local @!p0 [hbm:s0], s1  }
0x641: {  	s0 =	simm.s32 @!p0 $0x7  }
0x642: {  	_ =	swait.ge @!p0 [sflag:s0], s1  }
0x643: {  	s1 =	ssub.s32 @!p0 $0x0, s1;
	[sflag:s0] =	ssyncset.done @!p0 $0x0  }
0x644: {  	[sflag:s0] =	ssyncadd.s32 @!p0 s1  }
0x645: {  	[bflag:$0x3] =	sbarrier.arrive $0xFFFF  }
0x646: {  	_ =	shalt  }

// kernel: sparse-core-data-format-call.cloned.1.call-start
scs
called_computation_lowered:
.L_overlay_start_0:
0x0: {  	s2 =	sld [smem:$0x3FD9]  }
0x1: {  	s3 =	sld [smem:$0x3FFE];
	_ =	sdelay $0x1  }
0x2: {  	s1 =	srdreg.scid  }
0x3: {  	s0 =	sand.u32 $0x1, s1  }
0x4: {  	s18 =	sshll.u32 s0, $0xA;
	s2 =	sadd.s32 s3, s2  }
0x5: {  	s2 =	sadd.s32 s2, s18  }
0x6: {  	[smem:$0x3FC5] =	sst s2  }
0x7: {  	_ = 	snop  }
0x8: {  	s2 =	sld [smem:$0x3FD0];
	(tm) =	ssettm $0x1  }
0x9: {  	s19 =	sld [smem:$0x3FFB];
	_ =	sdelay $0x3  }
0xa: {  	_ =	strace s19  }
0xb: {  	s3 =	sld [smem:$0x3FFC];
	_ =	sdelay $0x3  }
0xc: {  	_ =	strace s3  }
0xd: {  	s3 =	sld [smem:$0x3FFD];
	_ =	sdelay $0x3  }
0xe: {  	_ =	strace s3  }
0xf: {  	_ =	strace $0x8FFFFFFF  }
0x10: {  	s20 =	sld [smem:$0x3FDB];
	_ =	sdelay $0x1  }
0x11: {  	s4 =	simm.s32 $_scs_section_size  }
0x12: {  	s5 =	simm.s32 $_size__tile_overlayer_lowered;
	s6 =	simm.s32 $_tile_overlayer_lowered  }
0x13: {  	s23 =	simm.s32 $0x1BFF;
	s22 =	sshll.u32 s6, $0x1;
	s3 =	sadd.s32 s4, s20  }
0x14: {  	s7 =	simm.s32 $0x0;
	s21 =	sshll.u32 s5, $0x1;
	s5 =	sadd.s32 s22, s3  }
0x15: {  	[timem:s7], [sflag:s23] =	dma.local [hbm:s5], s21  }
0x16: {  	_ =	swait.ge [sflag:s23], s21  }
0x17: {  	s4 =	ssub.s32 $0x0, s21;
	[sflag:s23] =	ssyncset.done $0x0  }
0x18: {  	[sflag:s23] =	ssyncadd.s32 s4;
	_ =	sdelay $0x1  }
0x19: {  	s24 =	simm.s32 $0x1B8B  }
0x1a: {  	_ =	swait.ge [sflag:s24], $0x1  }
0x1b: {  	[sflag:s24] =	ssyncset.done $0x0  }
0x1c: {  	s26 =	simm.s32 $0x1B8E;
	s25 =	sld [smem:$0x3FFE];
	[sflag:s24] =	ssyncadd.s32 $0xFFFFFFFF  }
0x1d: {  	s27 =	simm.s32 $execute0_lowered;
	[smem:$0x3FD2] =	sst s26  }
0x1e: {  	s5 =	sshll.u32 s27, $0x1;
	_ =	strace $0x80000049;
	[dreg:$0x1] =	wrdreg $0xFFFFFFFF  }
0x1f: {  	s28 =	simm.s32 $_size_execute0_lowered;
	s3 =	sadd.s32 s3, s5;
	[dreg:$0x0] =	wrdreg $0x0  }
0x20: {  	s5 =	sshll.u32 s28, $0x1;
	[dreg:$0x2] =	wrdreg s3  }
0x21: {  	[dreg:$0x3] =	wrdreg s5  }
0x22: {  	[dreg:$0x4] =	wrdreg $0xC0  }
0x23: {  	_ =	task [dreg:s7], $0x5FFFF  }
0x24: {  	[dreg:$0x1] =	wrdreg $0xFFFFFFFF  }
0x25: {  	[dreg:$0x0] =	wrdreg $0x60  }
0x26: {  	[dreg:$0x2] =	wrdreg s25  }
0x27: {  	[dreg:$0x3] =	wrdreg s2  }
0x28: {  	[dreg:$0x4] =	wrdreg $0x9  }
0x29: {  	_ =	task.clear_ibuf [dreg:s7], $0x5FFFF;
	_ =	strace $0x90000049  }
0x2a: {  	s29 =	simm.s32 $0x9;
	_ =	strace $0x8000004B  }
0x2b: {  	_ =	swait.ge [sflag:s29], $0x1  }
0x2c: {  	[sflag:s29] =	ssyncadd.s32 $0xFFFFFFFF  }
0x2d: {  	_ =	strace $0x9000004B  }
0x2e: {  	_ =	sfence  }
0x2f: {  	s30 =	sld [smem:$0x0];
	_ =	sdelay $0x2  }
0x30: {  	s31 =	sshll.u32 s1, $0xD;
	s1 =	sshrl.u32 s1, $0x2  }
0x31: {  	s3 =	sand.u32 $0x4000, s31;
	s1 =	sadd.s32 s1, s30  }
0x32: {  	s0 =	sor.u32 s3, s0;
	s1 =	sshll.u32 s1, $0x11  }
0x33: {  	s0 =	sor.u32 s1, s0  }
0x34: {  	s0 =	sadd.s32 $0x8F2B, s0  }
0x35: {  	[sflag:s0] =	ssyncadd.remote.s32 $0x1  }
0x36: {  	_ =	sfence.sel $0xFFFF  }
0x37: {  	[dreg:$0x0] =	wrdreg $0xFFFFFFFF;
	(pc) =	sbr.abs _section_cstart, $3  }
0x38: {  	[dreg:$0x1] =	wrdreg $0xFFFFFFFF  }
0x39: {  	_ =	task.clear_ibuf [dreg:s7], $0x2FFFF;
	_ =	strace $0x9FFFFFFF  }
0x3a: {  	(tm) =	ssettm $0x7FFFFFFF  }
0x3b: {  	_ =	shalt  }
tec
execute0_lowered:
.L_overlay_start_1:
0x0: {  	(tag) =	ssettag $0x1  }
0x1: {  	s0 =	srdreg.scid  }
0x2: {  	s1 =	sshll.u32 s0, $0x4  }
0x3: {  	s0 =	stileid.u32;
	s1 =	sand.u32 $0x10, s1  }
0x4: {  	s1 =	sor.u32 s0, s1  }
0x5: {  	s6 =	rddreg [dreg:$0x0];
	s4 =	simm.s32 $0x1;
	s2 =	sshll.u32 s1, $0x7  }
0x6: {  	s7 =	simm.s32 $0x2;
	s12 =	simm.s32 $0x0;
	s1 =	ssub.s32 $0x4000, s2  }
0x7: {  	s8 =	simm.s32 $0x20000;
	s13 =	simm.s32 $0x0;
	s3 =	sand.u32 $0xF80, s1  }
0x8: {  	s9 =	simm.s32 $0x0;
	s5 =	sshrl.u32 s1, $0xC;
	p0 =	sne.s32 s3, $0x0  }
.Ltmp0:
0x9: {  	s1 =	rddreg [dreg:$0x2];
	s4 =	simm.s32 @!p0 $0x0;
	(pc) =	sbr.rel .LBB1_1-.Ltmp0, $4  }
0xa: {  	s11 =	simm.s32 $0x0;
	s3 =	rddreg [dreg:$0x1];
	s5 =	sadd.s32 s4, s5  }
0xb: {  	_ =	strace $0x8000004A;
	s4 =	simm.s32 $0x1;
	s5 =	smul.u32 $0x16, s5  }
0xc: {  	s6 =	sadd.s32 $0xC00, s6;
	s10 =	smov.u32 s2;
	[sflag:s4] =	ssyncpa.u1 $0x0  }
0xd: {  	p0 =	por $0x0, $0x0;
	[sflag:s7] =	ssyncpa.u1 $0x0;
	s7 =	sor.u32 $0x1, s5  }
.LBB1_4:
0xe: {  	s16 =	sshll.u32 s13, $0x3;
	s17 =	sand.u32 $0x78, s13  }
0xf: {  	s30 =	sand.u32 $0x1F800, s13;
	s12 =	sshll.u32 s12, $0x11;
	s16 =	sand.u32 $0x3C00, s16  }
0x10: {  	[tilespmem:s15+$0x810 ss:$0x81] =	vst.msk $0xffff, v2;
	s31 =	sand.u32 $0x7, s13;
	s16 =	sor.u32 s17, s16;
	s17 =	sadd.s32 s3, s30  }
0x11: {  	[tilespmem:s15+$0x1020 ss:$0x81] =	vst.msk $0xffff, v0;
	s13 =	sshll.u32 s31, $0x12;
	s12 =	sadd.s32 s12, s17;
	s16 =	sshrl.u32 s16, $0x3  }
0x12: {  	[tilespmem:s15+$0x0 ss:$0x81] =	vst.msk $0xffff, v1;
	s13 =	sor.u32 $0x400, s13;
	s12 =	sadd.s32 s16, s12  }
0x13: {  	[hbm4b:s12+s13] =	stream.strided.scatter [tilespmem:s14], [sflag:$0x2], $0x2000, s8, s13, $0x20;
	[tilespmem:$0x8080] =	vst v63  }
.LBB1_5:
0x14: {  	s14 =	sadd.s32 $0x1, s9  }
0x15: {  	s12 =	sadd.s32 $0x1000, s10;
	s16 =	smov.u32 s10;
	p2 =	sgt.s32 s14, $0x15  }
0x16: {  	s16 =	smov.u32 @p2 s12  }
0x17: {  	s14 =	simm.s32 @p2 $0x0;
	p2 =	sgt.s32 s16, $0x3FFF  }
0x18: {  	s16 =	smov.u32 @p2 s2;
	p2 =	sne.s32 s11, s7  }
.Ltmp1:
0x19: {  	p1 =	slt.u32 s11, $0x2;
	(pc) =	sbr.rel @!p2 .LBB1_6-.Ltmp1, $4  }
0x1a: {  	s15 =	simm.s32 @!p1 $0x2  }
0x1b: {  	s13 =	smov.u32 s10;
	p0 =	por !p0, !p0;
	_ =	swait.ge @!p1 [sflag:s15], $0x2000  }
0x1c: {  	s12 =	smov.u32 s9;
	[sflag:s15] =	ssyncset.done @!p1 $0x0;
	s9 =	smov.u32 s14  }
0x1d: {  	s11 =	sadd.s32 $0x1, s11;
	[sflag:s15] =	ssyncadd.s32 @!p1 $0xFFFFE000;
	s10 =	smov.u32 s16  }
.LBB1_1:
0x1e: {  	p1 =	sge.u32 s11, s5  }
0x1f: {  	s14 =	sand.u32 @!p1 $0x1FFFFFF, s9  }
0x20: {  	s15 =	smulhi.u32 @!p1 $0xAAAAAAB, s14;
	_ =	sdelay $0x1  }
0x21: {  	s15 =	smul.u32 @!p1 $0x18, s15  }
0x22: {  	s16 =	sxor.u32 @!p1 $0xFFFFFFFF, s11;
	s17 =	smul.u32 @!p1 $0x180, s10  }
0x23: {  	s31 =	sadd.s32 $0xFFFFFFFF, s11;
	s16 =	sshll.u32 @!p1 s16, $0xD;
	s14 =	ssub.s32 @!p1 s14, s15  }
0x24: {  	s15 =	sand.u32 @!p1 $0x2000, s16;
	s16 =	sadd.s32 @!p1 s6, s17;
	s14 =	sshll.u32 @!p1 s14, $0x4  }
0x25: {  	s17 =	simm.s32 @!p1 $0xC00;
	s14 =	sadd.s32 @!p1 s14, s16;
	s16 =	simm.s32 @!p1 $0x40  }
0x26: {  	[tilespmem:s15], [sflag:$0x1] =	stream.strided.gather @!p1 [hbm4b:s14+s16], $0x2000, s17, s16, $0x38;
	[tilespmem:$0x8080] =	vst v63  }
0x27: {  	p1 =	sge.u32 s31, s5  }
.Ltmp2:
0x28: {  	_ = 	snop;
	(pc) =	sbr.rel @p1 .LBB1_5-.Ltmp2, $1  }
0x29: {  	_ =	sdelay $0x3  }
0x2a: {  	s14 =	simm.s32 $0x1  }
0x2b: {  	_ =	swait.ge [sflag:s4], $0x2000;
	s14 =	simm.s32 @!p0 $0x0  }
0x2c: {  	[sflag:s4] =	ssyncset.done $0x0;
	s15 =	sshll.u32 s14, $0xD  }
0x2d: {  	[sflag:s4] =	ssyncadd.s32 $0xFFFFE000;
	s18 =	sor.u32 $0x20, s15  }
0x2e: {  	s14 =	smul.u32 $0x8100, s14;
	v3 =	vld [tilespmem:s18+$0x10]  }
0x2f: {  	s30 =	sand.u32 $0x1, s11;
	v2 =	vld [tilespmem:s18+$0xFFFFFFF0]  }
0x30: {  	s15 =	smul.u32 $0x8100, s30;
	s14 =	sshrl.u32 s14, $0x2;
	v0 =	vld [tilespmem:s18+$0x0]  }
0x31: {  	v1 =	vld [tilespmem:s18+$0xFFFFFFE0];
	s16 =	sor.u32 $0x4000, s14  }
0x32: {  	s31 =	sshrl.u32 s15, $0x2;
	s15 =	sadd.s32 $0x0, s16  }
0x33: {  	s17 =	simm.s32 $0x4;
	s18 =	sadd.s32 $0x40, s18;
	s14 =	sor.u32 $0x4000, s31;
	[tilespmem:s15+$0x1830 ss:$0x81] =	vst.msk $0xffff, v3  }
.LBB1_3:
0x34: {  	v3 =	vld [tilespmem:s18+$0x10];
	p1 =	sne.s32 s17, $0x1FC;
	[tilespmem:s15+$0x810 ss:$0x81] =	vst.msk $0xffff, v2;
	s19 =	smov.u32 s17;
	s17 =	sadd.s32 $0x4, s17  }
.Ltmp3:
0x35: {  	v2 =	vld [tilespmem:s18+$0xFFFFFFF0];
	[tilespmem:s15+$0x1020 ss:$0x81] =	vst.msk $0xffff, v0;
	(pc) =	sbr.rel @p1 .LBB1_3-.Ltmp3, $4  }
0x36: {  	v0 =	vld [tilespmem:s18+$0x0];
	[tilespmem:s15+$0x0 ss:$0x81] =	vst.msk $0xffff, v1  }
0x37: {  	s15 =	sshra.s32 s19, $0x2;
	v1 =	vld [tilespmem:s18+$0xFFFFFFE0]  }
0x38: {  	s15 =	sadd.s32 s15, s16  }
0x39: {  	s18 =	sadd.s32 $0x40, s18;
	[tilespmem:s15+$0x1830 ss:$0x81] =	vst.msk $0xffff, v3  }
.Ltmp4:
0x3a: {  	_ = 	snop;
	(pc) =	sbr.rel .LBB1_4-.Ltmp4, $1  }
0x3b: {  	_ =	sdelay $0x3  }
.LBB1_6:
0x3c: {  	_ =	sfence.sel $0x180000  }
0x3d: {  	s2 =	simm.s32 $0x1;
	[bflag:$0x0] =	sbarrier.arrive $0xFFFF  }
0x3e: {  	s31 =	simm.s32 $0x2;
	[sflag:s2] =	ssyncpa.u1 $0x1  }
0x3f: {  	[sflag:s31] =	ssyncpa.u1 $0x1  }
0x40: {  	p0 =	sne.s32 s0, $0x0;
	_ =	strace $0x9000004A  }
0x41: {  	s0 =	sadd.s32 @!p0 $0x100000, s1;
	[bflag:$0x2] =	sbarrier.arrive $0xFFFF  }
0x42: {  	[sflag:s0] =	ssyncadd.tile.s32 @!p0 $0x1;
	_ =	shalt  }
.Lfunc_end1:
_tile_overlayer_lowered:
.L_overlay_start_2:
0x43: {  	(tag) =	ssettag $0x2  }
0x44: {  	s0 =	rddreg [dreg:$0x0];
	s2 =	stileid.u32  }
0x45: {  	s1 =	rddreg [dreg:$0x1];
	p0 =	sne.s32 s2, $0x0  }
0x46: {  	s3 =	rddreg [dreg:$0x2];
	[bflag:$0x3] =	sbarrier.arrive $0xFFFF;
	s2 =	simm.s32 @!p0 $0x1C01  }
0x47: {  	[timem:s3], [sflag:s2] =	dma.local @!p0 [hbm:s0], s1  }
0x48: {  	s0 =	simm.s32 @!p0 $0x1  }
0x49: {  	_ =	swait.ge @!p0 [sflag:s0], s1  }
0x4a: {  	s1 =	ssub.s32 @!p0 $0x0, s1;
	[sflag:s0] =	ssyncset.done @!p0 $0x0  }
0x4b: {  	[sflag:s0] =	ssyncadd.s32 @!p0 s1  }
0x4c: {  	[bflag:$0x3] =	sbarrier.arrive $0xFFFF  }
0x4d: {  	_ =	shalt  }

</sc_bundles>
